<compile_context>
chip_gen: v7x
topology: tpu7x:2x2x1
jax: 0.10.2.dev20260603
libtpu: 0.0.44.dev20260713+nightly
codegen_flags: <defaults>
</compile_context>

<pallas_src>
import functools

import jax
import jax.numpy as jnp
from jax import lax
from jax.experimental import pallas as pl
from jax.experimental.pallas import tpu as pltpu
from jax.experimental.pallas import tpu_sc as plsc


def _dot(a, b):
    return jax.lax.dot_general(a, b, (((a.ndim - 1,), (0,)), ((), ())),
                               precision=jax.lax.Precision.HIGHEST,
                               preferred_element_type=jnp.float32)


def _dot_mxu(a, b):
    return jnp.dot(a, b, preferred_element_type=jnp.float32)


_N = 50000
_E = 800000
_B = 128
_DIN = 78
_DPAD = 96
_H = 32
_OUT = 128
_SEQ = 1000
_VOCAB = 26
_KW = 8
_CLEN = 121

_R = 2000
_G = _N // _R

_NC = 2
_NS = 16
_NW = _NC * _NS
_CHUNK = 128
_NCHUNKS = _E // _CHUNK
_JMAX = -(-_NCHUNKS // _NW)
_ZROWS = 400
_NRCH = _N // _ZROWS
_RJMAX = -(-_NRCH // _NS)


@functools.lru_cache(maxsize=None)
def _agg_kernel(d):
    def body(x_hbm, src_hbm, dst_hbm, out_hbm, src_v, dst_v, rows_v, zbuf,
             acc, sem):
        cid = lax.axis_index("c")
        sid = lax.axis_index("s")
        wid = sid * _NC + cid

        cols = list(range(0, d - 15, 16))
        if d % 16:
            cols.append(d - 16)

        def _zb(i, _):
            for col in cols:
                zbuf[i, pl.ds(col, 16)] = jnp.zeros((16,), jnp.float32)
            return 0

        lax.fori_loop(0, _ZROWS, _zb, 0)

        def _zero_chunk(j, _):
            q = sid + _NS * j

            @pl.when(q < _NRCH)
            def _():
                pltpu.sync_copy(zbuf, acc.at[pl.ds(q * _ZROWS, _ZROWS)])

            return 0

        lax.fori_loop(0, _RJMAX, _zero_chunk, 0)
        plsc.subcore_barrier()

        def _edge_chunk(j, _):
            chunk = wid + _NW * j

            @pl.when(chunk < _NCHUNKS)
            def _():
                base = chunk * _CHUNK
                pltpu.sync_copy(src_hbm.at[pl.ds(base, _CHUNK)], src_v)
                pltpu.sync_copy(dst_hbm.at[pl.ds(base, _CHUNK)], dst_v)
                pltpu.async_copy(x_hbm.at[src_v], rows_v, sem).wait()
                pltpu.sync_copy(rows_v, acc.at[dst_v], add=True)

            return 0

        lax.fori_loop(0, _JMAX, _edge_chunk, 0)
        plsc.subcore_barrier()

        def _write_chunk(j, _):
            q = sid + _NS * j

            @pl.when(q < _NRCH)
            def _():
                pltpu.sync_copy(acc.at[pl.ds(q * _ZROWS, _ZROWS)],
                                out_hbm.at[cid, pl.ds(q * _ZROWS, _ZROWS)])

            return 0

        lax.fori_loop(0, _RJMAX, _write_chunk, 0)

    return pl.kernel(
        body,
        out_type=jax.ShapeDtypeStruct((_NC, _N, d), jnp.float32),
        mesh=plsc.VectorSubcoreMesh(core_axis_name="c",
                                    subcore_axis_name="s",
                                    num_cores=_NC, num_subcores=_NS),
        scratch_types=[
            pltpu.VMEM((_CHUNK,), jnp.int32),
            pltpu.VMEM((_CHUNK,), jnp.int32),
            pltpu.VMEM((_CHUNK, d), jnp.float32),
            pltpu.VMEM((_ZROWS, d), jnp.float32),
            pltpu.VMEM_SHARED((_N, d), jnp.float32),
            pltpu.SemaphoreType.DMA,
        ],
        compiler_params=pltpu.CompilerParams(use_tc_tiling_on_sc=False),
    )


def _agg(xf, src, dst):
    return _agg_kernel(xf.shape[1])(xf, src, dst)


def _layer_a_body(x_ref, a0_ref, a1_ref, w1_ref, b1_ref, w2_ref, b2_ref,
                  h2_ref, sums_ref):
    i = pl.program_id(0)
    h_pre = x_ref[...] + a0_ref[...] + a1_ref[...]
    h1 = jnp.maximum(_dot_mxu(h_pre, w1_ref[...]) + b1_ref[...], 0.0)
    h2 = jnp.maximum(_dot_mxu(h1, w2_ref[...]) + b2_ref[...], 0.0)
    h2_ref[...] = h2

    @pl.when(i == 0)
    def _():
        sums_ref[...] = jnp.zeros_like(sums_ref)

    sums_ref[0:1, :] += jnp.sum(h2, axis=0, keepdims=True)
    sums_ref[1:2, :] += jnp.sum(h2 * h2, axis=0, keepdims=True)


def _layer_a(x, a0, a1, w1, b1, w2, b2):
    d = x.shape[1]
    return pl.pallas_call(
        _layer_a_body,
        grid=(_G,),
        in_specs=[
            pl.BlockSpec((_R, d), lambda i: (i, 0)),
            pl.BlockSpec((_R, d), lambda i: (i, 0)),
            pl.BlockSpec((_R, d), lambda i: (i, 0)),
            pl.BlockSpec((d, _H), lambda i: (0, 0)),
            pl.BlockSpec((1, _H), lambda i: (0, 0)),
            pl.BlockSpec((_H, _H), lambda i: (0, 0)),
            pl.BlockSpec((1, _H), lambda i: (0, 0)),
        ],
        out_specs=[
            pl.BlockSpec((_R, _H), lambda i: (i, 0)),
            pl.BlockSpec((8, _H), lambda i: (0, 0)),
        ],
        out_shape=[
            jax.ShapeDtypeStruct((_N, _H), jnp.float32),
            jax.ShapeDtypeStruct((8, _H), jnp.float32),
        ],
    )(x, a0, a1, w1, b1, w2, b2)


def _layer_a1_body(x_ref, a0a_ref, a1a_ref, a0b_ref, a1b_ref, a0c_ref,
                   a1c_ref, w1_ref, b1_ref, w2_ref, b2_ref,
                   h2_ref, sums_ref):
    i = pl.program_id(0)
    agg = jnp.concatenate([a0a_ref[...] + a1a_ref[...],
                           a0b_ref[...] + a1b_ref[...],
                           a0c_ref[...] + a1c_ref[...]], axis=1)
    h_pre = x_ref[...] + agg
    h1 = jnp.maximum(_dot_mxu(h_pre, w1_ref[...]) + b1_ref[...], 0.0)
    h2 = jnp.maximum(_dot_mxu(h1, w2_ref[...]) + b2_ref[...], 0.0)
    h2_ref[...] = h2

    @pl.when(i == 0)
    def _():
        sums_ref[...] = jnp.zeros_like(sums_ref)

    sums_ref[0:1, :] += jnp.sum(h2, axis=0, keepdims=True)
    sums_ref[1:2, :] += jnp.sum(h2 * h2, axis=0, keepdims=True)


def _layer_a1(xpad, a0a, a1a, a0b, a1b, a0c, a1c, w1, b1, w2, b2):
    return pl.pallas_call(
        _layer_a1_body,
        grid=(_G,),
        in_specs=[
            pl.BlockSpec((_R, _DPAD), lambda i: (i, 0)),
            pl.BlockSpec((_R, _H), lambda i: (i, 0)),
            pl.BlockSpec((_R, _H), lambda i: (i, 0)),
            pl.BlockSpec((_R, _H), lambda i: (i, 0)),
            pl.BlockSpec((_R, _H), lambda i: (i, 0)),
            pl.BlockSpec((_R, _H), lambda i: (i, 0)),
            pl.BlockSpec((_R, _H), lambda i: (i, 0)),
            pl.BlockSpec((_DPAD, _H), lambda i: (0, 0)),
            pl.BlockSpec((1, _H), lambda i: (0, 0)),
            pl.BlockSpec((_H, _H), lambda i: (0, 0)),
            pl.BlockSpec((1, _H), lambda i: (0, 0)),
        ],
        out_specs=[
            pl.BlockSpec((_R, _H), lambda i: (i, 0)),
            pl.BlockSpec((8, _H), lambda i: (0, 0)),
        ],
        out_shape=[
            jax.ShapeDtypeStruct((_N, _H), jnp.float32),
            jax.ShapeDtypeStruct((8, _H), jnp.float32),
        ],
    )(xpad, a0a, a1a, a0b, a1b, a0c, a1c, w1, b1, w2, b2)


def _bn_scale_shift(sums_ref, g_ref, b_ref):
    mean = sums_ref[0:1, :] * (1.0 / _N)
    var = sums_ref[1:2, :] * (1.0 / _N) - mean * mean
    s = g_ref[...] * lax.rsqrt(var + 1e-5)
    t = b_ref[...] - mean * s
    return s, t


def _layer_b_body(h2_ref, sums_ref, g_ref, b_ref, o_ref):
    s, t = _bn_scale_shift(sums_ref, g_ref, b_ref)
    o_ref[...] = h2_ref[...] * s + t


def _layer_b(h2, sums, g, b):
    return pl.pallas_call(
        _layer_b_body,
        grid=(_G,),
        in_specs=[
            pl.BlockSpec((_R, _H), lambda i: (i, 0)),
            pl.BlockSpec((8, _H), lambda i: (0, 0)),
            pl.BlockSpec((1, _H), lambda i: (0, 0)),
            pl.BlockSpec((1, _H), lambda i: (0, 0)),
        ],
        out_specs=pl.BlockSpec((_R, _H), lambda i: (i, 0)),
        out_shape=jax.ShapeDtypeStruct((_N, _H), jnp.float32),
    )(h2, sums, g, b)


def _layer_b5_body(h2_ref, sums_ref, g_ref, b_ref, bat_ref, pooled_ref):
    i = pl.program_id(0)
    s, t = _bn_scale_shift(sums_ref, g_ref, b_ref)
    x5 = h2_ref[...] * s + t
    oh_t = (lax.broadcasted_iota(jnp.int32, (_B, _R), 0)
            == bat_ref[0]).astype(jnp.float32)
    part = _dot(oh_t, x5)

    @pl.when(i == 0)
    def _():
        pooled_ref[...] = jnp.zeros_like(pooled_ref)

    pooled_ref[...] += part


def _layer_b5(h2, sums, g, b, batr):
    return pl.pallas_call(
        _layer_b5_body,
        grid=(_G,),
        in_specs=[
            pl.BlockSpec((_R, _H), lambda i: (i, 0)),
            pl.BlockSpec((8, _H), lambda i: (0, 0)),
            pl.BlockSpec((1, _H), lambda i: (0, 0)),
            pl.BlockSpec((1, _H), lambda i: (0, 0)),
            pl.BlockSpec((1, 1, _R), lambda i: (i, 0, 0)),
        ],
        out_specs=pl.BlockSpec((_B, _H), lambda i: (0, 0)),
        out_shape=jax.ShapeDtypeStruct((_B, _H), jnp.float32),
    )(h2, sums, g, b, batr)


def _conv_body(tgt_ref, tab_ref, wflat_ref, cb_ref, o_ref):
    oh_t = (lax.broadcasted_iota(jnp.int32, (_H, _SEQ), 0)
            == tgt_ref[0]).astype(jnp.float32)
    g = lax.dot_general(wflat_ref[...], oh_t, (((1,), (1,)), ((), ())),
                        precision=jax.lax.Precision.HIGHEST,
                        preferred_element_type=jnp.float32)
    f = _dot(g, tab_ref[...])
    r = lax.broadcasted_iota(jnp.int32, (_OUT, _OUT), 0)
    c = lax.broadcasted_iota(jnp.int32, (_OUT, _OUT), 1)
    acc = jnp.broadcast_to(cb_ref[...], (_H, _OUT))
    for k in range(_KW):
        sk = ((r == c + k) & (c < _CLEN)).astype(jnp.float32)
        acc = acc + _dot(f[_H * k:_H * (k + 1), :], sk)
    o_ref[0] = acc


def _conv(target, tab, wflat, cb):
    return pl.pallas_call(
        _conv_body,
        grid=(_B,),
        in_specs=[
            pl.BlockSpec((1, 1, _SEQ), lambda b: (b, 0, 0)),
            pl.BlockSpec((_H, _OUT), lambda b: (0, 0)),
            pl.BlockSpec((_H * _KW, _SEQ), lambda b: (0, 0)),
            pl.BlockSpec((_H, 1), lambda b: (0, 0)),
        ],
        out_specs=pl.BlockSpec((1, _H, _OUT), lambda b: (b, 0, 0)),
        out_shape=jax.ShapeDtypeStruct((_B, _H, _OUT), jnp.float32),
    )(target, tab, wflat, cb)


def _head_body(pooled_ref, fcxd_w_ref, fcxd_b_ref, oc_ref, wt3_ref,
               fcxt_b_ref, fc1_w_ref, fc1_b_ref, fc2_w_ref, fc2_b_ref,
               out_w_ref, out_b_ref, o_ref):
    xd = jnp.maximum(
        _dot(pooled_ref[...], fcxd_w_ref[...]) + fcxd_b_ref[...], 0.0)
    oc = oc_ref[...]
    xt = jnp.broadcast_to(fcxt_b_ref[...], (_B, _OUT))
    for o in range(_H):
        xt = xt + _dot(oc[:, o, :], wt3_ref[o])
    xc = jnp.concatenate([xd, xt], axis=1)
    h = jnp.maximum(_dot(xc, fc1_w_ref[...]) + fc1_b_ref[...], 0.0)
    h = jnp.maximum(_dot(h, fc2_w_ref[...]) + fc2_b_ref[...], 0.0)
    o_ref[...] = _dot(h, out_w_ref[...]) + out_b_ref[...]


def _head(pooled, fcxd_w, fcxd_b, oc, wt3, fcxt_b, fc1_w, fc1_b, fc2_w,
          fc2_b, out_w, out_b):
    return pl.pallas_call(
        _head_body,
        out_shape=jax.ShapeDtypeStruct((_B, 1), jnp.float32),
    )(pooled, fcxd_w, fcxd_b, oc, wt3, fcxt_b, fc1_w, fc1_b, fc2_w,
      fc2_b, out_w, out_b)


def kernel(x, edge_index, batch, target,
           gin1_W1, gin1_b1, gin1_W2, gin1_b2, bn1_g, bn1_b,
           gin2_W1, gin2_b1, gin2_W2, gin2_b2, bn2_g, bn2_b,
           gin3_W1, gin3_b1, gin3_W2, gin3_b2, bn3_g, bn3_b,
           gin4_W1, gin4_b1, gin4_W2, gin4_b2, bn4_g, bn4_b,
           gin5_W1, gin5_b1, gin5_W2, gin5_b2, bn5_g, bn5_b,
           fcxd_W, fcxd_b,
           emb_table, conv_W, conv_b, fcxt_W, fcxt_b,
           fc1_W, fc1_b, fc2_W, fc2_b, out_W, out_b):
    src = edge_index[0]
    dst = edge_index[1]
    batr = batch.reshape(_G, 1, _R)

    b1s = [gin1_b1, gin2_b1, gin3_b1, gin4_b1, gin5_b1]
    w1s = [gin1_W1, gin2_W1, gin3_W1, gin4_W1, gin5_W1]
    w2s = [gin1_W2, gin2_W2, gin3_W2, gin4_W2, gin5_W2]
    b2s = [gin1_b2, gin2_b2, gin3_b2, gin4_b2, gin5_b2]
    gs = [bn1_g, bn2_g, bn3_g, bn4_g, bn5_g]
    bs = [bn1_b, bn2_b, bn3_b, bn4_b, bn5_b]

    xpad = jnp.concatenate(
        [x, jnp.zeros((_N, _DPAD - _DIN), jnp.float32)], axis=1)
    w1pad = jnp.concatenate(
        [gin1_W1, jnp.zeros((_DPAD - _DIN, _H), jnp.float32)], axis=0)
    agg_a = _agg(xpad[:, :_H], src, dst)
    agg_b = _agg(xpad[:, _H:2 * _H], src, dst)
    agg_c = _agg(xpad[:, 2 * _H:], src, dst)
    h2, sums = _layer_a1(xpad, agg_a[0], agg_a[1], agg_b[0], agg_b[1],
                         agg_c[0], agg_c[1], w1pad,
                         gin1_b1.reshape(1, _H), gin1_W2,
                         gin1_b2.reshape(1, _H))
    xi = _layer_b(h2, sums, bn1_g.reshape(1, _H), bn1_b.reshape(1, _H))

    pooled = None
    for i in range(1, 5):
        agg = _agg(xi, src, dst)
        h2, sums = _layer_a(xi, agg[0], agg[1], w1s[i],
                            b1s[i].reshape(1, _H), w2s[i],
                            b2s[i].reshape(1, _H))
        if i < 4:
            xi = _layer_b(h2, sums, gs[i].reshape(1, _H),
                          bs[i].reshape(1, _H))
        else:
            pooled = _layer_b5(h2, sums, gs[i].reshape(1, _H),
                               bs[i].reshape(1, _H), batr)

    tab = jnp.concatenate(
        [emb_table, jnp.zeros((_H - _VOCAB, _OUT), jnp.float32)], axis=0)
    wflat = conv_W.transpose(2, 0, 1).reshape(_KW * _H, _SEQ)
    oc = _conv(target.reshape(_B, 1, _SEQ), tab, wflat,
               conv_b.reshape(_H, 1))
    wt3 = jnp.concatenate(
        [fcxt_W.reshape(_H, _CLEN, _OUT),
         jnp.zeros((_H, _OUT - _CLEN, _OUT), jnp.float32)], axis=1)
    return _head(pooled, fcxd_W, fcxd_b.reshape(1, _OUT), oc, wt3,
                 fcxt_b.reshape(1, _OUT), fc1_W, fc1_b.reshape(1, 1024),
                 fc2_W, fc2_b.reshape(1, 256), out_W, out_b.reshape(1, 1))

# --- scband reference (transcript-rebuilt; emitter-appended) ---
"""Pipeline reference for scband-ginconv-net-33904471834794 (READ-ONLY COPY).

The authoritative reference and input builder live on the scoring server;
editing this copy changes nothing except your own understanding.
"""

import jax, jax.numpy as jnp
import numpy as np

N = 50000
E = 800000
B = 128
D_IN = 78
H = 32
EMB = 128
OUT = 128
SEQ = 1000
VOCAB = 26
KW = 8
CONV_LEN = EMB - KW + 1  # 121


def _param(key, i, shape, scale=0.05):
    return jax.random.normal(jax.random.fold_in(key, i), shape, dtype=jnp.float32) * scale


def setup_inputs(seed: int = 0) -> dict:
    key = jax.random.key(seed)
    inp = {}
    inp["x"] = jax.random.normal(jax.random.fold_in(key, 100), (N, D_IN), dtype=jnp.float32)
    inp["edge_index"] = jax.random.randint(jax.random.fold_in(key, 101), (2, E), 0, N, dtype=jnp.int32)
    inp["batch"] = jnp.sort(jax.random.randint(jax.random.fold_in(key, 102), (N,), 0, B, dtype=jnp.int32))
    inp["target"] = jax.random.randint(jax.random.fold_in(key, 103), (B, SEQ), 0, VOCAB, dtype=jnp.int32)
    # GIN layers 1..5: MLP(Linear(in,32), ReLU, Linear(32,32)); BN gamma/beta
    for i in range(1, 6):
        d_in = D_IN if i == 1 else H
        inp[f"gin{i}_W1"] = _param(key, 10 * i + 1, (d_in, H))
        inp[f"gin{i}_b1"] = jnp.zeros((H,), dtype=jnp.float32)
        inp[f"gin{i}_W2"] = _param(key, 10 * i + 2, (H, H))
        inp[f"gin{i}_b2"] = jnp.zeros((H,), dtype=jnp.float32)
        inp[f"bn{i}_g"] = jnp.ones((H,), dtype=jnp.float32)
        inp[f"bn{i}_b"] = jnp.zeros((H,), dtype=jnp.float32)
    inp["fcxd_W"] = _param(key, 200, (H, OUT))
    inp["fcxd_b"] = jnp.zeros((OUT,), dtype=jnp.float32)
    inp["emb_table"] = _param(key, 201, (VOCAB, EMB), 1.0)
    inp["conv_W"] = _param(key, 202, (32, SEQ, KW), 0.01)  # OIH
    inp["conv_b"] = jnp.zeros((32,), dtype=jnp.float32)
    inp["fcxt_W"] = _param(key, 203, (32 * CONV_LEN, OUT), 0.01)
    inp["fcxt_b"] = jnp.zeros((OUT,), dtype=jnp.float32)
    inp["fc1_W"] = _param(key, 204, (256, 1024))
    inp["fc1_b"] = jnp.zeros((1024,), dtype=jnp.float32)
    inp["fc2_W"] = _param(key, 205, (1024, 256))
    inp["fc2_b"] = jnp.zeros((256,), dtype=jnp.float32)
    inp["out_W"] = _param(key, 206, (256, 1))
    inp["out_b"] = jnp.zeros((1,), dtype=jnp.float32)
    return inp


def _forward(p, edge_index, batch, target):
    x = p["x"]
    src = edge_index[0]
    dst = edge_index[1]
    for i in range(1, 6):
        # GINConv (eps=0): h = MLP((1+eps)*x + sum_{j in N(i)} x_j)
        agg = jnp.zeros_like(x).at[dst].add(x[src])
        h = x + agg
        h = h @ p[f"gin{i}_W1"] + p[f"gin{i}_b1"]
        h = jax.nn.relu(h)
        h = h @ p[f"gin{i}_W2"] + p[f"gin{i}_b2"]
        h = jax.nn.relu(h)  # F.relu(conv_i(x, edge_index))
        # BatchNorm1d (training-mode batch stats, biased var, eps=1e-5)
        mean = jnp.mean(h, axis=0)
        var = jnp.var(h, axis=0)
        x = (h - mean) / jnp.sqrt(var + 1e-5) * p[f"bn{i}_g"] + p[f"bn{i}_b"]
    # global_add_pool
    pooled = jax.ops.segment_sum(x, batch, num_segments=B)
    xd = jax.nn.relu(pooled @ p["fcxd_W"] + p["fcxd_b"])  # dropout = identity (eval)
    # protein branch
    emb = p["emb_table"][target]  # [B, SEQ, EMB] -> treated as NCH with C=SEQ
    conv = jax.lax.conv_general_dilated(
        emb, p["conv_W"], window_strides=(1,), padding="VALID",
        dimension_numbers=("NCH", "OIH", "NCH"),
    ) + p["conv_b"][None, :, None]  # [B, 32, 121]
    xt = conv.reshape(B, 32 * CONV_LEN)
    xt = xt @ p["fcxt_W"] + p["fcxt_b"]
    xc = jnp.concatenate([xd, xt], axis=1)
    xc = jax.nn.relu(xc @ p["fc1_W"] + p["fc1_b"])
    xc = jax.nn.relu(xc @ p["fc2_W"] + p["fc2_b"])
    return xc @ p["out_W"] + p["out_b"]


def reference(
    x,
    edge_index,
    batch,
    target,
    gin1_W1, gin1_b1, gin1_W2, gin1_b2, bn1_g, bn1_b,
    gin2_W1, gin2_b1, gin2_W2, gin2_b2, bn2_g, bn2_b,
    gin3_W1, gin3_b1, gin3_W2, gin3_b2, bn3_g, bn3_b,
    gin4_W1, gin4_b1, gin4_W2, gin4_b2, bn4_g, bn4_b,
    gin5_W1, gin5_b1, gin5_W2, gin5_b2, bn5_g, bn5_b,
    fcxd_W, fcxd_b,
    emb_table,
    conv_W, conv_b,
    fcxt_W, fcxt_b,
    fc1_W, fc1_b,
    fc2_W, fc2_b,
    out_W, out_b,
):
    p = {
        "x": x,
        "gin1_W1": gin1_W1, "gin1_b1": gin1_b1, "gin1_W2": gin1_W2, "gin1_b2": gin1_b2,
        "bn1_g": bn1_g, "bn1_b": bn1_b,
        "gin2_W1": gin2_W1, "gin2_b1": gin2_b1, "gin2_W2": gin2_W2, "gin2_b2": gin2_b2,
        "bn2_g": bn2_g, "bn2_b": bn2_b,
        "gin3_W1": gin3_W1, "gin3_b1": gin3_b1, "gin3_W2": gin3_W2, "gin3_b2": gin3_b2,
        "bn3_g": bn3_g, "bn3_b": bn3_b,
        "gin4_W1": gin4_W1, "gin4_b1": gin4_b1, "gin4_W2": gin4_W2, "gin4_b2": gin4_b2,
        "bn4_g": bn4_g, "bn4_b": bn4_b,
        "gin5_W1": gin5_W1, "gin5_b1": gin5_b1, "gin5_W2": gin5_W2, "gin5_b2": gin5_b2,
        "bn5_g": bn5_g, "bn5_b": bn5_b,
        "fcxd_W": fcxd_W, "fcxd_b": fcxd_b,
        "emb_table": emb_table,
        "conv_W": conv_W, "conv_b": conv_b,
        "fcxt_W": fcxt_W, "fcxt_b": fcxt_b,
        "fc1_W": fc1_W, "fc1_b": fc1_b,
        "fc2_W": fc2_W, "fc2_b": fc2_b,
        "out_W": out_W, "out_b": out_b,
    }
    return _forward(p, edge_index, batch, target)

if __name__ == "__main__":
    import jax
    _d = setup_inputs()
    print(jax.jit(kernel)(*tuple(_d.values())))

</pallas_src>

<mosaic_0001>
#map = affine_map<(d0, d1) -> (0, 0)>
#map1 = affine_map<(d0, d1) -> (0)>
#map2 = affine_map<(d0, d1) -> (0, 0, 0)>
module attributes {stable_mosaic.version = 14 : i64} {
  func.func @body(%arg0: i32, %arg1: i32, %arg2: memref<50000x32xf32, #tpu.memory_space<hbm>>, %arg3: memref<800000xi32, #tpu.memory_space<hbm>>, %arg4: memref<800000xi32, #tpu.memory_space<hbm>>, %arg5: memref<2x50000x32xf32, #tpu.memory_space<hbm>>, %arg6: memref<128xi32, #tpu.memory_space<vmem>>, %arg7: memref<128xi32, #tpu.memory_space<vmem>>, %arg8: memref<128x32xf32, #tpu.memory_space<vmem>>, %arg9: memref<400x32xf32, #tpu.memory_space<vmem>>, %arg10: memref<50000x32xf32, #tpu.memory_space<vmem_shared>>, %arg11: memref<!tpu.dma_semaphore, #tpu.memory_space<semaphore_mem>>) attributes {dimension_semantics = [#tpu.dimension_semantics<core_parallel>, #tpu.dimension_semantics<subcore_parallel>], iteration_bounds = array<i64: 2, 16>, scalar_prefetch = 0 : i64, scratch_operands = 6 : i64, tpu.core_type = #tpu.core_type<sc_vector_subcore>, window_params = [{transform_indices = #map}, {transform_indices = #map1}, {transform_indices = #map1}, {transform_indices = #map2}]} {
    %mul3A = arith.constant 2 : i32
    %mul3A_0 = arith.muli %arg1, %mul3A : i32
    %add3A = arith.addi %mul3A_0, %arg0 : i32
    %scan3A = arith.constant 0 : i32
    %scan3A_1 = arith.constant 0 : i32
    %scan3A_2 = arith.constant 400 : i32
    %scan3A_3 = arith.addi %scan3A_1, %scan3A_2 : i32
    %scan3A_4 = arith.constant 1 : i32
    %scan3A_5 = scf.for %scan3A_29 = %scan3A_1 to %scan3A_3 step %scan3A_4 iter_args(%scan3A_30 = %scan3A) -> (i32)  : i32 {
      %broadcast_in_dim3A = arith.constant 0.000000e+00 : f32
      %broadcast_in_dim3A_31 = vector.broadcast %broadcast_in_dim3A : f32 to vector<16xf32>
      %swap3A = arith.index_cast %scan3A_29 : i32 to index
      %swap3A_32 = arith.constant 0 : index
      %swap3A_33 = tpu.vector_load %arg9[%swap3A, %swap3A_32] {strides = array<i32>} : memref<400x32xf32, #tpu.memory_space<vmem>>, vector<1x16xf32>,
      %swap3A_34 = vector.shape_cast %swap3A_33 : vector<1x16xf32> to vector<16xf32>
      %swap3A_35 = vector.shape_cast %broadcast_in_dim3A_31 : vector<16xf32> to vector<1x16xf32>
      tpu.vector_store %arg9[%swap3A, %swap3A_32], %swap3A_35 {strides = array<i32>} : memref<400x32xf32, #tpu.memory_space<vmem>>, vector<1x16xf32>,
      %broadcast_in_dim3A_36 = arith.constant 0.000000e+00 : f32
      %broadcast_in_dim3A_37 = vector.broadcast %broadcast_in_dim3A_36 : f32 to vector<16xf32>
      %swap3A_38 = arith.index_cast %scan3A_29 : i32 to index
      %swap3A_39 = arith.constant 16 : index
      %swap3A_40 = tpu.vector_load %arg9[%swap3A_38, %swap3A_39] {strides = array<i32>} : memref<400x32xf32, #tpu.memory_space<vmem>>, vector<1x16xf32>,
      %swap3A_41 = vector.shape_cast %swap3A_40 : vector<1x16xf32> to vector<16xf32>
      %swap3A_42 = vector.shape_cast %broadcast_in_dim3A_37 : vector<16xf32> to vector<1x16xf32>
      tpu.vector_store %arg9[%swap3A_38, %swap3A_39], %swap3A_42 {strides = array<i32>} : memref<400x32xf32, #tpu.memory_space<vmem>>, vector<1x16xf32>,
      %scan3A_43 = arith.constant 0 : i32
      scf.yield %scan3A_43 : i32
    }
    %scan3A_6 = arith.constant 400 : i32
    %scan3A_7 = arith.constant 0 : i32
    %scan3A_8 = arith.constant 0 : i32
    %scan3A_9 = arith.constant 8 : i32
    %scan3A_10 = arith.addi %scan3A_8, %scan3A_9 : i32
    %scan3A_11 = arith.constant 1 : i32
    %scan3A_12 = scf.for %scan3A_29 = %scan3A_8 to %scan3A_10 step %scan3A_11 iter_args(%scan3A_30 = %scan3A_7) -> (i32)  : i32 {
      %mul3A_31 = arith.constant 16 : i32
      %mul3A_32 = arith.muli %mul3A_31, %scan3A_29 : i32
      %add3A_33 = arith.addi %arg1, %mul3A_32 : i32
      %lt3A = arith.constant 125 : i32
      %lt3A_34 = arith.cmpi slt, %add3A_33, %lt3A : i32
      %convert_element_type3A = arith.extui %lt3A_34 : i1 to i32
      %cond3A = arith.constant 0 : i32
      %cond3A_35 = arith.cmpi ne, %convert_element_type3A, %cond3A : i32
      scf.if %cond3A_35 {
        %mul3A_37 = arith.constant 400 : i32
        %mul3A_38 = arith.muli %add3A_33, %mul3A_37 : i32
        "tpu.region"() ({
          %run_scoped3A = tpu.sem_alloc : memref<!tpu.dma_semaphore, #tpu.memory_space<semaphore_mem>>
          %dma_start3A = arith.constant 0 : i32
          %dma_start3A_39 = tpu.memref_slice %arg10[%mul3A_38, %dma_start3A] : memref<50000x32xf32, #tpu.memory_space<vmem_shared>> -> memref<400x32xf32, #tpu.memory_space<vmem_shared>>
          %dma_start3A_40 = arith.constant 0 : i32
          %dma_start3A_41 = tpu.memref_slice %arg10[%mul3A_38, %dma_start3A_40] : memref<50000x32xf32, #tpu.memory_space<vmem_shared>> -> memref<400x32xf32, #tpu.memory_space<vmem_shared>>
          tpu.enqueue_dma source(%arg9 : memref<400x32xf32, #tpu.memory_space<vmem>>) target(%dma_start3A_41 : memref<400x32xf32, #tpu.memory_space<vmem_shared>>) target_semaphore(%run_scoped3A : memref<!tpu.dma_semaphore, #tpu.memory_space<semaphore_mem>>)
          %dma_wait3A = arith.constant 0 : i32
          %dma_wait3A_42 = tpu.memref_slice %arg10[%mul3A_38, %dma_wait3A] : memref<50000x32xf32, #tpu.memory_space<vmem_shared>> -> memref<400x32xf32, #tpu.memory_space<vmem_shared>>
          %dma_wait3A_43 = arith.constant 0 : i32
          %dma_wait3A_44 = tpu.memref_slice %arg10[%mul3A_38, %dma_wait3A_43] : memref<50000x32xf32, #tpu.memory_space<vmem_shared>> -> memref<400x32xf32, #tpu.memory_space<vmem_shared>>
          tpu.wait_dma2 semaphore(%run_scoped3A : memref<!tpu.dma_semaphore, #tpu.memory_space<semaphore_mem>>) src(%arg9 : memref<400x32xf32, #tpu.memory_space<vmem>>) dst(%dma_wait3A_44 : memref<400x32xf32, #tpu.memory_space<vmem_shared>>)
          tpu.yield
        }) : () -> ()
      } else {
      }
      %scan3A_36 = arith.constant 0 : i32
      scf.yield %scan3A_36 : i32
    }
    %scan3A_13 = arith.constant 8 : i32
    %barrier3A = arith.constant 0 : index
    tpu.barrier barrier_id(%barrier3A)
    %scan3A_14 = arith.constant 0 : i32
    %scan3A_15 = arith.constant 0 : i32
    %scan3A_16 = arith.constant 196 : i32
    %scan3A_17 = arith.addi %scan3A_15, %scan3A_16 : i32
    %scan3A_18 = arith.constant 1 : i32
    %scan3A_19 = scf.for %scan3A_29 = %scan3A_15 to %scan3A_17 step %scan3A_18 iter_args(%scan3A_30 = %scan3A_14) -> (i32)  : i32 {
      %mul3A_31 = arith.constant 32 : i32
      %mul3A_32 = arith.muli %mul3A_31, %scan3A_29 : i32
      %add3A_33 = arith.addi %add3A, %mul3A_32 : i32
      %lt3A = arith.constant 6250 : i32
      %lt3A_34 = arith.cmpi slt, %add3A_33, %lt3A : i32
      %convert_element_type3A = arith.extui %lt3A_34 : i1 to i32
      %cond3A = arith.constant 0 : i32
      %cond3A_35 = arith.cmpi ne, %convert_element_type3A, %cond3A : i32
      scf.if %cond3A_35 {
        %mul3A_37 = arith.constant 128 : i32
        %mul3A_38 = arith.muli %add3A_33, %mul3A_37 : i32
        "tpu.region"() ({
          %run_scoped3A = tpu.sem_alloc : memref<!tpu.dma_semaphore, #tpu.memory_space<semaphore_mem>>
          %dma_start3A_43 = tpu.memref_slice %arg3[%mul3A_38] : memref<800000xi32, #tpu.memory_space<hbm>> -> memref<128xi32, #tpu.memory_space<hbm>>
          %dma_start3A_44 = tpu.memref_slice %arg3[%mul3A_38] : memref<800000xi32, #tpu.memory_space<hbm>> -> memref<128xi32, #tpu.memory_space<hbm>>
          tpu.enqueue_dma source(%dma_start3A_44 : memref<128xi32, #tpu.memory_space<hbm>>) target(%arg6 : memref<128xi32, #tpu.memory_space<vmem>>) target_semaphore(%run_scoped3A : memref<!tpu.dma_semaphore, #tpu.memory_space<semaphore_mem>>)
          %dma_wait3A_45 = tpu.memref_slice %arg3[%mul3A_38] : memref<800000xi32, #tpu.memory_space<hbm>> -> memref<128xi32, #tpu.memory_space<hbm>>
          %dma_wait3A_46 = tpu.memref_slice %arg3[%mul3A_38] : memref<800000xi32, #tpu.memory_space<hbm>> -> memref<128xi32, #tpu.memory_space<hbm>>
          tpu.wait_dma2 semaphore(%run_scoped3A : memref<!tpu.dma_semaphore, #tpu.memory_space<semaphore_mem>>) src(%dma_wait3A_46 : memref<128xi32, #tpu.memory_space<hbm>>) dst(%arg6 : memref<128xi32, #tpu.memory_space<vmem>>)
          tpu.yield
        }) : () -> ()
        "tpu.region"() ({
          %run_scoped3A = tpu.sem_alloc : memref<!tpu.dma_semaphore, #tpu.memory_space<semaphore_mem>>
          %dma_start3A_43 = tpu.memref_slice %arg4[%mul3A_38] : memref<800000xi32, #tpu.memory_space<hbm>> -> memref<128xi32, #tpu.memory_space<hbm>>
          %dma_start3A_44 = tpu.memref_slice %arg4[%mul3A_38] : memref<800000xi32, #tpu.memory_space<hbm>> -> memref<128xi32, #tpu.memory_space<hbm>>
          tpu.enqueue_dma source(%dma_start3A_44 : memref<128xi32, #tpu.memory_space<hbm>>) target(%arg7 : memref<128xi32, #tpu.memory_space<vmem>>) target_semaphore(%run_scoped3A : memref<!tpu.dma_semaphore, #tpu.memory_space<semaphore_mem>>)
          %dma_wait3A_45 = tpu.memref_slice %arg4[%mul3A_38] : memref<800000xi32, #tpu.memory_space<hbm>> -> memref<128xi32, #tpu.memory_space<hbm>>
          %dma_wait3A_46 = tpu.memref_slice %arg4[%mul3A_38] : memref<800000xi32, #tpu.memory_space<hbm>> -> memref<128xi32, #tpu.memory_space<hbm>>
          tpu.wait_dma2 semaphore(%run_scoped3A : memref<!tpu.dma_semaphore, #tpu.memory_space<semaphore_mem>>) src(%dma_wait3A_46 : memref<128xi32, #tpu.memory_space<hbm>>) dst(%arg7 : memref<128xi32, #tpu.memory_space<vmem>>)
          tpu.yield
        }) : () -> ()
        %dma_start3A = arith.constant 0 : i32
        %dma_start3A_39 = arith.constant 0 : i32
        %dma_start3A_40 = tpu.memref_slice %arg2[%dma_start3A, %dma_start3A_39] : memref<50000x32xf32, #tpu.memory_space<hbm>> -> memref<50000x32xf32, #tpu.memory_space<hbm>>
        tpu.enqueue_indirect_dma source(%dma_start3A_40 : memref<50000x32xf32, #tpu.memory_space<hbm>>) target(%arg8 : memref<128x32xf32, #tpu.memory_space<vmem>>) offsets(%arg6 : memref<128xi32, #tpu.memory_space<vmem>>) semaphore(%arg11 : memref<!tpu.dma_semaphore, #tpu.memory_space<semaphore_mem>>)
        %dma_wait3A = arith.constant 0 : i32
        %dma_wait3A_41 = arith.constant 0 : i32
        %dma_wait3A_42 = tpu.memref_slice %arg2[%dma_wait3A, %dma_wait3A_41] : memref<50000x32xf32, #tpu.memory_space<hbm>> -> memref<50000x32xf32, #tpu.memory_space<hbm>>
        tpu.wait_indirect_dma semaphore(%arg11 : memref<!tpu.dma_semaphore, #tpu.memory_space<semaphore_mem>>) src(%dma_wait3A_42 : memref<50000x32xf32, #tpu.memory_space<hbm>>) dst(%arg8 : memref<128x32xf32, #tpu.memory_space<vmem>>)
        "tpu.region"() ({
          %run_scoped3A = tpu.sem_alloc : memref<!tpu.dma_semaphore, #tpu.memory_space<semaphore_mem>>
          %dma_start3A_43 = arith.constant 0 : i32
          %dma_start3A_44 = arith.constant 0 : i32
          %dma_start3A_45 = tpu.memref_slice %arg10[%dma_start3A_43, %dma_start3A_44] : memref<50000x32xf32, #tpu.memory_space<vmem_shared>> -> memref<50000x32xf32, #tpu.memory_space<vmem_shared>>
          tpu.enqueue_indirect_dma source(%arg8 : memref<128x32xf32, #tpu.memory_space<vmem>>) target(%dma_start3A_45 : memref<50000x32xf32, #tpu.memory_space<vmem_shared>>) offsets(%arg7 : memref<128xi32, #tpu.memory_space<vmem>>) semaphore(%run_scoped3A : memref<!tpu.dma_semaphore, #tpu.memory_space<semaphore_mem>>) {add = true}
          %dma_wait3A_46 = arith.constant 0 : i32
          %dma_wait3A_47 = arith.constant 0 : i32
          %dma_wait3A_48 = tpu.memref_slice %arg10[%dma_wait3A_46, %dma_wait3A_47] : memref<50000x32xf32, #tpu.memory_space<vmem_shared>> -> memref<50000x32xf32, #tpu.memory_space<vmem_shared>>
          tpu.wait_indirect_dma semaphore(%run_scoped3A : memref<!tpu.dma_semaphore, #tpu.memory_space<semaphore_mem>>) src(%arg8 : memref<128x32xf32, #tpu.memory_space<vmem>>) dst(%dma_wait3A_48 : memref<50000x32xf32, #tpu.memory_space<vmem_shared>>)
          tpu.yield
        }) : () -> ()
      } else {
      }
      %scan3A_36 = arith.constant 0 : i32
      scf.yield %scan3A_36 : i32
    }
    %scan3A_20 = arith.constant 196 : i32
    %barrier3A_21 = arith.constant 0 : index
    tpu.barrier barrier_id(%barrier3A_21)
    %scan3A_22 = arith.constant 0 : i32
    %scan3A_23 = arith.constant 0 : i32
    %scan3A_24 = arith.constant 8 : i32
    %scan3A_25 = arith.addi %scan3A_23, %scan3A_24 : i32
    %scan3A_26 = arith.constant 1 : i32
    %scan3A_27 = scf.for %scan3A_29 = %scan3A_23 to %scan3A_25 step %scan3A_26 iter_args(%scan3A_30 = %scan3A_22) -> (i32)  : i32 {
      %mul3A_31 = arith.constant 16 : i32
      %mul3A_32 = arith.muli %mul3A_31, %scan3A_29 : i32
      %add3A_33 = arith.addi %arg1, %mul3A_32 : i32
      %lt3A = arith.constant 125 : i32
      %lt3A_34 = arith.cmpi slt, %add3A_33, %lt3A : i32
      %convert_element_type3A = arith.extui %lt3A_34 : i1 to i32
      %cond3A = arith.constant 0 : i32
      %cond3A_35 = arith.cmpi ne, %convert_element_type3A, %cond3A : i32
      scf.if %cond3A_35 {
        %mul3A_37 = arith.constant 400 : i32
        %mul3A_38 = arith.muli %add3A_33, %mul3A_37 : i32
        %mul3A_39 = arith.constant 400 : i32
        %mul3A_40 = arith.muli %add3A_33, %mul3A_39 : i32
        "tpu.region"() ({
          %run_scoped3A = tpu.sem_alloc : memref<!tpu.dma_semaphore, #tpu.memory_space<semaphore_mem>>
          %dma_start3A = arith.constant 0 : i32
          %dma_start3A_41 = tpu.memref_slice %arg5[%arg0, %mul3A_40, %dma_start3A] : memref<2x50000x32xf32, #tpu.memory_space<hbm>> -> memref<1x400x32xf32, #tpu.memory_space<hbm>>
          %dma_start3A_42 = tpu.memref_squeeze %dma_start3A_41 : memref<1x400x32xf32, #tpu.memory_space<hbm>> -> memref<400x32xf32, #tpu.memory_space<hbm>>
          %dma_start3A_43 = arith.constant 0 : i32
          %dma_start3A_44 = tpu.memref_slice %arg10[%mul3A_38, %dma_start3A_43] : memref<50000x32xf32, #tpu.memory_space<vmem_shared>> -> memref<400x32xf32, #tpu.memory_space<vmem_shared>>
          tpu.enqueue_dma source(%dma_start3A_44 : memref<400x32xf32, #tpu.memory_space<vmem_shared>>) target(%dma_start3A_42 : memref<400x32xf32, #tpu.memory_space<hbm>>) target_semaphore(%run_scoped3A : memref<!tpu.dma_semaphore, #tpu.memory_space<semaphore_mem>>)
          %dma_wait3A = arith.constant 0 : i32
          %dma_wait3A_45 = tpu.memref_slice %arg5[%arg0, %mul3A_40, %dma_wait3A] : memref<2x50000x32xf32, #tpu.memory_space<hbm>> -> memref<1x400x32xf32, #tpu.memory_space<hbm>>
          %dma_wait3A_46 = tpu.memref_squeeze %dma_wait3A_45 : memref<1x400x32xf32, #tpu.memory_space<hbm>> -> memref<400x32xf32, #tpu.memory_space<hbm>>
          %dma_wait3A_47 = arith.constant 0 : i32
          %dma_wait3A_48 = tpu.memref_slice %arg10[%mul3A_38, %dma_wait3A_47] : memref<50000x32xf32, #tpu.memory_space<vmem_shared>> -> memref<400x32xf32, #tpu.memory_space<vmem_shared>>
          tpu.wait_dma2 semaphore(%run_scoped3A : memref<!tpu.dma_semaphore, #tpu.memory_space<semaphore_mem>>) src(%dma_wait3A_48 : memref<400x32xf32, #tpu.memory_space<vmem_shared>>) dst(%dma_wait3A_46 : memref<400x32xf32, #tpu.memory_space<hbm>>)
          tpu.yield
        }) : () -> ()
      } else {
      }
      %scan3A_36 = arith.constant 0 : i32
      scf.yield %scan3A_36 : i32
    }
    %scan3A_28 = arith.constant 8 : i32
    return
  }
}

#map = affine_map<(d0, d1) -> (0, 0)>
#map1 = affine_map<(d0, d1) -> (0)>
#map2 = affine_map<(d0, d1) -> (0, 0, 0)>
module attributes {stable_mosaic.version = 14 : i64} {
  func.func @body(%arg0: i32, %arg1: i32, %arg2: memref<50000x32xf32, #tpu.memory_space<hbm>>, %arg3: memref<800000xi32, #tpu.memory_space<hbm>>, %arg4: memref<800000xi32, #tpu.memory_space<hbm>>, %arg5: memref<2x50000x32xf32, #tpu.memory_space<hbm>>, %arg6: memref<128xi32, #tpu.memory_space<vmem>>, %arg7: memref<128xi32, #tpu.memory_space<vmem>>, %arg8: memref<128x32xf32, #tpu.memory_space<vmem>>, %arg9: memref<400x32xf32, #tpu.memory_space<vmem>>, %arg10: memref<50000x32xf32, #tpu.memory_space<vmem_shared>>, %arg11: memref<!tpu.dma_semaphore, #tpu.memory_space<semaphore_mem>>) attributes {dimension_semantics = [#tpu.dimension_semantics<core_parallel>, #tpu.dimension_semantics<subcore_parallel>], iteration_bounds = array<i64: 2, 16>, scalar_prefetch = 0 : i64, scratch_operands = 6 : i64, tpu.core_type = #tpu.core_type<sc_vector_subcore>, window_params = [{transform_indices = #map}, {transform_indices = #map1}, {transform_indices = #map1}, {transform_indices = #map2}]} {
    %mul3A = arith.constant 2 : i32
    %mul3A_0 = arith.muli %arg1, %mul3A : i32
    %add3A = arith.addi %mul3A_0, %arg0 : i32
    %scan3A = arith.constant 0 : i32
    %scan3A_1 = arith.constant 0 : i32
    %scan3A_2 = arith.constant 400 : i32
    %scan3A_3 = arith.addi %scan3A_1, %scan3A_2 : i32
    %scan3A_4 = arith.constant 1 : i32
    %scan3A_5 = scf.for %scan3A_29 = %scan3A_1 to %scan3A_3 step %scan3A_4 iter_args(%scan3A_30 = %scan3A) -> (i32)  : i32 {
      %broadcast_in_dim3A = arith.constant 0.000000e+00 : f32
      %broadcast_in_dim3A_31 = vector.broadcast %broadcast_in_dim3A : f32 to vector<16xf32>
      %swap3A = arith.index_cast %scan3A_29 : i32 to index
      %swap3A_32 = arith.constant 0 : index
      %swap3A_33 = tpu.vector_load %arg9[%swap3A, %swap3A_32] {strides = array<i32>} : memref<400x32xf32, #tpu.memory_space<vmem>>, vector<1x16xf32>,
      %swap3A_34 = vector.shape_cast %swap3A_33 : vector<1x16xf32> to vector<16xf32>
      %swap3A_35 = vector.shape_cast %broadcast_in_dim3A_31 : vector<16xf32> to vector<1x16xf32>
      tpu.vector_store %arg9[%swap3A, %swap3A_32], %swap3A_35 {strides = array<i32>} : memref<400x32xf32, #tpu.memory_space<vmem>>, vector<1x16xf32>,
      %broadcast_in_dim3A_36 = arith.constant 0.000000e+00 : f32
      %broadcast_in_dim3A_37 = vector.broadcast %broadcast_in_dim3A_36 : f32 to vector<16xf32>
      %swap3A_38 = arith.index_cast %scan3A_29 : i32 to index
      %swap3A_39 = arith.constant 16 : index
      %swap3A_40 = tpu.vector_load %arg9[%swap3A_38, %swap3A_39] {strides = array<i32>} : memref<400x32xf32, #tpu.memory_space<vmem>>, vector<1x16xf32>,
      %swap3A_41 = vector.shape_cast %swap3A_40 : vector<1x16xf32> to vector<16xf32>
      %swap3A_42 = vector.shape_cast %broadcast_in_dim3A_37 : vector<16xf32> to vector<1x16xf32>
      tpu.vector_store %arg9[%swap3A_38, %swap3A_39], %swap3A_42 {strides = array<i32>} : memref<400x32xf32, #tpu.memory_space<vmem>>, vector<1x16xf32>,
      %scan3A_43 = arith.constant 0 : i32
      scf.yield %scan3A_43 : i32
    }
    %scan3A_6 = arith.constant 400 : i32
    %scan3A_7 = arith.constant 0 : i32
    %scan3A_8 = arith.constant 0 : i32
    %scan3A_9 = arith.constant 8 : i32
    %scan3A_10 = arith.addi %scan3A_8, %scan3A_9 : i32
    %scan3A_11 = arith.constant 1 : i32
    %scan3A_12 = scf.for %scan3A_29 = %scan3A_8 to %scan3A_10 step %scan3A_11 iter_args(%scan3A_30 = %scan3A_7) -> (i32)  : i32 {
      %mul3A_31 = arith.constant 16 : i32
      %mul3A_32 = arith.muli %mul3A_31, %scan3A_29 : i32
      %add3A_33 = arith.addi %arg1, %mul3A_32 : i32
      %lt3A = arith.constant 125 : i32
      %lt3A_34 = arith.cmpi slt, %add3A_33, %lt3A : i32
      %convert_element_type3A = arith.extui %lt3A_34 : i1 to i32
      %cond3A = arith.constant 0 : i32
      %cond3A_35 = arith.cmpi ne, %convert_element_type3A, %cond3A : i32
      scf.if %cond3A_35 {
        %mul3A_37 = arith.constant 400 : i32
        %mul3A_38 = arith.muli %add3A_33, %mul3A_37 : i32
        "tpu.region"() ({
          %run_scoped3A = tpu.sem_alloc : memref<!tpu.dma_semaphore, #tpu.memory_space<semaphore_mem>>
          %dma_start3A = arith.constant 0 : i32
          %dma_start3A_39 = tpu.memref_slice %arg10[%mul3A_38, %dma_start3A] : memref<50000x32xf32, #tpu.memory_space<vmem_shared>> -> memref<400x32xf32, #tpu.memory_space<vmem_shared>>
          %dma_start3A_40 = arith.constant 0 : i32
          %dma_start3A_41 = tpu.memref_slice %arg10[%mul3A_38, %dma_start3A_40] : memref<50000x32xf32, #tpu.memory_space<vmem_shared>> -> memref<400x32xf32, #tpu.memory_space<vmem_shared>>
          tpu.enqueue_dma source(%arg9 : memref<400x32xf32, #tpu.memory_space<vmem>>) target(%dma_start3A_41 : memref<400x32xf32, #tpu.memory_space<vmem_shared>>) target_semaphore(%run_scoped3A : memref<!tpu.dma_semaphore, #tpu.memory_space<semaphore_mem>>)
          %dma_wait3A = arith.constant 0 : i32
          %dma_wait3A_42 = tpu.memref_slice %arg10[%mul3A_38, %dma_wait3A] : memref<50000x32xf32, #tpu.memory_space<vmem_shared>> -> memref<400x32xf32, #tpu.memory_space<vmem_shared>>
          %dma_wait3A_43 = arith.constant 0 : i32
          %dma_wait3A_44 = tpu.memref_slice %arg10[%mul3A_38, %dma_wait3A_43] : memref<50000x32xf32, #tpu.memory_space<vmem_shared>> -> memref<400x32xf32, #tpu.memory_space<vmem_shared>>
          tpu.wait_dma2 semaphore(%run_scoped3A : memref<!tpu.dma_semaphore, #tpu.memory_space<semaphore_mem>>) src(%arg9 : memref<400x32xf32, #tpu.memory_space<vmem>>) dst(%dma_wait3A_44 : memref<400x32xf32, #tpu.memory_space<vmem_shared>>)
          tpu.yield
        }) : () -> ()
      } else {
      }
      %scan3A_36 = arith.constant 0 : i32
      scf.yield %scan3A_36 : i32
    }
    %scan3A_13 = arith.constant 8 : i32
    %barrier3A = arith.constant 0 : index
    tpu.barrier barrier_id(%barrier3A)
    %scan3A_14 = arith.constant 0 : i32
    %scan3A_15 = arith.constant 0 : i32
    %scan3A_16 = arith.constant 196 : i32
    %scan3A_17 = arith.addi %scan3A_15, %scan3A_16 : i32
    %scan3A_18 = arith.constant 1 : i32
    %scan3A_19 = scf.for %scan3A_29 = %scan3A_15 to %scan3A_17 step %scan3A_18 iter_args(%scan3A_30 = %scan3A_14) -> (i32)  : i32 {
      %mul3A_31 = arith.constant 32 : i32
      %mul3A_32 = arith.muli %mul3A_31, %scan3A_29 : i32
      %add3A_33 = arith.addi %add3A, %mul3A_32 : i32
      %lt3A = arith.constant 6250 : i32
      %lt3A_34 = arith.cmpi slt, %add3A_33, %lt3A : i32
      %convert_element_type3A = arith.extui %lt3A_34 : i1 to i32
      %cond3A = arith.constant 0 : i32
      %cond3A_35 = arith.cmpi ne, %convert_element_type3A, %cond3A : i32
      scf.if %cond3A_35 {
        %mul3A_37 = arith.constant 128 : i32
        %mul3A_38 = arith.muli %add3A_33, %mul3A_37 : i32
        "tpu.region"() ({
          %run_scoped3A = tpu.sem_alloc : memref<!tpu.dma_semaphore, #tpu.memory_space<semaphore_mem>>
          %dma_start3A_43 = tpu.memref_slice %arg3[%mul3A_38] : memref<800000xi32, #tpu.memory_space<hbm>> -> memref<128xi32, #tpu.memory_space<hbm>>
          %dma_start3A_44 = tpu.memref_slice %arg3[%mul3A_38] : memref<800000xi32, #tpu.memory_space<hbm>> -> memref<128xi32, #tpu.memory_space<hbm>>
          tpu.enqueue_dma source(%dma_start3A_44 : memref<128xi32, #tpu.memory_space<hbm>>) target(%arg6 : memref<128xi32, #tpu.memory_space<vmem>>) target_semaphore(%run_scoped3A : memref<!tpu.dma_semaphore, #tpu.memory_space<semaphore_mem>>)
          %dma_wait3A_45 = tpu.memref_slice %arg3[%mul3A_38] : memref<800000xi32, #tpu.memory_space<hbm>> -> memref<128xi32, #tpu.memory_space<hbm>>
          %dma_wait3A_46 = tpu.memref_slice %arg3[%mul3A_38] : memref<800000xi32, #tpu.memory_space<hbm>> -> memref<128xi32, #tpu.memory_space<hbm>>
          tpu.wait_dma2 semaphore(%run_scoped3A : memref<!tpu.dma_semaphore, #tpu.memory_space<semaphore_mem>>) src(%dma_wait3A_46 : memref<128xi32, #tpu.memory_space<hbm>>) dst(%arg6 : memref<128xi32, #tpu.memory_space<vmem>>)
          tpu.yield
        }) : () -> ()
        "tpu.region"() ({
          %run_scoped3A = tpu.sem_alloc : memref<!tpu.dma_semaphore, #tpu.memory_space<semaphore_mem>>
          %dma_start3A_43 = tpu.memref_slice %arg4[%mul3A_38] : memref<800000xi32, #tpu.memory_space<hbm>> -> memref<128xi32, #tpu.memory_space<hbm>>
          %dma_start3A_44 = tpu.memref_slice %arg4[%mul3A_38] : memref<800000xi32, #tpu.memory_space<hbm>> -> memref<128xi32, #tpu.memory_space<hbm>>
          tpu.enqueue_dma source(%dma_start3A_44 : memref<128xi32, #tpu.memory_space<hbm>>) target(%arg7 : memref<128xi32, #tpu.memory_space<vmem>>) target_semaphore(%run_scoped3A : memref<!tpu.dma_semaphore, #tpu.memory_space<semaphore_mem>>)
          %dma_wait3A_45 = tpu.memref_slice %arg4[%mul3A_38] : memref<800000xi32, #tpu.memory_space<hbm>> -> memref<128xi32, #tpu.memory_space<hbm>>
          %dma_wait3A_46 = tpu.memref_slice %arg4[%mul3A_38] : memref<800000xi32, #tpu.memory_space<hbm>> -> memref<128xi32, #tpu.memory_space<hbm>>
          tpu.wait_dma2 semaphore(%run_scoped3A : memref<!tpu.dma_semaphore, #tpu.memory_space<semaphore_mem>>) src(%dma_wait3A_46 : memref<128xi32, #tpu.memory_space<hbm>>) dst(%arg7 : memref<128xi32, #tpu.memory_space<vmem>>)
          tpu.yield
        }) : () -> ()
        %dma_start3A = arith.constant 0 : i32
        %dma_start3A_39 = arith.constant 0 : i32
        %dma_start3A_40 = tpu.memref_slice %arg2[%dma_start3A, %dma_start3A_39] : memref<50000x32xf32, #tpu.memory_space<hbm>> -> memref<50000x32xf32, #tpu.memory_space<hbm>>
        tpu.enqueue_indirect_dma source(%dma_start3A_40 : memref<50000x32xf32, #tpu.memory_space<hbm>>) target(%arg8 : memref<128x32xf32, #tpu.memory_space<vmem>>) offsets(%arg6 : memref<128xi32, #tpu.memory_space<vmem>>) semaphore(%arg11 : memref<!tpu.dma_semaphore, #tpu.memory_space<semaphore_mem>>)
        %dma_wait3A = arith.constant 0 : i32
        %dma_wait3A_41 = arith.constant 0 : i32
        %dma_wait3A_42 = tpu.memref_slice %arg2[%dma_wait3A, %dma_wait3A_41] : memref<50000x32xf32, #tpu.memory_space<hbm>> -> memref<50000x32xf32, #tpu.memory_space<hbm>>
        tpu.wait_indirect_dma semaphore(%arg11 : memref<!tpu.dma_semaphore, #tpu.memory_space<semaphore_mem>>) src(%dma_wait3A_42 : memref<50000x32xf32, #tpu.memory_space<hbm>>) dst(%arg8 : memref<128x32xf32, #tpu.memory_space<vmem>>)
        "tpu.region"() ({
          %run_scoped3A = tpu.sem_alloc : memref<!tpu.dma_semaphore, #tpu.memory_space<semaphore_mem>>
          %dma_start3A_43 = arith.constant 0 : i32
          %dma_start3A_44 = arith.constant 0 : i32
          %dma_start3A_45 = tpu.memref_slice %arg10[%dma_start3A_43, %dma_start3A_44] : memref<50000x32xf32, #tpu.memory_space<vmem_shared>> -> memref<50000x32xf32, #tpu.memory_space<vmem_shared>>
          tpu.enqueue_indirect_dma source(%arg8 : memref<128x32xf32, #tpu.memory_space<vmem>>) target(%dma_start3A_45 : memref<50000x32xf32, #tpu.memory_space<vmem_shared>>) offsets(%arg7 : memref<128xi32, #tpu.memory_space<vmem>>) semaphore(%run_scoped3A : memref<!tpu.dma_semaphore, #tpu.memory_space<semaphore_mem>>) {add = true}
          %dma_wait3A_46 = arith.constant 0 : i32
          %dma_wait3A_47 = arith.constant 0 : i32
          %dma_wait3A_48 = tpu.memref_slice %arg10[%dma_wait3A_46, %dma_wait3A_47] : memref<50000x32xf32, #tpu.memory_space<vmem_shared>> -> memref<50000x32xf32, #tpu.memory_space<vmem_shared>>
          tpu.wait_indirect_dma semaphore(%run_scoped3A : memref<!tpu.dma_semaphore, #tpu.memory_space<semaphore_mem>>) src(%arg8 : memref<128x32xf32, #tpu.memory_space<vmem>>) dst(%dma_wait3A_48 : memref<50000x32xf32, #tpu.memory_space<vmem_shared>>)
          tpu.yield
        }) : () -> ()
      } else {
      }
      %scan3A_36 = arith.constant 0 : i32
      scf.yield %scan3A_36 : i32
    }
    %scan3A_20 = arith.constant 196 : i32
    %barrier3A_21 = arith.constant 0 : index
    tpu.barrier barrier_id(%barrier3A_21)
    %scan3A_22 = arith.constant 0 : i32
    %scan3A_23 = arith.constant 0 : i32
    %scan3A_24 = arith.constant 8 : i32
    %scan3A_25 = arith.addi %scan3A_23, %scan3A_24 : i32
    %scan3A_26 = arith.constant 1 : i32
    %scan3A_27 = scf.for %scan3A_29 = %scan3A_23 to %scan3A_25 step %scan3A_26 iter_args(%scan3A_30 = %scan3A_22) -> (i32)  : i32 {
      %mul3A_31 = arith.constant 16 : i32
      %mul3A_32 = arith.muli %mul3A_31, %scan3A_29 : i32
      %add3A_33 = arith.addi %arg1, %mul3A_32 : i32
      %lt3A = arith.constant 125 : i32
      %lt3A_34 = arith.cmpi slt, %add3A_33, %lt3A : i32
      %convert_element_type3A = arith.extui %lt3A_34 : i1 to i32
      %cond3A = arith.constant 0 : i32
      %cond3A_35 = arith.cmpi ne, %convert_element_type3A, %cond3A : i32
      scf.if %cond3A_35 {
        %mul3A_37 = arith.constant 400 : i32
        %mul3A_38 = arith.muli %add3A_33, %mul3A_37 : i32
        %mul3A_39 = arith.constant 400 : i32
        %mul3A_40 = arith.muli %add3A_33, %mul3A_39 : i32
        "tpu.region"() ({
          %run_scoped3A = tpu.sem_alloc : memref<!tpu.dma_semaphore, #tpu.memory_space<semaphore_mem>>
          %dma_start3A = arith.constant 0 : i32
          %dma_start3A_41 = tpu.memref_slice %arg5[%arg0, %mul3A_40, %dma_start3A] : memref<2x50000x32xf32, #tpu.memory_space<hbm>> -> memref<1x400x32xf32, #tpu.memory_space<hbm>>
          %dma_start3A_42 = tpu.memref_squeeze %dma_start3A_41 : memref<1x400x32xf32, #tpu.memory_space<hbm>> -> memref<400x32xf32, #tpu.memory_space<hbm>>
          %dma_start3A_43 = arith.constant 0 : i32
          %dma_start3A_44 = tpu.memref_slice %arg10[%mul3A_38, %dma_start3A_43] : memref<50000x32xf32, #tpu.memory_space<vmem_shared>> -> memref<400x32xf32, #tpu.memory_space<vmem_shared>>
          tpu.enqueue_dma source(%dma_start3A_44 : memref<400x32xf32, #tpu.memory_space<vmem_shared>>) target(%dma_start3A_42 : memref<400x32xf32, #tpu.memory_space<hbm>>) target_semaphore(%run_scoped3A : memref<!tpu.dma_semaphore, #tpu.memory_space<semaphore_mem>>)
          %dma_wait3A = arith.constant 0 : i32
          %dma_wait3A_45 = tpu.memref_slice %arg5[%arg0, %mul3A_40, %dma_wait3A] : memref<2x50000x32xf32, #tpu.memory_space<hbm>> -> memref<1x400x32xf32, #tpu.memory_space<hbm>>
          %dma_wait3A_46 = tpu.memref_squeeze %dma_wait3A_45 : memref<1x400x32xf32, #tpu.memory_space<hbm>> -> memref<400x32xf32, #tpu.memory_space<hbm>>
          %dma_wait3A_47 = arith.constant 0 : i32
          %dma_wait3A_48 = tpu.memref_slice %arg10[%mul3A_38, %dma_wait3A_47] : memref<50000x32xf32, #tpu.memory_space<vmem_shared>> -> memref<400x32xf32, #tpu.memory_space<vmem_shared>>
          tpu.wait_dma2 semaphore(%run_scoped3A : memref<!tpu.dma_semaphore, #tpu.memory_space<semaphore_mem>>) src(%dma_wait3A_48 : memref<400x32xf32, #tpu.memory_space<vmem_shared>>) dst(%dma_wait3A_46 : memref<400x32xf32, #tpu.memory_space<hbm>>)
          tpu.yield
        }) : () -> ()
      } else {
      }
      %scan3A_36 = arith.constant 0 : i32
      scf.yield %scan3A_36 : i32
    }
    %scan3A_28 = arith.constant 8 : i32
    return
  }
}

#map = affine_map<(d0, d1) -> (0, 0)>
#map1 = affine_map<(d0, d1) -> (0)>
#map2 = affine_map<(d0, d1) -> (0, 0, 0)>
module attributes {stable_mosaic.version = 14 : i64} {
  func.func @body(%arg0: i32, %arg1: i32, %arg2: memref<50000x32xf32, #tpu.memory_space<hbm>>, %arg3: memref<800000xi32, #tpu.memory_space<hbm>>, %arg4: memref<800000xi32, #tpu.memory_space<hbm>>, %arg5: memref<2x50000x32xf32, #tpu.memory_space<hbm>>, %arg6: memref<128xi32, #tpu.memory_space<vmem>>, %arg7: memref<128xi32, #tpu.memory_space<vmem>>, %arg8: memref<128x32xf32, #tpu.memory_space<vmem>>, %arg9: memref<400x32xf32, #tpu.memory_space<vmem>>, %arg10: memref<50000x32xf32, #tpu.memory_space<vmem_shared>>, %arg11: memref<!tpu.dma_semaphore, #tpu.memory_space<semaphore_mem>>) attributes {dimension_semantics = [#tpu.dimension_semantics<core_parallel>, #tpu.dimension_semantics<subcore_parallel>], iteration_bounds = array<i64: 2, 16>, scalar_prefetch = 0 : i64, scratch_operands = 6 : i64, tpu.core_type = #tpu.core_type<sc_vector_subcore>, window_params = [{transform_indices = #map}, {transform_indices = #map1}, {transform_indices = #map1}, {transform_indices = #map2}]} {
    %mul3A = arith.constant 2 : i32
    %mul3A_0 = arith.muli %arg1, %mul3A : i32
    %add3A = arith.addi %mul3A_0, %arg0 : i32
    %scan3A = arith.constant 0 : i32
    %scan3A_1 = arith.constant 0 : i32
    %scan3A_2 = arith.constant 400 : i32
    %scan3A_3 = arith.addi %scan3A_1, %scan3A_2 : i32
    %scan3A_4 = arith.constant 1 : i32
    %scan3A_5 = scf.for %scan3A_29 = %scan3A_1 to %scan3A_3 step %scan3A_4 iter_args(%scan3A_30 = %scan3A) -> (i32)  : i32 {
      %broadcast_in_dim3A = arith.constant 0.000000e+00 : f32
      %broadcast_in_dim3A_31 = vector.broadcast %broadcast_in_dim3A : f32 to vector<16xf32>
      %swap3A = arith.index_cast %scan3A_29 : i32 to index
      %swap3A_32 = arith.constant 0 : index
      %swap3A_33 = tpu.vector_load %arg9[%swap3A, %swap3A_32] {strides = array<i32>} : memref<400x32xf32, #tpu.memory_space<vmem>>, vector<1x16xf32>,
      %swap3A_34 = vector.shape_cast %swap3A_33 : vector<1x16xf32> to vector<16xf32>
      %swap3A_35 = vector.shape_cast %broadcast_in_dim3A_31 : vector<16xf32> to vector<1x16xf32>
      tpu.vector_store %arg9[%swap3A, %swap3A_32], %swap3A_35 {strides = array<i32>} : memref<400x32xf32, #tpu.memory_space<vmem>>, vector<1x16xf32>,
      %broadcast_in_dim3A_36 = arith.constant 0.000000e+00 : f32
      %broadcast_in_dim3A_37 = vector.broadcast %broadcast_in_dim3A_36 : f32 to vector<16xf32>
      %swap3A_38 = arith.index_cast %scan3A_29 : i32 to index
      %swap3A_39 = arith.constant 16 : index
      %swap3A_40 = tpu.vector_load %arg9[%swap3A_38, %swap3A_39] {strides = array<i32>} : memref<400x32xf32, #tpu.memory_space<vmem>>, vector<1x16xf32>,
      %swap3A_41 = vector.shape_cast %swap3A_40 : vector<1x16xf32> to vector<16xf32>
      %swap3A_42 = vector.shape_cast %broadcast_in_dim3A_37 : vector<16xf32> to vector<1x16xf32>
      tpu.vector_store %arg9[%swap3A_38, %swap3A_39], %swap3A_42 {strides = array<i32>} : memref<400x32xf32, #tpu.memory_space<vmem>>, vector<1x16xf32>,
      %scan3A_43 = arith.constant 0 : i32
      scf.yield %scan3A_43 : i32
    }
    %scan3A_6 = arith.constant 400 : i32
    %scan3A_7 = arith.constant 0 : i32
    %scan3A_8 = arith.constant 0 : i32
    %scan3A_9 = arith.constant 8 : i32
    %scan3A_10 = arith.addi %scan3A_8, %scan3A_9 : i32
    %scan3A_11 = arith.constant 1 : i32
    %scan3A_12 = scf.for %scan3A_29 = %scan3A_8 to %scan3A_10 step %scan3A_11 iter_args(%scan3A_30 = %scan3A_7) -> (i32)  : i32 {
      %mul3A_31 = arith.constant 16 : i32
      %mul3A_32 = arith.muli %mul3A_31, %scan3A_29 : i32
      %add3A_33 = arith.addi %arg1, %mul3A_32 : i32
      %lt3A = arith.constant 125 : i32
      %lt3A_34 = arith.cmpi slt, %add3A_33, %lt3A : i32
      %convert_element_type3A = arith.extui %lt3A_34 : i1 to i32
      %cond3A = arith.constant 0 : i32
      %cond3A_35 = arith.cmpi ne, %convert_element_type3A, %cond3A : i32
      scf.if %cond3A_35 {
        %mul3A_37 = arith.constant 400 : i32
        %mul3A_38 = arith.muli %add3A_33, %mul3A_37 : i32
        "tpu.region"() ({
          %run_scoped3A = tpu.sem_alloc : memref<!tpu.dma_semaphore, #tpu.memory_space<semaphore_mem>>
          %dma_start3A = arith.constant 0 : i32
          %dma_start3A_39 = tpu.memref_slice %arg10[%mul3A_38, %dma_start3A] : memref<50000x32xf32, #tpu.memory_space<vmem_shared>> -> memref<400x32xf32, #tpu.memory_space<vmem_shared>>
          %dma_start3A_40 = arith.constant 0 : i32
          %dma_start3A_41 = tpu.memref_slice %arg10[%mul3A_38, %dma_start3A_40] : memref<50000x32xf32, #tpu.memory_space<vmem_shared>> -> memref<400x32xf32, #tpu.memory_space<vmem_shared>>
          tpu.enqueue_dma source(%arg9 : memref<400x32xf32, #tpu.memory_space<vmem>>) target(%dma_start3A_41 : memref<400x32xf32, #tpu.memory_space<vmem_shared>>) target_semaphore(%run_scoped3A : memref<!tpu.dma_semaphore, #tpu.memory_space<semaphore_mem>>)
          %dma_wait3A = arith.constant 0 : i32
          %dma_wait3A_42 = tpu.memref_slice %arg10[%mul3A_38, %dma_wait3A] : memref<50000x32xf32, #tpu.memory_space<vmem_shared>> -> memref<400x32xf32, #tpu.memory_space<vmem_shared>>
          %dma_wait3A_43 = arith.constant 0 : i32
          %dma_wait3A_44 = tpu.memref_slice %arg10[%mul3A_38, %dma_wait3A_43] : memref<50000x32xf32, #tpu.memory_space<vmem_shared>> -> memref<400x32xf32, #tpu.memory_space<vmem_shared>>
          tpu.wait_dma2 semaphore(%run_scoped3A : memref<!tpu.dma_semaphore, #tpu.memory_space<semaphore_mem>>) src(%arg9 : memref<400x32xf32, #tpu.memory_space<vmem>>) dst(%dma_wait3A_44 : memref<400x32xf32, #tpu.memory_space<vmem_shared>>)
          tpu.yield
        }) : () -> ()
      } else {
      }
      %scan3A_36 = arith.constant 0 : i32
      scf.yield %scan3A_36 : i32
    }
    %scan3A_13 = arith.constant 8 : i32
    %barrier3A = arith.constant 0 : index
    tpu.barrier barrier_id(%barrier3A)
    %scan3A_14 = arith.constant 0 : i32
    %scan3A_15 = arith.constant 0 : i32
    %scan3A_16 = arith.constant 196 : i32
    %scan3A_17 = arith.addi %scan3A_15, %scan3A_16 : i32
    %scan3A_18 = arith.constant 1 : i32
    %scan3A_19 = scf.for %scan3A_29 = %scan3A_15 to %scan3A_17 step %scan3A_18 iter_args(%scan3A_30 = %scan3A_14) -> (i32)  : i32 {
      %mul3A_31 = arith.constant 32 : i32
      %mul3A_32 = arith.muli %mul3A_31, %scan3A_29 : i32
      %add3A_33 = arith.addi %add3A, %mul3A_32 : i32
      %lt3A = arith.constant 6250 : i32
      %lt3A_34 = arith.cmpi slt, %add3A_33, %lt3A : i32
      %convert_element_type3A = arith.extui %lt3A_34 : i1 to i32
      %cond3A = arith.constant 0 : i32
      %cond3A_35 = arith.cmpi ne, %convert_element_type3A, %cond3A : i32
      scf.if %cond3A_35 {
        %mul3A_37 = arith.constant 128 : i32
        %mul3A_38 = arith.muli %add3A_33, %mul3A_37 : i32
        "tpu.region"() ({
          %run_scoped3A = tpu.sem_alloc : memref<!tpu.dma_semaphore, #tpu.memory_space<semaphore_mem>>
          %dma_start3A_43 = tpu.memref_slice %arg3[%mul3A_38] : memref<800000xi32, #tpu.memory_space<hbm>> -> memref<128xi32, #tpu.memory_space<hbm>>
          %dma_start3A_44 = tpu.memref_slice %arg3[%mul3A_38] : memref<800000xi32, #tpu.memory_space<hbm>> -> memref<128xi32, #tpu.memory_space<hbm>>
          tpu.enqueue_dma source(%dma_start3A_44 : memref<128xi32, #tpu.memory_space<hbm>>) target(%arg6 : memref<128xi32, #tpu.memory_space<vmem>>) target_semaphore(%run_scoped3A : memref<!tpu.dma_semaphore, #tpu.memory_space<semaphore_mem>>)
          %dma_wait3A_45 = tpu.memref_slice %arg3[%mul3A_38] : memref<800000xi32, #tpu.memory_space<hbm>> -> memref<128xi32, #tpu.memory_space<hbm>>
          %dma_wait3A_46 = tpu.memref_slice %arg3[%mul3A_38] : memref<800000xi32, #tpu.memory_space<hbm>> -> memref<128xi32, #tpu.memory_space<hbm>>
          tpu.wait_dma2 semaphore(%run_scoped3A : memref<!tpu.dma_semaphore, #tpu.memory_space<semaphore_mem>>) src(%dma_wait3A_46 : memref<128xi32, #tpu.memory_space<hbm>>) dst(%arg6 : memref<128xi32, #tpu.memory_space<vmem>>)
          tpu.yield
        }) : () -> ()
        "tpu.region"() ({
          %run_scoped3A = tpu.sem_alloc : memref<!tpu.dma_semaphore, #tpu.memory_space<semaphore_mem>>
          %dma_start3A_43 = tpu.memref_slice %arg4[%mul3A_38] : memref<800000xi32, #tpu.memory_space<hbm>> -> memref<128xi32, #tpu.memory_space<hbm>>
          %dma_start3A_44 = tpu.memref_slice %arg4[%mul3A_38] : memref<800000xi32, #tpu.memory_space<hbm>> -> memref<128xi32, #tpu.memory_space<hbm>>
          tpu.enqueue_dma source(%dma_start3A_44 : memref<128xi32, #tpu.memory_space<hbm>>) target(%arg7 : memref<128xi32, #tpu.memory_space<vmem>>) target_semaphore(%run_scoped3A : memref<!tpu.dma_semaphore, #tpu.memory_space<semaphore_mem>>)
          %dma_wait3A_45 = tpu.memref_slice %arg4[%mul3A_38] : memref<800000xi32, #tpu.memory_space<hbm>> -> memref<128xi32, #tpu.memory_space<hbm>>
          %dma_wait3A_46 = tpu.memref_slice %arg4[%mul3A_38] : memref<800000xi32, #tpu.memory_space<hbm>> -> memref<128xi32, #tpu.memory_space<hbm>>
          tpu.wait_dma2 semaphore(%run_scoped3A : memref<!tpu.dma_semaphore, #tpu.memory_space<semaphore_mem>>) src(%dma_wait3A_46 : memref<128xi32, #tpu.memory_space<hbm>>) dst(%arg7 : memref<128xi32, #tpu.memory_space<vmem>>)
          tpu.yield
        }) : () -> ()
        %dma_start3A = arith.constant 0 : i32
        %dma_start3A_39 = arith.constant 0 : i32
        %dma_start3A_40 = tpu.memref_slice %arg2[%dma_start3A, %dma_start3A_39] : memref<50000x32xf32, #tpu.memory_space<hbm>> -> memref<50000x32xf32, #tpu.memory_space<hbm>>
        tpu.enqueue_indirect_dma source(%dma_start3A_40 : memref<50000x32xf32, #tpu.memory_space<hbm>>) target(%arg8 : memref<128x32xf32, #tpu.memory_space<vmem>>) offsets(%arg6 : memref<128xi32, #tpu.memory_space<vmem>>) semaphore(%arg11 : memref<!tpu.dma_semaphore, #tpu.memory_space<semaphore_mem>>)
        %dma_wait3A = arith.constant 0 : i32
        %dma_wait3A_41 = arith.constant 0 : i32
        %dma_wait3A_42 = tpu.memref_slice %arg2[%dma_wait3A, %dma_wait3A_41] : memref<50000x32xf32, #tpu.memory_space<hbm>> -> memref<50000x32xf32, #tpu.memory_space<hbm>>
        tpu.wait_indirect_dma semaphore(%arg11 : memref<!tpu.dma_semaphore, #tpu.memory_space<semaphore_mem>>) src(%dma_wait3A_42 : memref<50000x32xf32, #tpu.memory_space<hbm>>) dst(%arg8 : memref<128x32xf32, #tpu.memory_space<vmem>>)
        "tpu.region"() ({
          %run_scoped3A = tpu.sem_alloc : memref<!tpu.dma_semaphore, #tpu.memory_space<semaphore_mem>>
          %dma_start3A_43 = arith.constant 0 : i32
          %dma_start3A_44 = arith.constant 0 : i32
          %dma_start3A_45 = tpu.memref_slice %arg10[%dma_start3A_43, %dma_start3A_44] : memref<50000x32xf32, #tpu.memory_space<vmem_shared>> -> memref<50000x32xf32, #tpu.memory_space<vmem_shared>>
          tpu.enqueue_indirect_dma source(%arg8 : memref<128x32xf32, #tpu.memory_space<vmem>>) target(%dma_start3A_45 : memref<50000x32xf32, #tpu.memory_space<vmem_shared>>) offsets(%arg7 : memref<128xi32, #tpu.memory_space<vmem>>) semaphore(%run_scoped3A : memref<!tpu.dma_semaphore, #tpu.memory_space<semaphore_mem>>) {add = true}
          %dma_wait3A_46 = arith.constant 0 : i32
          %dma_wait3A_47 = arith.constant 0 : i32
          %dma_wait3A_48 = tpu.memref_slice %arg10[%dma_wait3A_46, %dma_wait3A_47] : memref<50000x32xf32, #tpu.memory_space<vmem_shared>> -> memref<50000x32xf32, #tpu.memory_space<vmem_shared>>
          tpu.wait_indirect_dma semaphore(%run_scoped3A : memref<!tpu.dma_semaphore, #tpu.memory_space<semaphore_mem>>) src(%arg8 : memref<128x32xf32, #tpu.memory_space<vmem>>) dst(%dma_wait3A_48 : memref<50000x32xf32, #tpu.memory_space<vmem_shared>>)
          tpu.yield
        }) : () -> ()
      } else {
      }
      %scan3A_36 = arith.constant 0 : i32
      scf.yield %scan3A_36 : i32
    }
    %scan3A_20 = arith.constant 196 : i32
    %barrier3A_21 = arith.constant 0 : index
    tpu.barrier barrier_id(%barrier3A_21)
    %scan3A_22 = arith.constant 0 : i32
    %scan3A_23 = arith.constant 0 : i32
    %scan3A_24 = arith.constant 8 : i32
    %scan3A_25 = arith.addi %scan3A_23, %scan3A_24 : i32
    %scan3A_26 = arith.constant 1 : i32
    %scan3A_27 = scf.for %scan3A_29 = %scan3A_23 to %scan3A_25 step %scan3A_26 iter_args(%scan3A_30 = %scan3A_22) -> (i32)  : i32 {
      %mul3A_31 = arith.constant 16 : i32
      %mul3A_32 = arith.muli %mul3A_31, %scan3A_29 : i32
      %add3A_33 = arith.addi %arg1, %mul3A_32 : i32
      %lt3A = arith.constant 125 : i32
      %lt3A_34 = arith.cmpi slt, %add3A_33, %lt3A : i32
      %convert_element_type3A = arith.extui %lt3A_34 : i1 to i32
      %cond3A = arith.constant 0 : i32
      %cond3A_35 = arith.cmpi ne, %convert_element_type3A, %cond3A : i32
      scf.if %cond3A_35 {
        %mul3A_37 = arith.constant 400 : i32
        %mul3A_38 = arith.muli %add3A_33, %mul3A_37 : i32
        %mul3A_39 = arith.constant 400 : i32
        %mul3A_40 = arith.muli %add3A_33, %mul3A_39 : i32
        "tpu.region"() ({
          %run_scoped3A = tpu.sem_alloc : memref<!tpu.dma_semaphore, #tpu.memory_space<semaphore_mem>>
          %dma_start3A = arith.constant 0 : i32
          %dma_start3A_41 = tpu.memref_slice %arg5[%arg0, %mul3A_40, %dma_start3A] : memref<2x50000x32xf32, #tpu.memory_space<hbm>> -> memref<1x400x32xf32, #tpu.memory_space<hbm>>
          %dma_start3A_42 = tpu.memref_squeeze %dma_start3A_41 : memref<1x400x32xf32, #tpu.memory_space<hbm>> -> memref<400x32xf32, #tpu.memory_space<hbm>>
          %dma_start3A_43 = arith.constant 0 : i32
          %dma_start3A_44 = tpu.memref_slice %arg10[%mul3A_38, %dma_start3A_43] : memref<50000x32xf32, #tpu.memory_space<vmem_shared>> -> memref<400x32xf32, #tpu.memory_space<vmem_shared>>
          tpu.enqueue_dma source(%dma_start3A_44 : memref<400x32xf32, #tpu.memory_space<vmem_shared>>) target(%dma_start3A_42 : memref<400x32xf32, #tpu.memory_space<hbm>>) target_semaphore(%run_scoped3A : memref<!tpu.dma_semaphore, #tpu.memory_space<semaphore_mem>>)
          %dma_wait3A = arith.constant 0 : i32
          %dma_wait3A_45 = tpu.memref_slice %arg5[%arg0, %mul3A_40, %dma_wait3A] : memref<2x50000x32xf32, #tpu.memory_space<hbm>> -> memref<1x400x32xf32, #tpu.memory_space<hbm>>
          %dma_wait3A_46 = tpu.memref_squeeze %dma_wait3A_45 : memref<1x400x32xf32, #tpu.memory_space<hbm>> -> memref<400x32xf32, #tpu.memory_space<hbm>>
          %dma_wait3A_47 = arith.constant 0 : i32
          %dma_wait3A_48 = tpu.memref_slice %arg10[%mul3A_38, %dma_wait3A_47] : memref<50000x32xf32, #tpu.memory_space<vmem_shared>> -> memref<400x32xf32, #tpu.memory_space<vmem_shared>>
          tpu.wait_dma2 semaphore(%run_scoped3A : memref<!tpu.dma_semaphore, #tpu.memory_space<semaphore_mem>>) src(%dma_wait3A_48 : memref<400x32xf32, #tpu.memory_space<vmem_shared>>) dst(%dma_wait3A_46 : memref<400x32xf32, #tpu.memory_space<hbm>>)
          tpu.yield
        }) : () -> ()
      } else {
      }
      %scan3A_36 = arith.constant 0 : i32
      scf.yield %scan3A_36 : i32
    }
    %scan3A_28 = arith.constant 8 : i32
    return
  }
}

#map = affine_map<(d0, d1) -> (0, 0)>
#map1 = affine_map<(d0, d1) -> (0)>
#map2 = affine_map<(d0, d1) -> (0, 0, 0)>
module attributes {stable_mosaic.version = 14 : i64} {
  func.func @body(%arg0: i32, %arg1: i32, %arg2: memref<50000x32xf32, #tpu.memory_space<hbm>>, %arg3: memref<800000xi32, #tpu.memory_space<hbm>>, %arg4: memref<800000xi32, #tpu.memory_space<hbm>>, %arg5: memref<2x50000x32xf32, #tpu.memory_space<hbm>>, %arg6: memref<128xi32, #tpu.memory_space<vmem>>, %arg7: memref<128xi32, #tpu.memory_space<vmem>>, %arg8: memref<128x32xf32, #tpu.memory_space<vmem>>, %arg9: memref<400x32xf32, #tpu.memory_space<vmem>>, %arg10: memref<50000x32xf32, #tpu.memory_space<vmem_shared>>, %arg11: memref<!tpu.dma_semaphore, #tpu.memory_space<semaphore_mem>>) attributes {dimension_semantics = [#tpu.dimension_semantics<core_parallel>, #tpu.dimension_semantics<subcore_parallel>], iteration_bounds = array<i64: 2, 16>, scalar_prefetch = 0 : i64, scratch_operands = 6 : i64, tpu.core_type = #tpu.core_type<sc_vector_subcore>, window_params = [{transform_indices = #map}, {transform_indices = #map1}, {transform_indices = #map1}, {transform_indices = #map2}]} {
    %mul3A = arith.constant 2 : i32
    %mul3A_0 = arith.muli %arg1, %mul3A : i32
    %add3A = arith.addi %mul3A_0, %arg0 : i32
    %scan3A = arith.constant 0 : i32
    %scan3A_1 = arith.constant 0 : i32
    %scan3A_2 = arith.constant 400 : i32
    %scan3A_3 = arith.addi %scan3A_1, %scan3A_2 : i32
    %scan3A_4 = arith.constant 1 : i32
    %scan3A_5 = scf.for %scan3A_29 = %scan3A_1 to %scan3A_3 step %scan3A_4 iter_args(%scan3A_30 = %scan3A) -> (i32)  : i32 {
      %broadcast_in_dim3A = arith.constant 0.000000e+00 : f32
      %broadcast_in_dim3A_31 = vector.broadcast %broadcast_in_dim3A : f32 to vector<16xf32>
      %swap3A = arith.index_cast %scan3A_29 : i32 to index
      %swap3A_32 = arith.constant 0 : index
      %swap3A_33 = tpu.vector_load %arg9[%swap3A, %swap3A_32] {strides = array<i32>} : memref<400x32xf32, #tpu.memory_space<vmem>>, vector<1x16xf32>,
      %swap3A_34 = vector.shape_cast %swap3A_33 : vector<1x16xf32> to vector<16xf32>
      %swap3A_35 = vector.shape_cast %broadcast_in_dim3A_31 : vector<16xf32> to vector<1x16xf32>
      tpu.vector_store %arg9[%swap3A, %swap3A_32], %swap3A_35 {strides = array<i32>} : memref<400x32xf32, #tpu.memory_space<vmem>>, vector<1x16xf32>,
      %broadcast_in_dim3A_36 = arith.constant 0.000000e+00 : f32
      %broadcast_in_dim3A_37 = vector.broadcast %broadcast_in_dim3A_36 : f32 to vector<16xf32>
      %swap3A_38 = arith.index_cast %scan3A_29 : i32 to index
      %swap3A_39 = arith.constant 16 : index
      %swap3A_40 = tpu.vector_load %arg9[%swap3A_38, %swap3A_39] {strides = array<i32>} : memref<400x32xf32, #tpu.memory_space<vmem>>, vector<1x16xf32>,
      %swap3A_41 = vector.shape_cast %swap3A_40 : vector<1x16xf32> to vector<16xf32>
      %swap3A_42 = vector.shape_cast %broadcast_in_dim3A_37 : vector<16xf32> to vector<1x16xf32>
      tpu.vector_store %arg9[%swap3A_38, %swap3A_39], %swap3A_42 {strides = array<i32>} : memref<400x32xf32, #tpu.memory_space<vmem>>, vector<1x16xf32>,
      %scan3A_43 = arith.constant 0 : i32
      scf.yield %scan3A_43 : i32
    }
    %scan3A_6 = arith.constant 400 : i32
    %scan3A_7 = arith.constant 0 : i32
    %scan3A_8 = arith.constant 0 : i32
    %scan3A_9 = arith.constant 8 : i32
    %scan3A_10 = arith.addi %scan3A_8, %scan3A_9 : i32
    %scan3A_11 = arith.constant 1 : i32
    %scan3A_12 = scf.for %scan3A_29 = %scan3A_8 to %scan3A_10 step %scan3A_11 iter_args(%scan3A_30 = %scan3A_7) -> (i32)  : i32 {
      %mul3A_31 = arith.constant 16 : i32
      %mul3A_32 = arith.muli %mul3A_31, %scan3A_29 : i32
      %add3A_33 = arith.addi %arg1, %mul3A_32 : i32
      %lt3A = arith.constant 125 : i32
      %lt3A_34 = arith.cmpi slt, %add3A_33, %lt3A : i32
      %convert_element_type3A = arith.extui %lt3A_34 : i1 to i32
      %cond3A = arith.constant 0 : i32
      %cond3A_35 = arith.cmpi ne, %convert_element_type3A, %cond3A : i32
      scf.if %cond3A_35 {
        %mul3A_37 = arith.constant 400 : i32
        %mul3A_38 = arith.muli %add3A_33, %mul3A_37 : i32
        "tpu.region"() ({
          %run_scoped3A = tpu.sem_alloc : memref<!tpu.dma_semaphore, #tpu.memory_space<semaphore_mem>>
          %dma_start3A = arith.constant 0 : i32
          %dma_start3A_39 = tpu.memref_slice %arg10[%mul3A_38, %dma_start3A] : memref<50000x32xf32, #tpu.memory_space<vmem_shared>> -> memref<400x32xf32, #tpu.memory_space<vmem_shared>>
          %dma_start3A_40 = arith.constant 0 : i32
          %dma_start3A_41 = tpu.memref_slice %arg10[%mul3A_38, %dma_start3A_40] : memref<50000x32xf32, #tpu.memory_space<vmem_shared>> -> memref<400x32xf32, #tpu.memory_space<vmem_shared>>
          tpu.enqueue_dma source(%arg9 : memref<400x32xf32, #tpu.memory_space<vmem>>) target(%dma_start3A_41 : memref<400x32xf32, #tpu.memory_space<vmem_shared>>) target_semaphore(%run_scoped3A : memref<!tpu.dma_semaphore, #tpu.memory_space<semaphore_mem>>)
          %dma_wait3A = arith.constant 0 : i32
          %dma_wait3A_42 = tpu.memref_slice %arg10[%mul3A_38, %dma_wait3A] : memref<50000x32xf32, #tpu.memory_space<vmem_shared>> -> memref<400x32xf32, #tpu.memory_space<vmem_shared>>
          %dma_wait3A_43 = arith.constant 0 : i32
          %dma_wait3A_44 = tpu.memref_slice %arg10[%mul3A_38, %dma_wait3A_43] : memref<50000x32xf32, #tpu.memory_space<vmem_shared>> -> memref<400x32xf32, #tpu.memory_space<vmem_shared>>
          tpu.wait_dma2 semaphore(%run_scoped3A : memref<!tpu.dma_semaphore, #tpu.memory_space<semaphore_mem>>) src(%arg9 : memref<400x32xf32, #tpu.memory_space<vmem>>) dst(%dma_wait3A_44 : memref<400x32xf32, #tpu.memory_space<vmem_shared>>)
          tpu.yield
        }) : () -> ()
      } else {
      }
      %scan3A_36 = arith.constant 0 : i32
      scf.yield %scan3A_36 : i32
    }
    %scan3A_13 = arith.constant 8 : i32
    %barrier3A = arith.constant 0 : index
    tpu.barrier barrier_id(%barrier3A)
    %scan3A_14 = arith.constant 0 : i32
    %scan3A_15 = arith.constant 0 : i32
    %scan3A_16 = arith.constant 196 : i32
    %scan3A_17 = arith.addi %scan3A_15, %scan3A_16 : i32
    %scan3A_18 = arith.constant 1 : i32
    %scan3A_19 = scf.for %scan3A_29 = %scan3A_15 to %scan3A_17 step %scan3A_18 iter_args(%scan3A_30 = %scan3A_14) -> (i32)  : i32 {
      %mul3A_31 = arith.constant 32 : i32
      %mul3A_32 = arith.muli %mul3A_31, %scan3A_29 : i32
      %add3A_33 = arith.addi %add3A, %mul3A_32 : i32
      %lt3A = arith.constant 6250 : i32
      %lt3A_34 = arith.cmpi slt, %add3A_33, %lt3A : i32
      %convert_element_type3A = arith.extui %lt3A_34 : i1 to i32
      %cond3A = arith.constant 0 : i32
      %cond3A_35 = arith.cmpi ne, %convert_element_type3A, %cond3A : i32
      scf.if %cond3A_35 {
        %mul3A_37 = arith.constant 128 : i32
        %mul3A_38 = arith.muli %add3A_33, %mul3A_37 : i32
        "tpu.region"() ({
          %run_scoped3A = tpu.sem_alloc : memref<!tpu.dma_semaphore, #tpu.memory_space<semaphore_mem>>
          %dma_start3A_43 = tpu.memref_slice %arg3[%mul3A_38] : memref<800000xi32, #tpu.memory_space<hbm>> -> memref<128xi32, #tpu.memory_space<hbm>>
          %dma_start3A_44 = tpu.memref_slice %arg3[%mul3A_38] : memref<800000xi32, #tpu.memory_space<hbm>> -> memref<128xi32, #tpu.memory_space<hbm>>
          tpu.enqueue_dma source(%dma_start3A_44 : memref<128xi32, #tpu.memory_space<hbm>>) target(%arg6 : memref<128xi32, #tpu.memory_space<vmem>>) target_semaphore(%run_scoped3A : memref<!tpu.dma_semaphore, #tpu.memory_space<semaphore_mem>>)
          %dma_wait3A_45 = tpu.memref_slice %arg3[%mul3A_38] : memref<800000xi32, #tpu.memory_space<hbm>> -> memref<128xi32, #tpu.memory_space<hbm>>
          %dma_wait3A_46 = tpu.memref_slice %arg3[%mul3A_38] : memref<800000xi32, #tpu.memory_space<hbm>> -> memref<128xi32, #tpu.memory_space<hbm>>
          tpu.wait_dma2 semaphore(%run_scoped3A : memref<!tpu.dma_semaphore, #tpu.memory_space<semaphore_mem>>) src(%dma_wait3A_46 : memref<128xi32, #tpu.memory_space<hbm>>) dst(%arg6 : memref<128xi32, #tpu.memory_space<vmem>>)
          tpu.yield
        }) : () -> ()
        "tpu.region"() ({
          %run_scoped3A = tpu.sem_alloc : memref<!tpu.dma_semaphore, #tpu.memory_space<semaphore_mem>>
          %dma_start3A_43 = tpu.memref_slice %arg4[%mul3A_38] : memref<800000xi32, #tpu.memory_space<hbm>> -> memref<128xi32, #tpu.memory_space<hbm>>
          %dma_start3A_44 = tpu.memref_slice %arg4[%mul3A_38] : memref<800000xi32, #tpu.memory_space<hbm>> -> memref<128xi32, #tpu.memory_space<hbm>>
          tpu.enqueue_dma source(%dma_start3A_44 : memref<128xi32, #tpu.memory_space<hbm>>) target(%arg7 : memref<128xi32, #tpu.memory_space<vmem>>) target_semaphore(%run_scoped3A : memref<!tpu.dma_semaphore, #tpu.memory_space<semaphore_mem>>)
          %dma_wait3A_45 = tpu.memref_slice %arg4[%mul3A_38] : memref<800000xi32, #tpu.memory_space<hbm>> -> memref<128xi32, #tpu.memory_space<hbm>>
          %dma_wait3A_46 = tpu.memref_slice %arg4[%mul3A_38] : memref<800000xi32, #tpu.memory_space<hbm>> -> memref<128xi32, #tpu.memory_space<hbm>>
          tpu.wait_dma2 semaphore(%run_scoped3A : memref<!tpu.dma_semaphore, #tpu.memory_space<semaphore_mem>>) src(%dma_wait3A_46 : memref<128xi32, #tpu.memory_space<hbm>>) dst(%arg7 : memref<128xi32, #tpu.memory_space<vmem>>)
          tpu.yield
        }) : () -> ()
        %dma_start3A = arith.constant 0 : i32
        %dma_start3A_39 = arith.constant 0 : i32
        %dma_start3A_40 = tpu.memref_slice %arg2[%dma_start3A, %dma_start3A_39] : memref<50000x32xf32, #tpu.memory_space<hbm>> -> memref<50000x32xf32, #tpu.memory_space<hbm>>
        tpu.enqueue_indirect_dma source(%dma_start3A_40 : memref<50000x32xf32, #tpu.memory_space<hbm>>) target(%arg8 : memref<128x32xf32, #tpu.memory_space<vmem>>) offsets(%arg6 : memref<128xi32, #tpu.memory_space<vmem>>) semaphore(%arg11 : memref<!tpu.dma_semaphore, #tpu.memory_space<semaphore_mem>>)
        %dma_wait3A = arith.constant 0 : i32
        %dma_wait3A_41 = arith.constant 0 : i32
        %dma_wait3A_42 = tpu.memref_slice %arg2[%dma_wait3A, %dma_wait3A_41] : memref<50000x32xf32, #tpu.memory_space<hbm>> -> memref<50000x32xf32, #tpu.memory_space<hbm>>
        tpu.wait_indirect_dma semaphore(%arg11 : memref<!tpu.dma_semaphore, #tpu.memory_space<semaphore_mem>>) src(%dma_wait3A_42 : memref<50000x32xf32, #tpu.memory_space<hbm>>) dst(%arg8 : memref<128x32xf32, #tpu.memory_space<vmem>>)
        "tpu.region"() ({
          %run_scoped3A = tpu.sem_alloc : memref<!tpu.dma_semaphore, #tpu.memory_space<semaphore_mem>>
          %dma_start3A_43 = arith.constant 0 : i32
          %dma_start3A_44 = arith.constant 0 : i32
          %dma_start3A_45 = tpu.memref_slice %arg10[%dma_start3A_43, %dma_start3A_44] : memref<50000x32xf32, #tpu.memory_space<vmem_shared>> -> memref<50000x32xf32, #tpu.memory_space<vmem_shared>>
          tpu.enqueue_indirect_dma source(%arg8 : memref<128x32xf32, #tpu.memory_space<vmem>>) target(%dma_start3A_45 : memref<50000x32xf32, #tpu.memory_space<vmem_shared>>) offsets(%arg7 : memref<128xi32, #tpu.memory_space<vmem>>) semaphore(%run_scoped3A : memref<!tpu.dma_semaphore, #tpu.memory_space<semaphore_mem>>) {add = true}
          %dma_wait3A_46 = arith.constant 0 : i32
          %dma_wait3A_47 = arith.constant 0 : i32
          %dma_wait3A_48 = tpu.memref_slice %arg10[%dma_wait3A_46, %dma_wait3A_47] : memref<50000x32xf32, #tpu.memory_space<vmem_shared>> -> memref<50000x32xf32, #tpu.memory_space<vmem_shared>>
          tpu.wait_indirect_dma semaphore(%run_scoped3A : memref<!tpu.dma_semaphore, #tpu.memory_space<semaphore_mem>>) src(%arg8 : memref<128x32xf32, #tpu.memory_space<vmem>>) dst(%dma_wait3A_48 : memref<50000x32xf32, #tpu.memory_space<vmem_shared>>)
          tpu.yield
        }) : () -> ()
      } else {
      }
      %scan3A_36 = arith.constant 0 : i32
      scf.yield %scan3A_36 : i32
    }
    %scan3A_20 = arith.constant 196 : i32
    %barrier3A_21 = arith.constant 0 : index
    tpu.barrier barrier_id(%barrier3A_21)
    %scan3A_22 = arith.constant 0 : i32
    %scan3A_23 = arith.constant 0 : i32
    %scan3A_24 = arith.constant 8 : i32
    %scan3A_25 = arith.addi %scan3A_23, %scan3A_24 : i32
    %scan3A_26 = arith.constant 1 : i32
    %scan3A_27 = scf.for %scan3A_29 = %scan3A_23 to %scan3A_25 step %scan3A_26 iter_args(%scan3A_30 = %scan3A_22) -> (i32)  : i32 {
      %mul3A_31 = arith.constant 16 : i32
      %mul3A_32 = arith.muli %mul3A_31, %scan3A_29 : i32
      %add3A_33 = arith.addi %arg1, %mul3A_32 : i32
      %lt3A = arith.constant 125 : i32
      %lt3A_34 = arith.cmpi slt, %add3A_33, %lt3A : i32
      %convert_element_type3A = arith.extui %lt3A_34 : i1 to i32
      %cond3A = arith.constant 0 : i32
      %cond3A_35 = arith.cmpi ne, %convert_element_type3A, %cond3A : i32
      scf.if %cond3A_35 {
        %mul3A_37 = arith.constant 400 : i32
        %mul3A_38 = arith.muli %add3A_33, %mul3A_37 : i32
        %mul3A_39 = arith.constant 400 : i32
        %mul3A_40 = arith.muli %add3A_33, %mul3A_39 : i32
        "tpu.region"() ({
          %run_scoped3A = tpu.sem_alloc : memref<!tpu.dma_semaphore, #tpu.memory_space<semaphore_mem>>
          %dma_start3A = arith.constant 0 : i32
          %dma_start3A_41 = tpu.memref_slice %arg5[%arg0, %mul3A_40, %dma_start3A] : memref<2x50000x32xf32, #tpu.memory_space<hbm>> -> memref<1x400x32xf32, #tpu.memory_space<hbm>>
          %dma_start3A_42 = tpu.memref_squeeze %dma_start3A_41 : memref<1x400x32xf32, #tpu.memory_space<hbm>> -> memref<400x32xf32, #tpu.memory_space<hbm>>
          %dma_start3A_43 = arith.constant 0 : i32
          %dma_start3A_44 = tpu.memref_slice %arg10[%mul3A_38, %dma_start3A_43] : memref<50000x32xf32, #tpu.memory_space<vmem_shared>> -> memref<400x32xf32, #tpu.memory_space<vmem_shared>>
          tpu.enqueue_dma source(%dma_start3A_44 : memref<400x32xf32, #tpu.memory_space<vmem_shared>>) target(%dma_start3A_42 : memref<400x32xf32, #tpu.memory_space<hbm>>) target_semaphore(%run_scoped3A : memref<!tpu.dma_semaphore, #tpu.memory_space<semaphore_mem>>)
          %dma_wait3A = arith.constant 0 : i32
          %dma_wait3A_45 = tpu.memref_slice %arg5[%arg0, %mul3A_40, %dma_wait3A] : memref<2x50000x32xf32, #tpu.memory_space<hbm>> -> memref<1x400x32xf32, #tpu.memory_space<hbm>>
          %dma_wait3A_46 = tpu.memref_squeeze %dma_wait3A_45 : memref<1x400x32xf32, #tpu.memory_space<hbm>> -> memref<400x32xf32, #tpu.memory_space<hbm>>
          %dma_wait3A_47 = arith.constant 0 : i32
          %dma_wait3A_48 = tpu.memref_slice %arg10[%mul3A_38, %dma_wait3A_47] : memref<50000x32xf32, #tpu.memory_space<vmem_shared>> -> memref<400x32xf32, #tpu.memory_space<vmem_shared>>
          tpu.wait_dma2 semaphore(%run_scoped3A : memref<!tpu.dma_semaphore, #tpu.memory_space<semaphore_mem>>) src(%dma_wait3A_48 : memref<400x32xf32, #tpu.memory_space<vmem_shared>>) dst(%dma_wait3A_46 : memref<400x32xf32, #tpu.memory_space<hbm>>)
          tpu.yield
        }) : () -> ()
      } else {
      }
      %scan3A_36 = arith.constant 0 : i32
      scf.yield %scan3A_36 : i32
    }
    %scan3A_28 = arith.constant 8 : i32
    return
  }
}

#map = affine_map<(d0, d1) -> (0, 0)>
#map1 = affine_map<(d0, d1) -> (0)>
#map2 = affine_map<(d0, d1) -> (0, 0, 0)>
module attributes {stable_mosaic.version = 14 : i64} {
  func.func @body(%arg0: i32, %arg1: i32, %arg2: memref<50000x32xf32, #tpu.memory_space<hbm>>, %arg3: memref<800000xi32, #tpu.memory_space<hbm>>, %arg4: memref<800000xi32, #tpu.memory_space<hbm>>, %arg5: memref<2x50000x32xf32, #tpu.memory_space<hbm>>, %arg6: memref<128xi32, #tpu.memory_space<vmem>>, %arg7: memref<128xi32, #tpu.memory_space<vmem>>, %arg8: memref<128x32xf32, #tpu.memory_space<vmem>>, %arg9: memref<400x32xf32, #tpu.memory_space<vmem>>, %arg10: memref<50000x32xf32, #tpu.memory_space<vmem_shared>>, %arg11: memref<!tpu.dma_semaphore, #tpu.memory_space<semaphore_mem>>) attributes {dimension_semantics = [#tpu.dimension_semantics<core_parallel>, #tpu.dimension_semantics<subcore_parallel>], iteration_bounds = array<i64: 2, 16>, scalar_prefetch = 0 : i64, scratch_operands = 6 : i64, tpu.core_type = #tpu.core_type<sc_vector_subcore>, window_params = [{transform_indices = #map}, {transform_indices = #map1}, {transform_indices = #map1}, {transform_indices = #map2}]} {
    %mul3A = arith.constant 2 : i32
    %mul3A_0 = arith.muli %arg1, %mul3A : i32
    %add3A = arith.addi %mul3A_0, %arg0 : i32
    %scan3A = arith.constant 0 : i32
    %scan3A_1 = arith.constant 0 : i32
    %scan3A_2 = arith.constant 400 : i32
    %scan3A_3 = arith.addi %scan3A_1, %scan3A_2 : i32
    %scan3A_4 = arith.constant 1 : i32
    %scan3A_5 = scf.for %scan3A_29 = %scan3A_1 to %scan3A_3 step %scan3A_4 iter_args(%scan3A_30 = %scan3A) -> (i32)  : i32 {
      %broadcast_in_dim3A = arith.constant 0.000000e+00 : f32
      %broadcast_in_dim3A_31 = vector.broadcast %broadcast_in_dim3A : f32 to vector<16xf32>
      %swap3A = arith.index_cast %scan3A_29 : i32 to index
      %swap3A_32 = arith.constant 0 : index
      %swap3A_33 = tpu.vector_load %arg9[%swap3A, %swap3A_32] {strides = array<i32>} : memref<400x32xf32, #tpu.memory_space<vmem>>, vector<1x16xf32>,
      %swap3A_34 = vector.shape_cast %swap3A_33 : vector<1x16xf32> to vector<16xf32>
      %swap3A_35 = vector.shape_cast %broadcast_in_dim3A_31 : vector<16xf32> to vector<1x16xf32>
      tpu.vector_store %arg9[%swap3A, %swap3A_32], %swap3A_35 {strides = array<i32>} : memref<400x32xf32, #tpu.memory_space<vmem>>, vector<1x16xf32>,
      %broadcast_in_dim3A_36 = arith.constant 0.000000e+00 : f32
      %broadcast_in_dim3A_37 = vector.broadcast %broadcast_in_dim3A_36 : f32 to vector<16xf32>
      %swap3A_38 = arith.index_cast %scan3A_29 : i32 to index
      %swap3A_39 = arith.constant 16 : index
      %swap3A_40 = tpu.vector_load %arg9[%swap3A_38, %swap3A_39] {strides = array<i32>} : memref<400x32xf32, #tpu.memory_space<vmem>>, vector<1x16xf32>,
      %swap3A_41 = vector.shape_cast %swap3A_40 : vector<1x16xf32> to vector<16xf32>
      %swap3A_42 = vector.shape_cast %broadcast_in_dim3A_37 : vector<16xf32> to vector<1x16xf32>
      tpu.vector_store %arg9[%swap3A_38, %swap3A_39], %swap3A_42 {strides = array<i32>} : memref<400x32xf32, #tpu.memory_space<vmem>>, vector<1x16xf32>,
      %scan3A_43 = arith.constant 0 : i32
      scf.yield %scan3A_43 : i32
    }
    %scan3A_6 = arith.constant 400 : i32
    %scan3A_7 = arith.constant 0 : i32
    %scan3A_8 = arith.constant 0 : i32
    %scan3A_9 = arith.constant 8 : i32
    %scan3A_10 = arith.addi %scan3A_8, %scan3A_9 : i32
    %scan3A_11 = arith.constant 1 : i32
    %scan3A_12 = scf.for %scan3A_29 = %scan3A_8 to %scan3A_10 step %scan3A_11 iter_args(%scan3A_30 = %scan3A_7) -> (i32)  : i32 {
      %mul3A_31 = arith.constant 16 : i32
      %mul3A_32 = arith.muli %mul3A_31, %scan3A_29 : i32
      %add3A_33 = arith.addi %arg1, %mul3A_32 : i32
      %lt3A = arith.constant 125 : i32
      %lt3A_34 = arith.cmpi slt, %add3A_33, %lt3A : i32
      %convert_element_type3A = arith.extui %lt3A_34 : i1 to i32
      %cond3A = arith.constant 0 : i32
      %cond3A_35 = arith.cmpi ne, %convert_element_type3A, %cond3A : i32
      scf.if %cond3A_35 {
        %mul3A_37 = arith.constant 400 : i32
        %mul3A_38 = arith.muli %add3A_33, %mul3A_37 : i32
        "tpu.region"() ({
          %run_scoped3A = tpu.sem_alloc : memref<!tpu.dma_semaphore, #tpu.memory_space<semaphore_mem>>
          %dma_start3A = arith.constant 0 : i32
          %dma_start3A_39 = tpu.memref_slice %arg10[%mul3A_38, %dma_start3A] : memref<50000x32xf32, #tpu.memory_space<vmem_shared>> -> memref<400x32xf32, #tpu.memory_space<vmem_shared>>
          %dma_start3A_40 = arith.constant 0 : i32
          %dma_start3A_41 = tpu.memref_slice %arg10[%mul3A_38, %dma_start3A_40] : memref<50000x32xf32, #tpu.memory_space<vmem_shared>> -> memref<400x32xf32, #tpu.memory_space<vmem_shared>>
          tpu.enqueue_dma source(%arg9 : memref<400x32xf32, #tpu.memory_space<vmem>>) target(%dma_start3A_41 : memref<400x32xf32, #tpu.memory_space<vmem_shared>>) target_semaphore(%run_scoped3A : memref<!tpu.dma_semaphore, #tpu.memory_space<semaphore_mem>>)
          %dma_wait3A = arith.constant 0 : i32
          %dma_wait3A_42 = tpu.memref_slice %arg10[%mul3A_38, %dma_wait3A] : memref<50000x32xf32, #tpu.memory_space<vmem_shared>> -> memref<400x32xf32, #tpu.memory_space<vmem_shared>>
          %dma_wait3A_43 = arith.constant 0 : i32
          %dma_wait3A_44 = tpu.memref_slice %arg10[%mul3A_38, %dma_wait3A_43] : memref<50000x32xf32, #tpu.memory_space<vmem_shared>> -> memref<400x32xf32, #tpu.memory_space<vmem_shared>>
          tpu.wait_dma2 semaphore(%run_scoped3A : memref<!tpu.dma_semaphore, #tpu.memory_space<semaphore_mem>>) src(%arg9 : memref<400x32xf32, #tpu.memory_space<vmem>>) dst(%dma_wait3A_44 : memref<400x32xf32, #tpu.memory_space<vmem_shared>>)
          tpu.yield
        }) : () -> ()
      } else {
      }
      %scan3A_36 = arith.constant 0 : i32
      scf.yield %scan3A_36 : i32
    }
    %scan3A_13 = arith.constant 8 : i32
    %barrier3A = arith.constant 0 : index
    tpu.barrier barrier_id(%barrier3A)
    %scan3A_14 = arith.constant 0 : i32
    %scan3A_15 = arith.constant 0 : i32
    %scan3A_16 = arith.constant 196 : i32
    %scan3A_17 = arith.addi %scan3A_15, %scan3A_16 : i32
    %scan3A_18 = arith.constant 1 : i32
    %scan3A_19 = scf.for %scan3A_29 = %scan3A_15 to %scan3A_17 step %scan3A_18 iter_args(%scan3A_30 = %scan3A_14) -> (i32)  : i32 {
      %mul3A_31 = arith.constant 32 : i32
      %mul3A_32 = arith.muli %mul3A_31, %scan3A_29 : i32
      %add3A_33 = arith.addi %add3A, %mul3A_32 : i32
      %lt3A = arith.constant 6250 : i32
      %lt3A_34 = arith.cmpi slt, %add3A_33, %lt3A : i32
      %convert_element_type3A = arith.extui %lt3A_34 : i1 to i32
      %cond3A = arith.constant 0 : i32
      %cond3A_35 = arith.cmpi ne, %convert_element_type3A, %cond3A : i32
      scf.if %cond3A_35 {
        %mul3A_37 = arith.constant 128 : i32
        %mul3A_38 = arith.muli %add3A_33, %mul3A_37 : i32
        "tpu.region"() ({
          %run_scoped3A = tpu.sem_alloc : memref<!tpu.dma_semaphore, #tpu.memory_space<semaphore_mem>>
          %dma_start3A_43 = tpu.memref_slice %arg3[%mul3A_38] : memref<800000xi32, #tpu.memory_space<hbm>> -> memref<128xi32, #tpu.memory_space<hbm>>
          %dma_start3A_44 = tpu.memref_slice %arg3[%mul3A_38] : memref<800000xi32, #tpu.memory_space<hbm>> -> memref<128xi32, #tpu.memory_space<hbm>>
          tpu.enqueue_dma source(%dma_start3A_44 : memref<128xi32, #tpu.memory_space<hbm>>) target(%arg6 : memref<128xi32, #tpu.memory_space<vmem>>) target_semaphore(%run_scoped3A : memref<!tpu.dma_semaphore, #tpu.memory_space<semaphore_mem>>)
          %dma_wait3A_45 = tpu.memref_slice %arg3[%mul3A_38] : memref<800000xi32, #tpu.memory_space<hbm>> -> memref<128xi32, #tpu.memory_space<hbm>>
          %dma_wait3A_46 = tpu.memref_slice %arg3[%mul3A_38] : memref<800000xi32, #tpu.memory_space<hbm>> -> memref<128xi32, #tpu.memory_space<hbm>>
          tpu.wait_dma2 semaphore(%run_scoped3A : memref<!tpu.dma_semaphore, #tpu.memory_space<semaphore_mem>>) src(%dma_wait3A_46 : memref<128xi32, #tpu.memory_space<hbm>>) dst(%arg6 : memref<128xi32, #tpu.memory_space<vmem>>)
          tpu.yield
        }) : () -> ()
        "tpu.region"() ({
          %run_scoped3A = tpu.sem_alloc : memref<!tpu.dma_semaphore, #tpu.memory_space<semaphore_mem>>
          %dma_start3A_43 = tpu.memref_slice %arg4[%mul3A_38] : memref<800000xi32, #tpu.memory_space<hbm>> -> memref<128xi32, #tpu.memory_space<hbm>>
          %dma_start3A_44 = tpu.memref_slice %arg4[%mul3A_38] : memref<800000xi32, #tpu.memory_space<hbm>> -> memref<128xi32, #tpu.memory_space<hbm>>
          tpu.enqueue_dma source(%dma_start3A_44 : memref<128xi32, #tpu.memory_space<hbm>>) target(%arg7 : memref<128xi32, #tpu.memory_space<vmem>>) target_semaphore(%run_scoped3A : memref<!tpu.dma_semaphore, #tpu.memory_space<semaphore_mem>>)
          %dma_wait3A_45 = tpu.memref_slice %arg4[%mul3A_38] : memref<800000xi32, #tpu.memory_space<hbm>> -> memref<128xi32, #tpu.memory_space<hbm>>
          %dma_wait3A_46 = tpu.memref_slice %arg4[%mul3A_38] : memref<800000xi32, #tpu.memory_space<hbm>> -> memref<128xi32, #tpu.memory_space<hbm>>
          tpu.wait_dma2 semaphore(%run_scoped3A : memref<!tpu.dma_semaphore, #tpu.memory_space<semaphore_mem>>) src(%dma_wait3A_46 : memref<128xi32, #tpu.memory_space<hbm>>) dst(%arg7 : memref<128xi32, #tpu.memory_space<vmem>>)
          tpu.yield
        }) : () -> ()
        %dma_start3A = arith.constant 0 : i32
        %dma_start3A_39 = arith.constant 0 : i32
        %dma_start3A_40 = tpu.memref_slice %arg2[%dma_start3A, %dma_start3A_39] : memref<50000x32xf32, #tpu.memory_space<hbm>> -> memref<50000x32xf32, #tpu.memory_space<hbm>>
        tpu.enqueue_indirect_dma source(%dma_start3A_40 : memref<50000x32xf32, #tpu.memory_space<hbm>>) target(%arg8 : memref<128x32xf32, #tpu.memory_space<vmem>>) offsets(%arg6 : memref<128xi32, #tpu.memory_space<vmem>>) semaphore(%arg11 : memref<!tpu.dma_semaphore, #tpu.memory_space<semaphore_mem>>)
        %dma_wait3A = arith.constant 0 : i32
        %dma_wait3A_41 = arith.constant 0 : i32
        %dma_wait3A_42 = tpu.memref_slice %arg2[%dma_wait3A, %dma_wait3A_41] : memref<50000x32xf32, #tpu.memory_space<hbm>> -> memref<50000x32xf32, #tpu.memory_space<hbm>>
        tpu.wait_indirect_dma semaphore(%arg11 : memref<!tpu.dma_semaphore, #tpu.memory_space<semaphore_mem>>) src(%dma_wait3A_42 : memref<50000x32xf32, #tpu.memory_space<hbm>>) dst(%arg8 : memref<128x32xf32, #tpu.memory_space<vmem>>)
        "tpu.region"() ({
          %run_scoped3A = tpu.sem_alloc : memref<!tpu.dma_semaphore, #tpu.memory_space<semaphore_mem>>
          %dma_start3A_43 = arith.constant 0 : i32
          %dma_start3A_44 = arith.constant 0 : i32
          %dma_start3A_45 = tpu.memref_slice %arg10[%dma_start3A_43, %dma_start3A_44] : memref<50000x32xf32, #tpu.memory_space<vmem_shared>> -> memref<50000x32xf32, #tpu.memory_space<vmem_shared>>
          tpu.enqueue_indirect_dma source(%arg8 : memref<128x32xf32, #tpu.memory_space<vmem>>) target(%dma_start3A_45 : memref<50000x32xf32, #tpu.memory_space<vmem_shared>>) offsets(%arg7 : memref<128xi32, #tpu.memory_space<vmem>>) semaphore(%run_scoped3A : memref<!tpu.dma_semaphore, #tpu.memory_space<semaphore_mem>>) {add = true}
          %dma_wait3A_46 = arith.constant 0 : i32
          %dma_wait3A_47 = arith.constant 0 : i32
          %dma_wait3A_48 = tpu.memref_slice %arg10[%dma_wait3A_46, %dma_wait3A_47] : memref<50000x32xf32, #tpu.memory_space<vmem_shared>> -> memref<50000x32xf32, #tpu.memory_space<vmem_shared>>
          tpu.wait_indirect_dma semaphore(%run_scoped3A : memref<!tpu.dma_semaphore, #tpu.memory_space<semaphore_mem>>) src(%arg8 : memref<128x32xf32, #tpu.memory_space<vmem>>) dst(%dma_wait3A_48 : memref<50000x32xf32, #tpu.memory_space<vmem_shared>>)
          tpu.yield
        }) : () -> ()
      } else {
      }
      %scan3A_36 = arith.constant 0 : i32
      scf.yield %scan3A_36 : i32
    }
    %scan3A_20 = arith.constant 196 : i32
    %barrier3A_21 = arith.constant 0 : index
    tpu.barrier barrier_id(%barrier3A_21)
    %scan3A_22 = arith.constant 0 : i32
    %scan3A_23 = arith.constant 0 : i32
    %scan3A_24 = arith.constant 8 : i32
    %scan3A_25 = arith.addi %scan3A_23, %scan3A_24 : i32
    %scan3A_26 = arith.constant 1 : i32
    %scan3A_27 = scf.for %scan3A_29 = %scan3A_23 to %scan3A_25 step %scan3A_26 iter_args(%scan3A_30 = %scan3A_22) -> (i32)  : i32 {
      %mul3A_31 = arith.constant 16 : i32
      %mul3A_32 = arith.muli %mul3A_31, %scan3A_29 : i32
      %add3A_33 = arith.addi %arg1, %mul3A_32 : i32
      %lt3A = arith.constant 125 : i32
      %lt3A_34 = arith.cmpi slt, %add3A_33, %lt3A : i32
      %convert_element_type3A = arith.extui %lt3A_34 : i1 to i32
      %cond3A = arith.constant 0 : i32
      %cond3A_35 = arith.cmpi ne, %convert_element_type3A, %cond3A : i32
      scf.if %cond3A_35 {
        %mul3A_37 = arith.constant 400 : i32
        %mul3A_38 = arith.muli %add3A_33, %mul3A_37 : i32
        %mul3A_39 = arith.constant 400 : i32
        %mul3A_40 = arith.muli %add3A_33, %mul3A_39 : i32
        "tpu.region"() ({
          %run_scoped3A = tpu.sem_alloc : memref<!tpu.dma_semaphore, #tpu.memory_space<semaphore_mem>>
          %dma_start3A = arith.constant 0 : i32
          %dma_start3A_41 = tpu.memref_slice %arg5[%arg0, %mul3A_40, %dma_start3A] : memref<2x50000x32xf32, #tpu.memory_space<hbm>> -> memref<1x400x32xf32, #tpu.memory_space<hbm>>
          %dma_start3A_42 = tpu.memref_squeeze %dma_start3A_41 : memref<1x400x32xf32, #tpu.memory_space<hbm>> -> memref<400x32xf32, #tpu.memory_space<hbm>>
          %dma_start3A_43 = arith.constant 0 : i32
          %dma_start3A_44 = tpu.memref_slice %arg10[%mul3A_38, %dma_start3A_43] : memref<50000x32xf32, #tpu.memory_space<vmem_shared>> -> memref<400x32xf32, #tpu.memory_space<vmem_shared>>
          tpu.enqueue_dma source(%dma_start3A_44 : memref<400x32xf32, #tpu.memory_space<vmem_shared>>) target(%dma_start3A_42 : memref<400x32xf32, #tpu.memory_space<hbm>>) target_semaphore(%run_scoped3A : memref<!tpu.dma_semaphore, #tpu.memory_space<semaphore_mem>>)
          %dma_wait3A = arith.constant 0 : i32
          %dma_wait3A_45 = tpu.memref_slice %arg5[%arg0, %mul3A_40, %dma_wait3A] : memref<2x50000x32xf32, #tpu.memory_space<hbm>> -> memref<1x400x32xf32, #tpu.memory_space<hbm>>
          %dma_wait3A_46 = tpu.memref_squeeze %dma_wait3A_45 : memref<1x400x32xf32, #tpu.memory_space<hbm>> -> memref<400x32xf32, #tpu.memory_space<hbm>>
          %dma_wait3A_47 = arith.constant 0 : i32
          %dma_wait3A_48 = tpu.memref_slice %arg10[%mul3A_38, %dma_wait3A_47] : memref<50000x32xf32, #tpu.memory_space<vmem_shared>> -> memref<400x32xf32, #tpu.memory_space<vmem_shared>>
          tpu.wait_dma2 semaphore(%run_scoped3A : memref<!tpu.dma_semaphore, #tpu.memory_space<semaphore_mem>>) src(%dma_wait3A_48 : memref<400x32xf32, #tpu.memory_space<vmem_shared>>) dst(%dma_wait3A_46 : memref<400x32xf32, #tpu.memory_space<hbm>>)
          tpu.yield
        }) : () -> ()
      } else {
      }
      %scan3A_36 = arith.constant 0 : i32
      scf.yield %scan3A_36 : i32
    }
    %scan3A_28 = arith.constant 8 : i32
    return
  }
}

#map = affine_map<(d0, d1) -> (0, 0)>
#map1 = affine_map<(d0, d1) -> (0)>
#map2 = affine_map<(d0, d1) -> (0, 0, 0)>
module attributes {stable_mosaic.version = 14 : i64} {
  func.func @body(%arg0: i32, %arg1: i32, %arg2: memref<50000x32xf32, #tpu.memory_space<hbm>>, %arg3: memref<800000xi32, #tpu.memory_space<hbm>>, %arg4: memref<800000xi32, #tpu.memory_space<hbm>>, %arg5: memref<2x50000x32xf32, #tpu.memory_space<hbm>>, %arg6: memref<128xi32, #tpu.memory_space<vmem>>, %arg7: memref<128xi32, #tpu.memory_space<vmem>>, %arg8: memref<128x32xf32, #tpu.memory_space<vmem>>, %arg9: memref<400x32xf32, #tpu.memory_space<vmem>>, %arg10: memref<50000x32xf32, #tpu.memory_space<vmem_shared>>, %arg11: memref<!tpu.dma_semaphore, #tpu.memory_space<semaphore_mem>>) attributes {dimension_semantics = [#tpu.dimension_semantics<core_parallel>, #tpu.dimension_semantics<subcore_parallel>], iteration_bounds = array<i64: 2, 16>, scalar_prefetch = 0 : i64, scratch_operands = 6 : i64, tpu.core_type = #tpu.core_type<sc_vector_subcore>, window_params = [{transform_indices = #map}, {transform_indices = #map1}, {transform_indices = #map1}, {transform_indices = #map2}]} {
    %mul3A = arith.constant 2 : i32
    %mul3A_0 = arith.muli %arg1, %mul3A : i32
    %add3A = arith.addi %mul3A_0, %arg0 : i32
    %scan3A = arith.constant 0 : i32
    %scan3A_1 = arith.constant 0 : i32
    %scan3A_2 = arith.constant 400 : i32
    %scan3A_3 = arith.addi %scan3A_1, %scan3A_2 : i32
    %scan3A_4 = arith.constant 1 : i32
    %scan3A_5 = scf.for %scan3A_29 = %scan3A_1 to %scan3A_3 step %scan3A_4 iter_args(%scan3A_30 = %scan3A) -> (i32)  : i32 {
      %broadcast_in_dim3A = arith.constant 0.000000e+00 : f32
      %broadcast_in_dim3A_31 = vector.broadcast %broadcast_in_dim3A : f32 to vector<16xf32>
      %swap3A = arith.index_cast %scan3A_29 : i32 to index
      %swap3A_32 = arith.constant 0 : index
      %swap3A_33 = tpu.vector_load %arg9[%swap3A, %swap3A_32] {strides = array<i32>} : memref<400x32xf32, #tpu.memory_space<vmem>>, vector<1x16xf32>,
      %swap3A_34 = vector.shape_cast %swap3A_33 : vector<1x16xf32> to vector<16xf32>
      %swap3A_35 = vector.shape_cast %broadcast_in_dim3A_31 : vector<16xf32> to vector<1x16xf32>
      tpu.vector_store %arg9[%swap3A, %swap3A_32], %swap3A_35 {strides = array<i32>} : memref<400x32xf32, #tpu.memory_space<vmem>>, vector<1x16xf32>,
      %broadcast_in_dim3A_36 = arith.constant 0.000000e+00 : f32
      %broadcast_in_dim3A_37 = vector.broadcast %broadcast_in_dim3A_36 : f32 to vector<16xf32>
      %swap3A_38 = arith.index_cast %scan3A_29 : i32 to index
      %swap3A_39 = arith.constant 16 : index
      %swap3A_40 = tpu.vector_load %arg9[%swap3A_38, %swap3A_39] {strides = array<i32>} : memref<400x32xf32, #tpu.memory_space<vmem>>, vector<1x16xf32>,
      %swap3A_41 = vector.shape_cast %swap3A_40 : vector<1x16xf32> to vector<16xf32>
      %swap3A_42 = vector.shape_cast %broadcast_in_dim3A_37 : vector<16xf32> to vector<1x16xf32>
      tpu.vector_store %arg9[%swap3A_38, %swap3A_39], %swap3A_42 {strides = array<i32>} : memref<400x32xf32, #tpu.memory_space<vmem>>, vector<1x16xf32>,
      %scan3A_43 = arith.constant 0 : i32
      scf.yield %scan3A_43 : i32
    }
    %scan3A_6 = arith.constant 400 : i32
    %scan3A_7 = arith.constant 0 : i32
    %scan3A_8 = arith.constant 0 : i32
    %scan3A_9 = arith.constant 8 : i32
    %scan3A_10 = arith.addi %scan3A_8, %scan3A_9 : i32
    %scan3A_11 = arith.constant 1 : i32
    %scan3A_12 = scf.for %scan3A_29 = %scan3A_8 to %scan3A_10 step %scan3A_11 iter_args(%scan3A_30 = %scan3A_7) -> (i32)  : i32 {
      %mul3A_31 = arith.constant 16 : i32
      %mul3A_32 = arith.muli %mul3A_31, %scan3A_29 : i32
      %add3A_33 = arith.addi %arg1, %mul3A_32 : i32
      %lt3A = arith.constant 125 : i32
      %lt3A_34 = arith.cmpi slt, %add3A_33, %lt3A : i32
      %convert_element_type3A = arith.extui %lt3A_34 : i1 to i32
      %cond3A = arith.constant 0 : i32
      %cond3A_35 = arith.cmpi ne, %convert_element_type3A, %cond3A : i32
      scf.if %cond3A_35 {
        %mul3A_37 = arith.constant 400 : i32
        %mul3A_38 = arith.muli %add3A_33, %mul3A_37 : i32
        "tpu.region"() ({
          %run_scoped3A = tpu.sem_alloc : memref<!tpu.dma_semaphore, #tpu.memory_space<semaphore_mem>>
          %dma_start3A = arith.constant 0 : i32
          %dma_start3A_39 = tpu.memref_slice %arg10[%mul3A_38, %dma_start3A] : memref<50000x32xf32, #tpu.memory_space<vmem_shared>> -> memref<400x32xf32, #tpu.memory_space<vmem_shared>>
          %dma_start3A_40 = arith.constant 0 : i32
          %dma_start3A_41 = tpu.memref_slice %arg10[%mul3A_38, %dma_start3A_40] : memref<50000x32xf32, #tpu.memory_space<vmem_shared>> -> memref<400x32xf32, #tpu.memory_space<vmem_shared>>
          tpu.enqueue_dma source(%arg9 : memref<400x32xf32, #tpu.memory_space<vmem>>) target(%dma_start3A_41 : memref<400x32xf32, #tpu.memory_space<vmem_shared>>) target_semaphore(%run_scoped3A : memref<!tpu.dma_semaphore, #tpu.memory_space<semaphore_mem>>)
          %dma_wait3A = arith.constant 0 : i32
          %dma_wait3A_42 = tpu.memref_slice %arg10[%mul3A_38, %dma_wait3A] : memref<50000x32xf32, #tpu.memory_space<vmem_shared>> -> memref<400x32xf32, #tpu.memory_space<vmem_shared>>
          %dma_wait3A_43 = arith.constant 0 : i32
          %dma_wait3A_44 = tpu.memref_slice %arg10[%mul3A_38, %dma_wait3A_43] : memref<50000x32xf32, #tpu.memory_space<vmem_shared>> -> memref<400x32xf32, #tpu.memory_space<vmem_shared>>
          tpu.wait_dma2 semaphore(%run_scoped3A : memref<!tpu.dma_semaphore, #tpu.memory_space<semaphore_mem>>) src(%arg9 : memref<400x32xf32, #tpu.memory_space<vmem>>) dst(%dma_wait3A_44 : memref<400x32xf32, #tpu.memory_space<vmem_shared>>)
          tpu.yield
        }) : () -> ()
      } else {
      }
      %scan3A_36 = arith.constant 0 : i32
      scf.yield %scan3A_36 : i32
    }
    %scan3A_13 = arith.constant 8 : i32
    %barrier3A = arith.constant 0 : index
    tpu.barrier barrier_id(%barrier3A)
    %scan3A_14 = arith.constant 0 : i32
    %scan3A_15 = arith.constant 0 : i32
    %scan3A_16 = arith.constant 196 : i32
    %scan3A_17 = arith.addi %scan3A_15, %scan3A_16 : i32
    %scan3A_18 = arith.constant 1 : i32
    %scan3A_19 = scf.for %scan3A_29 = %scan3A_15 to %scan3A_17 step %scan3A_18 iter_args(%scan3A_30 = %scan3A_14) -> (i32)  : i32 {
      %mul3A_31 = arith.constant 32 : i32
      %mul3A_32 = arith.muli %mul3A_31, %scan3A_29 : i32
      %add3A_33 = arith.addi %add3A, %mul3A_32 : i32
      %lt3A = arith.constant 6250 : i32
      %lt3A_34 = arith.cmpi slt, %add3A_33, %lt3A : i32
      %convert_element_type3A = arith.extui %lt3A_34 : i1 to i32
      %cond3A = arith.constant 0 : i32
      %cond3A_35 = arith.cmpi ne, %convert_element_type3A, %cond3A : i32
      scf.if %cond3A_35 {
        %mul3A_37 = arith.constant 128 : i32
        %mul3A_38 = arith.muli %add3A_33, %mul3A_37 : i32
        "tpu.region"() ({
          %run_scoped3A = tpu.sem_alloc : memref<!tpu.dma_semaphore, #tpu.memory_space<semaphore_mem>>
          %dma_start3A_43 = tpu.memref_slice %arg3[%mul3A_38] : memref<800000xi32, #tpu.memory_space<hbm>> -> memref<128xi32, #tpu.memory_space<hbm>>
          %dma_start3A_44 = tpu.memref_slice %arg3[%mul3A_38] : memref<800000xi32, #tpu.memory_space<hbm>> -> memref<128xi32, #tpu.memory_space<hbm>>
          tpu.enqueue_dma source(%dma_start3A_44 : memref<128xi32, #tpu.memory_space<hbm>>) target(%arg6 : memref<128xi32, #tpu.memory_space<vmem>>) target_semaphore(%run_scoped3A : memref<!tpu.dma_semaphore, #tpu.memory_space<semaphore_mem>>)
          %dma_wait3A_45 = tpu.memref_slice %arg3[%mul3A_38] : memref<800000xi32, #tpu.memory_space<hbm>> -> memref<128xi32, #tpu.memory_space<hbm>>
          %dma_wait3A_46 = tpu.memref_slice %arg3[%mul3A_38] : memref<800000xi32, #tpu.memory_space<hbm>> -> memref<128xi32, #tpu.memory_space<hbm>>
          tpu.wait_dma2 semaphore(%run_scoped3A : memref<!tpu.dma_semaphore, #tpu.memory_space<semaphore_mem>>) src(%dma_wait3A_46 : memref<128xi32, #tpu.memory_space<hbm>>) dst(%arg6 : memref<128xi32, #tpu.memory_space<vmem>>)
          tpu.yield
        }) : () -> ()
        "tpu.region"() ({
          %run_scoped3A = tpu.sem_alloc : memref<!tpu.dma_semaphore, #tpu.memory_space<semaphore_mem>>
          %dma_start3A_43 = tpu.memref_slice %arg4[%mul3A_38] : memref<800000xi32, #tpu.memory_space<hbm>> -> memref<128xi32, #tpu.memory_space<hbm>>
          %dma_start3A_44 = tpu.memref_slice %arg4[%mul3A_38] : memref<800000xi32, #tpu.memory_space<hbm>> -> memref<128xi32, #tpu.memory_space<hbm>>
          tpu.enqueue_dma source(%dma_start3A_44 : memref<128xi32, #tpu.memory_space<hbm>>) target(%arg7 : memref<128xi32, #tpu.memory_space<vmem>>) target_semaphore(%run_scoped3A : memref<!tpu.dma_semaphore, #tpu.memory_space<semaphore_mem>>)
          %dma_wait3A_45 = tpu.memref_slice %arg4[%mul3A_38] : memref<800000xi32, #tpu.memory_space<hbm>> -> memref<128xi32, #tpu.memory_space<hbm>>
          %dma_wait3A_46 = tpu.memref_slice %arg4[%mul3A_38] : memref<800000xi32, #tpu.memory_space<hbm>> -> memref<128xi32, #tpu.memory_space<hbm>>
          tpu.wait_dma2 semaphore(%run_scoped3A : memref<!tpu.dma_semaphore, #tpu.memory_space<semaphore_mem>>) src(%dma_wait3A_46 : memref<128xi32, #tpu.memory_space<hbm>>) dst(%arg7 : memref<128xi32, #tpu.memory_space<vmem>>)
          tpu.yield
        }) : () -> ()
        %dma_start3A = arith.constant 0 : i32
        %dma_start3A_39 = arith.constant 0 : i32
        %dma_start3A_40 = tpu.memref_slice %arg2[%dma_start3A, %dma_start3A_39] : memref<50000x32xf32, #tpu.memory_space<hbm>> -> memref<50000x32xf32, #tpu.memory_space<hbm>>
        tpu.enqueue_indirect_dma source(%dma_start3A_40 : memref<50000x32xf32, #tpu.memory_space<hbm>>) target(%arg8 : memref<128x32xf32, #tpu.memory_space<vmem>>) offsets(%arg6 : memref<128xi32, #tpu.memory_space<vmem>>) semaphore(%arg11 : memref<!tpu.dma_semaphore, #tpu.memory_space<semaphore_mem>>)
        %dma_wait3A = arith.constant 0 : i32
        %dma_wait3A_41 = arith.constant 0 : i32
        %dma_wait3A_42 = tpu.memref_slice %arg2[%dma_wait3A, %dma_wait3A_41] : memref<50000x32xf32, #tpu.memory_space<hbm>> -> memref<50000x32xf32, #tpu.memory_space<hbm>>
        tpu.wait_indirect_dma semaphore(%arg11 : memref<!tpu.dma_semaphore, #tpu.memory_space<semaphore_mem>>) src(%dma_wait3A_42 : memref<50000x32xf32, #tpu.memory_space<hbm>>) dst(%arg8 : memref<128x32xf32, #tpu.memory_space<vmem>>)
        "tpu.region"() ({
          %run_scoped3A = tpu.sem_alloc : memref<!tpu.dma_semaphore, #tpu.memory_space<semaphore_mem>>
          %dma_start3A_43 = arith.constant 0 : i32
          %dma_start3A_44 = arith.constant 0 : i32
          %dma_start3A_45 = tpu.memref_slice %arg10[%dma_start3A_43, %dma_start3A_44] : memref<50000x32xf32, #tpu.memory_space<vmem_shared>> -> memref<50000x32xf32, #tpu.memory_space<vmem_shared>>
          tpu.enqueue_indirect_dma source(%arg8 : memref<128x32xf32, #tpu.memory_space<vmem>>) target(%dma_start3A_45 : memref<50000x32xf32, #tpu.memory_space<vmem_shared>>) offsets(%arg7 : memref<128xi32, #tpu.memory_space<vmem>>) semaphore(%run_scoped3A : memref<!tpu.dma_semaphore, #tpu.memory_space<semaphore_mem>>) {add = true}
          %dma_wait3A_46 = arith.constant 0 : i32
          %dma_wait3A_47 = arith.constant 0 : i32
          %dma_wait3A_48 = tpu.memref_slice %arg10[%dma_wait3A_46, %dma_wait3A_47] : memref<50000x32xf32, #tpu.memory_space<vmem_shared>> -> memref<50000x32xf32, #tpu.memory_space<vmem_shared>>
          tpu.wait_indirect_dma semaphore(%run_scoped3A : memref<!tpu.dma_semaphore, #tpu.memory_space<semaphore_mem>>) src(%arg8 : memref<128x32xf32, #tpu.memory_space<vmem>>) dst(%dma_wait3A_48 : memref<50000x32xf32, #tpu.memory_space<vmem_shared>>)
          tpu.yield
        }) : () -> ()
      } else {
      }
      %scan3A_36 = arith.constant 0 : i32
      scf.yield %scan3A_36 : i32
    }
    %scan3A_20 = arith.constant 196 : i32
    %barrier3A_21 = arith.constant 0 : index
    tpu.barrier barrier_id(%barrier3A_21)
    %scan3A_22 = arith.constant 0 : i32
    %scan3A_23 = arith.constant 0 : i32
    %scan3A_24 = arith.constant 8 : i32
    %scan3A_25 = arith.addi %scan3A_23, %scan3A_24 : i32
    %scan3A_26 = arith.constant 1 : i32
    %scan3A_27 = scf.for %scan3A_29 = %scan3A_23 to %scan3A_25 step %scan3A_26 iter_args(%scan3A_30 = %scan3A_22) -> (i32)  : i32 {
      %mul3A_31 = arith.constant 16 : i32
      %mul3A_32 = arith.muli %mul3A_31, %scan3A_29 : i32
      %add3A_33 = arith.addi %arg1, %mul3A_32 : i32
      %lt3A = arith.constant 125 : i32
      %lt3A_34 = arith.cmpi slt, %add3A_33, %lt3A : i32
      %convert_element_type3A = arith.extui %lt3A_34 : i1 to i32
      %cond3A = arith.constant 0 : i32
      %cond3A_35 = arith.cmpi ne, %convert_element_type3A, %cond3A : i32
      scf.if %cond3A_35 {
        %mul3A_37 = arith.constant 400 : i32
        %mul3A_38 = arith.muli %add3A_33, %mul3A_37 : i32
        %mul3A_39 = arith.constant 400 : i32
        %mul3A_40 = arith.muli %add3A_33, %mul3A_39 : i32
        "tpu.region"() ({
          %run_scoped3A = tpu.sem_alloc : memref<!tpu.dma_semaphore, #tpu.memory_space<semaphore_mem>>
          %dma_start3A = arith.constant 0 : i32
          %dma_start3A_41 = tpu.memref_slice %arg5[%arg0, %mul3A_40, %dma_start3A] : memref<2x50000x32xf32, #tpu.memory_space<hbm>> -> memref<1x400x32xf32, #tpu.memory_space<hbm>>
          %dma_start3A_42 = tpu.memref_squeeze %dma_start3A_41 : memref<1x400x32xf32, #tpu.memory_space<hbm>> -> memref<400x32xf32, #tpu.memory_space<hbm>>
          %dma_start3A_43 = arith.constant 0 : i32
          %dma_start3A_44 = tpu.memref_slice %arg10[%mul3A_38, %dma_start3A_43] : memref<50000x32xf32, #tpu.memory_space<vmem_shared>> -> memref<400x32xf32, #tpu.memory_space<vmem_shared>>
          tpu.enqueue_dma source(%dma_start3A_44 : memref<400x32xf32, #tpu.memory_space<vmem_shared>>) target(%dma_start3A_42 : memref<400x32xf32, #tpu.memory_space<hbm>>) target_semaphore(%run_scoped3A : memref<!tpu.dma_semaphore, #tpu.memory_space<semaphore_mem>>)
          %dma_wait3A = arith.constant 0 : i32
          %dma_wait3A_45 = tpu.memref_slice %arg5[%arg0, %mul3A_40, %dma_wait3A] : memref<2x50000x32xf32, #tpu.memory_space<hbm>> -> memref<1x400x32xf32, #tpu.memory_space<hbm>>
          %dma_wait3A_46 = tpu.memref_squeeze %dma_wait3A_45 : memref<1x400x32xf32, #tpu.memory_space<hbm>> -> memref<400x32xf32, #tpu.memory_space<hbm>>
          %dma_wait3A_47 = arith.constant 0 : i32
          %dma_wait3A_48 = tpu.memref_slice %arg10[%mul3A_38, %dma_wait3A_47] : memref<50000x32xf32, #tpu.memory_space<vmem_shared>> -> memref<400x32xf32, #tpu.memory_space<vmem_shared>>
          tpu.wait_dma2 semaphore(%run_scoped3A : memref<!tpu.dma_semaphore, #tpu.memory_space<semaphore_mem>>) src(%dma_wait3A_48 : memref<400x32xf32, #tpu.memory_space<vmem_shared>>) dst(%dma_wait3A_46 : memref<400x32xf32, #tpu.memory_space<hbm>>)
          tpu.yield
        }) : () -> ()
      } else {
      }
      %scan3A_36 = arith.constant 0 : i32
      scf.yield %scan3A_36 : i32
    }
    %scan3A_28 = arith.constant 8 : i32
    return
  }
}

#map = affine_map<(d0, d1) -> (0, 0)>
#map1 = affine_map<(d0, d1) -> (0)>
#map2 = affine_map<(d0, d1) -> (0, 0, 0)>
module attributes {stable_mosaic.version = 14 : i64} {
  func.func @body(%arg0: i32, %arg1: i32, %arg2: memref<50000x32xf32, #tpu.memory_space<hbm>>, %arg3: memref<800000xi32, #tpu.memory_space<hbm>>, %arg4: memref<800000xi32, #tpu.memory_space<hbm>>, %arg5: memref<2x50000x32xf32, #tpu.memory_space<hbm>>, %arg6: memref<128xi32, #tpu.memory_space<vmem>>, %arg7: memref<128xi32, #tpu.memory_space<vmem>>, %arg8: memref<128x32xf32, #tpu.memory_space<vmem>>, %arg9: memref<400x32xf32, #tpu.memory_space<vmem>>, %arg10: memref<50000x32xf32, #tpu.memory_space<vmem_shared>>, %arg11: memref<!tpu.dma_semaphore, #tpu.memory_space<semaphore_mem>>) attributes {dimension_semantics = [#tpu.dimension_semantics<core_parallel>, #tpu.dimension_semantics<subcore_parallel>], iteration_bounds = array<i64: 2, 16>, scalar_prefetch = 0 : i64, scratch_operands = 6 : i64, tpu.core_type = #tpu.core_type<sc_vector_subcore>, window_params = [{transform_indices = #map}, {transform_indices = #map1}, {transform_indices = #map1}, {transform_indices = #map2}]} {
    %mul3A = arith.constant 2 : i32
    %mul3A_0 = arith.muli %arg1, %mul3A : i32
    %add3A = arith.addi %mul3A_0, %arg0 : i32
    %scan3A = arith.constant 0 : i32
    %scan3A_1 = arith.constant 0 : i32
    %scan3A_2 = arith.constant 400 : i32
    %scan3A_3 = arith.addi %scan3A_1, %scan3A_2 : i32
    %scan3A_4 = arith.constant 1 : i32
    %scan3A_5 = scf.for %scan3A_29 = %scan3A_1 to %scan3A_3 step %scan3A_4 iter_args(%scan3A_30 = %scan3A) -> (i32)  : i32 {
      %broadcast_in_dim3A = arith.constant 0.000000e+00 : f32
      %broadcast_in_dim3A_31 = vector.broadcast %broadcast_in_dim3A : f32 to vector<16xf32>
      %swap3A = arith.index_cast %scan3A_29 : i32 to index
      %swap3A_32 = arith.constant 0 : index
      %swap3A_33 = tpu.vector_load %arg9[%swap3A, %swap3A_32] {strides = array<i32>} : memref<400x32xf32, #tpu.memory_space<vmem>>, vector<1x16xf32>,
      %swap3A_34 = vector.shape_cast %swap3A_33 : vector<1x16xf32> to vector<16xf32>
      %swap3A_35 = vector.shape_cast %broadcast_in_dim3A_31 : vector<16xf32> to vector<1x16xf32>
      tpu.vector_store %arg9[%swap3A, %swap3A_32], %swap3A_35 {strides = array<i32>} : memref<400x32xf32, #tpu.memory_space<vmem>>, vector<1x16xf32>,
      %broadcast_in_dim3A_36 = arith.constant 0.000000e+00 : f32
      %broadcast_in_dim3A_37 = vector.broadcast %broadcast_in_dim3A_36 : f32 to vector<16xf32>
      %swap3A_38 = arith.index_cast %scan3A_29 : i32 to index
      %swap3A_39 = arith.constant 16 : index
      %swap3A_40 = tpu.vector_load %arg9[%swap3A_38, %swap3A_39] {strides = array<i32>} : memref<400x32xf32, #tpu.memory_space<vmem>>, vector<1x16xf32>,
      %swap3A_41 = vector.shape_cast %swap3A_40 : vector<1x16xf32> to vector<16xf32>
      %swap3A_42 = vector.shape_cast %broadcast_in_dim3A_37 : vector<16xf32> to vector<1x16xf32>
      tpu.vector_store %arg9[%swap3A_38, %swap3A_39], %swap3A_42 {strides = array<i32>} : memref<400x32xf32, #tpu.memory_space<vmem>>, vector<1x16xf32>,
      %scan3A_43 = arith.constant 0 : i32
      scf.yield %scan3A_43 : i32
    }
    %scan3A_6 = arith.constant 400 : i32
    %scan3A_7 = arith.constant 0 : i32
    %scan3A_8 = arith.constant 0 : i32
    %scan3A_9 = arith.constant 8 : i32
    %scan3A_10 = arith.addi %scan3A_8, %scan3A_9 : i32
    %scan3A_11 = arith.constant 1 : i32
    %scan3A_12 = scf.for %scan3A_29 = %scan3A_8 to %scan3A_10 step %scan3A_11 iter_args(%scan3A_30 = %scan3A_7) -> (i32)  : i32 {
      %mul3A_31 = arith.constant 16 : i32
      %mul3A_32 = arith.muli %mul3A_31, %scan3A_29 : i32
      %add3A_33 = arith.addi %arg1, %mul3A_32 : i32
      %lt3A = arith.constant 125 : i32
      %lt3A_34 = arith.cmpi slt, %add3A_33, %lt3A : i32
      %convert_element_type3A = arith.extui %lt3A_34 : i1 to i32
      %cond3A = arith.constant 0 : i32
      %cond3A_35 = arith.cmpi ne, %convert_element_type3A, %cond3A : i32
      scf.if %cond3A_35 {
        %mul3A_37 = arith.constant 400 : i32
        %mul3A_38 = arith.muli %add3A_33, %mul3A_37 : i32
        "tpu.region"() ({
          %run_scoped3A = tpu.sem_alloc : memref<!tpu.dma_semaphore, #tpu.memory_space<semaphore_mem>>
          %dma_start3A = arith.constant 0 : i32
          %dma_start3A_39 = tpu.memref_slice %arg10[%mul3A_38, %dma_start3A] : memref<50000x32xf32, #tpu.memory_space<vmem_shared>> -> memref<400x32xf32, #tpu.memory_space<vmem_shared>>
          %dma_start3A_40 = arith.constant 0 : i32
          %dma_start3A_41 = tpu.memref_slice %arg10[%mul3A_38, %dma_start3A_40] : memref<50000x32xf32, #tpu.memory_space<vmem_shared>> -> memref<400x32xf32, #tpu.memory_space<vmem_shared>>
          tpu.enqueue_dma source(%arg9 : memref<400x32xf32, #tpu.memory_space<vmem>>) target(%dma_start3A_41 : memref<400x32xf32, #tpu.memory_space<vmem_shared>>) target_semaphore(%run_scoped3A : memref<!tpu.dma_semaphore, #tpu.memory_space<semaphore_mem>>)
          %dma_wait3A = arith.constant 0 : i32
          %dma_wait3A_42 = tpu.memref_slice %arg10[%mul3A_38, %dma_wait3A] : memref<50000x32xf32, #tpu.memory_space<vmem_shared>> -> memref<400x32xf32, #tpu.memory_space<vmem_shared>>
          %dma_wait3A_43 = arith.constant 0 : i32
          %dma_wait3A_44 = tpu.memref_slice %arg10[%mul3A_38, %dma_wait3A_43] : memref<50000x32xf32, #tpu.memory_space<vmem_shared>> -> memref<400x32xf32, #tpu.memory_space<vmem_shared>>
          tpu.wait_dma2 semaphore(%run_scoped3A : memref<!tpu.dma_semaphore, #tpu.memory_space<semaphore_mem>>) src(%arg9 : memref<400x32xf32, #tpu.memory_space<vmem>>) dst(%dma_wait3A_44 : memref<400x32xf32, #tpu.memory_space<vmem_shared>>)
          tpu.yield
        }) : () -> ()
      } else {
      }
      %scan3A_36 = arith.constant 0 : i32
      scf.yield %scan3A_36 : i32
    }
    %scan3A_13 = arith.constant 8 : i32
    %barrier3A = arith.constant 0 : index
    tpu.barrier barrier_id(%barrier3A)
    %scan3A_14 = arith.constant 0 : i32
    %scan3A_15 = arith.constant 0 : i32
    %scan3A_16 = arith.constant 196 : i32
    %scan3A_17 = arith.addi %scan3A_15, %scan3A_16 : i32
    %scan3A_18 = arith.constant 1 : i32
    %scan3A_19 = scf.for %scan3A_29 = %scan3A_15 to %scan3A_17 step %scan3A_18 iter_args(%scan3A_30 = %scan3A_14) -> (i32)  : i32 {
      %mul3A_31 = arith.constant 32 : i32
      %mul3A_32 = arith.muli %mul3A_31, %scan3A_29 : i32
      %add3A_33 = arith.addi %add3A, %mul3A_32 : i32
      %lt3A = arith.constant 6250 : i32
      %lt3A_34 = arith.cmpi slt, %add3A_33, %lt3A : i32
      %convert_element_type3A = arith.extui %lt3A_34 : i1 to i32
      %cond3A = arith.constant 0 : i32
      %cond3A_35 = arith.cmpi ne, %convert_element_type3A, %cond3A : i32
      scf.if %cond3A_35 {
        %mul3A_37 = arith.constant 128 : i32
        %mul3A_38 = arith.muli %add3A_33, %mul3A_37 : i32
        "tpu.region"() ({
          %run_scoped3A = tpu.sem_alloc : memref<!tpu.dma_semaphore, #tpu.memory_space<semaphore_mem>>
          %dma_start3A_43 = tpu.memref_slice %arg3[%mul3A_38] : memref<800000xi32, #tpu.memory_space<hbm>> -> memref<128xi32, #tpu.memory_space<hbm>>
          %dma_start3A_44 = tpu.memref_slice %arg3[%mul3A_38] : memref<800000xi32, #tpu.memory_space<hbm>> -> memref<128xi32, #tpu.memory_space<hbm>>
          tpu.enqueue_dma source(%dma_start3A_44 : memref<128xi32, #tpu.memory_space<hbm>>) target(%arg6 : memref<128xi32, #tpu.memory_space<vmem>>) target_semaphore(%run_scoped3A : memref<!tpu.dma_semaphore, #tpu.memory_space<semaphore_mem>>)
          %dma_wait3A_45 = tpu.memref_slice %arg3[%mul3A_38] : memref<800000xi32, #tpu.memory_space<hbm>> -> memref<128xi32, #tpu.memory_space<hbm>>
          %dma_wait3A_46 = tpu.memref_slice %arg3[%mul3A_38] : memref<800000xi32, #tpu.memory_space<hbm>> -> memref<128xi32, #tpu.memory_space<hbm>>
          tpu.wait_dma2 semaphore(%run_scoped3A : memref<!tpu.dma_semaphore, #tpu.memory_space<semaphore_mem>>) src(%dma_wait3A_46 : memref<128xi32, #tpu.memory_space<hbm>>) dst(%arg6 : memref<128xi32, #tpu.memory_space<vmem>>)
          tpu.yield
        }) : () -> ()
        "tpu.region"() ({
          %run_scoped3A = tpu.sem_alloc : memref<!tpu.dma_semaphore, #tpu.memory_space<semaphore_mem>>
          %dma_start3A_43 = tpu.memref_slice %arg4[%mul3A_38] : memref<800000xi32, #tpu.memory_space<hbm>> -> memref<128xi32, #tpu.memory_space<hbm>>
          %dma_start3A_44 = tpu.memref_slice %arg4[%mul3A_38] : memref<800000xi32, #tpu.memory_space<hbm>> -> memref<128xi32, #tpu.memory_space<hbm>>
          tpu.enqueue_dma source(%dma_start3A_44 : memref<128xi32, #tpu.memory_space<hbm>>) target(%arg7 : memref<128xi32, #tpu.memory_space<vmem>>) target_semaphore(%run_scoped3A : memref<!tpu.dma_semaphore, #tpu.memory_space<semaphore_mem>>)
          %dma_wait3A_45 = tpu.memref_slice %arg4[%mul3A_38] : memref<800000xi32, #tpu.memory_space<hbm>> -> memref<128xi32, #tpu.memory_space<hbm>>
          %dma_wait3A_46 = tpu.memref_slice %arg4[%mul3A_38] : memref<800000xi32, #tpu.memory_space<hbm>> -> memref<128xi32, #tpu.memory_space<hbm>>
          tpu.wait_dma2 semaphore(%run_scoped3A : memref<!tpu.dma_semaphore, #tpu.memory_space<semaphore_mem>>) src(%dma_wait3A_46 : memref<128xi32, #tpu.memory_space<hbm>>) dst(%arg7 : memref<128xi32, #tpu.memory_space<vmem>>)
          tpu.yield
        }) : () -> ()
        %dma_start3A = arith.constant 0 : i32
        %dma_start3A_39 = arith.constant 0 : i32
        %dma_start3A_40 = tpu.memref_slice %arg2[%dma_start3A, %dma_start3A_39] : memref<50000x32xf32, #tpu.memory_space<hbm>> -> memref<50000x32xf32, #tpu.memory_space<hbm>>
        tpu.enqueue_indirect_dma source(%dma_start3A_40 : memref<50000x32xf32, #tpu.memory_space<hbm>>) target(%arg8 : memref<128x32xf32, #tpu.memory_space<vmem>>) offsets(%arg6 : memref<128xi32, #tpu.memory_space<vmem>>) semaphore(%arg11 : memref<!tpu.dma_semaphore, #tpu.memory_space<semaphore_mem>>)
        %dma_wait3A = arith.constant 0 : i32
        %dma_wait3A_41 = arith.constant 0 : i32
        %dma_wait3A_42 = tpu.memref_slice %arg2[%dma_wait3A, %dma_wait3A_41] : memref<50000x32xf32, #tpu.memory_space<hbm>> -> memref<50000x32xf32, #tpu.memory_space<hbm>>
        tpu.wait_indirect_dma semaphore(%arg11 : memref<!tpu.dma_semaphore, #tpu.memory_space<semaphore_mem>>) src(%dma_wait3A_42 : memref<50000x32xf32, #tpu.memory_space<hbm>>) dst(%arg8 : memref<128x32xf32, #tpu.memory_space<vmem>>)
        "tpu.region"() ({
          %run_scoped3A = tpu.sem_alloc : memref<!tpu.dma_semaphore, #tpu.memory_space<semaphore_mem>>
          %dma_start3A_43 = arith.constant 0 : i32
          %dma_start3A_44 = arith.constant 0 : i32
          %dma_start3A_45 = tpu.memref_slice %arg10[%dma_start3A_43, %dma_start3A_44] : memref<50000x32xf32, #tpu.memory_space<vmem_shared>> -> memref<50000x32xf32, #tpu.memory_space<vmem_shared>>
          tpu.enqueue_indirect_dma source(%arg8 : memref<128x32xf32, #tpu.memory_space<vmem>>) target(%dma_start3A_45 : memref<50000x32xf32, #tpu.memory_space<vmem_shared>>) offsets(%arg7 : memref<128xi32, #tpu.memory_space<vmem>>) semaphore(%run_scoped3A : memref<!tpu.dma_semaphore, #tpu.memory_space<semaphore_mem>>) {add = true}
          %dma_wait3A_46 = arith.constant 0 : i32
          %dma_wait3A_47 = arith.constant 0 : i32
          %dma_wait3A_48 = tpu.memref_slice %arg10[%dma_wait3A_46, %dma_wait3A_47] : memref<50000x32xf32, #tpu.memory_space<vmem_shared>> -> memref<50000x32xf32, #tpu.memory_space<vmem_shared>>
          tpu.wait_indirect_dma semaphore(%run_scoped3A : memref<!tpu.dma_semaphore, #tpu.memory_space<semaphore_mem>>) src(%arg8 : memref<128x32xf32, #tpu.memory_space<vmem>>) dst(%dma_wait3A_48 : memref<50000x32xf32, #tpu.memory_space<vmem_shared>>)
          tpu.yield
        }) : () -> ()
      } else {
      }
      %scan3A_36 = arith.constant 0 : i32
      scf.yield %scan3A_36 : i32
    }
    %scan3A_20 = arith.constant 196 : i32
    %barrier3A_21 = arith.constant 0 : index
    tpu.barrier barrier_id(%barrier3A_21)
    %scan3A_22 = arith.constant 0 : i32
    %scan3A_23 = arith.constant 0 : i32
    %scan3A_24 = arith.constant 8 : i32
    %scan3A_25 = arith.addi %scan3A_23, %scan3A_24 : i32
    %scan3A_26 = arith.constant 1 : i32
    %scan3A_27 = scf.for %scan3A_29 = %scan3A_23 to %scan3A_25 step %scan3A_26 iter_args(%scan3A_30 = %scan3A_22) -> (i32)  : i32 {
      %mul3A_31 = arith.constant 16 : i32
      %mul3A_32 = arith.muli %mul3A_31, %scan3A_29 : i32
      %add3A_33 = arith.addi %arg1, %mul3A_32 : i32
      %lt3A = arith.constant 125 : i32
      %lt3A_34 = arith.cmpi slt, %add3A_33, %lt3A : i32
      %convert_element_type3A = arith.extui %lt3A_34 : i1 to i32
      %cond3A = arith.constant 0 : i32
      %cond3A_35 = arith.cmpi ne, %convert_element_type3A, %cond3A : i32
      scf.if %cond3A_35 {
        %mul3A_37 = arith.constant 400 : i32
        %mul3A_38 = arith.muli %add3A_33, %mul3A_37 : i32
        %mul3A_39 = arith.constant 400 : i32
        %mul3A_40 = arith.muli %add3A_33, %mul3A_39 : i32
        "tpu.region"() ({
          %run_scoped3A = tpu.sem_alloc : memref<!tpu.dma_semaphore, #tpu.memory_space<semaphore_mem>>
          %dma_start3A = arith.constant 0 : i32
          %dma_start3A_41 = tpu.memref_slice %arg5[%arg0, %mul3A_40, %dma_start3A] : memref<2x50000x32xf32, #tpu.memory_space<hbm>> -> memref<1x400x32xf32, #tpu.memory_space<hbm>>
          %dma_start3A_42 = tpu.memref_squeeze %dma_start3A_41 : memref<1x400x32xf32, #tpu.memory_space<hbm>> -> memref<400x32xf32, #tpu.memory_space<hbm>>
          %dma_start3A_43 = arith.constant 0 : i32
          %dma_start3A_44 = tpu.memref_slice %arg10[%mul3A_38, %dma_start3A_43] : memref<50000x32xf32, #tpu.memory_space<vmem_shared>> -> memref<400x32xf32, #tpu.memory_space<vmem_shared>>
          tpu.enqueue_dma source(%dma_start3A_44 : memref<400x32xf32, #tpu.memory_space<vmem_shared>>) target(%dma_start3A_42 : memref<400x32xf32, #tpu.memory_space<hbm>>) target_semaphore(%run_scoped3A : memref<!tpu.dma_semaphore, #tpu.memory_space<semaphore_mem>>)
          %dma_wait3A = arith.constant 0 : i32
          %dma_wait3A_45 = tpu.memref_slice %arg5[%arg0, %mul3A_40, %dma_wait3A] : memref<2x50000x32xf32, #tpu.memory_space<hbm>> -> memref<1x400x32xf32, #tpu.memory_space<hbm>>
          %dma_wait3A_46 = tpu.memref_squeeze %dma_wait3A_45 : memref<1x400x32xf32, #tpu.memory_space<hbm>> -> memref<400x32xf32, #tpu.memory_space<hbm>>
          %dma_wait3A_47 = arith.constant 0 : i32
          %dma_wait3A_48 = tpu.memref_slice %arg10[%mul3A_38, %dma_wait3A_47] : memref<50000x32xf32, #tpu.memory_space<vmem_shared>> -> memref<400x32xf32, #tpu.memory_space<vmem_shared>>
          tpu.wait_dma2 semaphore(%run_scoped3A : memref<!tpu.dma_semaphore, #tpu.memory_space<semaphore_mem>>) src(%dma_wait3A_48 : memref<400x32xf32, #tpu.memory_space<vmem_shared>>) dst(%dma_wait3A_46 : memref<400x32xf32, #tpu.memory_space<hbm>>)
          tpu.yield
        }) : () -> ()
      } else {
      }
      %scan3A_36 = arith.constant 0 : i32
      scf.yield %scan3A_36 : i32
    }
    %scan3A_28 = arith.constant 8 : i32
    return
  }
}

module attributes {stable_mosaic.version = 14 : i64} {
  func.func @_layer_a1_body(%arg0: i32, %arg1: memref<2000x96xf32, #tpu.memory_space<vmem>>, %arg2: memref<2000x32xf32, #tpu.memory_space<vmem>>, %arg3: memref<2000x32xf32, #tpu.memory_space<vmem>>, %arg4: memref<2000x32xf32, #tpu.memory_space<vmem>>, %arg5: memref<2000x32xf32, #tpu.memory_space<vmem>>, %arg6: memref<2000x32xf32, #tpu.memory_space<vmem>>, %arg7: memref<2000x32xf32, #tpu.memory_space<vmem>>, %arg8: memref<96x32xf32, #tpu.memory_space<vmem>>, %arg9: memref<1x32xf32, #tpu.memory_space<vmem>>, %arg10: memref<32x32xf32, #tpu.memory_space<vmem>>, %arg11: memref<1x32xf32, #tpu.memory_space<vmem>>, %arg12: memref<2000x32xf32, #tpu.memory_space<vmem>>, %arg13: memref<8x32xf32, #tpu.memory_space<vmem>>) attributes {dimension_semantics = [#tpu.dimension_semantics<arbitrary>], iteration_bounds = array<i64: 25>, scalar_prefetch = 0 : i64, scratch_operands = 0 : i64, tpu.core_type = #tpu.core_type<tc>, window_params = [{transform_indices = @transform_0, window_bounds = array<i64: 2000, 96>}, {transform_indices = @transform_1, window_bounds = array<i64: 2000, 32>}, {transform_indices = @transform_2, window_bounds = array<i64: 2000, 32>}, {transform_indices = @transform_3, window_bounds = array<i64: 2000, 32>}, {transform_indices = @transform_4, window_bounds = array<i64: 2000, 32>}, {transform_indices = @transform_5, window_bounds = array<i64: 2000, 32>}, {transform_indices = @transform_6, window_bounds = array<i64: 2000, 32>}, {pipeline_mode = #tpu.pipeline_mode<synchronous>, transform_indices = @transform_7, window_bounds = array<i64: 96, 32>}, {pipeline_mode = #tpu.pipeline_mode<synchronous>, transform_indices = @transform_8, window_bounds = array<i64: 1, 32>}, {pipeline_mode = #tpu.pipeline_mode<synchronous>, transform_indices = @transform_9, window_bounds = array<i64: 32, 32>}, {pipeline_mode = #tpu.pipeline_mode<synchronous>, transform_indices = @transform_10, window_bounds = array<i64: 1, 32>}, {transform_indices = @transform_11, window_bounds = array<i64: 2000, 32>}, {pipeline_mode = #tpu.pipeline_mode<synchronous>, transform_indices = @transform_12, window_bounds = array<i64: 8, 32>}]} {
    %get3A = arith.constant 0 : index
    %get3A_0 = arith.constant 0 : index
    %get3A_1 = vector.load %arg2[%get3A, %get3A_0] : memref<2000x32xf32, #tpu.memory_space<vmem>>, vector<2000x32xf32>
    %get3A_2 = arith.constant 0 : index
    %get3A_3 = arith.constant 0 : index
    %get3A_4 = vector.load %arg3[%get3A_2, %get3A_3] : memref<2000x32xf32, #tpu.memory_space<vmem>>, vector<2000x32xf32>
    %add3A = arith.addf %get3A_1, %get3A_4 : vector<2000x32xf32>
    %get3A_5 = arith.constant 0 : index
    %get3A_6 = arith.constant 0 : index
    %get3A_7 = vector.load %arg4[%get3A_5, %get3A_6] : memref<2000x32xf32, #tpu.memory_space<vmem>>, vector<2000x32xf32>
    %get3A_8 = arith.constant 0 : index
    %get3A_9 = arith.constant 0 : index
    %get3A_10 = vector.load %arg5[%get3A_8, %get3A_9] : memref<2000x32xf32, #tpu.memory_space<vmem>>, vector<2000x32xf32>
    %add3A_11 = arith.addf %get3A_7, %get3A_10 : vector<2000x32xf32>
    %get3A_12 = arith.constant 0 : index
    %get3A_13 = arith.constant 0 : index
    %get3A_14 = vector.load %arg6[%get3A_12, %get3A_13] : memref<2000x32xf32, #tpu.memory_space<vmem>>, vector<2000x32xf32>
    %get3A_15 = arith.constant 0 : index
    %get3A_16 = arith.constant 0 : index
    %get3A_17 = vector.load %arg7[%get3A_15, %get3A_16] : memref<2000x32xf32, #tpu.memory_space<vmem>>, vector<2000x32xf32>
    %add3A_18 = arith.addf %get3A_14, %get3A_17 : vector<2000x32xf32>
    %concatenate3A = tpu.concatenate %add3A, %add3A_11, %add3A_18 in 1 : vector<2000x32xf32>, vector<2000x32xf32>, vector<2000x32xf32> -> vector<2000x96xf32>
    %get3A_19 = arith.constant 0 : index
    %get3A_20 = arith.constant 0 : index
    %get3A_21 = vector.load %arg1[%get3A_19, %get3A_20] : memref<2000x96xf32, #tpu.memory_space<vmem>>, vector<2000x96xf32>
    %add3A_22 = arith.addf %get3A_21, %concatenate3A : vector<2000x96xf32>
    %get3A_23 = arith.constant 0 : index
    %get3A_24 = arith.constant 0 : index
    %get3A_25 = vector.load %arg8[%get3A_23, %get3A_24] : memref<96x32xf32, #tpu.memory_space<vmem>>, vector<96x32xf32>
    %dot_general3A = arith.constant dense<0.000000e+00> : vector<2000x32xf32>
    %dot_general3A_26 = tpu.matmul %add3A_22, %get3A_25, %dot_general3A {dimension_numbers = #tpu.dot_dimension_numbers<[1], [0], [0], [1], [0, 0, 1, 1], [], []>, transpose_lhs_hint = false} : vector<2000x96xf32>, vector<96x32xf32>, vector<2000x32xf32> -> vector<2000x32xf32>
    %get3A_27 = arith.constant 0 : index
    %get3A_28 = arith.constant 0 : index
    %get3A_29 = vector.load %arg9[%get3A_27, %get3A_28] : memref<1x32xf32, #tpu.memory_space<vmem>>, vector<1x32xf32>
    %add3A_30 = vector.broadcast %get3A_29 : vector<1x32xf32> to vector<2000x32xf32>
    %add3A_31 = arith.addf %dot_general3A_26, %add3A_30 : vector<2000x32xf32>
    %max3A = arith.constant 0.000000e+00 : f32
    %max3A_32 = vector.broadcast %max3A : f32 to vector<2000x32xf32>
    %max3A_33 = arith.maximumf %add3A_31, %max3A_32 : vector<2000x32xf32>
    %get3A_34 = arith.constant 0 : index
    %get3A_35 = arith.constant 0 : index
    %get3A_36 = vector.load %arg10[%get3A_34, %get3A_35] : memref<32x32xf32, #tpu.memory_space<vmem>>, vector<32x32xf32>
    %dot_general3A_37 = arith.constant dense<0.000000e+00> : vector<2000x32xf32>
    %dot_general3A_38 = tpu.matmul %max3A_33, %get3A_36, %dot_general3A_37 {dimension_numbers = #tpu.dot_dimension_numbers<[1], [0], [0], [1], [0, 0, 1, 1], [], []>, transpose_lhs_hint = false} : vector<2000x32xf32>, vector<32x32xf32>, vector<2000x32xf32> -> vector<2000x32xf32>
    %get3A_39 = arith.constant 0 : index
    %get3A_40 = arith.constant 0 : index
    %get3A_41 = vector.load %arg11[%get3A_39, %get3A_40] : memref<1x32xf32, #tpu.memory_space<vmem>>, vector<1x32xf32>
    %add3A_42 = vector.broadcast %get3A_41 : vector<1x32xf32> to vector<2000x32xf32>
    %add3A_43 = arith.addf %dot_general3A_38, %add3A_42 : vector<2000x32xf32>
    %max3A_44 = arith.constant 0.000000e+00 : f32
    %max3A_45 = vector.broadcast %max3A_44 : f32 to vector<2000x32xf32>
    %max3A_46 = arith.maximumf %add3A_43, %max3A_45 : vector<2000x32xf32>
    %swap3A = arith.constant 0 : index
    %swap3A_47 = arith.constant 0 : index
    %swap3A_48 = vector.load %arg12[%swap3A, %swap3A_47] : memref<2000x32xf32, #tpu.memory_space<vmem>>, vector<2000x32xf32>
    tpu.vector_store %arg12[%swap3A, %swap3A_47], %max3A_46 {strides = array<i32>} : memref<2000x32xf32, #tpu.memory_space<vmem>>, vector<2000x32xf32>,
    %eq3A = arith.constant 0 : i32
    %eq3A_49 = arith.cmpi eq, %arg0, %eq3A : i32
    %convert_element_type3A = arith.extui %eq3A_49 : i1 to i32
    %cond3A = arith.constant 0 : i32
    %cond3A_50 = arith.cmpi ne, %convert_element_type3A, %cond3A : i32
    scf.if %cond3A_50 {
      %broadcast_in_dim3A_69 = arith.constant 0.000000e+00 : f32
      %broadcast_in_dim3A_70 = vector.broadcast %broadcast_in_dim3A_69 : f32 to vector<8x32xf32>
      %swap3A_71 = arith.constant 0 : index
      %swap3A_72 = arith.constant 0 : index
      %swap3A_73 = vector.load %arg13[%swap3A_71, %swap3A_72] : memref<8x32xf32, #tpu.memory_space<vmem>>, vector<8x32xf32>
      tpu.vector_store %arg13[%swap3A_71, %swap3A_72], %broadcast_in_dim3A_70 {strides = array<i32>} : memref<8x32xf32, #tpu.memory_space<vmem>>, vector<8x32xf32>,
    } else {
    }
    %get3A_51 = arith.constant 0 : index
    %get3A_52 = arith.constant 0 : index
    %get3A_53 = vector.load %arg13[%get3A_51, %get3A_52] : memref<8x32xf32, #tpu.memory_space<vmem>>, vector<1x32xf32>
    %reduce_sum3A = arith.constant dense<0.000000e+00> : vector<32xf32>
    %reduce_sum3A_54 = vector.multi_reduction <add>, %max3A_46, %reduce_sum3A [0] : vector<2000x32xf32> to vector<32xf32>
    %broadcast_in_dim3A = vector.shape_cast %reduce_sum3A_54 : vector<32xf32> to vector<1x32xf32>
    %add3A_55 = arith.addf %get3A_53, %broadcast_in_dim3A : vector<1x32xf32>
    %swap3A_56 = arith.constant 0 : index
    %swap3A_57 = arith.constant 0 : index
    %swap3A_58 = vector.load %arg13[%swap3A_56, %swap3A_57] : memref<8x32xf32, #tpu.memory_space<vmem>>, vector<1x32xf32>
    tpu.vector_store %arg13[%swap3A_56, %swap3A_57], %add3A_55 {strides = array<i32>} : memref<8x32xf32, #tpu.memory_space<vmem>>, vector<1x32xf32>,
    %get3A_59 = arith.constant 1 : index
    %get3A_60 = arith.constant 0 : index
    %get3A_61 = vector.load %arg13[%get3A_59, %get3A_60] : memref<8x32xf32, #tpu.memory_space<vmem>>, vector<1x32xf32>
    %mul3A = arith.mulf %max3A_46, %max3A_46 : vector<2000x32xf32>
    %reduce_sum3A_62 = arith.constant dense<0.000000e+00> : vector<32xf32>
    %reduce_sum3A_63 = vector.multi_reduction <add>, %mul3A, %reduce_sum3A_62 [0] : vector<2000x32xf32> to vector<32xf32>
    %broadcast_in_dim3A_64 = vector.shape_cast %reduce_sum3A_63 : vector<32xf32> to vector<1x32xf32>
    %add3A_65 = arith.addf %get3A_61, %broadcast_in_dim3A_64 : vector<1x32xf32>
    %swap3A_66 = arith.constant 1 : index
    %swap3A_67 = arith.constant 0 : index
    %swap3A_68 = vector.load %arg13[%swap3A_66, %swap3A_67] : memref<8x32xf32, #tpu.memory_space<vmem>>, vector<1x32xf32>
    tpu.vector_store %arg13[%swap3A_66, %swap3A_67], %add3A_65 {strides = array<i32>} : memref<8x32xf32, #tpu.memory_space<vmem>>, vector<1x32xf32>,
    return
  }
  func.func @transform_0(%arg0: i32) -> (i32, i32) {
    %c0_i32 = arith.constant 0 : i32
    %c0_i32_0 = arith.constant 0 : i32
    return %arg0, %c0_i32 : i32, i32
  }
  func.func @transform_1(%arg0: i32) -> (i32, i32) {
    %c0_i32 = arith.constant 0 : i32
    %c0_i32_0 = arith.constant 0 : i32
    return %arg0, %c0_i32 : i32, i32
  }
  func.func @transform_2(%arg0: i32) -> (i32, i32) {
    %c0_i32 = arith.constant 0 : i32
    %c0_i32_0 = arith.constant 0 : i32
    return %arg0, %c0_i32 : i32, i32
  }
  func.func @transform_3(%arg0: i32) -> (i32, i32) {
    %c0_i32 = arith.constant 0 : i32
    %c0_i32_0 = arith.constant 0 : i32
    return %arg0, %c0_i32 : i32, i32
  }
  func.func @transform_4(%arg0: i32) -> (i32, i32) {
    %c0_i32 = arith.constant 0 : i32
    %c0_i32_0 = arith.constant 0 : i32
    return %arg0, %c0_i32 : i32, i32
  }
  func.func @transform_5(%arg0: i32) -> (i32, i32) {
    %c0_i32 = arith.constant 0 : i32
    %c0_i32_0 = arith.constant 0 : i32
    return %arg0, %c0_i32 : i32, i32
  }
  func.func @transform_6(%arg0: i32) -> (i32, i32) {
    %c0_i32 = arith.constant 0 : i32
    %c0_i32_0 = arith.constant 0 : i32
    return %arg0, %c0_i32 : i32, i32
  }
  func.func @transform_7(%arg0: i32) -> (i32, i32) {
    %c0_i32 = arith.constant 0 : i32
    %c0_i32_0 = arith.constant 0 : i32
    %c0_i32_1 = arith.constant 0 : i32
    return %c0_i32, %c0_i32_0 : i32, i32
  }
  func.func @transform_8(%arg0: i32) -> (i32, i32) {
    %c0_i32 = arith.constant 0 : i32
    %c0_i32_0 = arith.constant 0 : i32
    %c0_i32_1 = arith.constant 0 : i32
    return %c0_i32, %c0_i32_0 : i32, i32
  }
  func.func @transform_9(%arg0: i32) -> (i32, i32) {
    %c0_i32 = arith.constant 0 : i32
    %c0_i32_0 = arith.constant 0 : i32
    %c0_i32_1 = arith.constant 0 : i32
    return %c0_i32, %c0_i32_0 : i32, i32
  }
  func.func @transform_10(%arg0: i32) -> (i32, i32) {
    %c0_i32 = arith.constant 0 : i32
    %c0_i32_0 = arith.constant 0 : i32
    %c0_i32_1 = arith.constant 0 : i32
    return %c0_i32, %c0_i32_0 : i32, i32
  }
  func.func @transform_11(%arg0: i32) -> (i32, i32) {
    %c0_i32 = arith.constant 0 : i32
    %c0_i32_0 = arith.constant 0 : i32
    return %arg0, %c0_i32 : i32, i32
  }
  func.func @transform_12(%arg0: i32) -> (i32, i32) {
    %c0_i32 = arith.constant 0 : i32
    %c0_i32_0 = arith.constant 0 : i32
    %c0_i32_1 = arith.constant 0 : i32
    return %c0_i32, %c0_i32_0 : i32, i32
  }
}

module attributes {stable_mosaic.version = 14 : i64} {
  func.func @_layer_b_body(%arg0: i32, %arg1: memref<2000x32xf32, #tpu.memory_space<vmem>>, %arg2: memref<8x32xf32, #tpu.memory_space<vmem>>, %arg3: memref<1x32xf32, #tpu.memory_space<vmem>>, %arg4: memref<1x32xf32, #tpu.memory_space<vmem>>, %arg5: memref<2000x32xf32, #tpu.memory_space<vmem>>) attributes {dimension_semantics = [#tpu.dimension_semantics<arbitrary>], iteration_bounds = array<i64: 25>, scalar_prefetch = 0 : i64, scratch_operands = 0 : i64, tpu.core_type = #tpu.core_type<tc>, window_params = [{transform_indices = @transform_0, window_bounds = array<i64: 2000, 32>}, {pipeline_mode = #tpu.pipeline_mode<synchronous>, transform_indices = @transform_1, window_bounds = array<i64: 8, 32>}, {pipeline_mode = #tpu.pipeline_mode<synchronous>, transform_indices = @transform_2, window_bounds = array<i64: 1, 32>}, {pipeline_mode = #tpu.pipeline_mode<synchronous>, transform_indices = @transform_3, window_bounds = array<i64: 1, 32>}, {transform_indices = @transform_4, window_bounds = array<i64: 2000, 32>}]} {
    %get3A = arith.constant 0 : index
    %get3A_0 = arith.constant 0 : index
    %get3A_1 = vector.load %arg2[%get3A, %get3A_0] : memref<8x32xf32, #tpu.memory_space<vmem>>, vector<1x32xf32>
    %mul3A = arith.constant 2.000000e-05 : f32
    %mul3A_2 = vector.broadcast %mul3A : f32 to vector<1x32xf32>
    %mul3A_3 = arith.mulf %get3A_1, %mul3A_2 : vector<1x32xf32>
    %get3A_4 = arith.constant 1 : index
    %get3A_5 = arith.constant 0 : index
    %get3A_6 = vector.load %arg2[%get3A_4, %get3A_5] : memref<8x32xf32, #tpu.memory_space<vmem>>, vector<1x32xf32>
    %mul3A_7 = arith.constant 2.000000e-05 : f32
    %mul3A_8 = vector.broadcast %mul3A_7 : f32 to vector<1x32xf32>
    %mul3A_9 = arith.mulf %get3A_6, %mul3A_8 : vector<1x32xf32>
    %mul3A_10 = arith.mulf %mul3A_3, %mul3A_3 : vector<1x32xf32>
    %sub3A = arith.subf %mul3A_9, %mul3A_10 : vector<1x32xf32>
    %get3A_11 = arith.constant 0 : index
    %get3A_12 = arith.constant 0 : index
    %get3A_13 = vector.load %arg3[%get3A_11, %get3A_12] : memref<1x32xf32, #tpu.memory_space<vmem>>, vector<1x32xf32>
    %add3A = arith.constant 9.99999974E-6 : f32
    %add3A_14 = vector.broadcast %add3A : f32 to vector<1x32xf32>
    %add3A_15 = arith.addf %sub3A, %add3A_14 : vector<1x32xf32>
    %rsqrt3A = math.rsqrt %add3A_15 : vector<1x32xf32>
    %mul3A_16 = arith.mulf %get3A_13, %rsqrt3A : vector<1x32xf32>
    %get3A_17 = arith.constant 0 : index
    %get3A_18 = arith.constant 0 : index
    %get3A_19 = vector.load %arg4[%get3A_17, %get3A_18] : memref<1x32xf32, #tpu.memory_space<vmem>>, vector<1x32xf32>
    %mul3A_20 = arith.mulf %mul3A_3, %mul3A_16 : vector<1x32xf32>
    %sub3A_21 = arith.subf %get3A_19, %mul3A_20 : vector<1x32xf32>
    %get3A_22 = arith.constant 0 : index
    %get3A_23 = arith.constant 0 : index
    %get3A_24 = vector.load %arg1[%get3A_22, %get3A_23] : memref<2000x32xf32, #tpu.memory_space<vmem>>, vector<2000x32xf32>
    %mul3A_25 = vector.broadcast %mul3A_16 : vector<1x32xf32> to vector<2000x32xf32>
    %mul3A_26 = arith.mulf %get3A_24, %mul3A_25 : vector<2000x32xf32>
    %add3A_27 = vector.broadcast %sub3A_21 : vector<1x32xf32> to vector<2000x32xf32>
    %add3A_28 = arith.addf %mul3A_26, %add3A_27 : vector<2000x32xf32>
    %swap3A = arith.constant 0 : index
    %swap3A_29 = arith.constant 0 : index
    %swap3A_30 = vector.load %arg5[%swap3A, %swap3A_29] : memref<2000x32xf32, #tpu.memory_space<vmem>>, vector<2000x32xf32>
    tpu.vector_store %arg5[%swap3A, %swap3A_29], %add3A_28 {strides = array<i32>} : memref<2000x32xf32, #tpu.memory_space<vmem>>, vector<2000x32xf32>,
    return
  }
  func.func @transform_0(%arg0: i32) -> (i32, i32) {
    %c0_i32 = arith.constant 0 : i32
    %c0_i32_0 = arith.constant 0 : i32
    return %arg0, %c0_i32 : i32, i32
  }
  func.func @transform_1(%arg0: i32) -> (i32, i32) {
    %c0_i32 = arith.constant 0 : i32
    %c0_i32_0 = arith.constant 0 : i32
    %c0_i32_1 = arith.constant 0 : i32
    return %c0_i32, %c0_i32_0 : i32, i32
  }
  func.func @transform_2(%arg0: i32) -> (i32, i32) {
    %c0_i32 = arith.constant 0 : i32
    %c0_i32_0 = arith.constant 0 : i32
    %c0_i32_1 = arith.constant 0 : i32
    return %c0_i32, %c0_i32_0 : i32, i32
  }
  func.func @transform_3(%arg0: i32) -> (i32, i32) {
    %c0_i32 = arith.constant 0 : i32
    %c0_i32_0 = arith.constant 0 : i32
    %c0_i32_1 = arith.constant 0 : i32
    return %c0_i32, %c0_i32_0 : i32, i32
  }
  func.func @transform_4(%arg0: i32) -> (i32, i32) {
    %c0_i32 = arith.constant 0 : i32
    %c0_i32_0 = arith.constant 0 : i32
    return %arg0, %c0_i32 : i32, i32
  }
}

module attributes {stable_mosaic.version = 14 : i64} {
  func.func @_layer_a_body(%arg0: i32, %arg1: memref<2000x32xf32, #tpu.memory_space<vmem>>, %arg2: memref<2000x32xf32, #tpu.memory_space<vmem>>, %arg3: memref<2000x32xf32, #tpu.memory_space<vmem>>, %arg4: memref<32x32xf32, #tpu.memory_space<vmem>>, %arg5: memref<1x32xf32, #tpu.memory_space<vmem>>, %arg6: memref<32x32xf32, #tpu.memory_space<vmem>>, %arg7: memref<1x32xf32, #tpu.memory_space<vmem>>, %arg8: memref<2000x32xf32, #tpu.memory_space<vmem>>, %arg9: memref<8x32xf32, #tpu.memory_space<vmem>>) attributes {dimension_semantics = [#tpu.dimension_semantics<arbitrary>], iteration_bounds = array<i64: 25>, scalar_prefetch = 0 : i64, scratch_operands = 0 : i64, tpu.core_type = #tpu.core_type<tc>, window_params = [{transform_indices = @transform_0, window_bounds = array<i64: 2000, 32>}, {transform_indices = @transform_1, window_bounds = array<i64: 2000, 32>}, {transform_indices = @transform_2, window_bounds = array<i64: 2000, 32>}, {pipeline_mode = #tpu.pipeline_mode<synchronous>, transform_indices = @transform_3, window_bounds = array<i64: 32, 32>}, {pipeline_mode = #tpu.pipeline_mode<synchronous>, transform_indices = @transform_4, window_bounds = array<i64: 1, 32>}, {pipeline_mode = #tpu.pipeline_mode<synchronous>, transform_indices = @transform_5, window_bounds = array<i64: 32, 32>}, {pipeline_mode = #tpu.pipeline_mode<synchronous>, transform_indices = @transform_6, window_bounds = array<i64: 1, 32>}, {transform_indices = @transform_7, window_bounds = array<i64: 2000, 32>}, {pipeline_mode = #tpu.pipeline_mode<synchronous>, transform_indices = @transform_8, window_bounds = array<i64: 8, 32>}]} {
    %get3A = arith.constant 0 : index
    %get3A_0 = arith.constant 0 : index
    %get3A_1 = vector.load %arg1[%get3A, %get3A_0] : memref<2000x32xf32, #tpu.memory_space<vmem>>, vector<2000x32xf32>
    %get3A_2 = arith.constant 0 : index
    %get3A_3 = arith.constant 0 : index
    %get3A_4 = vector.load %arg2[%get3A_2, %get3A_3] : memref<2000x32xf32, #tpu.memory_space<vmem>>, vector<2000x32xf32>
    %add3A = arith.addf %get3A_1, %get3A_4 : vector<2000x32xf32>
    %get3A_5 = arith.constant 0 : index
    %get3A_6 = arith.constant 0 : index
    %get3A_7 = vector.load %arg3[%get3A_5, %get3A_6] : memref<2000x32xf32, #tpu.memory_space<vmem>>, vector<2000x32xf32>
    %add3A_8 = arith.addf %add3A, %get3A_7 : vector<2000x32xf32>
    %get3A_9 = arith.constant 0 : index
    %get3A_10 = arith.constant 0 : index
    %get3A_11 = vector.load %arg4[%get3A_9, %get3A_10] : memref<32x32xf32, #tpu.memory_space<vmem>>, vector<32x32xf32>
    %dot_general3A = arith.constant dense<0.000000e+00> : vector<2000x32xf32>
    %dot_general3A_12 = tpu.matmul %add3A_8, %get3A_11, %dot_general3A {dimension_numbers = #tpu.dot_dimension_numbers<[1], [0], [0], [1], [0, 0, 1, 1], [], []>, transpose_lhs_hint = false} : vector<2000x32xf32>, vector<32x32xf32>, vector<2000x32xf32> -> vector<2000x32xf32>
    %get3A_13 = arith.constant 0 : index
    %get3A_14 = arith.constant 0 : index
    %get3A_15 = vector.load %arg5[%get3A_13, %get3A_14] : memref<1x32xf32, #tpu.memory_space<vmem>>, vector<1x32xf32>
    %add3A_16 = vector.broadcast %get3A_15 : vector<1x32xf32> to vector<2000x32xf32>
    %add3A_17 = arith.addf %dot_general3A_12, %add3A_16 : vector<2000x32xf32>
    %max3A = arith.constant 0.000000e+00 : f32
    %max3A_18 = vector.broadcast %max3A : f32 to vector<2000x32xf32>
    %max3A_19 = arith.maximumf %add3A_17, %max3A_18 : vector<2000x32xf32>
    %get3A_20 = arith.constant 0 : index
    %get3A_21 = arith.constant 0 : index
    %get3A_22 = vector.load %arg6[%get3A_20, %get3A_21] : memref<32x32xf32, #tpu.memory_space<vmem>>, vector<32x32xf32>
    %dot_general3A_23 = arith.constant dense<0.000000e+00> : vector<2000x32xf32>
    %dot_general3A_24 = tpu.matmul %max3A_19, %get3A_22, %dot_general3A_23 {dimension_numbers = #tpu.dot_dimension_numbers<[1], [0], [0], [1], [0, 0, 1, 1], [], []>, transpose_lhs_hint = false} : vector<2000x32xf32>, vector<32x32xf32>, vector<2000x32xf32> -> vector<2000x32xf32>
    %get3A_25 = arith.constant 0 : index
    %get3A_26 = arith.constant 0 : index
    %get3A_27 = vector.load %arg7[%get3A_25, %get3A_26] : memref<1x32xf32, #tpu.memory_space<vmem>>, vector<1x32xf32>
    %add3A_28 = vector.broadcast %get3A_27 : vector<1x32xf32> to vector<2000x32xf32>
    %add3A_29 = arith.addf %dot_general3A_24, %add3A_28 : vector<2000x32xf32>
    %max3A_30 = arith.constant 0.000000e+00 : f32
    %max3A_31 = vector.broadcast %max3A_30 : f32 to vector<2000x32xf32>
    %max3A_32 = arith.maximumf %add3A_29, %max3A_31 : vector<2000x32xf32>
    %swap3A = arith.constant 0 : index
    %swap3A_33 = arith.constant 0 : index
    %swap3A_34 = vector.load %arg8[%swap3A, %swap3A_33] : memref<2000x32xf32, #tpu.memory_space<vmem>>, vector<2000x32xf32>
    tpu.vector_store %arg8[%swap3A, %swap3A_33], %max3A_32 {strides = array<i32>} : memref<2000x32xf32, #tpu.memory_space<vmem>>, vector<2000x32xf32>,
    %eq3A = arith.constant 0 : i32
    %eq3A_35 = arith.cmpi eq, %arg0, %eq3A : i32
    %convert_element_type3A = arith.extui %eq3A_35 : i1 to i32
    %cond3A = arith.constant 0 : i32
    %cond3A_36 = arith.cmpi ne, %convert_element_type3A, %cond3A : i32
    scf.if %cond3A_36 {
      %broadcast_in_dim3A_55 = arith.constant 0.000000e+00 : f32
      %broadcast_in_dim3A_56 = vector.broadcast %broadcast_in_dim3A_55 : f32 to vector<8x32xf32>
      %swap3A_57 = arith.constant 0 : index
      %swap3A_58 = arith.constant 0 : index
      %swap3A_59 = vector.load %arg9[%swap3A_57, %swap3A_58] : memref<8x32xf32, #tpu.memory_space<vmem>>, vector<8x32xf32>
      tpu.vector_store %arg9[%swap3A_57, %swap3A_58], %broadcast_in_dim3A_56 {strides = array<i32>} : memref<8x32xf32, #tpu.memory_space<vmem>>, vector<8x32xf32>,
    } else {
    }
    %get3A_37 = arith.constant 0 : index
    %get3A_38 = arith.constant 0 : index
    %get3A_39 = vector.load %arg9[%get3A_37, %get3A_38] : memref<8x32xf32, #tpu.memory_space<vmem>>, vector<1x32xf32>
    %reduce_sum3A = arith.constant dense<0.000000e+00> : vector<32xf32>
    %reduce_sum3A_40 = vector.multi_reduction <add>, %max3A_32, %reduce_sum3A [0] : vector<2000x32xf32> to vector<32xf32>
    %broadcast_in_dim3A = vector.shape_cast %reduce_sum3A_40 : vector<32xf32> to vector<1x32xf32>
    %add3A_41 = arith.addf %get3A_39, %broadcast_in_dim3A : vector<1x32xf32>
    %swap3A_42 = arith.constant 0 : index
    %swap3A_43 = arith.constant 0 : index
    %swap3A_44 = vector.load %arg9[%swap3A_42, %swap3A_43] : memref<8x32xf32, #tpu.memory_space<vmem>>, vector<1x32xf32>
    tpu.vector_store %arg9[%swap3A_42, %swap3A_43], %add3A_41 {strides = array<i32>} : memref<8x32xf32, #tpu.memory_space<vmem>>, vector<1x32xf32>,
    %get3A_45 = arith.constant 1 : index
    %get3A_46 = arith.constant 0 : index
    %get3A_47 = vector.load %arg9[%get3A_45, %get3A_46] : memref<8x32xf32, #tpu.memory_space<vmem>>, vector<1x32xf32>
    %mul3A = arith.mulf %max3A_32, %max3A_32 : vector<2000x32xf32>
    %reduce_sum3A_48 = arith.constant dense<0.000000e+00> : vector<32xf32>
    %reduce_sum3A_49 = vector.multi_reduction <add>, %mul3A, %reduce_sum3A_48 [0] : vector<2000x32xf32> to vector<32xf32>
    %broadcast_in_dim3A_50 = vector.shape_cast %reduce_sum3A_49 : vector<32xf32> to vector<1x32xf32>
    %add3A_51 = arith.addf %get3A_47, %broadcast_in_dim3A_50 : vector<1x32xf32>
    %swap3A_52 = arith.constant 1 : index
    %swap3A_53 = arith.constant 0 : index
    %swap3A_54 = vector.load %arg9[%swap3A_52, %swap3A_53] : memref<8x32xf32, #tpu.memory_space<vmem>>, vector<1x32xf32>
    tpu.vector_store %arg9[%swap3A_52, %swap3A_53], %add3A_51 {strides = array<i32>} : memref<8x32xf32, #tpu.memory_space<vmem>>, vector<1x32xf32>,
    return
  }
  func.func @transform_0(%arg0: i32) -> (i32, i32) {
    %c0_i32 = arith.constant 0 : i32
    %c0_i32_0 = arith.constant 0 : i32
    return %arg0, %c0_i32 : i32, i32
  }
  func.func @transform_1(%arg0: i32) -> (i32, i32) {
    %c0_i32 = arith.constant 0 : i32
    %c0_i32_0 = arith.constant 0 : i32
    return %arg0, %c0_i32 : i32, i32
  }
  func.func @transform_2(%arg0: i32) -> (i32, i32) {
    %c0_i32 = arith.constant 0 : i32
    %c0_i32_0 = arith.constant 0 : i32
    return %arg0, %c0_i32 : i32, i32
  }
  func.func @transform_3(%arg0: i32) -> (i32, i32) {
    %c0_i32 = arith.constant 0 : i32
    %c0_i32_0 = arith.constant 0 : i32
    %c0_i32_1 = arith.constant 0 : i32
    return %c0_i32, %c0_i32_0 : i32, i32
  }
  func.func @transform_4(%arg0: i32) -> (i32, i32) {
    %c0_i32 = arith.constant 0 : i32
    %c0_i32_0 = arith.constant 0 : i32
    %c0_i32_1 = arith.constant 0 : i32
    return %c0_i32, %c0_i32_0 : i32, i32
  }
  func.func @transform_5(%arg0: i32) -> (i32, i32) {
    %c0_i32 = arith.constant 0 : i32
    %c0_i32_0 = arith.constant 0 : i32
    %c0_i32_1 = arith.constant 0 : i32
    return %c0_i32, %c0_i32_0 : i32, i32
  }
  func.func @transform_6(%arg0: i32) -> (i32, i32) {
    %c0_i32 = arith.constant 0 : i32
    %c0_i32_0 = arith.constant 0 : i32
    %c0_i32_1 = arith.constant 0 : i32
    return %c0_i32, %c0_i32_0 : i32, i32
  }
  func.func @transform_7(%arg0: i32) -> (i32, i32) {
    %c0_i32 = arith.constant 0 : i32
    %c0_i32_0 = arith.constant 0 : i32
    return %arg0, %c0_i32 : i32, i32
  }
  func.func @transform_8(%arg0: i32) -> (i32, i32) {
    %c0_i32 = arith.constant 0 : i32
    %c0_i32_0 = arith.constant 0 : i32
    %c0_i32_1 = arith.constant 0 : i32
    return %c0_i32, %c0_i32_0 : i32, i32
  }
}

module attributes {stable_mosaic.version = 14 : i64} {
  func.func @_conv_body(%arg0: i32, %arg1: memref<1x1x1000xi32, #tpu.memory_space<vmem>>, %arg2: memref<32x128xf32, #tpu.memory_space<vmem>>, %arg3: memref<256x1000xf32, #tpu.memory_space<vmem>>, %arg4: memref<32x1xf32, #tpu.memory_space<vmem>>, %arg5: memref<1x32x128xf32, #tpu.memory_space<vmem>>) attributes {dimension_semantics = [#tpu.dimension_semantics<arbitrary>], iteration_bounds = array<i64: 128>, scalar_prefetch = 0 : i64, scratch_operands = 0 : i64, tpu.core_type = #tpu.core_type<tc>, window_params = [{transform_indices = @transform_0, window_bounds = array<i64: 1, 1, 1000>}, {pipeline_mode = #tpu.pipeline_mode<synchronous>, transform_indices = @transform_1, window_bounds = array<i64: 32, 128>}, {pipeline_mode = #tpu.pipeline_mode<synchronous>, transform_indices = @transform_2, window_bounds = array<i64: 256, 1000>}, {pipeline_mode = #tpu.pipeline_mode<synchronous>, transform_indices = @transform_3, window_bounds = array<i64: 32, 1>}, {transform_indices = @transform_4, window_bounds = array<i64: 1, 32, 128>}]} {
    %iota3A = tpu.iota {dimensions = array<i32: 0>} : vector<32x1000xi32>
    %get3A = arith.constant 0 : index
    %get3A_0 = arith.constant 0 : index
    %get3A_1 = arith.constant 0 : index
    %get3A_2 = vector.load %arg1[%get3A, %get3A_0, %get3A_1] : memref<1x1x1000xi32, #tpu.memory_space<vmem>>, vector<1x1x1000xi32>
    %get3A_3 = vector.shape_cast %get3A_2 : vector<1x1x1000xi32> to vector<1x1000xi32>
    %eq3A = vector.broadcast %get3A_3 : vector<1x1000xi32> to vector<32x1000xi32>
    %eq3A_4 = arith.cmpi eq, %iota3A, %eq3A : vector<32x1000xi32>
    %convert_element_type3A = arith.extui %eq3A_4 : vector<32x1000xi1> to vector<32x1000xi32>
    %convert_element_type3A_5 = arith.sitofp %convert_element_type3A : vector<32x1000xi32> to vector<32x1000xf32>
    %get3A_6 = arith.constant 0 : index
    %get3A_7 = arith.constant 0 : index
    %get3A_8 = vector.load %arg3[%get3A_6, %get3A_7] : memref<256x1000xf32, #tpu.memory_space<vmem>>, vector<256x1000xf32>
    %dot_general3A = arith.constant dense<0.000000e+00> : vector<256x32xf32>
    %dot_general3A_9 = tpu.matmul %get3A_8, %convert_element_type3A_5, %dot_general3A {dimension_numbers = #tpu.dot_dimension_numbers<[1], [1], [0], [0], [0, 0, 1, 0], [], []>, precision = #tpu.contract_precision<fp32>, transpose_lhs_hint = false} : vector<256x1000xf32>, vector<32x1000xf32>, vector<256x32xf32> -> vector<256x32xf32>
    %get3A_10 = arith.constant 0 : index
    %get3A_11 = arith.constant 0 : index
    %get3A_12 = vector.load %arg2[%get3A_10, %get3A_11] : memref<32x128xf32, #tpu.memory_space<vmem>>, vector<32x128xf32>
    %dot_general3A_13 = arith.constant dense<0.000000e+00> : vector<256x128xf32>
    %dot_general3A_14 = tpu.matmul %dot_general3A_9, %get3A_12, %dot_general3A_13 {dimension_numbers = #tpu.dot_dimension_numbers<[1], [0], [0], [1], [0, 0, 1, 1], [], []>, precision = #tpu.contract_precision<fp32>, transpose_lhs_hint = false} : vector<256x32xf32>, vector<32x128xf32>, vector<256x128xf32> -> vector<256x128xf32>
    %iota3A_15 = tpu.iota {dimensions = array<i32: 0>} : vector<128x128xi32>
    %iota3A_16 = tpu.iota {dimensions = array<i32: 1>} : vector<128x128xi32>
    %get3A_17 = arith.constant 0 : index
    %get3A_18 = arith.constant 0 : index
    %get3A_19 = vector.load %arg4[%get3A_17, %get3A_18] : memref<32x1xf32, #tpu.memory_space<vmem>>, vector<32x1xf32>
    %broadcast_in_dim3A = vector.shape_cast %get3A_19 : vector<32x1xf32> to vector<32x1xf32>
    %broadcast_in_dim3A_20 = vector.broadcast %broadcast_in_dim3A : vector<32x1xf32> to vector<32x128xf32>
    %add3A = arith.constant 0 : i32
    %add3A_21 = vector.broadcast %add3A : i32 to vector<128x128xi32>
    %add3A_22 = arith.addi %iota3A_16, %add3A_21 : vector<128x128xi32>
    %eq3A_23 = arith.cmpi eq, %iota3A_15, %add3A_22 : vector<128x128xi32>
    %lt3A = arith.constant 121 : i32
    %lt3A_24 = vector.broadcast %lt3A : i32 to vector<128x128xi32>
    %lt3A_25 = arith.cmpi slt, %iota3A_16, %lt3A_24 : vector<128x128xi32>
    %and3A = arith.andi %eq3A_23, %lt3A_25 : vector<128x128xi1>
    %convert_element_type3A_26 = arith.extui %and3A : vector<128x128xi1> to vector<128x128xi32>
    %convert_element_type3A_27 = arith.sitofp %convert_element_type3A_26 : vector<128x128xi32> to vector<128x128xf32>
    %slice3A = vector.extract_strided_slice %dot_general3A_14 {offsets = [0, 0], sizes = [32, 128], strides = [1, 1]} : vector<256x128xf32> to vector<32x128xf32>
    %dot_general3A_28 = arith.constant dense<0.000000e+00> : vector<32x128xf32>
    %dot_general3A_29 = tpu.matmul %slice3A, %convert_element_type3A_27, %dot_general3A_28 {dimension_numbers = #tpu.dot_dimension_numbers<[1], [0], [0], [1], [0, 0, 1, 1], [], []>, precision = #tpu.contract_precision<fp32>, transpose_lhs_hint = false} : vector<32x128xf32>, vector<128x128xf32>, vector<32x128xf32> -> vector<32x128xf32>
    %add3A_30 = arith.addf %broadcast_in_dim3A_20, %dot_general3A_29 : vector<32x128xf32>
    %add3A_31 = arith.constant 1 : i32
    %add3A_32 = vector.broadcast %add3A_31 : i32 to vector<128x128xi32>
    %add3A_33 = arith.addi %iota3A_16, %add3A_32 : vector<128x128xi32>
    %eq3A_34 = arith.cmpi eq, %iota3A_15, %add3A_33 : vector<128x128xi32>
    %lt3A_35 = arith.constant 121 : i32
    %lt3A_36 = vector.broadcast %lt3A_35 : i32 to vector<128x128xi32>
    %lt3A_37 = arith.cmpi slt, %iota3A_16, %lt3A_36 : vector<128x128xi32>
    %and3A_38 = arith.andi %eq3A_34, %lt3A_37 : vector<128x128xi1>
    %convert_element_type3A_39 = arith.extui %and3A_38 : vector<128x128xi1> to vector<128x128xi32>
    %convert_element_type3A_40 = arith.sitofp %convert_element_type3A_39 : vector<128x128xi32> to vector<128x128xf32>
    %slice3A_41 = vector.extract_strided_slice %dot_general3A_14 {offsets = [32, 0], sizes = [32, 128], strides = [1, 1]} : vector<256x128xf32> to vector<32x128xf32>
    %dot_general3A_42 = arith.constant dense<0.000000e+00> : vector<32x128xf32>
    %dot_general3A_43 = tpu.matmul %slice3A_41, %convert_element_type3A_40, %dot_general3A_42 {dimension_numbers = #tpu.dot_dimension_numbers<[1], [0], [0], [1], [0, 0, 1, 1], [], []>, precision = #tpu.contract_precision<fp32>, transpose_lhs_hint = false} : vector<32x128xf32>, vector<128x128xf32>, vector<32x128xf32> -> vector<32x128xf32>
    %add3A_44 = arith.addf %add3A_30, %dot_general3A_43 : vector<32x128xf32>
    %add3A_45 = arith.constant 2 : i32
    %add3A_46 = vector.broadcast %add3A_45 : i32 to vector<128x128xi32>
    %add3A_47 = arith.addi %iota3A_16, %add3A_46 : vector<128x128xi32>
    %eq3A_48 = arith.cmpi eq, %iota3A_15, %add3A_47 : vector<128x128xi32>
    %lt3A_49 = arith.constant 121 : i32
    %lt3A_50 = vector.broadcast %lt3A_49 : i32 to vector<128x128xi32>
    %lt3A_51 = arith.cmpi slt, %iota3A_16, %lt3A_50 : vector<128x128xi32>
    %and3A_52 = arith.andi %eq3A_48, %lt3A_51 : vector<128x128xi1>
    %convert_element_type3A_53 = arith.extui %and3A_52 : vector<128x128xi1> to vector<128x128xi32>
    %convert_element_type3A_54 = arith.sitofp %convert_element_type3A_53 : vector<128x128xi32> to vector<128x128xf32>
    %slice3A_55 = vector.extract_strided_slice %dot_general3A_14 {offsets = [64, 0], sizes = [32, 128], strides = [1, 1]} : vector<256x128xf32> to vector<32x128xf32>
    %dot_general3A_56 = arith.constant dense<0.000000e+00> : vector<32x128xf32>
    %dot_general3A_57 = tpu.matmul %slice3A_55, %convert_element_type3A_54, %dot_general3A_56 {dimension_numbers = #tpu.dot_dimension_numbers<[1], [0], [0], [1], [0, 0, 1, 1], [], []>, precision = #tpu.contract_precision<fp32>, transpose_lhs_hint = false} : vector<32x128xf32>, vector<128x128xf32>, vector<32x128xf32> -> vector<32x128xf32>
    %add3A_58 = arith.addf %add3A_44, %dot_general3A_57 : vector<32x128xf32>
    %add3A_59 = arith.constant 3 : i32
    %add3A_60 = vector.broadcast %add3A_59 : i32 to vector<128x128xi32>
    %add3A_61 = arith.addi %iota3A_16, %add3A_60 : vector<128x128xi32>
    %eq3A_62 = arith.cmpi eq, %iota3A_15, %add3A_61 : vector<128x128xi32>
    %lt3A_63 = arith.constant 121 : i32
    %lt3A_64 = vector.broadcast %lt3A_63 : i32 to vector<128x128xi32>
    %lt3A_65 = arith.cmpi slt, %iota3A_16, %lt3A_64 : vector<128x128xi32>
    %and3A_66 = arith.andi %eq3A_62, %lt3A_65 : vector<128x128xi1>
    %convert_element_type3A_67 = arith.extui %and3A_66 : vector<128x128xi1> to vector<128x128xi32>
    %convert_element_type3A_68 = arith.sitofp %convert_element_type3A_67 : vector<128x128xi32> to vector<128x128xf32>
    %slice3A_69 = vector.extract_strided_slice %dot_general3A_14 {offsets = [96, 0], sizes = [32, 128], strides = [1, 1]} : vector<256x128xf32> to vector<32x128xf32>
    %dot_general3A_70 = arith.constant dense<0.000000e+00> : vector<32x128xf32>
    %dot_general3A_71 = tpu.matmul %slice3A_69, %convert_element_type3A_68, %dot_general3A_70 {dimension_numbers = #tpu.dot_dimension_numbers<[1], [0], [0], [1], [0, 0, 1, 1], [], []>, precision = #tpu.contract_precision<fp32>, transpose_lhs_hint = false} : vector<32x128xf32>, vector<128x128xf32>, vector<32x128xf32> -> vector<32x128xf32>
    %add3A_72 = arith.addf %add3A_58, %dot_general3A_71 : vector<32x128xf32>
    %add3A_73 = arith.constant 4 : i32
    %add3A_74 = vector.broadcast %add3A_73 : i32 to vector<128x128xi32>
    %add3A_75 = arith.addi %iota3A_16, %add3A_74 : vector<128x128xi32>
    %eq3A_76 = arith.cmpi eq, %iota3A_15, %add3A_75 : vector<128x128xi32>
    %lt3A_77 = arith.constant 121 : i32
    %lt3A_78 = vector.broadcast %lt3A_77 : i32 to vector<128x128xi32>
    %lt3A_79 = arith.cmpi slt, %iota3A_16, %lt3A_78 : vector<128x128xi32>
    %and3A_80 = arith.andi %eq3A_76, %lt3A_79 : vector<128x128xi1>
    %convert_element_type3A_81 = arith.extui %and3A_80 : vector<128x128xi1> to vector<128x128xi32>
    %convert_element_type3A_82 = arith.sitofp %convert_element_type3A_81 : vector<128x128xi32> to vector<128x128xf32>
    %slice3A_83 = vector.extract_strided_slice %dot_general3A_14 {offsets = [128, 0], sizes = [32, 128], strides = [1, 1]} : vector<256x128xf32> to vector<32x128xf32>
    %dot_general3A_84 = arith.constant dense<0.000000e+00> : vector<32x128xf32>
    %dot_general3A_85 = tpu.matmul %slice3A_83, %convert_element_type3A_82, %dot_general3A_84 {dimension_numbers = #tpu.dot_dimension_numbers<[1], [0], [0], [1], [0, 0, 1, 1], [], []>, precision = #tpu.contract_precision<fp32>, transpose_lhs_hint = false} : vector<32x128xf32>, vector<128x128xf32>, vector<32x128xf32> -> vector<32x128xf32>
    %add3A_86 = arith.addf %add3A_72, %dot_general3A_85 : vector<32x128xf32>
    %add3A_87 = arith.constant 5 : i32
    %add3A_88 = vector.broadcast %add3A_87 : i32 to vector<128x128xi32>
    %add3A_89 = arith.addi %iota3A_16, %add3A_88 : vector<128x128xi32>
    %eq3A_90 = arith.cmpi eq, %iota3A_15, %add3A_89 : vector<128x128xi32>
    %lt3A_91 = arith.constant 121 : i32
    %lt3A_92 = vector.broadcast %lt3A_91 : i32 to vector<128x128xi32>
    %lt3A_93 = arith.cmpi slt, %iota3A_16, %lt3A_92 : vector<128x128xi32>
    %and3A_94 = arith.andi %eq3A_90, %lt3A_93 : vector<128x128xi1>
    %convert_element_type3A_95 = arith.extui %and3A_94 : vector<128x128xi1> to vector<128x128xi32>
    %convert_element_type3A_96 = arith.sitofp %convert_element_type3A_95 : vector<128x128xi32> to vector<128x128xf32>
    %slice3A_97 = vector.extract_strided_slice %dot_general3A_14 {offsets = [160, 0], sizes = [32, 128], strides = [1, 1]} : vector<256x128xf32> to vector<32x128xf32>
    %dot_general3A_98 = arith.constant dense<0.000000e+00> : vector<32x128xf32>
    %dot_general3A_99 = tpu.matmul %slice3A_97, %convert_element_type3A_96, %dot_general3A_98 {dimension_numbers = #tpu.dot_dimension_numbers<[1], [0], [0], [1], [0, 0, 1, 1], [], []>, precision = #tpu.contract_precision<fp32>, transpose_lhs_hint = false} : vector<32x128xf32>, vector<128x128xf32>, vector<32x128xf32> -> vector<32x128xf32>
    %add3A_100 = arith.addf %add3A_86, %dot_general3A_99 : vector<32x128xf32>
    %add3A_101 = arith.constant 6 : i32
    %add3A_102 = vector.broadcast %add3A_101 : i32 to vector<128x128xi32>
    %add3A_103 = arith.addi %iota3A_16, %add3A_102 : vector<128x128xi32>
    %eq3A_104 = arith.cmpi eq, %iota3A_15, %add3A_103 : vector<128x128xi32>
    %lt3A_105 = arith.constant 121 : i32
    %lt3A_106 = vector.broadcast %lt3A_105 : i32 to vector<128x128xi32>
    %lt3A_107 = arith.cmpi slt, %iota3A_16, %lt3A_106 : vector<128x128xi32>
    %and3A_108 = arith.andi %eq3A_104, %lt3A_107 : vector<128x128xi1>
    %convert_element_type3A_109 = arith.extui %and3A_108 : vector<128x128xi1> to vector<128x128xi32>
    %convert_element_type3A_110 = arith.sitofp %convert_element_type3A_109 : vector<128x128xi32> to vector<128x128xf32>
    %slice3A_111 = vector.extract_strided_slice %dot_general3A_14 {offsets = [192, 0], sizes = [32, 128], strides = [1, 1]} : vector<256x128xf32> to vector<32x128xf32>
    %dot_general3A_112 = arith.constant dense<0.000000e+00> : vector<32x128xf32>
    %dot_general3A_113 = tpu.matmul %slice3A_111, %convert_element_type3A_110, %dot_general3A_112 {dimension_numbers = #tpu.dot_dimension_numbers<[1], [0], [0], [1], [0, 0, 1, 1], [], []>, precision = #tpu.contract_precision<fp32>, transpose_lhs_hint = false} : vector<32x128xf32>, vector<128x128xf32>, vector<32x128xf32> -> vector<32x128xf32>
    %add3A_114 = arith.addf %add3A_100, %dot_general3A_113 : vector<32x128xf32>
    %add3A_115 = arith.constant 7 : i32
    %add3A_116 = vector.broadcast %add3A_115 : i32 to vector<128x128xi32>
    %add3A_117 = arith.addi %iota3A_16, %add3A_116 : vector<128x128xi32>
    %eq3A_118 = arith.cmpi eq, %iota3A_15, %add3A_117 : vector<128x128xi32>
    %lt3A_119 = arith.constant 121 : i32
    %lt3A_120 = vector.broadcast %lt3A_119 : i32 to vector<128x128xi32>
    %lt3A_121 = arith.cmpi slt, %iota3A_16, %lt3A_120 : vector<128x128xi32>
    %and3A_122 = arith.andi %eq3A_118, %lt3A_121 : vector<128x128xi1>
    %convert_element_type3A_123 = arith.extui %and3A_122 : vector<128x128xi1> to vector<128x128xi32>
    %convert_element_type3A_124 = arith.sitofp %convert_element_type3A_123 : vector<128x128xi32> to vector<128x128xf32>
    %slice3A_125 = vector.extract_strided_slice %dot_general3A_14 {offsets = [224, 0], sizes = [32, 128], strides = [1, 1]} : vector<256x128xf32> to vector<32x128xf32>
    %dot_general3A_126 = arith.constant dense<0.000000e+00> : vector<32x128xf32>
    %dot_general3A_127 = tpu.matmul %slice3A_125, %convert_element_type3A_124, %dot_general3A_126 {dimension_numbers = #tpu.dot_dimension_numbers<[1], [0], [0], [1], [0, 0, 1, 1], [], []>, precision = #tpu.contract_precision<fp32>, transpose_lhs_hint = false} : vector<32x128xf32>, vector<128x128xf32>, vector<32x128xf32> -> vector<32x128xf32>
    %add3A_128 = arith.addf %add3A_114, %dot_general3A_127 : vector<32x128xf32>
    %swap3A = arith.constant 0 : index
    %swap3A_129 = arith.constant 0 : index
    %swap3A_130 = arith.constant 0 : index
    %swap3A_131 = vector.load %arg5[%swap3A, %swap3A_129, %swap3A_130] : memref<1x32x128xf32, #tpu.memory_space<vmem>>, vector<1x32x128xf32>
    %swap3A_132 = vector.shape_cast %swap3A_131 : vector<1x32x128xf32> to vector<32x128xf32>
    %swap3A_133 = vector.shape_cast %add3A_128 : vector<32x128xf32> to vector<1x32x128xf32>
    tpu.vector_store %arg5[%swap3A, %swap3A_129, %swap3A_130], %swap3A_133 {strides = array<i32>} : memref<1x32x128xf32, #tpu.memory_space<vmem>>, vector<1x32x128xf32>,
    return
  }
  func.func @transform_0(%arg0: i32) -> (i32, i32, i32) {
    %c0_i32 = arith.constant 0 : i32
    %c0_i32_0 = arith.constant 0 : i32
    %c0_i32_1 = arith.constant 0 : i32
    return %arg0, %c0_i32, %c0_i32_0 : i32, i32, i32
  }
  func.func @transform_1(%arg0: i32) -> (i32, i32) {
    %c0_i32 = arith.constant 0 : i32
    %c0_i32_0 = arith.constant 0 : i32
    %c0_i32_1 = arith.constant 0 : i32
    return %c0_i32, %c0_i32_0 : i32, i32
  }
  func.func @transform_2(%arg0: i32) -> (i32, i32) {
    %c0_i32 = arith.constant 0 : i32
    %c0_i32_0 = arith.constant 0 : i32
    %c0_i32_1 = arith.constant 0 : i32
    return %c0_i32, %c0_i32_0 : i32, i32
  }
  func.func @transform_3(%arg0: i32) -> (i32, i32) {
    %c0_i32 = arith.constant 0 : i32
    %c0_i32_0 = arith.constant 0 : i32
    %c0_i32_1 = arith.constant 0 : i32
    return %c0_i32, %c0_i32_0 : i32, i32
  }
  func.func @transform_4(%arg0: i32) -> (i32, i32, i32) {
    %c0_i32 = arith.constant 0 : i32
    %c0_i32_0 = arith.constant 0 : i32
    %c0_i32_1 = arith.constant 0 : i32
    return %arg0, %c0_i32, %c0_i32_0 : i32, i32, i32
  }
}

module attributes {stable_mosaic.version = 14 : i64} {
  func.func @_layer_b5_body(%arg0: i32, %arg1: memref<2000x32xf32, #tpu.memory_space<vmem>>, %arg2: memref<8x32xf32, #tpu.memory_space<vmem>>, %arg3: memref<1x32xf32, #tpu.memory_space<vmem>>, %arg4: memref<1x32xf32, #tpu.memory_space<vmem>>, %arg5: memref<1x1x2000xi32, #tpu.memory_space<vmem>>, %arg6: memref<128x32xf32, #tpu.memory_space<vmem>>) attributes {dimension_semantics = [#tpu.dimension_semantics<arbitrary>], iteration_bounds = array<i64: 25>, scalar_prefetch = 0 : i64, scratch_operands = 0 : i64, tpu.core_type = #tpu.core_type<tc>, window_params = [{transform_indices = @transform_0, window_bounds = array<i64: 2000, 32>}, {pipeline_mode = #tpu.pipeline_mode<synchronous>, transform_indices = @transform_1, window_bounds = array<i64: 8, 32>}, {pipeline_mode = #tpu.pipeline_mode<synchronous>, transform_indices = @transform_2, window_bounds = array<i64: 1, 32>}, {pipeline_mode = #tpu.pipeline_mode<synchronous>, transform_indices = @transform_3, window_bounds = array<i64: 1, 32>}, {transform_indices = @transform_4, window_bounds = array<i64: 1, 1, 2000>}, {pipeline_mode = #tpu.pipeline_mode<synchronous>, transform_indices = @transform_5, window_bounds = array<i64: 128, 32>}]} {
    %get3A = arith.constant 0 : index
    %get3A_0 = arith.constant 0 : index
    %get3A_1 = vector.load %arg2[%get3A, %get3A_0] : memref<8x32xf32, #tpu.memory_space<vmem>>, vector<1x32xf32>
    %mul3A = arith.constant 2.000000e-05 : f32
    %mul3A_2 = vector.broadcast %mul3A : f32 to vector<1x32xf32>
    %mul3A_3 = arith.mulf %get3A_1, %mul3A_2 : vector<1x32xf32>
    %get3A_4 = arith.constant 1 : index
    %get3A_5 = arith.constant 0 : index
    %get3A_6 = vector.load %arg2[%get3A_4, %get3A_5] : memref<8x32xf32, #tpu.memory_space<vmem>>, vector<1x32xf32>
    %mul3A_7 = arith.constant 2.000000e-05 : f32
    %mul3A_8 = vector.broadcast %mul3A_7 : f32 to vector<1x32xf32>
    %mul3A_9 = arith.mulf %get3A_6, %mul3A_8 : vector<1x32xf32>
    %mul3A_10 = arith.mulf %mul3A_3, %mul3A_3 : vector<1x32xf32>
    %sub3A = arith.subf %mul3A_9, %mul3A_10 : vector<1x32xf32>
    %get3A_11 = arith.constant 0 : index
    %get3A_12 = arith.constant 0 : index
    %get3A_13 = vector.load %arg3[%get3A_11, %get3A_12] : memref<1x32xf32, #tpu.memory_space<vmem>>, vector<1x32xf32>
    %add3A = arith.constant 9.99999974E-6 : f32
    %add3A_14 = vector.broadcast %add3A : f32 to vector<1x32xf32>
    %add3A_15 = arith.addf %sub3A, %add3A_14 : vector<1x32xf32>
    %rsqrt3A = math.rsqrt %add3A_15 : vector<1x32xf32>
    %mul3A_16 = arith.mulf %get3A_13, %rsqrt3A : vector<1x32xf32>
    %get3A_17 = arith.constant 0 : index
    %get3A_18 = arith.constant 0 : index
    %get3A_19 = vector.load %arg4[%get3A_17, %get3A_18] : memref<1x32xf32, #tpu.memory_space<vmem>>, vector<1x32xf32>
    %mul3A_20 = arith.mulf %mul3A_3, %mul3A_16 : vector<1x32xf32>
    %sub3A_21 = arith.subf %get3A_19, %mul3A_20 : vector<1x32xf32>
    %get3A_22 = arith.constant 0 : index
    %get3A_23 = arith.constant 0 : index
    %get3A_24 = vector.load %arg1[%get3A_22, %get3A_23] : memref<2000x32xf32, #tpu.memory_space<vmem>>, vector<2000x32xf32>
    %mul3A_25 = vector.broadcast %mul3A_16 : vector<1x32xf32> to vector<2000x32xf32>
    %mul3A_26 = arith.mulf %get3A_24, %mul3A_25 : vector<2000x32xf32>
    %add3A_27 = vector.broadcast %sub3A_21 : vector<1x32xf32> to vector<2000x32xf32>
    %add3A_28 = arith.addf %mul3A_26, %add3A_27 : vector<2000x32xf32>
    %iota3A = tpu.iota {dimensions = array<i32: 0>} : vector<128x2000xi32>
    %get3A_29 = arith.constant 0 : index
    %get3A_30 = arith.constant 0 : index
    %get3A_31 = arith.constant 0 : index
    %get3A_32 = vector.load %arg5[%get3A_29, %get3A_30, %get3A_31] : memref<1x1x2000xi32, #tpu.memory_space<vmem>>, vector<1x1x2000xi32>
    %get3A_33 = vector.shape_cast %get3A_32 : vector<1x1x2000xi32> to vector<1x2000xi32>
    %eq3A = vector.broadcast %get3A_33 : vector<1x2000xi32> to vector<128x2000xi32>
    %eq3A_34 = arith.cmpi eq, %iota3A, %eq3A : vector<128x2000xi32>
    %convert_element_type3A = arith.extui %eq3A_34 : vector<128x2000xi1> to vector<128x2000xi32>
    %convert_element_type3A_35 = arith.sitofp %convert_element_type3A : vector<128x2000xi32> to vector<128x2000xf32>
    %dot_general3A = arith.constant dense<0.000000e+00> : vector<128x32xf32>
    %dot_general3A_36 = tpu.matmul %convert_element_type3A_35, %add3A_28, %dot_general3A {dimension_numbers = #tpu.dot_dimension_numbers<[1], [0], [0], [1], [0, 0, 1, 1], [], []>, precision = #tpu.contract_precision<fp32>, transpose_lhs_hint = false} : vector<128x2000xf32>, vector<2000x32xf32>, vector<128x32xf32> -> vector<128x32xf32>
    %eq3A_37 = arith.constant 0 : i32
    %eq3A_38 = arith.cmpi eq, %arg0, %eq3A_37 : i32
    %convert_element_type3A_39 = arith.extui %eq3A_38 : i1 to i32
    %cond3A = arith.constant 0 : i32
    %cond3A_40 = arith.cmpi ne, %convert_element_type3A_39, %cond3A : i32
    scf.if %cond3A_40 {
      %broadcast_in_dim3A = arith.constant 0.000000e+00 : f32
      %broadcast_in_dim3A_47 = vector.broadcast %broadcast_in_dim3A : f32 to vector<128x32xf32>
      %swap3A_48 = arith.constant 0 : index
      %swap3A_49 = arith.constant 0 : index
      %swap3A_50 = vector.load %arg6[%swap3A_48, %swap3A_49] : memref<128x32xf32, #tpu.memory_space<vmem>>, vector<128x32xf32>
      tpu.vector_store %arg6[%swap3A_48, %swap3A_49], %broadcast_in_dim3A_47 {strides = array<i32>} : memref<128x32xf32, #tpu.memory_space<vmem>>, vector<128x32xf32>,
    } else {
    }
    %get3A_41 = arith.constant 0 : index
    %get3A_42 = arith.constant 0 : index
    %get3A_43 = vector.load %arg6[%get3A_41, %get3A_42] : memref<128x32xf32, #tpu.memory_space<vmem>>, vector<128x32xf32>
    %add3A_44 = arith.addf %get3A_43, %dot_general3A_36 : vector<128x32xf32>
    %swap3A = arith.constant 0 : index
    %swap3A_45 = arith.constant 0 : index
    %swap3A_46 = vector.load %arg6[%swap3A, %swap3A_45] : memref<128x32xf32, #tpu.memory_space<vmem>>, vector<128x32xf32>
    tpu.vector_store %arg6[%swap3A, %swap3A_45], %add3A_44 {strides = array<i32>} : memref<128x32xf32, #tpu.memory_space<vmem>>, vector<128x32xf32>,
    return
  }
  func.func @transform_0(%arg0: i32) -> (i32, i32) {
    %c0_i32 = arith.constant 0 : i32
    %c0_i32_0 = arith.constant 0 : i32
    return %arg0, %c0_i32 : i32, i32
  }
  func.func @transform_1(%arg0: i32) -> (i32, i32) {
    %c0_i32 = arith.constant 0 : i32
    %c0_i32_0 = arith.constant 0 : i32
    %c0_i32_1 = arith.constant 0 : i32
    return %c0_i32, %c0_i32_0 : i32, i32
  }
  func.func @transform_2(%arg0: i32) -> (i32, i32) {
    %c0_i32 = arith.constant 0 : i32
    %c0_i32_0 = arith.constant 0 : i32
    %c0_i32_1 = arith.constant 0 : i32
    return %c0_i32, %c0_i32_0 : i32, i32
  }
  func.func @transform_3(%arg0: i32) -> (i32, i32) {
    %c0_i32 = arith.constant 0 : i32
    %c0_i32_0 = arith.constant 0 : i32
    %c0_i32_1 = arith.constant 0 : i32
    return %c0_i32, %c0_i32_0 : i32, i32
  }
  func.func @transform_4(%arg0: i32) -> (i32, i32, i32) {
    %c0_i32 = arith.constant 0 : i32
    %c0_i32_0 = arith.constant 0 : i32
    %c0_i32_1 = arith.constant 0 : i32
    return %arg0, %c0_i32, %c0_i32_0 : i32, i32, i32
  }
  func.func @transform_5(%arg0: i32) -> (i32, i32) {
    %c0_i32 = arith.constant 0 : i32
    %c0_i32_0 = arith.constant 0 : i32
    %c0_i32_1 = arith.constant 0 : i32
    return %c0_i32, %c0_i32_0 : i32, i32
  }
}

module attributes {stable_mosaic.version = 14 : i64} {
  func.func @_head_body(%arg0: memref<128x32xf32, #tpu.memory_space<vmem>>, %arg1: memref<32x128xf32, #tpu.memory_space<vmem>>, %arg2: memref<1x128xf32, #tpu.memory_space<vmem>>, %arg3: memref<128x32x128xf32, #tpu.memory_space<vmem>>, %arg4: memref<32x128x128xf32, #tpu.memory_space<vmem>>, %arg5: memref<1x128xf32, #tpu.memory_space<vmem>>, %arg6: memref<256x1024xf32, #tpu.memory_space<vmem>>, %arg7: memref<1x1024xf32, #tpu.memory_space<vmem>>, %arg8: memref<1024x256xf32, #tpu.memory_space<vmem>>, %arg9: memref<1x256xf32, #tpu.memory_space<vmem>>, %arg10: memref<256x1xf32, #tpu.memory_space<vmem>>, %arg11: memref<1x1xf32, #tpu.memory_space<vmem>>, %arg12: memref<128x1xf32, #tpu.memory_space<vmem>>) attributes {dimension_semantics = [], scalar_prefetch = 0 : i64, scratch_operands = 0 : i64, tpu.core_type = #tpu.core_type<tc>} {
    %get3A = arith.constant 0 : index
    %get3A_0 = arith.constant 0 : index
    %get3A_1 = vector.load %arg0[%get3A, %get3A_0] : memref<128x32xf32, #tpu.memory_space<vmem>>, vector<128x32xf32>
    %get3A_2 = arith.constant 0 : index
    %get3A_3 = arith.constant 0 : index
    %get3A_4 = vector.load %arg1[%get3A_2, %get3A_3] : memref<32x128xf32, #tpu.memory_space<vmem>>, vector<32x128xf32>
    %dot_general3A = arith.constant dense<0.000000e+00> : vector<128x128xf32>
    %dot_general3A_5 = tpu.matmul %get3A_1, %get3A_4, %dot_general3A {dimension_numbers = #tpu.dot_dimension_numbers<[1], [0], [0], [1], [0, 0, 1, 1], [], []>, precision = #tpu.contract_precision<fp32>, transpose_lhs_hint = false} : vector<128x32xf32>, vector<32x128xf32>, vector<128x128xf32> -> vector<128x128xf32>
    %get3A_6 = arith.constant 0 : index
    %get3A_7 = arith.constant 0 : index
    %get3A_8 = vector.load %arg2[%get3A_6, %get3A_7] : memref<1x128xf32, #tpu.memory_space<vmem>>, vector<1x128xf32>
    %add3A = vector.broadcast %get3A_8 : vector<1x128xf32> to vector<128x128xf32>
    %add3A_9 = arith.addf %dot_general3A_5, %add3A : vector<128x128xf32>
    %max3A = arith.constant 0.000000e+00 : f32
    %max3A_10 = vector.broadcast %max3A : f32 to vector<128x128xf32>
    %max3A_11 = arith.maximumf %add3A_9, %max3A_10 : vector<128x128xf32>
    %get3A_12 = arith.constant 0 : index
    %get3A_13 = arith.constant 0 : index
    %get3A_14 = arith.constant 0 : index
    %get3A_15 = vector.load %arg3[%get3A_12, %get3A_13, %get3A_14] : memref<128x32x128xf32, #tpu.memory_space<vmem>>, vector<128x32x128xf32>
    %get3A_16 = arith.constant 0 : index
    %get3A_17 = arith.constant 0 : index
    %get3A_18 = vector.load %arg5[%get3A_16, %get3A_17] : memref<1x128xf32, #tpu.memory_space<vmem>>, vector<1x128xf32>
    %broadcast_in_dim3A = vector.shape_cast %get3A_18 : vector<1x128xf32> to vector<1x128xf32>
    %broadcast_in_dim3A_19 = vector.broadcast %broadcast_in_dim3A : vector<1x128xf32> to vector<128x128xf32>
    %slice3A = vector.extract_strided_slice %get3A_15 {offsets = [0, 0, 0], sizes = [128, 1, 128], strides = [1, 1, 1]} : vector<128x32x128xf32> to vector<128x1x128xf32>
    %squeeze3A = vector.shape_cast %slice3A : vector<128x1x128xf32> to vector<128x128xf32>
    %get3A_20 = arith.constant 0 : index
    %get3A_21 = arith.constant 0 : index
    %get3A_22 = arith.constant 0 : index
    %get3A_23 = vector.load %arg4[%get3A_20, %get3A_21, %get3A_22] : memref<32x128x128xf32, #tpu.memory_space<vmem>>, vector<1x128x128xf32>
    %get3A_24 = vector.shape_cast %get3A_23 : vector<1x128x128xf32> to vector<128x128xf32>
    %dot_general3A_25 = arith.constant dense<0.000000e+00> : vector<128x128xf32>
    %dot_general3A_26 = tpu.matmul %squeeze3A, %get3A_24, %dot_general3A_25 {dimension_numbers = #tpu.dot_dimension_numbers<[1], [0], [0], [1], [0, 0, 1, 1], [], []>, precision = #tpu.contract_precision<fp32>, transpose_lhs_hint = false} : vector<128x128xf32>, vector<128x128xf32>, vector<128x128xf32> -> vector<128x128xf32>
    %add3A_27 = arith.addf %broadcast_in_dim3A_19, %dot_general3A_26 : vector<128x128xf32>
    %slice3A_28 = vector.extract_strided_slice %get3A_15 {offsets = [0, 1, 0], sizes = [128, 1, 128], strides = [1, 1, 1]} : vector<128x32x128xf32> to vector<128x1x128xf32>
    %squeeze3A_29 = vector.shape_cast %slice3A_28 : vector<128x1x128xf32> to vector<128x128xf32>
    %get3A_30 = arith.constant 1 : index
    %get3A_31 = arith.constant 0 : index
    %get3A_32 = arith.constant 0 : index
    %get3A_33 = vector.load %arg4[%get3A_30, %get3A_31, %get3A_32] : memref<32x128x128xf32, #tpu.memory_space<vmem>>, vector<1x128x128xf32>
    %get3A_34 = vector.shape_cast %get3A_33 : vector<1x128x128xf32> to vector<128x128xf32>
    %dot_general3A_35 = arith.constant dense<0.000000e+00> : vector<128x128xf32>
    %dot_general3A_36 = tpu.matmul %squeeze3A_29, %get3A_34, %dot_general3A_35 {dimension_numbers = #tpu.dot_dimension_numbers<[1], [0], [0], [1], [0, 0, 1, 1], [], []>, precision = #tpu.contract_precision<fp32>, transpose_lhs_hint = false} : vector<128x128xf32>, vector<128x128xf32>, vector<128x128xf32> -> vector<128x128xf32>
    %add3A_37 = arith.addf %add3A_27, %dot_general3A_36 : vector<128x128xf32>
    %slice3A_38 = vector.extract_strided_slice %get3A_15 {offsets = [0, 2, 0], sizes = [128, 1, 128], strides = [1, 1, 1]} : vector<128x32x128xf32> to vector<128x1x128xf32>
    %squeeze3A_39 = vector.shape_cast %slice3A_38 : vector<128x1x128xf32> to vector<128x128xf32>
    %get3A_40 = arith.constant 2 : index
    %get3A_41 = arith.constant 0 : index
    %get3A_42 = arith.constant 0 : index
    %get3A_43 = vector.load %arg4[%get3A_40, %get3A_41, %get3A_42] : memref<32x128x128xf32, #tpu.memory_space<vmem>>, vector<1x128x128xf32>
    %get3A_44 = vector.shape_cast %get3A_43 : vector<1x128x128xf32> to vector<128x128xf32>
    %dot_general3A_45 = arith.constant dense<0.000000e+00> : vector<128x128xf32>
    %dot_general3A_46 = tpu.matmul %squeeze3A_39, %get3A_44, %dot_general3A_45 {dimension_numbers = #tpu.dot_dimension_numbers<[1], [0], [0], [1], [0, 0, 1, 1], [], []>, precision = #tpu.contract_precision<fp32>, transpose_lhs_hint = false} : vector<128x128xf32>, vector<128x128xf32>, vector<128x128xf32> -> vector<128x128xf32>
    %add3A_47 = arith.addf %add3A_37, %dot_general3A_46 : vector<128x128xf32>
    %slice3A_48 = vector.extract_strided_slice %get3A_15 {offsets = [0, 3, 0], sizes = [128, 1, 128], strides = [1, 1, 1]} : vector<128x32x128xf32> to vector<128x1x128xf32>
    %squeeze3A_49 = vector.shape_cast %slice3A_48 : vector<128x1x128xf32> to vector<128x128xf32>
    %get3A_50 = arith.constant 3 : index
    %get3A_51 = arith.constant 0 : index
    %get3A_52 = arith.constant 0 : index
    %get3A_53 = vector.load %arg4[%get3A_50, %get3A_51, %get3A_52] : memref<32x128x128xf32, #tpu.memory_space<vmem>>, vector<1x128x128xf32>
    %get3A_54 = vector.shape_cast %get3A_53 : vector<1x128x128xf32> to vector<128x128xf32>
    %dot_general3A_55 = arith.constant dense<0.000000e+00> : vector<128x128xf32>
    %dot_general3A_56 = tpu.matmul %squeeze3A_49, %get3A_54, %dot_general3A_55 {dimension_numbers = #tpu.dot_dimension_numbers<[1], [0], [0], [1], [0, 0, 1, 1], [], []>, precision = #tpu.contract_precision<fp32>, transpose_lhs_hint = false} : vector<128x128xf32>, vector<128x128xf32>, vector<128x128xf32> -> vector<128x128xf32>
    %add3A_57 = arith.addf %add3A_47, %dot_general3A_56 : vector<128x128xf32>
    %slice3A_58 = vector.extract_strided_slice %get3A_15 {offsets = [0, 4, 0], sizes = [128, 1, 128], strides = [1, 1, 1]} : vector<128x32x128xf32> to vector<128x1x128xf32>
    %squeeze3A_59 = vector.shape_cast %slice3A_58 : vector<128x1x128xf32> to vector<128x128xf32>
    %get3A_60 = arith.constant 4 : index
    %get3A_61 = arith.constant 0 : index
    %get3A_62 = arith.constant 0 : index
    %get3A_63 = vector.load %arg4[%get3A_60, %get3A_61, %get3A_62] : memref<32x128x128xf32, #tpu.memory_space<vmem>>, vector<1x128x128xf32>
    %get3A_64 = vector.shape_cast %get3A_63 : vector<1x128x128xf32> to vector<128x128xf32>
    %dot_general3A_65 = arith.constant dense<0.000000e+00> : vector<128x128xf32>
    %dot_general3A_66 = tpu.matmul %squeeze3A_59, %get3A_64, %dot_general3A_65 {dimension_numbers = #tpu.dot_dimension_numbers<[1], [0], [0], [1], [0, 0, 1, 1], [], []>, precision = #tpu.contract_precision<fp32>, transpose_lhs_hint = false} : vector<128x128xf32>, vector<128x128xf32>, vector<128x128xf32> -> vector<128x128xf32>
    %add3A_67 = arith.addf %add3A_57, %dot_general3A_66 : vector<128x128xf32>
    %slice3A_68 = vector.extract_strided_slice %get3A_15 {offsets = [0, 5, 0], sizes = [128, 1, 128], strides = [1, 1, 1]} : vector<128x32x128xf32> to vector<128x1x128xf32>
    %squeeze3A_69 = vector.shape_cast %slice3A_68 : vector<128x1x128xf32> to vector<128x128xf32>
    %get3A_70 = arith.constant 5 : index
    %get3A_71 = arith.constant 0 : index
    %get3A_72 = arith.constant 0 : index
    %get3A_73 = vector.load %arg4[%get3A_70, %get3A_71, %get3A_72] : memref<32x128x128xf32, #tpu.memory_space<vmem>>, vector<1x128x128xf32>
    %get3A_74 = vector.shape_cast %get3A_73 : vector<1x128x128xf32> to vector<128x128xf32>
    %dot_general3A_75 = arith.constant dense<0.000000e+00> : vector<128x128xf32>
    %dot_general3A_76 = tpu.matmul %squeeze3A_69, %get3A_74, %dot_general3A_75 {dimension_numbers = #tpu.dot_dimension_numbers<[1], [0], [0], [1], [0, 0, 1, 1], [], []>, precision = #tpu.contract_precision<fp32>, transpose_lhs_hint = false} : vector<128x128xf32>, vector<128x128xf32>, vector<128x128xf32> -> vector<128x128xf32>
    %add3A_77 = arith.addf %add3A_67, %dot_general3A_76 : vector<128x128xf32>
    %slice3A_78 = vector.extract_strided_slice %get3A_15 {offsets = [0, 6, 0], sizes = [128, 1, 128], strides = [1, 1, 1]} : vector<128x32x128xf32> to vector<128x1x128xf32>
    %squeeze3A_79 = vector.shape_cast %slice3A_78 : vector<128x1x128xf32> to vector<128x128xf32>
    %get3A_80 = arith.constant 6 : index
    %get3A_81 = arith.constant 0 : index
    %get3A_82 = arith.constant 0 : index
    %get3A_83 = vector.load %arg4[%get3A_80, %get3A_81, %get3A_82] : memref<32x128x128xf32, #tpu.memory_space<vmem>>, vector<1x128x128xf32>
    %get3A_84 = vector.shape_cast %get3A_83 : vector<1x128x128xf32> to vector<128x128xf32>
    %dot_general3A_85 = arith.constant dense<0.000000e+00> : vector<128x128xf32>
    %dot_general3A_86 = tpu.matmul %squeeze3A_79, %get3A_84, %dot_general3A_85 {dimension_numbers = #tpu.dot_dimension_numbers<[1], [0], [0], [1], [0, 0, 1, 1], [], []>, precision = #tpu.contract_precision<fp32>, transpose_lhs_hint = false} : vector<128x128xf32>, vector<128x128xf32>, vector<128x128xf32> -> vector<128x128xf32>
    %add3A_87 = arith.addf %add3A_77, %dot_general3A_86 : vector<128x128xf32>
    %slice3A_88 = vector.extract_strided_slice %get3A_15 {offsets = [0, 7, 0], sizes = [128, 1, 128], strides = [1, 1, 1]} : vector<128x32x128xf32> to vector<128x1x128xf32>
    %squeeze3A_89 = vector.shape_cast %slice3A_88 : vector<128x1x128xf32> to vector<128x128xf32>
    %get3A_90 = arith.constant 7 : index
    %get3A_91 = arith.constant 0 : index
    %get3A_92 = arith.constant 0 : index
    %get3A_93 = vector.load %arg4[%get3A_90, %get3A_91, %get3A_92] : memref<32x128x128xf32, #tpu.memory_space<vmem>>, vector<1x128x128xf32>
    %get3A_94 = vector.shape_cast %get3A_93 : vector<1x128x128xf32> to vector<128x128xf32>
    %dot_general3A_95 = arith.constant dense<0.000000e+00> : vector<128x128xf32>
    %dot_general3A_96 = tpu.matmul %squeeze3A_89, %get3A_94, %dot_general3A_95 {dimension_numbers = #tpu.dot_dimension_numbers<[1], [0], [0], [1], [0, 0, 1, 1], [], []>, precision = #tpu.contract_precision<fp32>, transpose_lhs_hint = false} : vector<128x128xf32>, vector<128x128xf32>, vector<128x128xf32> -> vector<128x128xf32>
    %add3A_97 = arith.addf %add3A_87, %dot_general3A_96 : vector<128x128xf32>
    %slice3A_98 = vector.extract_strided_slice %get3A_15 {offsets = [0, 8, 0], sizes = [128, 1, 128], strides = [1, 1, 1]} : vector<128x32x128xf32> to vector<128x1x128xf32>
    %squeeze3A_99 = vector.shape_cast %slice3A_98 : vector<128x1x128xf32> to vector<128x128xf32>
    %get3A_100 = arith.constant 8 : index
    %get3A_101 = arith.constant 0 : index
    %get3A_102 = arith.constant 0 : index
    %get3A_103 = vector.load %arg4[%get3A_100, %get3A_101, %get3A_102] : memref<32x128x128xf32, #tpu.memory_space<vmem>>, vector<1x128x128xf32>
    %get3A_104 = vector.shape_cast %get3A_103 : vector<1x128x128xf32> to vector<128x128xf32>
    %dot_general3A_105 = arith.constant dense<0.000000e+00> : vector<128x128xf32>
    %dot_general3A_106 = tpu.matmul %squeeze3A_99, %get3A_104, %dot_general3A_105 {dimension_numbers = #tpu.dot_dimension_numbers<[1], [0], [0], [1], [0, 0, 1, 1], [], []>, precision = #tpu.contract_precision<fp32>, transpose_lhs_hint = false} : vector<128x128xf32>, vector<128x128xf32>, vector<128x128xf32> -> vector<128x128xf32>
    %add3A_107 = arith.addf %add3A_97, %dot_general3A_106 : vector<128x128xf32>
    %slice3A_108 = vector.extract_strided_slice %get3A_15 {offsets = [0, 9, 0], sizes = [128, 1, 128], strides = [1, 1, 1]} : vector<128x32x128xf32> to vector<128x1x128xf32>
    %squeeze3A_109 = vector.shape_cast %slice3A_108 : vector<128x1x128xf32> to vector<128x128xf32>
    %get3A_110 = arith.constant 9 : index
    %get3A_111 = arith.constant 0 : index
    %get3A_112 = arith.constant 0 : index
    %get3A_113 = vector.load %arg4[%get3A_110, %get3A_111, %get3A_112] : memref<32x128x128xf32, #tpu.memory_space<vmem>>, vector<1x128x128xf32>
    %get3A_114 = vector.shape_cast %get3A_113 : vector<1x128x128xf32> to vector<128x128xf32>
    %dot_general3A_115 = arith.constant dense<0.000000e+00> : vector<128x128xf32>
    %dot_general3A_116 = tpu.matmul %squeeze3A_109, %get3A_114, %dot_general3A_115 {dimension_numbers = #tpu.dot_dimension_numbers<[1], [0], [0], [1], [0, 0, 1, 1], [], []>, precision = #tpu.contract_precision<fp32>, transpose_lhs_hint = false} : vector<128x128xf32>, vector<128x128xf32>, vector<128x128xf32> -> vector<128x128xf32>
    %add3A_117 = arith.addf %add3A_107, %dot_general3A_116 : vector<128x128xf32>
    %slice3A_118 = vector.extract_strided_slice %get3A_15 {offsets = [0, 10, 0], sizes = [128, 1, 128], strides = [1, 1, 1]} : vector<128x32x128xf32> to vector<128x1x128xf32>
    %squeeze3A_119 = vector.shape_cast %slice3A_118 : vector<128x1x128xf32> to vector<128x128xf32>
    %get3A_120 = arith.constant 10 : index
    %get3A_121 = arith.constant 0 : index
    %get3A_122 = arith.constant 0 : index
    %get3A_123 = vector.load %arg4[%get3A_120, %get3A_121, %get3A_122] : memref<32x128x128xf32, #tpu.memory_space<vmem>>, vector<1x128x128xf32>
    %get3A_124 = vector.shape_cast %get3A_123 : vector<1x128x128xf32> to vector<128x128xf32>
    %dot_general3A_125 = arith.constant dense<0.000000e+00> : vector<128x128xf32>
    %dot_general3A_126 = tpu.matmul %squeeze3A_119, %get3A_124, %dot_general3A_125 {dimension_numbers = #tpu.dot_dimension_numbers<[1], [0], [0], [1], [0, 0, 1, 1], [], []>, precision = #tpu.contract_precision<fp32>, transpose_lhs_hint = false} : vector<128x128xf32>, vector<128x128xf32>, vector<128x128xf32> -> vector<128x128xf32>
    %add3A_127 = arith.addf %add3A_117, %dot_general3A_126 : vector<128x128xf32>
    %slice3A_128 = vector.extract_strided_slice %get3A_15 {offsets = [0, 11, 0], sizes = [128, 1, 128], strides = [1, 1, 1]} : vector<128x32x128xf32> to vector<128x1x128xf32>
    %squeeze3A_129 = vector.shape_cast %slice3A_128 : vector<128x1x128xf32> to vector<128x128xf32>
    %get3A_130 = arith.constant 11 : index
    %get3A_131 = arith.constant 0 : index
    %get3A_132 = arith.constant 0 : index
    %get3A_133 = vector.load %arg4[%get3A_130, %get3A_131, %get3A_132] : memref<32x128x128xf32, #tpu.memory_space<vmem>>, vector<1x128x128xf32>
    %get3A_134 = vector.shape_cast %get3A_133 : vector<1x128x128xf32> to vector<128x128xf32>
    %dot_general3A_135 = arith.constant dense<0.000000e+00> : vector<128x128xf32>
    %dot_general3A_136 = tpu.matmul %squeeze3A_129, %get3A_134, %dot_general3A_135 {dimension_numbers = #tpu.dot_dimension_numbers<[1], [0], [0], [1], [0, 0, 1, 1], [], []>, precision = #tpu.contract_precision<fp32>, transpose_lhs_hint = false} : vector<128x128xf32>, vector<128x128xf32>, vector<128x128xf32> -> vector<128x128xf32>
    %add3A_137 = arith.addf %add3A_127, %dot_general3A_136 : vector<128x128xf32>
    %slice3A_138 = vector.extract_strided_slice %get3A_15 {offsets = [0, 12, 0], sizes = [128, 1, 128], strides = [1, 1, 1]} : vector<128x32x128xf32> to vector<128x1x128xf32>
    %squeeze3A_139 = vector.shape_cast %slice3A_138 : vector<128x1x128xf32> to vector<128x128xf32>
    %get3A_140 = arith.constant 12 : index
    %get3A_141 = arith.constant 0 : index
    %get3A_142 = arith.constant 0 : index
    %get3A_143 = vector.load %arg4[%get3A_140, %get3A_141, %get3A_142] : memref<32x128x128xf32, #tpu.memory_space<vmem>>, vector<1x128x128xf32>
    %get3A_144 = vector.shape_cast %get3A_143 : vector<1x128x128xf32> to vector<128x128xf32>
    %dot_general3A_145 = arith.constant dense<0.000000e+00> : vector<128x128xf32>
    %dot_general3A_146 = tpu.matmul %squeeze3A_139, %get3A_144, %dot_general3A_145 {dimension_numbers = #tpu.dot_dimension_numbers<[1], [0], [0], [1], [0, 0, 1, 1], [], []>, precision = #tpu.contract_precision<fp32>, transpose_lhs_hint = false} : vector<128x128xf32>, vector<128x128xf32>, vector<128x128xf32> -> vector<128x128xf32>
    %add3A_147 = arith.addf %add3A_137, %dot_general3A_146 : vector<128x128xf32>
    %slice3A_148 = vector.extract_strided_slice %get3A_15 {offsets = [0, 13, 0], sizes = [128, 1, 128], strides = [1, 1, 1]} : vector<128x32x128xf32> to vector<128x1x128xf32>
    %squeeze3A_149 = vector.shape_cast %slice3A_148 : vector<128x1x128xf32> to vector<128x128xf32>
    %get3A_150 = arith.constant 13 : index
    %get3A_151 = arith.constant 0 : index
    %get3A_152 = arith.constant 0 : index
    %get3A_153 = vector.load %arg4[%get3A_150, %get3A_151, %get3A_152] : memref<32x128x128xf32, #tpu.memory_space<vmem>>, vector<1x128x128xf32>
    %get3A_154 = vector.shape_cast %get3A_153 : vector<1x128x128xf32> to vector<128x128xf32>
    %dot_general3A_155 = arith.constant dense<0.000000e+00> : vector<128x128xf32>
    %dot_general3A_156 = tpu.matmul %squeeze3A_149, %get3A_154, %dot_general3A_155 {dimension_numbers = #tpu.dot_dimension_numbers<[1], [0], [0], [1], [0, 0, 1, 1], [], []>, precision = #tpu.contract_precision<fp32>, transpose_lhs_hint = false} : vector<128x128xf32>, vector<128x128xf32>, vector<128x128xf32> -> vector<128x128xf32>
    %add3A_157 = arith.addf %add3A_147, %dot_general3A_156 : vector<128x128xf32>
    %slice3A_158 = vector.extract_strided_slice %get3A_15 {offsets = [0, 14, 0], sizes = [128, 1, 128], strides = [1, 1, 1]} : vector<128x32x128xf32> to vector<128x1x128xf32>
    %squeeze3A_159 = vector.shape_cast %slice3A_158 : vector<128x1x128xf32> to vector<128x128xf32>
    %get3A_160 = arith.constant 14 : index
    %get3A_161 = arith.constant 0 : index
    %get3A_162 = arith.constant 0 : index
    %get3A_163 = vector.load %arg4[%get3A_160, %get3A_161, %get3A_162] : memref<32x128x128xf32, #tpu.memory_space<vmem>>, vector<1x128x128xf32>
    %get3A_164 = vector.shape_cast %get3A_163 : vector<1x128x128xf32> to vector<128x128xf32>
    %dot_general3A_165 = arith.constant dense<0.000000e+00> : vector<128x128xf32>
    %dot_general3A_166 = tpu.matmul %squeeze3A_159, %get3A_164, %dot_general3A_165 {dimension_numbers = #tpu.dot_dimension_numbers<[1], [0], [0], [1], [0, 0, 1, 1], [], []>, precision = #tpu.contract_precision<fp32>, transpose_lhs_hint = false} : vector<128x128xf32>, vector<128x128xf32>, vector<128x128xf32> -> vector<128x128xf32>
    %add3A_167 = arith.addf %add3A_157, %dot_general3A_166 : vector<128x128xf32>
    %slice3A_168 = vector.extract_strided_slice %get3A_15 {offsets = [0, 15, 0], sizes = [128, 1, 128], strides = [1, 1, 1]} : vector<128x32x128xf32> to vector<128x1x128xf32>
    %squeeze3A_169 = vector.shape_cast %slice3A_168 : vector<128x1x128xf32> to vector<128x128xf32>
    %get3A_170 = arith.constant 15 : index
    %get3A_171 = arith.constant 0 : index
    %get3A_172 = arith.constant 0 : index
    %get3A_173 = vector.load %arg4[%get3A_170, %get3A_171, %get3A_172] : memref<32x128x128xf32, #tpu.memory_space<vmem>>, vector<1x128x128xf32>
    %get3A_174 = vector.shape_cast %get3A_173 : vector<1x128x128xf32> to vector<128x128xf32>
    %dot_general3A_175 = arith.constant dense<0.000000e+00> : vector<128x128xf32>
    %dot_general3A_176 = tpu.matmul %squeeze3A_169, %get3A_174, %dot_general3A_175 {dimension_numbers = #tpu.dot_dimension_numbers<[1], [0], [0], [1], [0, 0, 1, 1], [], []>, precision = #tpu.contract_precision<fp32>, transpose_lhs_hint = false} : vector<128x128xf32>, vector<128x128xf32>, vector<128x128xf32> -> vector<128x128xf32>
    %add3A_177 = arith.addf %add3A_167, %dot_general3A_176 : vector<128x128xf32>
    %slice3A_178 = vector.extract_strided_slice %get3A_15 {offsets = [0, 16, 0], sizes = [128, 1, 128], strides = [1, 1, 1]} : vector<128x32x128xf32> to vector<128x1x128xf32>
    %squeeze3A_179 = vector.shape_cast %slice3A_178 : vector<128x1x128xf32> to vector<128x128xf32>
    %get3A_180 = arith.constant 16 : index
    %get3A_181 = arith.constant 0 : index
    %get3A_182 = arith.constant 0 : index
    %get3A_183 = vector.load %arg4[%get3A_180, %get3A_181, %get3A_182] : memref<32x128x128xf32, #tpu.memory_space<vmem>>, vector<1x128x128xf32>
    %get3A_184 = vector.shape_cast %get3A_183 : vector<1x128x128xf32> to vector<128x128xf32>
    %dot_general3A_185 = arith.constant dense<0.000000e+00> : vector<128x128xf32>
    %dot_general3A_186 = tpu.matmul %squeeze3A_179, %get3A_184, %dot_general3A_185 {dimension_numbers = #tpu.dot_dimension_numbers<[1], [0], [0], [1], [0, 0, 1, 1], [], []>, precision = #tpu.contract_precision<fp32>, transpose_lhs_hint = false} : vector<128x128xf32>, vector<128x128xf32>, vector<128x128xf32> -> vector<128x128xf32>
    %add3A_187 = arith.addf %add3A_177, %dot_general3A_186 : vector<128x128xf32>
    %slice3A_188 = vector.extract_strided_slice %get3A_15 {offsets = [0, 17, 0], sizes = [128, 1, 128], strides = [1, 1, 1]} : vector<128x32x128xf32> to vector<128x1x128xf32>
    %squeeze3A_189 = vector.shape_cast %slice3A_188 : vector<128x1x128xf32> to vector<128x128xf32>
    %get3A_190 = arith.constant 17 : index
    %get3A_191 = arith.constant 0 : index
    %get3A_192 = arith.constant 0 : index
    %get3A_193 = vector.load %arg4[%get3A_190, %get3A_191, %get3A_192] : memref<32x128x128xf32, #tpu.memory_space<vmem>>, vector<1x128x128xf32>
    %get3A_194 = vector.shape_cast %get3A_193 : vector<1x128x128xf32> to vector<128x128xf32>
    %dot_general3A_195 = arith.constant dense<0.000000e+00> : vector<128x128xf32>
    %dot_general3A_196 = tpu.matmul %squeeze3A_189, %get3A_194, %dot_general3A_195 {dimension_numbers = #tpu.dot_dimension_numbers<[1], [0], [0], [1], [0, 0, 1, 1], [], []>, precision = #tpu.contract_precision<fp32>, transpose_lhs_hint = false} : vector<128x128xf32>, vector<128x128xf32>, vector<128x128xf32> -> vector<128x128xf32>
    %add3A_197 = arith.addf %add3A_187, %dot_general3A_196 : vector<128x128xf32>
    %slice3A_198 = vector.extract_strided_slice %get3A_15 {offsets = [0, 18, 0], sizes = [128, 1, 128], strides = [1, 1, 1]} : vector<128x32x128xf32> to vector<128x1x128xf32>
    %squeeze3A_199 = vector.shape_cast %slice3A_198 : vector<128x1x128xf32> to vector<128x128xf32>
    %get3A_200 = arith.constant 18 : index
    %get3A_201 = arith.constant 0 : index
    %get3A_202 = arith.constant 0 : index
    %get3A_203 = vector.load %arg4[%get3A_200, %get3A_201, %get3A_202] : memref<32x128x128xf32, #tpu.memory_space<vmem>>, vector<1x128x128xf32>
    %get3A_204 = vector.shape_cast %get3A_203 : vector<1x128x128xf32> to vector<128x128xf32>
    %dot_general3A_205 = arith.constant dense<0.000000e+00> : vector<128x128xf32>
    %dot_general3A_206 = tpu.matmul %squeeze3A_199, %get3A_204, %dot_general3A_205 {dimension_numbers = #tpu.dot_dimension_numbers<[1], [0], [0], [1], [0, 0, 1, 1], [], []>, precision = #tpu.contract_precision<fp32>, transpose_lhs_hint = false} : vector<128x128xf32>, vector<128x128xf32>, vector<128x128xf32> -> vector<128x128xf32>
    %add3A_207 = arith.addf %add3A_197, %dot_general3A_206 : vector<128x128xf32>
    %slice3A_208 = vector.extract_strided_slice %get3A_15 {offsets = [0, 19, 0], sizes = [128, 1, 128], strides = [1, 1, 1]} : vector<128x32x128xf32> to vector<128x1x128xf32>
    %squeeze3A_209 = vector.shape_cast %slice3A_208 : vector<128x1x128xf32> to vector<128x128xf32>
    %get3A_210 = arith.constant 19 : index
    %get3A_211 = arith.constant 0 : index
    %get3A_212 = arith.constant 0 : index
    %get3A_213 = vector.load %arg4[%get3A_210, %get3A_211, %get3A_212] : memref<32x128x128xf32, #tpu.memory_space<vmem>>, vector<1x128x128xf32>
    %get3A_214 = vector.shape_cast %get3A_213 : vector<1x128x128xf32> to vector<128x128xf32>
    %dot_general3A_215 = arith.constant dense<0.000000e+00> : vector<128x128xf32>
    %dot_general3A_216 = tpu.matmul %squeeze3A_209, %get3A_214, %dot_general3A_215 {dimension_numbers = #tpu.dot_dimension_numbers<[1], [0], [0], [1], [0, 0, 1, 1], [], []>, precision = #tpu.contract_precision<fp32>, transpose_lhs_hint = false} : vector<128x128xf32>, vector<128x128xf32>, vector<128x128xf32> -> vector<128x128xf32>
    %add3A_217 = arith.addf %add3A_207, %dot_general3A_216 : vector<128x128xf32>
    %slice3A_218 = vector.extract_strided_slice %get3A_15 {offsets = [0, 20, 0], sizes = [128, 1, 128], strides = [1, 1, 1]} : vector<128x32x128xf32> to vector<128x1x128xf32>
    %squeeze3A_219 = vector.shape_cast %slice3A_218 : vector<128x1x128xf32> to vector<128x128xf32>
    %get3A_220 = arith.constant 20 : index
    %get3A_221 = arith.constant 0 : index
    %get3A_222 = arith.constant 0 : index
    %get3A_223 = vector.load %arg4[%get3A_220, %get3A_221, %get3A_222] : memref<32x128x128xf32, #tpu.memory_space<vmem>>, vector<1x128x128xf32>
    %get3A_224 = vector.shape_cast %get3A_223 : vector<1x128x128xf32> to vector<128x128xf32>
    %dot_general3A_225 = arith.constant dense<0.000000e+00> : vector<128x128xf32>
    %dot_general3A_226 = tpu.matmul %squeeze3A_219, %get3A_224, %dot_general3A_225 {dimension_numbers = #tpu.dot_dimension_numbers<[1], [0], [0], [1], [0, 0, 1, 1], [], []>, precision = #tpu.contract_precision<fp32>, transpose_lhs_hint = false} : vector<128x128xf32>, vector<128x128xf32>, vector<128x128xf32> -> vector<128x128xf32>
    %add3A_227 = arith.addf %add3A_217, %dot_general3A_226 : vector<128x128xf32>
    %slice3A_228 = vector.extract_strided_slice %get3A_15 {offsets = [0, 21, 0], sizes = [128, 1, 128], strides = [1, 1, 1]} : vector<128x32x128xf32> to vector<128x1x128xf32>
    %squeeze3A_229 = vector.shape_cast %slice3A_228 : vector<128x1x128xf32> to vector<128x128xf32>
    %get3A_230 = arith.constant 21 : index
    %get3A_231 = arith.constant 0 : index
    %get3A_232 = arith.constant 0 : index
    %get3A_233 = vector.load %arg4[%get3A_230, %get3A_231, %get3A_232] : memref<32x128x128xf32, #tpu.memory_space<vmem>>, vector<1x128x128xf32>
    %get3A_234 = vector.shape_cast %get3A_233 : vector<1x128x128xf32> to vector<128x128xf32>
    %dot_general3A_235 = arith.constant dense<0.000000e+00> : vector<128x128xf32>
    %dot_general3A_236 = tpu.matmul %squeeze3A_229, %get3A_234, %dot_general3A_235 {dimension_numbers = #tpu.dot_dimension_numbers<[1], [0], [0], [1], [0, 0, 1, 1], [], []>, precision = #tpu.contract_precision<fp32>, transpose_lhs_hint = false} : vector<128x128xf32>, vector<128x128xf32>, vector<128x128xf32> -> vector<128x128xf32>
    %add3A_237 = arith.addf %add3A_227, %dot_general3A_236 : vector<128x128xf32>
    %slice3A_238 = vector.extract_strided_slice %get3A_15 {offsets = [0, 22, 0], sizes = [128, 1, 128], strides = [1, 1, 1]} : vector<128x32x128xf32> to vector<128x1x128xf32>
    %squeeze3A_239 = vector.shape_cast %slice3A_238 : vector<128x1x128xf32> to vector<128x128xf32>
    %get3A_240 = arith.constant 22 : index
    %get3A_241 = arith.constant 0 : index
    %get3A_242 = arith.constant 0 : index
    %get3A_243 = vector.load %arg4[%get3A_240, %get3A_241, %get3A_242] : memref<32x128x128xf32, #tpu.memory_space<vmem>>, vector<1x128x128xf32>
    %get3A_244 = vector.shape_cast %get3A_243 : vector<1x128x128xf32> to vector<128x128xf32>
    %dot_general3A_245 = arith.constant dense<0.000000e+00> : vector<128x128xf32>
    %dot_general3A_246 = tpu.matmul %squeeze3A_239, %get3A_244, %dot_general3A_245 {dimension_numbers = #tpu.dot_dimension_numbers<[1], [0], [0], [1], [0, 0, 1, 1], [], []>, precision = #tpu.contract_precision<fp32>, transpose_lhs_hint = false} : vector<128x128xf32>, vector<128x128xf32>, vector<128x128xf32> -> vector<128x128xf32>
    %add3A_247 = arith.addf %add3A_237, %dot_general3A_246 : vector<128x128xf32>
    %slice3A_248 = vector.extract_strided_slice %get3A_15 {offsets = [0, 23, 0], sizes = [128, 1, 128], strides = [1, 1, 1]} : vector<128x32x128xf32> to vector<128x1x128xf32>
    %squeeze3A_249 = vector.shape_cast %slice3A_248 : vector<128x1x128xf32> to vector<128x128xf32>
    %get3A_250 = arith.constant 23 : index
    %get3A_251 = arith.constant 0 : index
    %get3A_252 = arith.constant 0 : index
    %get3A_253 = vector.load %arg4[%get3A_250, %get3A_251, %get3A_252] : memref<32x128x128xf32, #tpu.memory_space<vmem>>, vector<1x128x128xf32>
    %get3A_254 = vector.shape_cast %get3A_253 : vector<1x128x128xf32> to vector<128x128xf32>
    %dot_general3A_255 = arith.constant dense<0.000000e+00> : vector<128x128xf32>
    %dot_general3A_256 = tpu.matmul %squeeze3A_249, %get3A_254, %dot_general3A_255 {dimension_numbers = #tpu.dot_dimension_numbers<[1], [0], [0], [1], [0, 0, 1, 1], [], []>, precision = #tpu.contract_precision<fp32>, transpose_lhs_hint = false} : vector<128x128xf32>, vector<128x128xf32>, vector<128x128xf32> -> vector<128x128xf32>
    %add3A_257 = arith.addf %add3A_247, %dot_general3A_256 : vector<128x128xf32>
    %slice3A_258 = vector.extract_strided_slice %get3A_15 {offsets = [0, 24, 0], sizes = [128, 1, 128], strides = [1, 1, 1]} : vector<128x32x128xf32> to vector<128x1x128xf32>
    %squeeze3A_259 = vector.shape_cast %slice3A_258 : vector<128x1x128xf32> to vector<128x128xf32>
    %get3A_260 = arith.constant 24 : index
    %get3A_261 = arith.constant 0 : index
    %get3A_262 = arith.constant 0 : index
    %get3A_263 = vector.load %arg4[%get3A_260, %get3A_261, %get3A_262] : memref<32x128x128xf32, #tpu.memory_space<vmem>>, vector<1x128x128xf32>
    %get3A_264 = vector.shape_cast %get3A_263 : vector<1x128x128xf32> to vector<128x128xf32>
    %dot_general3A_265 = arith.constant dense<0.000000e+00> : vector<128x128xf32>
    %dot_general3A_266 = tpu.matmul %squeeze3A_259, %get3A_264, %dot_general3A_265 {dimension_numbers = #tpu.dot_dimension_numbers<[1], [0], [0], [1], [0, 0, 1, 1], [], []>, precision = #tpu.contract_precision<fp32>, transpose_lhs_hint = false} : vector<128x128xf32>, vector<128x128xf32>, vector<128x128xf32> -> vector<128x128xf32>
    %add3A_267 = arith.addf %add3A_257, %dot_general3A_266 : vector<128x128xf32>
    %slice3A_268 = vector.extract_strided_slice %get3A_15 {offsets = [0, 25, 0], sizes = [128, 1, 128], strides = [1, 1, 1]} : vector<128x32x128xf32> to vector<128x1x128xf32>
    %squeeze3A_269 = vector.shape_cast %slice3A_268 : vector<128x1x128xf32> to vector<128x128xf32>
    %get3A_270 = arith.constant 25 : index
    %get3A_271 = arith.constant 0 : index
    %get3A_272 = arith.constant 0 : index
    %get3A_273 = vector.load %arg4[%get3A_270, %get3A_271, %get3A_272] : memref<32x128x128xf32, #tpu.memory_space<vmem>>, vector<1x128x128xf32>
    %get3A_274 = vector.shape_cast %get3A_273 : vector<1x128x128xf32> to vector<128x128xf32>
    %dot_general3A_275 = arith.constant dense<0.000000e+00> : vector<128x128xf32>
    %dot_general3A_276 = tpu.matmul %squeeze3A_269, %get3A_274, %dot_general3A_275 {dimension_numbers = #tpu.dot_dimension_numbers<[1], [0], [0], [1], [0, 0, 1, 1], [], []>, precision = #tpu.contract_precision<fp32>, transpose_lhs_hint = false} : vector<128x128xf32>, vector<128x128xf32>, vector<128x128xf32> -> vector<128x128xf32>
    %add3A_277 = arith.addf %add3A_267, %dot_general3A_276 : vector<128x128xf32>
    %slice3A_278 = vector.extract_strided_slice %get3A_15 {offsets = [0, 26, 0], sizes = [128, 1, 128], strides = [1, 1, 1]} : vector<128x32x128xf32> to vector<128x1x128xf32>
    %squeeze3A_279 = vector.shape_cast %slice3A_278 : vector<128x1x128xf32> to vector<128x128xf32>
    %get3A_280 = arith.constant 26 : index
    %get3A_281 = arith.constant 0 : index
    %get3A_282 = arith.constant 0 : index
    %get3A_283 = vector.load %arg4[%get3A_280, %get3A_281, %get3A_282] : memref<32x128x128xf32, #tpu.memory_space<vmem>>, vector<1x128x128xf32>
    %get3A_284 = vector.shape_cast %get3A_283 : vector<1x128x128xf32> to vector<128x128xf32>
    %dot_general3A_285 = arith.constant dense<0.000000e+00> : vector<128x128xf32>
    %dot_general3A_286 = tpu.matmul %squeeze3A_279, %get3A_284, %dot_general3A_285 {dimension_numbers = #tpu.dot_dimension_numbers<[1], [0], [0], [1], [0, 0, 1, 1], [], []>, precision = #tpu.contract_precision<fp32>, transpose_lhs_hint = false} : vector<128x128xf32>, vector<128x128xf32>, vector<128x128xf32> -> vector<128x128xf32>
    %add3A_287 = arith.addf %add3A_277, %dot_general3A_286 : vector<128x128xf32>
    %slice3A_288 = vector.extract_strided_slice %get3A_15 {offsets = [0, 27, 0], sizes = [128, 1, 128], strides = [1, 1, 1]} : vector<128x32x128xf32> to vector<128x1x128xf32>
    %squeeze3A_289 = vector.shape_cast %slice3A_288 : vector<128x1x128xf32> to vector<128x128xf32>
    %get3A_290 = arith.constant 27 : index
    %get3A_291 = arith.constant 0 : index
    %get3A_292 = arith.constant 0 : index
    %get3A_293 = vector.load %arg4[%get3A_290, %get3A_291, %get3A_292] : memref<32x128x128xf32, #tpu.memory_space<vmem>>, vector<1x128x128xf32>
    %get3A_294 = vector.shape_cast %get3A_293 : vector<1x128x128xf32> to vector<128x128xf32>
    %dot_general3A_295 = arith.constant dense<0.000000e+00> : vector<128x128xf32>
    %dot_general3A_296 = tpu.matmul %squeeze3A_289, %get3A_294, %dot_general3A_295 {dimension_numbers = #tpu.dot_dimension_numbers<[1], [0], [0], [1], [0, 0, 1, 1], [], []>, precision = #tpu.contract_precision<fp32>, transpose_lhs_hint = false} : vector<128x128xf32>, vector<128x128xf32>, vector<128x128xf32> -> vector<128x128xf32>
    %add3A_297 = arith.addf %add3A_287, %dot_general3A_296 : vector<128x128xf32>
    %slice3A_298 = vector.extract_strided_slice %get3A_15 {offsets = [0, 28, 0], sizes = [128, 1, 128], strides = [1, 1, 1]} : vector<128x32x128xf32> to vector<128x1x128xf32>
    %squeeze3A_299 = vector.shape_cast %slice3A_298 : vector<128x1x128xf32> to vector<128x128xf32>
    %get3A_300 = arith.constant 28 : index
    %get3A_301 = arith.constant 0 : index
    %get3A_302 = arith.constant 0 : index
    %get3A_303 = vector.load %arg4[%get3A_300, %get3A_301, %get3A_302] : memref<32x128x128xf32, #tpu.memory_space<vmem>>, vector<1x128x128xf32>
    %get3A_304 = vector.shape_cast %get3A_303 : vector<1x128x128xf32> to vector<128x128xf32>
    %dot_general3A_305 = arith.constant dense<0.000000e+00> : vector<128x128xf32>
    %dot_general3A_306 = tpu.matmul %squeeze3A_299, %get3A_304, %dot_general3A_305 {dimension_numbers = #tpu.dot_dimension_numbers<[1], [0], [0], [1], [0, 0, 1, 1], [], []>, precision = #tpu.contract_precision<fp32>, transpose_lhs_hint = false} : vector<128x128xf32>, vector<128x128xf32>, vector<128x128xf32> -> vector<128x128xf32>
    %add3A_307 = arith.addf %add3A_297, %dot_general3A_306 : vector<128x128xf32>
    %slice3A_308 = vector.extract_strided_slice %get3A_15 {offsets = [0, 29, 0], sizes = [128, 1, 128], strides = [1, 1, 1]} : vector<128x32x128xf32> to vector<128x1x128xf32>
    %squeeze3A_309 = vector.shape_cast %slice3A_308 : vector<128x1x128xf32> to vector<128x128xf32>
    %get3A_310 = arith.constant 29 : index
    %get3A_311 = arith.constant 0 : index
    %get3A_312 = arith.constant 0 : index
    %get3A_313 = vector.load %arg4[%get3A_310, %get3A_311, %get3A_312] : memref<32x128x128xf32, #tpu.memory_space<vmem>>, vector<1x128x128xf32>
    %get3A_314 = vector.shape_cast %get3A_313 : vector<1x128x128xf32> to vector<128x128xf32>
    %dot_general3A_315 = arith.constant dense<0.000000e+00> : vector<128x128xf32>
    %dot_general3A_316 = tpu.matmul %squeeze3A_309, %get3A_314, %dot_general3A_315 {dimension_numbers = #tpu.dot_dimension_numbers<[1], [0], [0], [1], [0, 0, 1, 1], [], []>, precision = #tpu.contract_precision<fp32>, transpose_lhs_hint = false} : vector<128x128xf32>, vector<128x128xf32>, vector<128x128xf32> -> vector<128x128xf32>
    %add3A_317 = arith.addf %add3A_307, %dot_general3A_316 : vector<128x128xf32>
    %slice3A_318 = vector.extract_strided_slice %get3A_15 {offsets = [0, 30, 0], sizes = [128, 1, 128], strides = [1, 1, 1]} : vector<128x32x128xf32> to vector<128x1x128xf32>
    %squeeze3A_319 = vector.shape_cast %slice3A_318 : vector<128x1x128xf32> to vector<128x128xf32>
    %get3A_320 = arith.constant 30 : index
    %get3A_321 = arith.constant 0 : index
    %get3A_322 = arith.constant 0 : index
    %get3A_323 = vector.load %arg4[%get3A_320, %get3A_321, %get3A_322] : memref<32x128x128xf32, #tpu.memory_space<vmem>>, vector<1x128x128xf32>
    %get3A_324 = vector.shape_cast %get3A_323 : vector<1x128x128xf32> to vector<128x128xf32>
    %dot_general3A_325 = arith.constant dense<0.000000e+00> : vector<128x128xf32>
    %dot_general3A_326 = tpu.matmul %squeeze3A_319, %get3A_324, %dot_general3A_325 {dimension_numbers = #tpu.dot_dimension_numbers<[1], [0], [0], [1], [0, 0, 1, 1], [], []>, precision = #tpu.contract_precision<fp32>, transpose_lhs_hint = false} : vector<128x128xf32>, vector<128x128xf32>, vector<128x128xf32> -> vector<128x128xf32>
    %add3A_327 = arith.addf %add3A_317, %dot_general3A_326 : vector<128x128xf32>
    %slice3A_328 = vector.extract_strided_slice %get3A_15 {offsets = [0, 31, 0], sizes = [128, 1, 128], strides = [1, 1, 1]} : vector<128x32x128xf32> to vector<128x1x128xf32>
    %squeeze3A_329 = vector.shape_cast %slice3A_328 : vector<128x1x128xf32> to vector<128x128xf32>
    %get3A_330 = arith.constant 31 : index
    %get3A_331 = arith.constant 0 : index
    %get3A_332 = arith.constant 0 : index
    %get3A_333 = vector.load %arg4[%get3A_330, %get3A_331, %get3A_332] : memref<32x128x128xf32, #tpu.memory_space<vmem>>, vector<1x128x128xf32>
    %get3A_334 = vector.shape_cast %get3A_333 : vector<1x128x128xf32> to vector<128x128xf32>
    %dot_general3A_335 = arith.constant dense<0.000000e+00> : vector<128x128xf32>
    %dot_general3A_336 = tpu.matmul %squeeze3A_329, %get3A_334, %dot_general3A_335 {dimension_numbers = #tpu.dot_dimension_numbers<[1], [0], [0], [1], [0, 0, 1, 1], [], []>, precision = #tpu.contract_precision<fp32>, transpose_lhs_hint = false} : vector<128x128xf32>, vector<128x128xf32>, vector<128x128xf32> -> vector<128x128xf32>
    %add3A_337 = arith.addf %add3A_327, %dot_general3A_336 : vector<128x128xf32>
    %concatenate3A = tpu.concatenate %max3A_11, %add3A_337 in 1 : vector<128x128xf32>, vector<128x128xf32> -> vector<128x256xf32>
    %get3A_338 = arith.constant 0 : index
    %get3A_339 = arith.constant 0 : index
    %get3A_340 = vector.load %arg6[%get3A_338, %get3A_339] : memref<256x1024xf32, #tpu.memory_space<vmem>>, vector<256x1024xf32>
    %dot_general3A_341 = arith.constant dense<0.000000e+00> : vector<128x1024xf32>
    %dot_general3A_342 = tpu.matmul %concatenate3A, %get3A_340, %dot_general3A_341 {dimension_numbers = #tpu.dot_dimension_numbers<[1], [0], [0], [1], [0, 0, 1, 1], [], []>, precision = #tpu.contract_precision<fp32>, transpose_lhs_hint = false} : vector<128x256xf32>, vector<256x1024xf32>, vector<128x1024xf32> -> vector<128x1024xf32>
    %get3A_343 = arith.constant 0 : index
    %get3A_344 = arith.constant 0 : index
    %get3A_345 = vector.load %arg7[%get3A_343, %get3A_344] : memref<1x1024xf32, #tpu.memory_space<vmem>>, vector<1x1024xf32>
    %add3A_346 = vector.broadcast %get3A_345 : vector<1x1024xf32> to vector<128x1024xf32>
    %add3A_347 = arith.addf %dot_general3A_342, %add3A_346 : vector<128x1024xf32>
    %max3A_348 = arith.constant 0.000000e+00 : f32
    %max3A_349 = vector.broadcast %max3A_348 : f32 to vector<128x1024xf32>
    %max3A_350 = arith.maximumf %add3A_347, %max3A_349 : vector<128x1024xf32>
    %get3A_351 = arith.constant 0 : index
    %get3A_352 = arith.constant 0 : index
    %get3A_353 = vector.load %arg8[%get3A_351, %get3A_352] : memref<1024x256xf32, #tpu.memory_space<vmem>>, vector<1024x256xf32>
    %dot_general3A_354 = arith.constant dense<0.000000e+00> : vector<128x256xf32>
    %dot_general3A_355 = tpu.matmul %max3A_350, %get3A_353, %dot_general3A_354 {dimension_numbers = #tpu.dot_dimension_numbers<[1], [0], [0], [1], [0, 0, 1, 1], [], []>, precision = #tpu.contract_precision<fp32>, transpose_lhs_hint = false} : vector<128x1024xf32>, vector<1024x256xf32>, vector<128x256xf32> -> vector<128x256xf32>
    %get3A_356 = arith.constant 0 : index
    %get3A_357 = arith.constant 0 : index
    %get3A_358 = vector.load %arg9[%get3A_356, %get3A_357] : memref<1x256xf32, #tpu.memory_space<vmem>>, vector<1x256xf32>
    %add3A_359 = vector.broadcast %get3A_358 : vector<1x256xf32> to vector<128x256xf32>
    %add3A_360 = arith.addf %dot_general3A_355, %add3A_359 : vector<128x256xf32>
    %max3A_361 = arith.constant 0.000000e+00 : f32
    %max3A_362 = vector.broadcast %max3A_361 : f32 to vector<128x256xf32>
    %max3A_363 = arith.maximumf %add3A_360, %max3A_362 : vector<128x256xf32>
    %get3A_364 = arith.constant 0 : index
    %get3A_365 = arith.constant 0 : index
    %get3A_366 = vector.load %arg10[%get3A_364, %get3A_365] : memref<256x1xf32, #tpu.memory_space<vmem>>, vector<256x1xf32>
    %dot_general3A_367 = arith.constant dense<0.000000e+00> : vector<128x1xf32>
    %dot_general3A_368 = tpu.matmul %max3A_363, %get3A_366, %dot_general3A_367 {dimension_numbers = #tpu.dot_dimension_numbers<[1], [0], [0], [1], [0, 0, 1, 1], [], []>, precision = #tpu.contract_precision<fp32>, transpose_lhs_hint = false} : vector<128x256xf32>, vector<256x1xf32>, vector<128x1xf32> -> vector<128x1xf32>
    %get3A_369 = arith.constant 0 : index
    %get3A_370 = arith.constant 0 : index
    %get3A_371 = vector.load %arg11[%get3A_369, %get3A_370] : memref<1x1xf32, #tpu.memory_space<vmem>>, vector<1x1xf32>
    %add3A_372 = vector.broadcast %get3A_371 : vector<1x1xf32> to vector<128x1xf32>
    %add3A_373 = arith.addf %dot_general3A_368, %add3A_372 : vector<128x1xf32>
    %swap3A = arith.constant 0 : index
    %swap3A_374 = arith.constant 0 : index
    %swap3A_375 = vector.load %arg12[%swap3A, %swap3A_374] : memref<128x1xf32, #tpu.memory_space<vmem>>, vector<128x1xf32>
    tpu.vector_store %arg12[%swap3A, %swap3A_374], %add3A_373 {strides = array<i32>} : memref<128x1xf32, #tpu.memory_space<vmem>>, vector<128x1xf32>,
    return
  }
}

</mosaic_0001>

<sc_bundles>
// kernel: kernel.21.cloned.1.call-start
scs
__scs_entry_jumppad:
0x0: {  	(pc) =	sbr.rel $0x88, $3  }
0x1: {  	(tag) =	ssettag $0x0;
	lr =	simm.s32 $0x1  }
0x2: {  	[smem:$0x3F72] =	sst lr;
	_ =	strace $0xD0000000  }
0x3: {  	_ = 	snop  }
0x4: {  	_ = 	snop  }
0x5: {  	_ = 	snop  }
0x6: {  	_ = 	snop  }
0x7: {  	_ = 	snop  }
__scs_overlays_trampoline_lowered:
0x8: {  	[smem:$0x3F81] =	sst s0  }
0x9: {  	[smem:$0x3F82] =	sst s1  }
0xa: {  	[smem:$0x3F83] =	sst s2  }
0xb: {  	[smem:$0x3F84] =	sst s3  }
0xc: {  	[smem:$0x3F85] =	sst s4  }
0xd: {  	[smem:$0x3F86] =	sst s5  }
0xe: {  	[smem:$0x3F87] =	sst s6  }
0xf: {  	[smem:$0x3F88] =	sst s7  }
0x10: {  	[smem:$0x3F89] =	sst s8  }
0x11: {  	[smem:$0x3F8A] =	sst s9;
	s0 =	simm.s32 @!p0 $0x0  }
0x12: {  	s1 =	sld [smem:$0x3F70];
	s0 =	simm.s32 @p0 $0x1  }
0x13: {  	[smem:$0x3F8B] =	sst s0;
	s0 =	simm.s32 @!p1 $0x0  }
0x14: {  	s2 =	sld [smem:$0x3F6F];
	s0 =	simm.s32 @p1 $0x1  }
0x15: {  	[smem:$0x3F8C] =	sst s0;
	s0 =	simm.s32 @!p2 $0x0  }
0x16: {  	s3 =	sld [smem:$0x3FDB];
	s0 =	simm.s32 @p2 $0x1  }
0x17: {  	s4 =	simm.s32 $0x1BF5;
	[smem:$0x3F8E] =	sst s0  }
0x18: {  	s0 =	sld [smem:$0x3F71];
	_ =	swait.ge [sflag:s4], $0x0  }
0x19: {  	s7 =	sld [smem:$0x3F72]  }
0x1a: {  	s8 =	sadd.s32 $0xFFFFE003, lr  }
0x1b: {  	s9 =	sadd.s32 $0xFFFFFEF7, lr;
	s5 =	simm.s32 $0xFFFFFFFF;
	p2 =	slt.u32 s8, $0xFFFFF086  }
0x1c: {  	p1 =	slt.u32 s9, $0xF7A;
	s5 =	simm.s32 @!p2 $0x0  }
0x1d: {  	s5 =	simm.s32 @p1 $0x1;
	p0 =	seq.s32 s7, s2  }
0x1e: {  	s7 =	smul.u32 @!p0 $0xF7A, s2;
	p2 =	seq.s32 @!p0 s5, $0x0  }
0x1f: {  	s9 =	smul.u32 $0xF7A, s1;
	s8 =	simm.s32 @!p0 $0x1BF5;
	p2 =	por !p2, p0  }
0x20: {  	[sflag:s8] =	ssyncset.s32 @!p0 $0xFFFFF086;
	s6 =	sadd.s32 @!p0 s3, s7;
	s7 =	simm.s32 @!p0 $0x108  }
0x21: {  	s3 =	sadd.s32 s3, s9;
	s6 =	sadd.s32 @!p0 $0x88, s6;
	s7 =	simm.s32 @p2 $0x1082  }
0x22: {  	[simem:s7], [sflag:s8] =	dma.local @!p0 [hbm:s6], $0xF7A  }
0x23: {  	s9 =	sor.u32 $0xD0000000, s2;
	s6 =	simm.s32 $0x108;
	_ =	swait.ge @!p0 [sflag:s8], $0x0  }
0x24: {  	s3 =	sadd.s32 $0x88, s3;
	s6 =	simm.s32 @!p1 $0x1082;
	[sflag:s4] =	ssyncset.s32 $0xFFFFF086  }
0x25: {  	[simem:s6], [sflag:s4] =	dma.local [hbm:s3], $0xF7A  }
0x26: {  	[smem:$0x3F72] =	sst s1;
	(tag) =	ssettag s2;
	_ =	strace s9  }
0x27: {  	s1 =	sld [smem:$0x3F82]  }
0x28: {  	s2 =	sld [smem:$0x3F83]  }
0x29: {  	s4 =	sld [smem:$0x3F85]  }
0x2a: {  	p0 =	seq.s32 s5, $0x0;
	s5 =	sld [smem:$0x3F86]  }
0x2b: {  	s6 =	sld [smem:$0x3F87]  }
0x2c: {  	s7 =	sld [smem:$0x3F88]  }
0x2d: {  	s3 =	simm.s32 $0x108;
	s8 =	sld [smem:$0x3F89]  }
0x2e: {  	s3 =	simm.s32 @!p0 $0x1082;
	s9 =	sld [smem:$0x3F8A]  }
0x2f: {  	lr =	sadd.s32 s0, s3;
	s0 =	sld [smem:$0x3F81]  }
0x30: {  	s3 =	sld [smem:$0x3F84]  }
0x31: {  	[smem:$0x3F8D] =	sst s10  }
0x32: {  	s10 =	sld [smem:$0x3F8B];
	_ =	sdelay $0x3  }
0x33: {  	p0 =	seq.s32 s10, $0x1;
	s10 =	sld [smem:$0x3F8D];
	_ =	sdelay $0x3  }
0x34: {  	[smem:$0x3F8D] =	sst s10  }
0x35: {  	s10 =	sld [smem:$0x3F8C];
	_ =	sdelay $0x3  }
0x36: {  	p1 =	seq.s32 s10, $0x1;
	s10 =	sld [smem:$0x3F8D];
	_ =	sdelay $0x3  }
0x37: {  	[smem:$0x3F8D] =	sst s10  }
0x38: {  	s10 =	sld [smem:$0x3F8E]  }
0x39: {  	_ = 	snop;
	(pc) =	sbr.ind lr, $3  }
0x3a: {  	_ = 	snop  }
0x3b: {  	_ = 	snop  }
0x3c: {  	p2 =	seq.s32 s10, $0x1;
	s10 =	sld [smem:$0x3F8D]  }
0x3d: {  	_ =	shalt  }
0x3e: {  	_ =	shalt  }
0x3f: {  	_ =	shalt  }
0x40: {  	_ =	shalt  }
0x41: {  	_ =	shalt  }
0x42: {  	_ =	shalt  }
0x43: {  	_ =	shalt  }
0x44: {  	_ =	shalt  }
0x45: {  	_ =	shalt  }
0x46: {  	_ =	shalt  }
0x47: {  	_ =	shalt  }
0x48: {  	_ =	shalt  }
0x49: {  	_ =	shalt  }
0x4a: {  	_ =	shalt  }
0x4b: {  	_ =	shalt  }
0x4c: {  	_ =	shalt  }
0x4d: {  	_ =	shalt  }
0x4e: {  	_ =	shalt  }
0x4f: {  	_ =	shalt  }
0x50: {  	_ =	shalt  }
0x51: {  	_ =	shalt  }
0x52: {  	_ =	shalt  }
0x53: {  	_ =	shalt  }
0x54: {  	_ =	shalt  }
0x55: {  	_ =	shalt  }
0x56: {  	_ =	shalt  }
0x57: {  	_ =	shalt  }
0x58: {  	_ =	shalt  }
0x59: {  	_ =	shalt  }
0x5a: {  	_ =	shalt  }
0x5b: {  	_ =	shalt  }
0x5c: {  	_ =	shalt  }
0x5d: {  	_ =	shalt  }
0x5e: {  	_ =	shalt  }
0x5f: {  	_ =	shalt  }
0x60: {  	_ =	shalt  }
0x61: {  	_ =	shalt  }
0x62: {  	_ =	shalt  }
0x63: {  	_ =	shalt  }
0x64: {  	_ =	shalt  }
0x65: {  	_ =	shalt  }
0x66: {  	_ =	shalt  }
0x67: {  	_ =	shalt  }
0x68: {  	_ =	shalt  }
0x69: {  	_ =	shalt  }
0x6a: {  	_ =	shalt  }
0x6b: {  	_ =	shalt  }
0x6c: {  	_ =	shalt  }
0x6d: {  	_ =	shalt  }
0x6e: {  	_ =	shalt  }
0x6f: {  	_ =	shalt  }
0x70: {  	_ =	shalt  }
0x71: {  	_ =	shalt  }
0x72: {  	_ =	shalt  }
0x73: {  	_ =	shalt  }
0x74: {  	_ =	shalt  }
0x75: {  	_ =	shalt  }
0x76: {  	_ =	shalt  }
0x77: {  	_ =	shalt  }
0x78: {  	_ =	shalt  }
0x79: {  	_ =	shalt  }
0x7a: {  	_ =	shalt  }
0x7b: {  	_ =	shalt  }
0x7c: {  	_ =	shalt  }
0x7d: {  	_ =	shalt  }
0x7e: {  	_ =	shalt  }
0x7f: {  	_ =	shalt  }
0x80: {  	_ =	shalt  }
0x81: {  	_ =	shalt  }
0x82: {  	_ =	shalt  }
0x83: {  	_ =	shalt  }
0x84: {  	_ =	shalt  }
0x85: {  	_ =	shalt  }
0x86: {  	_ =	shalt  }
0x87: {  	_ =	shalt  }
.Lfunc_end0:
.L_simem_size_0:
called_computation_lowered:
.L_overlay_start_0:
0x88: {  	s2 =	sld [smem:$0x3FD9]  }
0x89: {  	s3 =	sld [smem:$0x3FFE];
	_ =	sdelay $0x1  }
0x8a: {  	s1 =	srdreg.scid  }
0x8b: {  	s0 =	sand.u32 $0x1, s1  }
0x8c: {  	s17 =	sshll.u32 s0, $0xA;
	s2 =	sadd.s32 s3, s2  }
0x8d: {  	s2 =	sadd.s32 s2, s17  }
0x8e: {  	[smem:$0x3F99] =	sst s2  }
0x8f: {  	_ = 	snop  }
0x90: {  	(tm) =	ssettm $0x1  }
0x91: {  	s18 =	sld [smem:$0x3FFB];
	_ =	sdelay $0x3  }
0x92: {  	_ =	strace s18  }
0x93: {  	s2 =	sld [smem:$0x3FFC];
	_ =	sdelay $0x3  }
0x94: {  	_ =	strace s2  }
0x95: {  	s2 =	sld [smem:$0x3FFD];
	_ =	sdelay $0x3  }
0x96: {  	_ =	strace s2  }
0x97: {  	_ =	strace $0x8FFFFFFF  }
0x98: {  	s19 =	sld [smem:$0x3FDB];
	_ =	sdelay $0x1  }
0x99: {  	s20 =	simm.s32 $_scs_section_size  }
0x9a: {  	s4 =	simm.s32 $_size__tile_overlayer_lowered;
	s5 =	simm.s32 $_tile_overlayer_lowered  }
0x9b: {  	s6 =	simm.s32 $0x1BFF;
	s21 =	sshll.u32 s5, $0x1;
	s3 =	sadd.s32 s20, s19  }
0x9c: {  	s22 =	simm.s32 $0x0;
	s4 =	sshll.u32 s4, $0x1;
	s5 =	sadd.s32 s21, s3  }
0x9d: {  	[timem:s22], [sflag:s6] =	dma.local [hbm:s5], s4  }
0x9e: {  	_ =	swait.ge [sflag:s6], s4  }
0x9f: {  	s4 =	ssub.s32 $0x0, s4;
	[sflag:s6] =	ssyncset.done $0x0  }
0xa0: {  	[sflag:s6] =	ssyncadd.s32 s4;
	_ =	sdelay $0x1  }
0xa1: {  	s23 =	simm.s32 $0x1B8B  }
0xa2: {  	_ =	swait.ge [sflag:s23], $0x1  }
0xa3: {  	[sflag:s23] =	ssyncset.done $0x0  }
0xa4: {  	[sflag:s23] =	ssyncadd.s32 $0xFFFFFFFF  }
0xa5: {  	s4 =	sld [smem:$0x0]  }
0xa6: {  	s5 =	sand.u32 $0xFFFFFFFE, s1  }
0xa7: {  	p0 =	sne.s32 s1, s5  }
0xa8: {  	s5 =	sshll.u32 @p0 s5, $0xE  }
0xa9: {  	s5 =	sadd.s32 @p0 $0x11B8D, s5;
	s6 =	sshll.u32 @p0 s4, $0x11  }
0xaa: {  	s5 =	sor.u32 @p0 s6, s5  }
0xab: {  	[sflag:s5] =	ssyncadd.remote.s32 @p0 $0x1;
	_ =	sdelay $0x1  }
0xac: {  	s5 =	simm.s32 @p0 $0x1B8D  }
0xad: {  	_ =	swait.eq @p0 [sflag:s5], $0x1  }
0xae: {  	[sflag:s5] =	ssyncadd.s32 @p0 $0xFFFFFFFF  }
0xaf: {  	s6 =	sshll.u32 @!p0 s1, $0xE  }
0xb0: {  	s6 =	sor.u32 @!p0 $0x4000, s6;
	s5 =	simm.s32 @!p0 $0x1B8D  }
0xb1: {  	s4 =	sshll.u32 @!p0 s4, $0x11;
	s6 =	sadd.s32 @!p0 $0x11B8D, s6;
	_ =	swait.eq @!p0 [sflag:s5], $0x1  }
0xb2: {  	s4 =	sor.u32 @!p0 s4, s6;
	[sflag:s5] =	ssyncadd.s32 @!p0 $0xFFFFFFFF  }
0xb3: {  	s25 =	simm.s32 $0x1B8E;
	s24 =	sld [smem:$0x3FFE];
	[sflag:s4] =	ssyncadd.remote.s32 @!p0 $0x1  }
0xb4: {  	s26 =	simm.s32 $execute0_lowered;
	[smem:$0x3FD2] =	sst s25  }
0xb5: {  	s5 =	sshll.u32 s26, $0x1;
	_ =	strace $0x8000004C;
	[dreg:$0x1] =	wrdreg $0xFFFFFFFF  }
0xb6: {  	s28 =	simm.s32 $_size_execute0_lowered;
	s3 =	sadd.s32 s3, s5;
	[dreg:$0x0] =	wrdreg $0x0  }
0xb7: {  	s5 =	sshll.u32 s28, $0x1;
	[dreg:$0x2] =	wrdreg s3  }
0xb8: {  	[dreg:$0x3] =	wrdreg s5  }
0xb9: {  	[dreg:$0x4] =	wrdreg $0xC0  }
0xba: {  	_ =	task [dreg:s22], $0x5FFFF  }
0xbb: {  	[dreg:$0x1] =	wrdreg $0xFFFFFFFF  }
0xbc: {  	[dreg:$0x0] =	wrdreg $0x60  }
0xbd: {  	[dreg:$0x2] =	wrdreg s24  }
0xbe: {  	[dreg:$0x3] =	wrdreg $0x43000  }
0xbf: {  	[dreg:$0x4] =	wrdreg $0x9  }
0xc0: {  	_ =	task.clear_ibuf [dreg:s22], $0x5FFFF;
	_ =	strace $0x9000004C  }
0xc1: {  	s29 =	simm.s32 $0x9;
	_ =	strace $0x8000004E  }
0xc2: {  	_ =	swait.ge [sflag:s29], $0x1  }
0xc3: {  	[sflag:s29] =	ssyncadd.s32 $0xFFFFFFFF  }
0xc4: {  	_ =	strace $0x9000004E  }
0xc5: {  	_ =	sfence  }
0xc6: {  	s30 =	sld [smem:$0x0];
	_ =	sdelay $0x2  }
0xc7: {  	s31 =	sshll.u32 s1, $0xD;
	s1 =	sshrl.u32 s1, $0x2  }
0xc8: {  	s4 =	sand.u32 $0x4000, s31;
	s1 =	sadd.s32 s1, s30  }
0xc9: {  	s0 =	sor.u32 s4, s0;
	s1 =	sshll.u32 s1, $0x11  }
0xca: {  	s0 =	sor.u32 s1, s0  }
0xcb: {  	s0 =	sadd.s32 $0x8F2B, s0  }
0xcc: {  	[sflag:s0] =	ssyncadd.remote.s32 $0x1  }
0xcd: {  	_ =	sfence.sel $0xFFFF  }
0xce: {  	[dreg:$0x0] =	wrdreg $0xFFFFFFFF;
	(pc) =	sbr.abs _section_cstart, $3  }
0xcf: {  	[dreg:$0x1] =	wrdreg $0xFFFFFFFF  }
0xd0: {  	_ =	task.clear_ibuf [dreg:s22], $0x2FFFF;
	_ =	strace $0x9FFFFFFF  }
0xd1: {  	(tm) =	ssettm $0x7FFFFFFF  }
tec
execute0_lowered:
.L_overlay_start_1:
0x0: {  	(tag) =	ssettag $0x1  }
0x1: {  	s0 =	srdreg.scid  }
0x2: {  	s13 =	stileid.u32;
	s3 =	sand.u32 $0x1, s0  }
0x3: {  	s12 =	sor.u32 $0x20, s13;
	s7 =	smul.u32 $0x186A00, s3  }
0x4: {  	s14 =	sor.u32 $0x30, s13;
	s2 =	smul.u32 $0x3200, s12  }
0x5: {  	s15 =	sor.u32 $0x40, s13;
	s10 =	smul.u32 $0x3200, s14  }
0x6: {  	s4 =	rddreg [dreg:$0x0];
	s16 =	sor.u32 $0x50, s13;
	s22 =	smul.u32 $0x3200, s15  }
0x7: {  	s5 =	sadd.s32 $0x15E800, s4;
	s0 =	ssub.s32 $0x2, s3;
	s23 =	smul.u32 $0x3200, s16  }
0x8: {  	s11 =	sor.u32 $0x10, s13;
	s14 =	smul.u32 $0xC800, s14;
	s1 =	sshrl.u32 s0, $0x1  }
0x9: {  	s17 =	sor.u32 $0x60, s13;
	s6 =	ssub.s32 s0, s1;
	s0 =	smul.u32 $0x3200, s13  }
0xa: {  	s18 =	sor.u32 $0x70, s13;
	s3 =	sshll.u32 s3, $0x4;
	s1 =	smul.u32 $0x3200, s11  }
0xb: {  	p0 =	sgt.u32 s18, $0x7C;
	s25 =	sadd.s32 s7, s2;
	s8 =	sadd.s32 s7, s0  }
0xc: {  	s26 =	sadd.s32 s7, s10;
	s9 =	sadd.s32 s7, s1;
	s8 =	sshrl.u32 s8, $0x3  }
0xd: {  	s19 =	sadd.s32 s7, s22;
	s9 =	sshrl.u32 s9, $0x3;
	s8 =	sadd.s32 s5, s8  }
0xe: {  	s20 =	sadd.s32 s7, s23;
	s24 =	sadd.s32 s5, s9;
	[dreg:$0x3] =	wrdreg s8  }
0xf: {  	[dreg:$0x4] =	wrdreg s24;
	s8 =	sshrl.u32 s25, $0x3;
	s24 =	smul.u32 $0x3200, s17  }
0x10: {  	s9 =	sshrl.u32 s26, $0x3;
	s25 =	smul.u32 $0x3200, s18;
	s8 =	sadd.s32 s5, s8  }
0x11: {  	s21 =	sshrl.u32 s20, $0x3;
	[dreg:$0x5] =	wrdreg s8;
	s8 =	sadd.s32 s5, s9  }
0x12: {  	s26 =	sadd.s32 s7, s24;
	s20 =	sadd.s32 s7, s25;
	s7 =	smul.u32 $0xC800, s13  }
0x13: {  	[dreg:$0x6] =	wrdreg s8;
	s8 =	sshrl.u32 s19, $0x3;
	s19 =	sshrl.u32 s26, $0x3  }
0x14: {  	s9 =	sshrl.u32 s20, $0x3;
	s26 =	sshll.u32 s13, $0x5;
	s8 =	sadd.s32 s5, s8  }
0x15: {  	s20 =	smul.u32 $0xC800, s12;
	[dreg:$0x7] =	wrdreg s8;
	s8 =	sadd.s32 s5, s21  }
0x16: {  	s21 =	sadd.s32 s5, s19;
	s19 =	smul.u32 $0xC800, s11;
	s11 =	rddreg [dreg:$0x1]  }
0x17: {  	s12 =	sadd.s32 $0x12DA00, s4;
	s5 =	sadd.s32 s5, s9;
	[dreg:$0x8] =	wrdreg s8  }
0x18: {  	s9 =	smax.u32 s6, $0x1;
	[dreg:$0x9] =	wrdreg s21;
	s8 =	simm.s32 $0x0  }
0x19: {  	[dreg:$0xa] =	wrdreg s5;
	s5 =	sadd.s32 s26, s4;
	s21 =	smul.u32 $0xC800, s15  }
0x1a: {  	s4 =	sshrl.u32 s14, $0x2;
	s14 =	smul.u32 $0xC800, s17;
	s0 =	sadd.s32 s0, s11  }
0x1b: {  	s1 =	sadd.s32 s1, s11;
	s2 =	sadd.s32 s2, s11;
	[smem:$0x7FF] =	sst s8  }
0x1c: {  	s26 =	sadd.s32 s3, s5;
	s5 =	sshrl.u32 s7, $0x2;
	s19 =	sshrl.u32 s19, $0x2  }
0x1d: {  	s7 =	smul.u32 $0xC800, s16;
	s17 =	sadd.s32 s4, s11;
	_ =	strace $0x8000004D  }
0x1e: {  	[dreg:$0xb] =	wrdreg s9;
	s5 =	sadd.s32 s5, s11;
	s15 =	sadd.s32 s19, s11  }
0x1f: {  	s9 =	sshrl.u32 s20, $0x2;
	s19 =	sshrl.u32 s21, $0x2;
	s21 =	smul.u32 $0xC800, s18  }
0x20: {  	s20 =	sshrl.u32 s14, $0x2;
	s14 =	sadd.s32 s24, s11;
	s24 =	sshrl.u32 s0, $0x3  }
0x21: {  	s0 =	sshll.u32 s13, $0x1;
	[dreg:$0xc] =	wrdreg s5;
	s16 =	sadd.s32 s9, s11  }
0x22: {  	s18 =	sadd.s32 s19, s11;
	s19 =	sshrl.u32 s7, $0x2;
	s20 =	sadd.s32 s20, s11  }
0x23: {  	s7 =	sadd.s32 s10, s11;
	s9 =	sadd.s32 s22, s11;
	s10 =	sadd.s32 s23, s11  }
0x24: {  	s22 =	sadd.s32 $0x8400, s26;
	s23 =	sadd.s32 $0x20C00, s26;
	s26 =	sshrl.u32 s2, $0x3  }
0x25: {  	s31 =	sshrl.u32 s14, $0x3;
	s2 =	simm.s32 $0x2;
	s3 =	sshrl.u32 s21, $0x2  }
0x26: {  	s19 =	sadd.s32 s19, s11;
	s28 =	sshrl.u32 s7, $0x3;
	s29 =	sshrl.u32 s9, $0x3  }
0x27: {  	s30 =	sshrl.u32 s10, $0x3;
	s21 =	sadd.s32 s3, s11;
	s3 =	sadd.s32 s25, s11  }
0x28: {  	v0 =	vimm.f32 $0.0e+00;
	s25 =	sshrl.u32 s1, $0x3;
	s1 =	simm.s32 $0x1100;
	s10 =	sshrl.u32 @!p0 s3, $0x3  }
.LBB2_1:
0x29: {  	s3 =	simm.s32 $0x80;
	s4 =	simm.s32 $0x0  }
.LBB2_2:
0x2a: {  	p1 =	sne.s32 s3, $0xC780;
	[tilespmem:s4+$0x1100] =	vst v0;
	s5 =	smov.u32 s3;
	s3 =	sadd.s32 $0x80, s3  }
.Ltmp0:
0x2b: {  	[tilespmem:s4+$0x1110] =	vst v0;
	(pc) =	sbr.rel @p1 .LBB2_2-.Ltmp0, $2  }
0x2c: {  	_ =	sdelay $0x2  }
0x2d: {  	s4 =	sshra.s32 s5, $0x2  }
0x2e: {  	[tilespmem:s4+$0x1100] =	vst v0  }
0x2f: {  	[tilespmem:s4+$0x1110] =	vst v0;
	s3 =	rddreg [dreg:$0xc]  }
0x30: {  	[spmem:s3] =	stream.linear.scatter [tilespmem:s1], [sflag:$0x2], $0x3200, $0x38;
	[tilespmem:$0x1C9A0] =	vst v63  }
0x31: {  	_ =	swait.ge [sflag:s2], $0x3200  }
0x32: {  	[sflag:s2] =	ssyncset.done $0x0  }
0x33: {  	[sflag:s2] =	ssyncadd.s32 $0xFFFFCE00  }
0x34: {  	[spmem:s15] =	stream.linear.scatter [tilespmem:s1], [sflag:$0x2], $0x3200, $0x38;
	[tilespmem:$0x1C9A0] =	vst v63  }
0x35: {  	_ =	swait.ge [sflag:s2], $0x3200  }
0x36: {  	[sflag:s2] =	ssyncset.done $0x0  }
0x37: {  	[sflag:s2] =	ssyncadd.s32 $0xFFFFCE00  }
0x38: {  	[spmem:s16] =	stream.linear.scatter [tilespmem:s1], [sflag:$0x2], $0x3200, $0x38;
	[tilespmem:$0x1C9A0] =	vst v63  }
0x39: {  	_ =	swait.ge [sflag:s2], $0x3200  }
0x3a: {  	[sflag:s2] =	ssyncset.done $0x0  }
0x3b: {  	[sflag:s2] =	ssyncadd.s32 $0xFFFFCE00  }
0x3c: {  	[spmem:s17] =	stream.linear.scatter [tilespmem:s1], [sflag:$0x2], $0x3200, $0x38;
	[tilespmem:$0x1C9A0] =	vst v63  }
0x3d: {  	_ =	swait.ge [sflag:s2], $0x3200  }
0x3e: {  	[sflag:s2] =	ssyncset.done $0x0  }
0x3f: {  	[sflag:s2] =	ssyncadd.s32 $0xFFFFCE00  }
0x40: {  	[spmem:s18] =	stream.linear.scatter [tilespmem:s1], [sflag:$0x2], $0x3200, $0x38;
	[tilespmem:$0x1C9A0] =	vst v63  }
0x41: {  	_ =	swait.ge [sflag:s2], $0x3200  }
0x42: {  	[sflag:s2] =	ssyncset.done $0x0  }
0x43: {  	[sflag:s2] =	ssyncadd.s32 $0xFFFFCE00  }
0x44: {  	[spmem:s19] =	stream.linear.scatter [tilespmem:s1], [sflag:$0x2], $0x3200, $0x38;
	[tilespmem:$0x1C9A0] =	vst v63  }
0x45: {  	_ =	swait.ge [sflag:s2], $0x3200  }
0x46: {  	[sflag:s2] =	ssyncset.done $0x0  }
0x47: {  	[sflag:s2] =	ssyncadd.s32 $0xFFFFCE00  }
0x48: {  	[spmem:s20] =	stream.linear.scatter [tilespmem:s1], [sflag:$0x2], $0x3200, $0x38;
	[tilespmem:$0x1C9A0] =	vst v63  }
0x49: {  	_ =	swait.ge [sflag:s2], $0x3200  }
0x4a: {  	[sflag:s2] =	ssyncset.done $0x0  }
0x4b: {  	s3 =	simm.s32 @!p0 $0x1100;
	[sflag:s2] =	ssyncadd.s32 $0xFFFFCE00  }
0x4c: {  	[spmem:s21] =	stream.linear.scatter @!p0 [tilespmem:s3], [sflag:$0x2], $0x3200, $0x38;
	[tilespmem:$0x1C9A0] =	vst v63  }
0x4d: {  	s3 =	simm.s32 @!p0 $0x2  }
0x4e: {  	_ =	swait.ge @!p0 [sflag:s3], $0x3200  }
0x4f: {  	p1 =	sgt.u32 s0, $0x1869;
	[sflag:s3] =	ssyncset.done @!p0 $0x0  }
0x50: {  	s4 =	simm.s32 @!p1 $0x0;
	[sflag:s3] =	ssyncadd.s32 @!p0 $0xFFFFCE00  }
0x51: {  	s5 =	simm.s32 @!p1 $0x3;
	s3 =	sadd.s32 @!p1 $0x0, s23;
	[bflag:$0x0] =	sbarrier.arrive $0xFFFF  }
0x52: {  	[tilespmem:s4], [sflag:$0x3] =	stream.linear.gather @!p1 [hbm4b:s3+s4], $0x80, $0x38;
	[tilespmem:$0x1C9A0] =	vst v63  }
0x53: {  	_ =	swait.ge @!p1 [sflag:s5], $0x80;
	p1 =	por p1, p1  }
0x54: {  	[sflag:s5] =	ssyncset.done @!p1 $0x0  }
0x55: {  	s3 =	sadd.s32 @!p1 $0x0, s22;
	s6 =	simm.s32 @!p1 $0x80;
	[sflag:s5] =	ssyncadd.s32 @!p1 $0xFFFFFF80  }
0x56: {  	[tilespmem:s6], [sflag:$0x3] =	stream.linear.gather @!p1 [hbm4b:s3+s4], $0x80, $0x38;
	[tilespmem:$0x1C9A0] =	vst v63  }
0x57: {  	_ =	swait.ge @!p1 [sflag:s5], $0x80  }
0x58: {  	[sflag:s5] =	ssyncset.done @!p1 $0x0  }
0x59: {  	s3 =	simm.s32 @!p1 $0x100;
	[sflag:s5] =	ssyncadd.s32 @!p1 $0xFFFFFF80;
	s5 =	simm.s32 @!p1 $0x1  }
0x5a: {  	[tilespmem:s3], [sflag:$0x1] =	stream.indirect.gather @!p1 [hbm4b:s12+s6], $0x20, s4, s6, $0xb8;
	[tilespmem:$0x1C9A0] =	vst v63  }
0x5b: {  	_ =	swait.ge @!p1 [sflag:s5], $0x1000  }
0x5c: {  	[sflag:s5] =	ssyncset.done @!p1 $0x0  }
0x5d: {  	s4 =	sadd.s32 $0x20, s0;
	[sflag:s5] =	ssyncadd.s32 @!p1 $0xFFFFF000  }
0x5e: {  	[spmem:s11] =	stream.indirect.scatter.add.f32 @!p1 [tilespmem:s3], [sflag:$0x2], $0x20, s6, s6, $0xb8;
	[tilespmem:$0x1C9A0] =	vst v63  }
0x5f: {  	p3 =	sgt.u32 s4, $0x1869;
	s6 =	simm.s32 @!p1 $0x2  }
0x60: {  	s5 =	simm.s32 $0x400;
	s3 =	simm.s32 $0x200;
	_ =	swait.ge @!p1 [sflag:s6], $0x1000  }
.LBB2_4:
0x61: {  	s7 =	sadd.s32 @!p3 s3, s23  }
0x62: {  	s9 =	simm.s32 @!p3 $0x0;
	[sflag:s6] =	ssyncset.done @!p1 $0x0;
	s13 =	smov.u32 s5  }
0x63: {  	s5 =	sadd.s32 $0x200, s5;
	s14 =	simm.s32 @!p3 $0x3;
	[sflag:s6] =	ssyncadd.s32 @!p1 $0xFFFFF000  }
0x64: {  	[tilespmem:s9], [sflag:$0x3] =	stream.linear.gather @!p3 [hbm4b:s7+s9], $0x80, $0x38;
	[tilespmem:$0x1C9A0] =	vst v63  }
0x65: {  	p2 =	sne.s32 s5, $0x18800;
	p1 =	por p3, p3;
	_ =	swait.ge @!p3 [sflag:s14], $0x80  }
0x66: {  	[sflag:s14] =	ssyncset.done @!p1 $0x0  }
0x67: {  	s3 =	sadd.s32 @!p1 s3, s22;
	s7 =	simm.s32 @!p1 $0x80;
	[sflag:s14] =	ssyncadd.s32 @!p1 $0xFFFFFF80  }
0x68: {  	[tilespmem:s7], [sflag:$0x3] =	stream.linear.gather @!p1 [hbm4b:s3+s9], $0x80, $0x38;
	[tilespmem:$0x1C9A0] =	vst v63  }
0x69: {  	s3 =	smov.u32 s13;
	_ =	swait.ge @!p1 [sflag:s14], $0x80  }
0x6a: {  	[sflag:s14] =	ssyncset.done @!p1 $0x0  }
0x6b: {  	s6 =	simm.s32 @!p1 $0x1;
	s13 =	simm.s32 @!p1 $0x100;
	[sflag:s14] =	ssyncadd.s32 @!p1 $0xFFFFFF80  }
0x6c: {  	[tilespmem:s13], [sflag:$0x1] =	stream.indirect.gather @!p1 [hbm4b:s12+s7], $0x20, s9, s7, $0xb8;
	[tilespmem:$0x1C9A0] =	vst v63  }
.Ltmp1:
0x6d: {  	_ =	swait.ge @!p1 [sflag:s6], $0x1000;
	(pc) =	sbr.rel @p2 .LBB2_4-.Ltmp1, $4  }
0x6e: {  	[sflag:s6] =	ssyncset.done @!p1 $0x0  }
0x6f: {  	s4 =	sadd.s32 $0x20, s4;
	[sflag:s6] =	ssyncadd.s32 @!p1 $0xFFFFF000;
	s6 =	simm.s32 @!p1 $0x2  }
0x70: {  	[spmem:s11] =	stream.indirect.scatter.add.f32 @!p1 [tilespmem:s13], [sflag:$0x2], $0x20, s7, s7, $0xb8;
	[tilespmem:$0x1C9A0] =	vst v63  }
0x71: {  	p3 =	sgt.u32 s4, $0x1869;
	_ =	swait.ge @!p1 [sflag:s6], $0x1000  }
0x72: {  	s4 =	sadd.s32 @!p3 s3, s23;
	[sflag:s6] =	ssyncset.done @!p1 $0x0  }
0x73: {  	s5 =	simm.s32 @!p3 $0x0;
	[sflag:s6] =	ssyncadd.s32 @!p1 $0xFFFFF000;
	s6 =	simm.s32 @!p3 $0x3  }
0x74: {  	[tilespmem:s5], [sflag:$0x3] =	stream.linear.gather @!p3 [hbm4b:s4+s5], $0x80, $0x38;
	[tilespmem:$0x1C9A0] =	vst v63  }
0x75: {  	p1 =	por p3, p3;
	_ =	swait.ge @!p3 [sflag:s6], $0x80  }
0x76: {  	[sflag:s6] =	ssyncset.done @!p1 $0x0  }
0x77: {  	s3 =	sadd.s32 @!p1 s3, s22;
	s4 =	simm.s32 @!p1 $0x80;
	[sflag:s6] =	ssyncadd.s32 @!p1 $0xFFFFFF80  }
0x78: {  	[tilespmem:s4], [sflag:$0x3] =	stream.linear.gather @!p1 [hbm4b:s3+s5], $0x80, $0x38;
	[tilespmem:$0x1C9A0] =	vst v63  }
0x79: {  	_ =	swait.ge @!p1 [sflag:s6], $0x80  }
0x7a: {  	[sflag:s6] =	ssyncset.done @!p1 $0x0  }
0x7b: {  	s3 =	simm.s32 @!p1 $0x100;
	[sflag:s6] =	ssyncadd.s32 @!p1 $0xFFFFFF80  }
0x7c: {  	[tilespmem:s3], [sflag:$0x1] =	stream.indirect.gather @!p1 [hbm4b:s12+s4], $0x20, s5, s4, $0xb8;
	[tilespmem:$0x1C9A0] =	vst v63  }
0x7d: {  	s5 =	simm.s32 @!p1 $0x1  }
0x7e: {  	_ =	swait.ge @!p1 [sflag:s5], $0x1000  }
0x7f: {  	[sflag:s5] =	ssyncset.done @!p1 $0x0  }
0x80: {  	[sflag:s5] =	ssyncadd.s32 @!p1 $0xFFFFF000  }
0x81: {  	[spmem:s11] =	stream.indirect.scatter.add.f32 @!p1 [tilespmem:s3], [sflag:$0x2], $0x20, s4, s4, $0xb8;
	[tilespmem:$0x1C9A0] =	vst v63  }
0x82: {  	s3 =	simm.s32 @!p1 $0x2  }
0x83: {  	_ =	swait.ge @!p1 [sflag:s3], $0x1000  }
0x84: {  	[sflag:s3] =	ssyncset.done @!p1 $0x0  }
0x85: {  	s9 =	stileid.u32;
	[sflag:s3] =	ssyncadd.s32 @!p1 $0xFFFFF000  }
0x86: {  	s3 =	sshll.u32 s9, $0x6;
	[bflag:$0x0] =	sbarrier.arrive $0xFFFF  }
0x87: {  	s3 =	sor.u32 $0x1C02, s3;
	s13 =	rddreg [dreg:$0x3]  }
0x88: {  	[hbm:s13], [sflag:s3] =	dma.local [spmem:s24], $0x640  }
0x89: {  	_ =	swait.ge [sflag:s2], $0x640  }
0x8a: {  	[sflag:s2] =	ssyncset.done $0x0  }
0x8b: {  	s14 =	rddreg [dreg:$0x4];
	[sflag:s2] =	ssyncadd.s32 $0xFFFFF9C0  }
0x8c: {  	[hbm:s14], [sflag:s3] =	dma.local [spmem:s25], $0x640  }
0x8d: {  	_ =	swait.ge [sflag:s2], $0x640  }
0x8e: {  	[sflag:s2] =	ssyncset.done $0x0  }
0x8f: {  	s5 =	rddreg [dreg:$0x5];
	[sflag:s2] =	ssyncadd.s32 $0xFFFFF9C0  }
0x90: {  	[hbm:s5], [sflag:s3] =	dma.local [spmem:s26], $0x640  }
0x91: {  	_ =	swait.ge [sflag:s2], $0x640  }
0x92: {  	[sflag:s2] =	ssyncset.done $0x0  }
0x93: {  	s6 =	rddreg [dreg:$0x6];
	[sflag:s2] =	ssyncadd.s32 $0xFFFFF9C0  }
0x94: {  	[hbm:s6], [sflag:s3] =	dma.local [spmem:s28], $0x640  }
0x95: {  	_ =	swait.ge [sflag:s2], $0x640  }
0x96: {  	[sflag:s2] =	ssyncset.done $0x0  }
0x97: {  	s7 =	rddreg [dreg:$0x7];
	[sflag:s2] =	ssyncadd.s32 $0xFFFFF9C0  }
0x98: {  	[hbm:s7], [sflag:s3] =	dma.local [spmem:s29], $0x640  }
0x99: {  	_ =	swait.ge [sflag:s2], $0x640  }
0x9a: {  	[sflag:s2] =	ssyncset.done $0x0  }
0x9b: {  	s9 =	rddreg [dreg:$0x8];
	[sflag:s2] =	ssyncadd.s32 $0xFFFFF9C0  }
0x9c: {  	[hbm:s9], [sflag:s3] =	dma.local [spmem:s30], $0x640  }
0x9d: {  	_ =	swait.ge [sflag:s2], $0x640  }
0x9e: {  	[sflag:s2] =	ssyncset.done $0x0  }
0x9f: {  	s13 =	rddreg [dreg:$0x9];
	[sflag:s2] =	ssyncadd.s32 $0xFFFFF9C0  }
0xa0: {  	[hbm:s13], [sflag:s3] =	dma.local [spmem:s31], $0x640  }
0xa1: {  	_ =	swait.ge [sflag:s2], $0x640  }
0xa2: {  	[sflag:s2] =	ssyncset.done $0x0  }
0xa3: {  	s4 =	rddreg [dreg:$0xa];
	[sflag:s2] =	ssyncadd.s32 $0xFFFFF9C0  }
0xa4: {  	[hbm:s4], [sflag:s3] =	dma.local @!p0 [spmem:s10], $0x640  }
0xa5: {  	s3 =	simm.s32 @!p0 $0x2  }
0xa6: {  	_ =	swait.ge @!p0 [sflag:s3], $0x640  }
0xa7: {  	s8 =	sadd.s32 $0x1, s8;
	s14 =	rddreg [dreg:$0xb]  }
0xa8: {  	p1 =	sne.s32 s8, s14  }
.Ltmp2:
0xa9: {  	_ = 	snop;
	(pc) =	sbr.rel @p1 .LBB2_1-.Ltmp2, $3  }
0xaa: {  	_ =	sdelay $0x1  }
0xab: {  	[sflag:s3] =	ssyncset.done @!p0 $0x0  }
0xac: {  	[sflag:s3] =	ssyncadd.s32 @!p0 $0xFFFFF9C0  }
0xad: {  	_ =	sfence.sel $0x180000  }
0xae: {  	[bflag:$0x0] =	sbarrier.arrive $0xFFFF  }
0xaf: {  	_ =	strace $0x9000004D  }
0xb0: {  	s0 =	stileid.u32;
	[bflag:$0x2] =	sbarrier.arrive $0xFFFF  }
0xb1: {  	p0 =	sne.s32 s0, $0x0;
	s0 =	rddreg [dreg:$0x2]  }
0xb2: {  	s0 =	sadd.s32 @!p0 $0x100000, s0  }
0xb3: {  	[sflag:s0] =	ssyncadd.tile.s32 @!p0 $0x1;
	_ =	shalt  }
.Lfunc_end2:
_tile_overlayer_lowered:
.L_overlay_start_2:
0xb4: {  	(tag) =	ssettag $0x2  }
0xb5: {  	s0 =	rddreg [dreg:$0x0];
	s2 =	stileid.u32  }
0xb6: {  	s1 =	rddreg [dreg:$0x1];
	p0 =	sne.s32 s2, $0x0  }
0xb7: {  	s3 =	rddreg [dreg:$0x2];
	[bflag:$0x3] =	sbarrier.arrive $0xFFFF;
	s2 =	simm.s32 @!p0 $0x1C02  }
0xb8: {  	[timem:s3], [sflag:s2] =	dma.local @!p0 [hbm:s0], s1  }
0xb9: {  	s0 =	simm.s32 @!p0 $0x2  }
0xba: {  	_ =	swait.ge @!p0 [sflag:s0], s1  }
0xbb: {  	s1 =	ssub.s32 @!p0 $0x0, s1;
	[sflag:s0] =	ssyncset.done @!p0 $0x0  }
0xbc: {  	[sflag:s0] =	ssyncadd.s32 @!p0 s1  }
0xbd: {  	[bflag:$0x3] =	sbarrier.arrive $0xFFFF  }
0xbe: {  	_ =	shalt  }

// kernel: kernel.24.cloned.1.call-start
scs
__scs_entry_jumppad:
0x0: {  	(pc) =	sbr.rel $0x88, $3  }
0x1: {  	(tag) =	ssettag $0x0;
	lr =	simm.s32 $0x1  }
0x2: {  	[smem:$0x3F72] =	sst lr;
	_ =	strace $0xD0000000  }
0x3: {  	_ = 	snop  }
0x4: {  	_ = 	snop  }
0x5: {  	_ = 	snop  }
0x6: {  	_ = 	snop  }
0x7: {  	_ = 	snop  }
__scs_overlays_trampoline_lowered:
0x8: {  	[smem:$0x3F81] =	sst s0  }
0x9: {  	[smem:$0x3F82] =	sst s1  }
0xa: {  	[smem:$0x3F83] =	sst s2  }
0xb: {  	[smem:$0x3F84] =	sst s3  }
0xc: {  	[smem:$0x3F85] =	sst s4  }
0xd: {  	[smem:$0x3F86] =	sst s5  }
0xe: {  	[smem:$0x3F87] =	sst s6  }
0xf: {  	[smem:$0x3F88] =	sst s7  }
0x10: {  	[smem:$0x3F89] =	sst s8  }
0x11: {  	[smem:$0x3F8A] =	sst s9;
	s0 =	simm.s32 @!p0 $0x0  }
0x12: {  	s1 =	sld [smem:$0x3F70];
	s0 =	simm.s32 @p0 $0x1  }
0x13: {  	[smem:$0x3F8B] =	sst s0;
	s0 =	simm.s32 @!p1 $0x0  }
0x14: {  	s2 =	sld [smem:$0x3F6F];
	s0 =	simm.s32 @p1 $0x1  }
0x15: {  	[smem:$0x3F8C] =	sst s0;
	s0 =	simm.s32 @!p2 $0x0  }
0x16: {  	s3 =	sld [smem:$0x3FDB];
	s0 =	simm.s32 @p2 $0x1  }
0x17: {  	s4 =	simm.s32 $0x1BF5;
	[smem:$0x3F8E] =	sst s0  }
0x18: {  	s0 =	sld [smem:$0x3F71];
	_ =	swait.ge [sflag:s4], $0x0  }
0x19: {  	s7 =	sld [smem:$0x3F72]  }
0x1a: {  	s8 =	sadd.s32 $0xFFFFE003, lr  }
0x1b: {  	s9 =	sadd.s32 $0xFFFFFEF7, lr;
	s5 =	simm.s32 $0xFFFFFFFF;
	p2 =	slt.u32 s8, $0xFFFFF086  }
0x1c: {  	p1 =	slt.u32 s9, $0xF7A;
	s5 =	simm.s32 @!p2 $0x0  }
0x1d: {  	s5 =	simm.s32 @p1 $0x1;
	p0 =	seq.s32 s7, s2  }
0x1e: {  	s7 =	smul.u32 @!p0 $0xF7A, s2;
	p2 =	seq.s32 @!p0 s5, $0x0  }
0x1f: {  	s9 =	smul.u32 $0xF7A, s1;
	s8 =	simm.s32 @!p0 $0x1BF5;
	p2 =	por !p2, p0  }
0x20: {  	[sflag:s8] =	ssyncset.s32 @!p0 $0xFFFFF086;
	s6 =	sadd.s32 @!p0 s3, s7;
	s7 =	simm.s32 @!p0 $0x108  }
0x21: {  	s3 =	sadd.s32 s3, s9;
	s6 =	sadd.s32 @!p0 $0x88, s6;
	s7 =	simm.s32 @p2 $0x1082  }
0x22: {  	[simem:s7], [sflag:s8] =	dma.local @!p0 [hbm:s6], $0xF7A  }
0x23: {  	s9 =	sor.u32 $0xD0000000, s2;
	s6 =	simm.s32 $0x108;
	_ =	swait.ge @!p0 [sflag:s8], $0x0  }
0x24: {  	s3 =	sadd.s32 $0x88, s3;
	s6 =	simm.s32 @!p1 $0x1082;
	[sflag:s4] =	ssyncset.s32 $0xFFFFF086  }
0x25: {  	[simem:s6], [sflag:s4] =	dma.local [hbm:s3], $0xF7A  }
0x26: {  	[smem:$0x3F72] =	sst s1;
	(tag) =	ssettag s2;
	_ =	strace s9  }
0x27: {  	s1 =	sld [smem:$0x3F82]  }
0x28: {  	s2 =	sld [smem:$0x3F83]  }
0x29: {  	s4 =	sld [smem:$0x3F85]  }
0x2a: {  	p0 =	seq.s32 s5, $0x0;
	s5 =	sld [smem:$0x3F86]  }
0x2b: {  	s6 =	sld [smem:$0x3F87]  }
0x2c: {  	s7 =	sld [smem:$0x3F88]  }
0x2d: {  	s3 =	simm.s32 $0x108;
	s8 =	sld [smem:$0x3F89]  }
0x2e: {  	s3 =	simm.s32 @!p0 $0x1082;
	s9 =	sld [smem:$0x3F8A]  }
0x2f: {  	lr =	sadd.s32 s0, s3;
	s0 =	sld [smem:$0x3F81]  }
0x30: {  	s3 =	sld [smem:$0x3F84]  }
0x31: {  	[smem:$0x3F8D] =	sst s10  }
0x32: {  	s10 =	sld [smem:$0x3F8B];
	_ =	sdelay $0x3  }
0x33: {  	p0 =	seq.s32 s10, $0x1;
	s10 =	sld [smem:$0x3F8D];
	_ =	sdelay $0x3  }
0x34: {  	[smem:$0x3F8D] =	sst s10  }
0x35: {  	s10 =	sld [smem:$0x3F8C];
	_ =	sdelay $0x3  }
0x36: {  	p1 =	seq.s32 s10, $0x1;
	s10 =	sld [smem:$0x3F8D];
	_ =	sdelay $0x3  }
0x37: {  	[smem:$0x3F8D] =	sst s10  }
0x38: {  	s10 =	sld [smem:$0x3F8E]  }
0x39: {  	_ = 	snop;
	(pc) =	sbr.ind lr, $3  }
0x3a: {  	_ = 	snop  }
0x3b: {  	_ = 	snop  }
0x3c: {  	p2 =	seq.s32 s10, $0x1;
	s10 =	sld [smem:$0x3F8D]  }
0x3d: {  	_ =	shalt  }
0x3e: {  	_ =	shalt  }
0x3f: {  	_ =	shalt  }
0x40: {  	_ =	shalt  }
0x41: {  	_ =	shalt  }
0x42: {  	_ =	shalt  }
0x43: {  	_ =	shalt  }
0x44: {  	_ =	shalt  }
0x45: {  	_ =	shalt  }
0x46: {  	_ =	shalt  }
0x47: {  	_ =	shalt  }
0x48: {  	_ =	shalt  }
0x49: {  	_ =	shalt  }
0x4a: {  	_ =	shalt  }
0x4b: {  	_ =	shalt  }
0x4c: {  	_ =	shalt  }
0x4d: {  	_ =	shalt  }
0x4e: {  	_ =	shalt  }
0x4f: {  	_ =	shalt  }
0x50: {  	_ =	shalt  }
0x51: {  	_ =	shalt  }
0x52: {  	_ =	shalt  }
0x53: {  	_ =	shalt  }
0x54: {  	_ =	shalt  }
0x55: {  	_ =	shalt  }
0x56: {  	_ =	shalt  }
0x57: {  	_ =	shalt  }
0x58: {  	_ =	shalt  }
0x59: {  	_ =	shalt  }
0x5a: {  	_ =	shalt  }
0x5b: {  	_ =	shalt  }
0x5c: {  	_ =	shalt  }
0x5d: {  	_ =	shalt  }
0x5e: {  	_ =	shalt  }
0x5f: {  	_ =	shalt  }
0x60: {  	_ =	shalt  }
0x61: {  	_ =	shalt  }
0x62: {  	_ =	shalt  }
0x63: {  	_ =	shalt  }
0x64: {  	_ =	shalt  }
0x65: {  	_ =	shalt  }
0x66: {  	_ =	shalt  }
0x67: {  	_ =	shalt  }
0x68: {  	_ =	shalt  }
0x69: {  	_ =	shalt  }
0x6a: {  	_ =	shalt  }
0x6b: {  	_ =	shalt  }
0x6c: {  	_ =	shalt  }
0x6d: {  	_ =	shalt  }
0x6e: {  	_ =	shalt  }
0x6f: {  	_ =	shalt  }
0x70: {  	_ =	shalt  }
0x71: {  	_ =	shalt  }
0x72: {  	_ =	shalt  }
0x73: {  	_ =	shalt  }
0x74: {  	_ =	shalt  }
0x75: {  	_ =	shalt  }
0x76: {  	_ =	shalt  }
0x77: {  	_ =	shalt  }
0x78: {  	_ =	shalt  }
0x79: {  	_ =	shalt  }
0x7a: {  	_ =	shalt  }
0x7b: {  	_ =	shalt  }
0x7c: {  	_ =	shalt  }
0x7d: {  	_ =	shalt  }
0x7e: {  	_ =	shalt  }
0x7f: {  	_ =	shalt  }
0x80: {  	_ =	shalt  }
0x81: {  	_ =	shalt  }
0x82: {  	_ =	shalt  }
0x83: {  	_ =	shalt  }
0x84: {  	_ =	shalt  }
0x85: {  	_ =	shalt  }
0x86: {  	_ =	shalt  }
0x87: {  	_ =	shalt  }
.Lfunc_end0:
.L_simem_size_0:
called_computation.1_lowered:
.L_overlay_start_0:
0x88: {  	s2 =	sld [smem:$0x3FD9]  }
0x89: {  	s3 =	sld [smem:$0x3FFE];
	_ =	sdelay $0x1  }
0x8a: {  	s1 =	srdreg.scid  }
0x8b: {  	s0 =	sand.u32 $0x1, s1  }
0x8c: {  	s17 =	sshll.u32 s0, $0xA;
	s2 =	sadd.s32 s3, s2  }
0x8d: {  	s2 =	sadd.s32 s2, s17  }
0x8e: {  	[smem:$0x3F99] =	sst s2  }
0x8f: {  	_ = 	snop  }
0x90: {  	(tm) =	ssettm $0x1  }
0x91: {  	s18 =	sld [smem:$0x3FFB];
	_ =	sdelay $0x3  }
0x92: {  	_ =	strace s18  }
0x93: {  	s2 =	sld [smem:$0x3FFC];
	_ =	sdelay $0x3  }
0x94: {  	_ =	strace s2  }
0x95: {  	s2 =	sld [smem:$0x3FFD];
	_ =	sdelay $0x3  }
0x96: {  	_ =	strace s2  }
0x97: {  	_ =	strace $0x8FFFFFFF  }
0x98: {  	s19 =	sld [smem:$0x3FDB];
	_ =	sdelay $0x1  }
0x99: {  	s20 =	simm.s32 $_scs_section_size  }
0x9a: {  	s4 =	simm.s32 $_size__tile_overlayer_lowered;
	s5 =	simm.s32 $_tile_overlayer_lowered  }
0x9b: {  	s6 =	simm.s32 $0x1BFF;
	s21 =	sshll.u32 s5, $0x1;
	s3 =	sadd.s32 s20, s19  }
0x9c: {  	s22 =	simm.s32 $0x0;
	s4 =	sshll.u32 s4, $0x1;
	s5 =	sadd.s32 s21, s3  }
0x9d: {  	[timem:s22], [sflag:s6] =	dma.local [hbm:s5], s4  }
0x9e: {  	_ =	swait.ge [sflag:s6], s4  }
0x9f: {  	s4 =	ssub.s32 $0x0, s4;
	[sflag:s6] =	ssyncset.done $0x0  }
0xa0: {  	[sflag:s6] =	ssyncadd.s32 s4;
	_ =	sdelay $0x1  }
0xa1: {  	s23 =	simm.s32 $0x1B8B  }
0xa2: {  	_ =	swait.ge [sflag:s23], $0x1  }
0xa3: {  	[sflag:s23] =	ssyncset.done $0x0  }
0xa4: {  	[sflag:s23] =	ssyncadd.s32 $0xFFFFFFFF  }
0xa5: {  	s4 =	sld [smem:$0x0]  }
0xa6: {  	s5 =	sand.u32 $0xFFFFFFFE, s1  }
0xa7: {  	p0 =	sne.s32 s1, s5  }
0xa8: {  	s5 =	sshll.u32 @p0 s5, $0xE  }
0xa9: {  	s5 =	sadd.s32 @p0 $0x11B8D, s5;
	s6 =	sshll.u32 @p0 s4, $0x11  }
0xaa: {  	s5 =	sor.u32 @p0 s6, s5  }
0xab: {  	[sflag:s5] =	ssyncadd.remote.s32 @p0 $0x1;
	_ =	sdelay $0x1  }
0xac: {  	s5 =	simm.s32 @p0 $0x1B8D  }
0xad: {  	_ =	swait.eq @p0 [sflag:s5], $0x1  }
0xae: {  	[sflag:s5] =	ssyncadd.s32 @p0 $0xFFFFFFFF  }
0xaf: {  	s6 =	sshll.u32 @!p0 s1, $0xE  }
0xb0: {  	s6 =	sor.u32 @!p0 $0x4000, s6;
	s5 =	simm.s32 @!p0 $0x1B8D  }
0xb1: {  	s4 =	sshll.u32 @!p0 s4, $0x11;
	s6 =	sadd.s32 @!p0 $0x11B8D, s6;
	_ =	swait.eq @!p0 [sflag:s5], $0x1  }
0xb2: {  	s4 =	sor.u32 @!p0 s4, s6;
	[sflag:s5] =	ssyncadd.s32 @!p0 $0xFFFFFFFF  }
0xb3: {  	s25 =	simm.s32 $0x1B8E;
	s24 =	sld [smem:$0x3FFE];
	[sflag:s4] =	ssyncadd.remote.s32 @!p0 $0x1  }
0xb4: {  	s26 =	simm.s32 $execute0_lowered;
	[smem:$0x3FD2] =	sst s25  }
0xb5: {  	s5 =	sshll.u32 s26, $0x1;
	_ =	strace $0x80000049;
	[dreg:$0x1] =	wrdreg $0xFFFFFFFF  }
0xb6: {  	s28 =	simm.s32 $_size_execute0_lowered;
	s3 =	sadd.s32 s3, s5;
	[dreg:$0x0] =	wrdreg $0x0  }
0xb7: {  	s5 =	sshll.u32 s28, $0x1;
	[dreg:$0x2] =	wrdreg s3  }
0xb8: {  	[dreg:$0x3] =	wrdreg s5  }
0xb9: {  	[dreg:$0x4] =	wrdreg $0xC0  }
0xba: {  	_ =	task [dreg:s22], $0x5FFFF  }
0xbb: {  	[dreg:$0x1] =	wrdreg $0xFFFFFFFF  }
0xbc: {  	[dreg:$0x0] =	wrdreg $0x60  }
0xbd: {  	[dreg:$0x2] =	wrdreg s24  }
0xbe: {  	[dreg:$0x3] =	wrdreg $0x43000  }
0xbf: {  	[dreg:$0x4] =	wrdreg $0xA  }
0xc0: {  	_ =	task.clear_ibuf [dreg:s22], $0x5FFFF;
	_ =	strace $0x90000049  }
0xc1: {  	s29 =	simm.s32 $0xA;
	_ =	strace $0x8000004B  }
0xc2: {  	_ =	swait.ge [sflag:s29], $0x1  }
0xc3: {  	[sflag:s29] =	ssyncadd.s32 $0xFFFFFFFF  }
0xc4: {  	_ =	strace $0x9000004B  }
0xc5: {  	_ =	sfence  }
0xc6: {  	s30 =	sld [smem:$0x0];
	_ =	sdelay $0x2  }
0xc7: {  	s31 =	sshll.u32 s1, $0xD;
	s1 =	sshrl.u32 s1, $0x2  }
0xc8: {  	s4 =	sand.u32 $0x4000, s31;
	s1 =	sadd.s32 s1, s30  }
0xc9: {  	s0 =	sor.u32 s4, s0;
	s1 =	sshll.u32 s1, $0x11  }
0xca: {  	s0 =	sor.u32 s1, s0  }
0xcb: {  	s0 =	sadd.s32 $0x8F2B, s0  }
0xcc: {  	[sflag:s0] =	ssyncadd.remote.s32 $0x1  }
0xcd: {  	_ =	sfence.sel $0xFFFF  }
0xce: {  	[dreg:$0x0] =	wrdreg $0xFFFFFFFF;
	(pc) =	sbr.abs _section_cstart, $3  }
0xcf: {  	[dreg:$0x1] =	wrdreg $0xFFFFFFFF  }
0xd0: {  	_ =	task.clear_ibuf [dreg:s22], $0x2FFFF;
	_ =	strace $0x9FFFFFFF  }
0xd1: {  	(tm) =	ssettm $0x7FFFFFFF  }
tec
execute0_lowered:
.L_overlay_start_1:
0x0: {  	(tag) =	ssettag $0x1  }
0x1: {  	s0 =	srdreg.scid  }
0x2: {  	s13 =	stileid.u32;
	s3 =	sand.u32 $0x1, s0  }
0x3: {  	s12 =	sor.u32 $0x20, s13;
	s7 =	smul.u32 $0x186A00, s3  }
0x4: {  	s14 =	sor.u32 $0x30, s13;
	s2 =	smul.u32 $0x3200, s12  }
0x5: {  	s15 =	sor.u32 $0x40, s13;
	s10 =	smul.u32 $0x3200, s14  }
0x6: {  	s4 =	rddreg [dreg:$0x0];
	s16 =	sor.u32 $0x50, s13;
	s22 =	smul.u32 $0x3200, s15  }
0x7: {  	s5 =	sadd.s32 $0xCBE00, s4;
	s0 =	ssub.s32 $0x2, s3;
	s23 =	smul.u32 $0x3200, s16  }
0x8: {  	s11 =	sor.u32 $0x10, s13;
	s14 =	smul.u32 $0xC800, s14;
	s1 =	sshrl.u32 s0, $0x1  }
0x9: {  	s17 =	sor.u32 $0x60, s13;
	s6 =	ssub.s32 s0, s1;
	s0 =	smul.u32 $0x3200, s13  }
0xa: {  	s18 =	sor.u32 $0x70, s13;
	s3 =	sshll.u32 s3, $0x4;
	s1 =	smul.u32 $0x3200, s11  }
0xb: {  	p0 =	sgt.u32 s18, $0x7C;
	s25 =	sadd.s32 s7, s2;
	s8 =	sadd.s32 s7, s0  }
0xc: {  	s26 =	sadd.s32 s7, s10;
	s9 =	sadd.s32 s7, s1;
	s8 =	sshrl.u32 s8, $0x3  }
0xd: {  	s19 =	sadd.s32 s7, s22;
	s9 =	sshrl.u32 s9, $0x3;
	s8 =	sadd.s32 s5, s8  }
0xe: {  	s20 =	sadd.s32 s7, s23;
	s24 =	sadd.s32 s5, s9;
	[dreg:$0x3] =	wrdreg s8  }
0xf: {  	[dreg:$0x4] =	wrdreg s24;
	s8 =	sshrl.u32 s25, $0x3;
	s24 =	smul.u32 $0x3200, s17  }
0x10: {  	s9 =	sshrl.u32 s26, $0x3;
	s25 =	smul.u32 $0x3200, s18;
	s8 =	sadd.s32 s5, s8  }
0x11: {  	s21 =	sshrl.u32 s20, $0x3;
	[dreg:$0x5] =	wrdreg s8;
	s8 =	sadd.s32 s5, s9  }
0x12: {  	s26 =	sadd.s32 s7, s24;
	s20 =	sadd.s32 s7, s25;
	s7 =	smul.u32 $0xC800, s13  }
0x13: {  	[dreg:$0x6] =	wrdreg s8;
	s8 =	sshrl.u32 s19, $0x3;
	s19 =	sshrl.u32 s26, $0x3  }
0x14: {  	s9 =	sshrl.u32 s20, $0x3;
	s26 =	sshll.u32 s13, $0x5;
	s8 =	sadd.s32 s5, s8  }
0x15: {  	s20 =	smul.u32 $0xC800, s12;
	[dreg:$0x7] =	wrdreg s8;
	s8 =	sadd.s32 s5, s21  }
0x16: {  	s21 =	sadd.s32 s5, s19;
	s19 =	smul.u32 $0xC800, s11;
	s11 =	rddreg [dreg:$0x1]  }
0x17: {  	s12 =	sadd.s32 $0x9B000, s4;
	s5 =	sadd.s32 s5, s9;
	[dreg:$0x8] =	wrdreg s8  }
0x18: {  	s9 =	smax.u32 s6, $0x1;
	[dreg:$0x9] =	wrdreg s21;
	s8 =	simm.s32 $0x0  }
0x19: {  	[dreg:$0xa] =	wrdreg s5;
	s5 =	sadd.s32 s26, s4;
	s21 =	smul.u32 $0xC800, s15  }
0x1a: {  	s4 =	sshrl.u32 s14, $0x2;
	s14 =	smul.u32 $0xC800, s17;
	s0 =	sadd.s32 s0, s11  }
0x1b: {  	s1 =	sadd.s32 s1, s11;
	s2 =	sadd.s32 s2, s11;
	[smem:$0x7FF] =	sst s8  }
0x1c: {  	s26 =	sadd.s32 s3, s5;
	s5 =	sshrl.u32 s7, $0x2;
	s19 =	sshrl.u32 s19, $0x2  }
0x1d: {  	s7 =	smul.u32 $0xC800, s16;
	s17 =	sadd.s32 s4, s11;
	_ =	strace $0x8000004A  }
0x1e: {  	[dreg:$0xb] =	wrdreg s9;
	s5 =	sadd.s32 s5, s11;
	s15 =	sadd.s32 s19, s11  }
0x1f: {  	s9 =	sshrl.u32 s20, $0x2;
	s19 =	sshrl.u32 s21, $0x2;
	s21 =	smul.u32 $0xC800, s18  }
0x20: {  	s20 =	sshrl.u32 s14, $0x2;
	s14 =	sadd.s32 s24, s11;
	s24 =	sshrl.u32 s0, $0x3  }
0x21: {  	s0 =	sshll.u32 s13, $0x1;
	[dreg:$0xc] =	wrdreg s5;
	s16 =	sadd.s32 s9, s11  }
0x22: {  	s18 =	sadd.s32 s19, s11;
	s19 =	sshrl.u32 s7, $0x2;
	s20 =	sadd.s32 s20, s11  }
0x23: {  	s7 =	sadd.s32 s10, s11;
	s9 =	sadd.s32 s22, s11;
	s10 =	sadd.s32 s23, s11  }
0x24: {  	s22 =	sadd.s32 $0x8400, s26;
	s23 =	sadd.s32 $0x20C00, s26;
	s26 =	sshrl.u32 s2, $0x3  }
0x25: {  	s31 =	sshrl.u32 s14, $0x3;
	s2 =	simm.s32 $0x2;
	s3 =	sshrl.u32 s21, $0x2  }
0x26: {  	s19 =	sadd.s32 s19, s11;
	s28 =	sshrl.u32 s7, $0x3;
	s29 =	sshrl.u32 s9, $0x3  }
0x27: {  	s30 =	sshrl.u32 s10, $0x3;
	s21 =	sadd.s32 s3, s11;
	s3 =	sadd.s32 s25, s11  }
0x28: {  	v0 =	vimm.f32 $0.0e+00;
	s25 =	sshrl.u32 s1, $0x3;
	s1 =	simm.s32 $0x1100;
	s10 =	sshrl.u32 @!p0 s3, $0x3  }
.LBB2_1:
0x29: {  	s3 =	simm.s32 $0x80;
	s4 =	simm.s32 $0x0  }
.LBB2_2:
0x2a: {  	p1 =	sne.s32 s3, $0xC780;
	[tilespmem:s4+$0x1100] =	vst v0;
	s5 =	smov.u32 s3;
	s3 =	sadd.s32 $0x80, s3  }
.Ltmp0:
0x2b: {  	[tilespmem:s4+$0x1110] =	vst v0;
	(pc) =	sbr.rel @p1 .LBB2_2-.Ltmp0, $2  }
0x2c: {  	_ =	sdelay $0x2  }
0x2d: {  	s4 =	sshra.s32 s5, $0x2  }
0x2e: {  	[tilespmem:s4+$0x1100] =	vst v0  }
0x2f: {  	[tilespmem:s4+$0x1110] =	vst v0;
	s3 =	rddreg [dreg:$0xc]  }
0x30: {  	[spmem:s3] =	stream.linear.scatter [tilespmem:s1], [sflag:$0x2], $0x3200, $0x38;
	[tilespmem:$0x1C9A0] =	vst v63  }
0x31: {  	_ =	swait.ge [sflag:s2], $0x3200  }
0x32: {  	[sflag:s2] =	ssyncset.done $0x0  }
0x33: {  	[sflag:s2] =	ssyncadd.s32 $0xFFFFCE00  }
0x34: {  	[spmem:s15] =	stream.linear.scatter [tilespmem:s1], [sflag:$0x2], $0x3200, $0x38;
	[tilespmem:$0x1C9A0] =	vst v63  }
0x35: {  	_ =	swait.ge [sflag:s2], $0x3200  }
0x36: {  	[sflag:s2] =	ssyncset.done $0x0  }
0x37: {  	[sflag:s2] =	ssyncadd.s32 $0xFFFFCE00  }
0x38: {  	[spmem:s16] =	stream.linear.scatter [tilespmem:s1], [sflag:$0x2], $0x3200, $0x38;
	[tilespmem:$0x1C9A0] =	vst v63  }
0x39: {  	_ =	swait.ge [sflag:s2], $0x3200  }
0x3a: {  	[sflag:s2] =	ssyncset.done $0x0  }
0x3b: {  	[sflag:s2] =	ssyncadd.s32 $0xFFFFCE00  }
0x3c: {  	[spmem:s17] =	stream.linear.scatter [tilespmem:s1], [sflag:$0x2], $0x3200, $0x38;
	[tilespmem:$0x1C9A0] =	vst v63  }
0x3d: {  	_ =	swait.ge [sflag:s2], $0x3200  }
0x3e: {  	[sflag:s2] =	ssyncset.done $0x0  }
0x3f: {  	[sflag:s2] =	ssyncadd.s32 $0xFFFFCE00  }
0x40: {  	[spmem:s18] =	stream.linear.scatter [tilespmem:s1], [sflag:$0x2], $0x3200, $0x38;
	[tilespmem:$0x1C9A0] =	vst v63  }
0x41: {  	_ =	swait.ge [sflag:s2], $0x3200  }
0x42: {  	[sflag:s2] =	ssyncset.done $0x0  }
0x43: {  	[sflag:s2] =	ssyncadd.s32 $0xFFFFCE00  }
0x44: {  	[spmem:s19] =	stream.linear.scatter [tilespmem:s1], [sflag:$0x2], $0x3200, $0x38;
	[tilespmem:$0x1C9A0] =	vst v63  }
0x45: {  	_ =	swait.ge [sflag:s2], $0x3200  }
0x46: {  	[sflag:s2] =	ssyncset.done $0x0  }
0x47: {  	[sflag:s2] =	ssyncadd.s32 $0xFFFFCE00  }
0x48: {  	[spmem:s20] =	stream.linear.scatter [tilespmem:s1], [sflag:$0x2], $0x3200, $0x38;
	[tilespmem:$0x1C9A0] =	vst v63  }
0x49: {  	_ =	swait.ge [sflag:s2], $0x3200  }
0x4a: {  	[sflag:s2] =	ssyncset.done $0x0  }
0x4b: {  	s3 =	simm.s32 @!p0 $0x1100;
	[sflag:s2] =	ssyncadd.s32 $0xFFFFCE00  }
0x4c: {  	[spmem:s21] =	stream.linear.scatter @!p0 [tilespmem:s3], [sflag:$0x2], $0x3200, $0x38;
	[tilespmem:$0x1C9A0] =	vst v63  }
0x4d: {  	s3 =	simm.s32 @!p0 $0x2  }
0x4e: {  	_ =	swait.ge @!p0 [sflag:s3], $0x3200  }
0x4f: {  	p1 =	sgt.u32 s0, $0x1869;
	[sflag:s3] =	ssyncset.done @!p0 $0x0  }
0x50: {  	s4 =	simm.s32 @!p1 $0x0;
	[sflag:s3] =	ssyncadd.s32 @!p0 $0xFFFFCE00  }
0x51: {  	s5 =	simm.s32 @!p1 $0x3;
	s3 =	sadd.s32 @!p1 $0x0, s23;
	[bflag:$0x0] =	sbarrier.arrive $0xFFFF  }
0x52: {  	[tilespmem:s4], [sflag:$0x3] =	stream.linear.gather @!p1 [hbm4b:s3+s4], $0x80, $0x38;
	[tilespmem:$0x1C9A0] =	vst v63  }
0x53: {  	_ =	swait.ge @!p1 [sflag:s5], $0x80;
	p1 =	por p1, p1  }
0x54: {  	[sflag:s5] =	ssyncset.done @!p1 $0x0  }
0x55: {  	s3 =	sadd.s32 @!p1 $0x0, s22;
	s6 =	simm.s32 @!p1 $0x80;
	[sflag:s5] =	ssyncadd.s32 @!p1 $0xFFFFFF80  }
0x56: {  	[tilespmem:s6], [sflag:$0x3] =	stream.linear.gather @!p1 [hbm4b:s3+s4], $0x80, $0x38;
	[tilespmem:$0x1C9A0] =	vst v63  }
0x57: {  	_ =	swait.ge @!p1 [sflag:s5], $0x80  }
0x58: {  	[sflag:s5] =	ssyncset.done @!p1 $0x0  }
0x59: {  	s3 =	simm.s32 @!p1 $0x100;
	[sflag:s5] =	ssyncadd.s32 @!p1 $0xFFFFFF80;
	s5 =	simm.s32 @!p1 $0x1  }
0x5a: {  	[tilespmem:s3], [sflag:$0x1] =	stream.indirect.gather @!p1 [hbm4b:s12+s6], $0x20, s4, s6, $0xb8;
	[tilespmem:$0x1C9A0] =	vst v63  }
0x5b: {  	_ =	swait.ge @!p1 [sflag:s5], $0x1000  }
0x5c: {  	[sflag:s5] =	ssyncset.done @!p1 $0x0  }
0x5d: {  	s4 =	sadd.s32 $0x20, s0;
	[sflag:s5] =	ssyncadd.s32 @!p1 $0xFFFFF000  }
0x5e: {  	[spmem:s11] =	stream.indirect.scatter.add.f32 @!p1 [tilespmem:s3], [sflag:$0x2], $0x20, s6, s6, $0xb8;
	[tilespmem:$0x1C9A0] =	vst v63  }
0x5f: {  	p3 =	sgt.u32 s4, $0x1869;
	s6 =	simm.s32 @!p1 $0x2  }
0x60: {  	s5 =	simm.s32 $0x400;
	s3 =	simm.s32 $0x200;
	_ =	swait.ge @!p1 [sflag:s6], $0x1000  }
.LBB2_4:
0x61: {  	s7 =	sadd.s32 @!p3 s3, s23  }
0x62: {  	s9 =	simm.s32 @!p3 $0x0;
	[sflag:s6] =	ssyncset.done @!p1 $0x0;
	s13 =	smov.u32 s5  }
0x63: {  	s5 =	sadd.s32 $0x200, s5;
	s14 =	simm.s32 @!p3 $0x3;
	[sflag:s6] =	ssyncadd.s32 @!p1 $0xFFFFF000  }
0x64: {  	[tilespmem:s9], [sflag:$0x3] =	stream.linear.gather @!p3 [hbm4b:s7+s9], $0x80, $0x38;
	[tilespmem:$0x1C9A0] =	vst v63  }
0x65: {  	p2 =	sne.s32 s5, $0x18800;
	p1 =	por p3, p3;
	_ =	swait.ge @!p3 [sflag:s14], $0x80  }
0x66: {  	[sflag:s14] =	ssyncset.done @!p1 $0x0  }
0x67: {  	s3 =	sadd.s32 @!p1 s3, s22;
	s7 =	simm.s32 @!p1 $0x80;
	[sflag:s14] =	ssyncadd.s32 @!p1 $0xFFFFFF80  }
0x68: {  	[tilespmem:s7], [sflag:$0x3] =	stream.linear.gather @!p1 [hbm4b:s3+s9], $0x80, $0x38;
	[tilespmem:$0x1C9A0] =	vst v63  }
0x69: {  	s3 =	smov.u32 s13;
	_ =	swait.ge @!p1 [sflag:s14], $0x80  }
0x6a: {  	[sflag:s14] =	ssyncset.done @!p1 $0x0  }
0x6b: {  	s6 =	simm.s32 @!p1 $0x1;
	s13 =	simm.s32 @!p1 $0x100;
	[sflag:s14] =	ssyncadd.s32 @!p1 $0xFFFFFF80  }
0x6c: {  	[tilespmem:s13], [sflag:$0x1] =	stream.indirect.gather @!p1 [hbm4b:s12+s7], $0x20, s9, s7, $0xb8;
	[tilespmem:$0x1C9A0] =	vst v63  }
.Ltmp1:
0x6d: {  	_ =	swait.ge @!p1 [sflag:s6], $0x1000;
	(pc) =	sbr.rel @p2 .LBB2_4-.Ltmp1, $4  }
0x6e: {  	[sflag:s6] =	ssyncset.done @!p1 $0x0  }
0x6f: {  	s4 =	sadd.s32 $0x20, s4;
	[sflag:s6] =	ssyncadd.s32 @!p1 $0xFFFFF000;
	s6 =	simm.s32 @!p1 $0x2  }
0x70: {  	[spmem:s11] =	stream.indirect.scatter.add.f32 @!p1 [tilespmem:s13], [sflag:$0x2], $0x20, s7, s7, $0xb8;
	[tilespmem:$0x1C9A0] =	vst v63  }
0x71: {  	p3 =	sgt.u32 s4, $0x1869;
	_ =	swait.ge @!p1 [sflag:s6], $0x1000  }
0x72: {  	s4 =	sadd.s32 @!p3 s3, s23;
	[sflag:s6] =	ssyncset.done @!p1 $0x0  }
0x73: {  	s5 =	simm.s32 @!p3 $0x0;
	[sflag:s6] =	ssyncadd.s32 @!p1 $0xFFFFF000;
	s6 =	simm.s32 @!p3 $0x3  }
0x74: {  	[tilespmem:s5], [sflag:$0x3] =	stream.linear.gather @!p3 [hbm4b:s4+s5], $0x80, $0x38;
	[tilespmem:$0x1C9A0] =	vst v63  }
0x75: {  	p1 =	por p3, p3;
	_ =	swait.ge @!p3 [sflag:s6], $0x80  }
0x76: {  	[sflag:s6] =	ssyncset.done @!p1 $0x0  }
0x77: {  	s3 =	sadd.s32 @!p1 s3, s22;
	s4 =	simm.s32 @!p1 $0x80;
	[sflag:s6] =	ssyncadd.s32 @!p1 $0xFFFFFF80  }
0x78: {  	[tilespmem:s4], [sflag:$0x3] =	stream.linear.gather @!p1 [hbm4b:s3+s5], $0x80, $0x38;
	[tilespmem:$0x1C9A0] =	vst v63  }
0x79: {  	_ =	swait.ge @!p1 [sflag:s6], $0x80  }
0x7a: {  	[sflag:s6] =	ssyncset.done @!p1 $0x0  }
0x7b: {  	s3 =	simm.s32 @!p1 $0x100;
	[sflag:s6] =	ssyncadd.s32 @!p1 $0xFFFFFF80  }
0x7c: {  	[tilespmem:s3], [sflag:$0x1] =	stream.indirect.gather @!p1 [hbm4b:s12+s4], $0x20, s5, s4, $0xb8;
	[tilespmem:$0x1C9A0] =	vst v63  }
0x7d: {  	s5 =	simm.s32 @!p1 $0x1  }
0x7e: {  	_ =	swait.ge @!p1 [sflag:s5], $0x1000  }
0x7f: {  	[sflag:s5] =	ssyncset.done @!p1 $0x0  }
0x80: {  	[sflag:s5] =	ssyncadd.s32 @!p1 $0xFFFFF000  }
0x81: {  	[spmem:s11] =	stream.indirect.scatter.add.f32 @!p1 [tilespmem:s3], [sflag:$0x2], $0x20, s4, s4, $0xb8;
	[tilespmem:$0x1C9A0] =	vst v63  }
0x82: {  	s3 =	simm.s32 @!p1 $0x2  }
0x83: {  	_ =	swait.ge @!p1 [sflag:s3], $0x1000  }
0x84: {  	[sflag:s3] =	ssyncset.done @!p1 $0x0  }
0x85: {  	s9 =	stileid.u32;
	[sflag:s3] =	ssyncadd.s32 @!p1 $0xFFFFF000  }
0x86: {  	s3 =	sshll.u32 s9, $0x6;
	[bflag:$0x0] =	sbarrier.arrive $0xFFFF  }
0x87: {  	s3 =	sor.u32 $0x1C02, s3;
	s13 =	rddreg [dreg:$0x3]  }
0x88: {  	[hbm:s13], [sflag:s3] =	dma.local [spmem:s24], $0x640  }
0x89: {  	_ =	swait.ge [sflag:s2], $0x640  }
0x8a: {  	[sflag:s2] =	ssyncset.done $0x0  }
0x8b: {  	s14 =	rddreg [dreg:$0x4];
	[sflag:s2] =	ssyncadd.s32 $0xFFFFF9C0  }
0x8c: {  	[hbm:s14], [sflag:s3] =	dma.local [spmem:s25], $0x640  }
0x8d: {  	_ =	swait.ge [sflag:s2], $0x640  }
0x8e: {  	[sflag:s2] =	ssyncset.done $0x0  }
0x8f: {  	s5 =	rddreg [dreg:$0x5];
	[sflag:s2] =	ssyncadd.s32 $0xFFFFF9C0  }
0x90: {  	[hbm:s5], [sflag:s3] =	dma.local [spmem:s26], $0x640  }
0x91: {  	_ =	swait.ge [sflag:s2], $0x640  }
0x92: {  	[sflag:s2] =	ssyncset.done $0x0  }
0x93: {  	s6 =	rddreg [dreg:$0x6];
	[sflag:s2] =	ssyncadd.s32 $0xFFFFF9C0  }
0x94: {  	[hbm:s6], [sflag:s3] =	dma.local [spmem:s28], $0x640  }
0x95: {  	_ =	swait.ge [sflag:s2], $0x640  }
0x96: {  	[sflag:s2] =	ssyncset.done $0x0  }
0x97: {  	s7 =	rddreg [dreg:$0x7];
	[sflag:s2] =	ssyncadd.s32 $0xFFFFF9C0  }
0x98: {  	[hbm:s7], [sflag:s3] =	dma.local [spmem:s29], $0x640  }
0x99: {  	_ =	swait.ge [sflag:s2], $0x640  }
0x9a: {  	[sflag:s2] =	ssyncset.done $0x0  }
0x9b: {  	s9 =	rddreg [dreg:$0x8];
	[sflag:s2] =	ssyncadd.s32 $0xFFFFF9C0  }
0x9c: {  	[hbm:s9], [sflag:s3] =	dma.local [spmem:s30], $0x640  }
0x9d: {  	_ =	swait.ge [sflag:s2], $0x640  }
0x9e: {  	[sflag:s2] =	ssyncset.done $0x0  }
0x9f: {  	s13 =	rddreg [dreg:$0x9];
	[sflag:s2] =	ssyncadd.s32 $0xFFFFF9C0  }
0xa0: {  	[hbm:s13], [sflag:s3] =	dma.local [spmem:s31], $0x640  }
0xa1: {  	_ =	swait.ge [sflag:s2], $0x640  }
0xa2: {  	[sflag:s2] =	ssyncset.done $0x0  }
0xa3: {  	s4 =	rddreg [dreg:$0xa];
	[sflag:s2] =	ssyncadd.s32 $0xFFFFF9C0  }
0xa4: {  	[hbm:s4], [sflag:s3] =	dma.local @!p0 [spmem:s10], $0x640  }
0xa5: {  	s3 =	simm.s32 @!p0 $0x2  }
0xa6: {  	_ =	swait.ge @!p0 [sflag:s3], $0x640  }
0xa7: {  	s8 =	sadd.s32 $0x1, s8;
	s14 =	rddreg [dreg:$0xb]  }
0xa8: {  	p1 =	sne.s32 s8, s14  }
.Ltmp2:
0xa9: {  	_ = 	snop;
	(pc) =	sbr.rel @p1 .LBB2_1-.Ltmp2, $3  }
0xaa: {  	_ =	sdelay $0x1  }
0xab: {  	[sflag:s3] =	ssyncset.done @!p0 $0x0  }
0xac: {  	[sflag:s3] =	ssyncadd.s32 @!p0 $0xFFFFF9C0  }
0xad: {  	_ =	sfence.sel $0x180000  }
0xae: {  	[bflag:$0x0] =	sbarrier.arrive $0xFFFF  }
0xaf: {  	_ =	strace $0x9000004A  }
0xb0: {  	s0 =	stileid.u32;
	[bflag:$0x2] =	sbarrier.arrive $0xFFFF  }
0xb1: {  	p0 =	sne.s32 s0, $0x0;
	s0 =	rddreg [dreg:$0x2]  }
0xb2: {  	s0 =	sadd.s32 @!p0 $0x100000, s0  }
0xb3: {  	[sflag:s0] =	ssyncadd.tile.s32 @!p0 $0x1;
	_ =	shalt  }
.Lfunc_end2:
_tile_overlayer_lowered:
.L_overlay_start_2:
0xb4: {  	(tag) =	ssettag $0x2  }
0xb5: {  	s0 =	rddreg [dreg:$0x0];
	s2 =	stileid.u32  }
0xb6: {  	s1 =	rddreg [dreg:$0x1];
	p0 =	sne.s32 s2, $0x0  }
0xb7: {  	s3 =	rddreg [dreg:$0x2];
	[bflag:$0x3] =	sbarrier.arrive $0xFFFF;
	s2 =	simm.s32 @!p0 $0x1C02  }
0xb8: {  	[timem:s3], [sflag:s2] =	dma.local @!p0 [hbm:s0], s1  }
0xb9: {  	s0 =	simm.s32 @!p0 $0x2  }
0xba: {  	_ =	swait.ge @!p0 [sflag:s0], s1  }
0xbb: {  	s1 =	ssub.s32 @!p0 $0x0, s1;
	[sflag:s0] =	ssyncset.done @!p0 $0x0  }
0xbc: {  	[sflag:s0] =	ssyncadd.s32 @!p0 s1  }
0xbd: {  	[bflag:$0x3] =	sbarrier.arrive $0xFFFF  }
0xbe: {  	_ =	shalt  }

// kernel: kernel.27.cloned.1.call-start
scs
__scs_entry_jumppad:
0x0: {  	(pc) =	sbr.rel $0x88, $3  }
0x1: {  	(tag) =	ssettag $0x0;
	lr =	simm.s32 $0x1  }
0x2: {  	[smem:$0x3F72] =	sst lr;
	_ =	strace $0xD0000000  }
0x3: {  	_ = 	snop  }
0x4: {  	_ = 	snop  }
0x5: {  	_ = 	snop  }
0x6: {  	_ = 	snop  }
0x7: {  	_ = 	snop  }
__scs_overlays_trampoline_lowered:
0x8: {  	[smem:$0x3F81] =	sst s0  }
0x9: {  	[smem:$0x3F82] =	sst s1  }
0xa: {  	[smem:$0x3F83] =	sst s2  }
0xb: {  	[smem:$0x3F84] =	sst s3  }
0xc: {  	[smem:$0x3F85] =	sst s4  }
0xd: {  	[smem:$0x3F86] =	sst s5  }
0xe: {  	[smem:$0x3F87] =	sst s6  }
0xf: {  	[smem:$0x3F88] =	sst s7  }
0x10: {  	[smem:$0x3F89] =	sst s8  }
0x11: {  	[smem:$0x3F8A] =	sst s9;
	s0 =	simm.s32 @!p0 $0x0  }
0x12: {  	s1 =	sld [smem:$0x3F70];
	s0 =	simm.s32 @p0 $0x1  }
0x13: {  	[smem:$0x3F8B] =	sst s0;
	s0 =	simm.s32 @!p1 $0x0  }
0x14: {  	s2 =	sld [smem:$0x3F6F];
	s0 =	simm.s32 @p1 $0x1  }
0x15: {  	[smem:$0x3F8C] =	sst s0;
	s0 =	simm.s32 @!p2 $0x0  }
0x16: {  	s3 =	sld [smem:$0x3FDB];
	s0 =	simm.s32 @p2 $0x1  }
0x17: {  	s4 =	simm.s32 $0x1BF5;
	[smem:$0x3F8E] =	sst s0  }
0x18: {  	s0 =	sld [smem:$0x3F71];
	_ =	swait.ge [sflag:s4], $0x0  }
0x19: {  	s7 =	sld [smem:$0x3F72]  }
0x1a: {  	s8 =	sadd.s32 $0xFFFFE003, lr  }
0x1b: {  	s9 =	sadd.s32 $0xFFFFFEF7, lr;
	s5 =	simm.s32 $0xFFFFFFFF;
	p2 =	slt.u32 s8, $0xFFFFF086  }
0x1c: {  	p1 =	slt.u32 s9, $0xF7A;
	s5 =	simm.s32 @!p2 $0x0  }
0x1d: {  	s5 =	simm.s32 @p1 $0x1;
	p0 =	seq.s32 s7, s2  }
0x1e: {  	s7 =	smul.u32 @!p0 $0xF7A, s2;
	p2 =	seq.s32 @!p0 s5, $0x0  }
0x1f: {  	s9 =	smul.u32 $0xF7A, s1;
	s8 =	simm.s32 @!p0 $0x1BF5;
	p2 =	por !p2, p0  }
0x20: {  	[sflag:s8] =	ssyncset.s32 @!p0 $0xFFFFF086;
	s6 =	sadd.s32 @!p0 s3, s7;
	s7 =	simm.s32 @!p0 $0x108  }
0x21: {  	s3 =	sadd.s32 s3, s9;
	s6 =	sadd.s32 @!p0 $0x88, s6;
	s7 =	simm.s32 @p2 $0x1082  }
0x22: {  	[simem:s7], [sflag:s8] =	dma.local @!p0 [hbm:s6], $0xF7A  }
0x23: {  	s9 =	sor.u32 $0xD0000000, s2;
	s6 =	simm.s32 $0x108;
	_ =	swait.ge @!p0 [sflag:s8], $0x0  }
0x24: {  	s3 =	sadd.s32 $0x88, s3;
	s6 =	simm.s32 @!p1 $0x1082;
	[sflag:s4] =	ssyncset.s32 $0xFFFFF086  }
0x25: {  	[simem:s6], [sflag:s4] =	dma.local [hbm:s3], $0xF7A  }
0x26: {  	[smem:$0x3F72] =	sst s1;
	(tag) =	ssettag s2;
	_ =	strace s9  }
0x27: {  	s1 =	sld [smem:$0x3F82]  }
0x28: {  	s2 =	sld [smem:$0x3F83]  }
0x29: {  	s4 =	sld [smem:$0x3F85]  }
0x2a: {  	p0 =	seq.s32 s5, $0x0;
	s5 =	sld [smem:$0x3F86]  }
0x2b: {  	s6 =	sld [smem:$0x3F87]  }
0x2c: {  	s7 =	sld [smem:$0x3F88]  }
0x2d: {  	s3 =	simm.s32 $0x108;
	s8 =	sld [smem:$0x3F89]  }
0x2e: {  	s3 =	simm.s32 @!p0 $0x1082;
	s9 =	sld [smem:$0x3F8A]  }
0x2f: {  	lr =	sadd.s32 s0, s3;
	s0 =	sld [smem:$0x3F81]  }
0x30: {  	s3 =	sld [smem:$0x3F84]  }
0x31: {  	[smem:$0x3F8D] =	sst s10  }
0x32: {  	s10 =	sld [smem:$0x3F8B];
	_ =	sdelay $0x3  }
0x33: {  	p0 =	seq.s32 s10, $0x1;
	s10 =	sld [smem:$0x3F8D];
	_ =	sdelay $0x3  }
0x34: {  	[smem:$0x3F8D] =	sst s10  }
0x35: {  	s10 =	sld [smem:$0x3F8C];
	_ =	sdelay $0x3  }
0x36: {  	p1 =	seq.s32 s10, $0x1;
	s10 =	sld [smem:$0x3F8D];
	_ =	sdelay $0x3  }
0x37: {  	[smem:$0x3F8D] =	sst s10  }
0x38: {  	s10 =	sld [smem:$0x3F8E]  }
0x39: {  	_ = 	snop;
	(pc) =	sbr.ind lr, $3  }
0x3a: {  	_ = 	snop  }
0x3b: {  	_ = 	snop  }
0x3c: {  	p2 =	seq.s32 s10, $0x1;
	s10 =	sld [smem:$0x3F8D]  }
0x3d: {  	_ =	shalt  }
0x3e: {  	_ =	shalt  }
0x3f: {  	_ =	shalt  }
0x40: {  	_ =	shalt  }
0x41: {  	_ =	shalt  }
0x42: {  	_ =	shalt  }
0x43: {  	_ =	shalt  }
0x44: {  	_ =	shalt  }
0x45: {  	_ =	shalt  }
0x46: {  	_ =	shalt  }
0x47: {  	_ =	shalt  }
0x48: {  	_ =	shalt  }
0x49: {  	_ =	shalt  }
0x4a: {  	_ =	shalt  }
0x4b: {  	_ =	shalt  }
0x4c: {  	_ =	shalt  }
0x4d: {  	_ =	shalt  }
0x4e: {  	_ =	shalt  }
0x4f: {  	_ =	shalt  }
0x50: {  	_ =	shalt  }
0x51: {  	_ =	shalt  }
0x52: {  	_ =	shalt  }
0x53: {  	_ =	shalt  }
0x54: {  	_ =	shalt  }
0x55: {  	_ =	shalt  }
0x56: {  	_ =	shalt  }
0x57: {  	_ =	shalt  }
0x58: {  	_ =	shalt  }
0x59: {  	_ =	shalt  }
0x5a: {  	_ =	shalt  }
0x5b: {  	_ =	shalt  }
0x5c: {  	_ =	shalt  }
0x5d: {  	_ =	shalt  }
0x5e: {  	_ =	shalt  }
0x5f: {  	_ =	shalt  }
0x60: {  	_ =	shalt  }
0x61: {  	_ =	shalt  }
0x62: {  	_ =	shalt  }
0x63: {  	_ =	shalt  }
0x64: {  	_ =	shalt  }
0x65: {  	_ =	shalt  }
0x66: {  	_ =	shalt  }
0x67: {  	_ =	shalt  }
0x68: {  	_ =	shalt  }
0x69: {  	_ =	shalt  }
0x6a: {  	_ =	shalt  }
0x6b: {  	_ =	shalt  }
0x6c: {  	_ =	shalt  }
0x6d: {  	_ =	shalt  }
0x6e: {  	_ =	shalt  }
0x6f: {  	_ =	shalt  }
0x70: {  	_ =	shalt  }
0x71: {  	_ =	shalt  }
0x72: {  	_ =	shalt  }
0x73: {  	_ =	shalt  }
0x74: {  	_ =	shalt  }
0x75: {  	_ =	shalt  }
0x76: {  	_ =	shalt  }
0x77: {  	_ =	shalt  }
0x78: {  	_ =	shalt  }
0x79: {  	_ =	shalt  }
0x7a: {  	_ =	shalt  }
0x7b: {  	_ =	shalt  }
0x7c: {  	_ =	shalt  }
0x7d: {  	_ =	shalt  }
0x7e: {  	_ =	shalt  }
0x7f: {  	_ =	shalt  }
0x80: {  	_ =	shalt  }
0x81: {  	_ =	shalt  }
0x82: {  	_ =	shalt  }
0x83: {  	_ =	shalt  }
0x84: {  	_ =	shalt  }
0x85: {  	_ =	shalt  }
0x86: {  	_ =	shalt  }
0x87: {  	_ =	shalt  }
.Lfunc_end0:
.L_simem_size_0:
called_computation.2_lowered:
.L_overlay_start_0:
0x88: {  	s2 =	sld [smem:$0x3FD9]  }
0x89: {  	s3 =	sld [smem:$0x3FFE];
	_ =	sdelay $0x1  }
0x8a: {  	s1 =	srdreg.scid  }
0x8b: {  	s0 =	sand.u32 $0x1, s1  }
0x8c: {  	s16 =	sshll.u32 s0, $0xA;
	s2 =	sadd.s32 s3, s2  }
0x8d: {  	s2 =	sadd.s32 s2, s16  }
0x8e: {  	[smem:$0x3F99] =	sst s2  }
0x8f: {  	_ = 	snop  }
0x90: {  	(tm) =	ssettm $0x1  }
0x91: {  	s17 =	sld [smem:$0x3FFB];
	_ =	sdelay $0x3  }
0x92: {  	_ =	strace s17  }
0x93: {  	s2 =	sld [smem:$0x3FFC];
	_ =	sdelay $0x3  }
0x94: {  	_ =	strace s2  }
0x95: {  	s2 =	sld [smem:$0x3FFD];
	_ =	sdelay $0x3  }
0x96: {  	_ =	strace s2  }
0x97: {  	_ =	strace $0x8FFFFFFF  }
0x98: {  	s18 =	sld [smem:$0x3FDB];
	_ =	sdelay $0x1  }
0x99: {  	s19 =	simm.s32 $_scs_section_size  }
0x9a: {  	s4 =	simm.s32 $_size__tile_overlayer_lowered;
	s5 =	simm.s32 $_tile_overlayer_lowered  }
0x9b: {  	s22 =	simm.s32 $0x1BFF;
	s21 =	sshll.u32 s5, $0x1;
	s2 =	sadd.s32 s19, s18  }
0x9c: {  	s6 =	simm.s32 $0x0;
	s20 =	sshll.u32 s4, $0x1;
	s4 =	sadd.s32 s21, s2  }
0x9d: {  	[timem:s6], [sflag:s22] =	dma.local [hbm:s4], s20  }
0x9e: {  	_ =	swait.ge [sflag:s22], s20  }
0x9f: {  	s3 =	ssub.s32 $0x0, s20;
	[sflag:s22] =	ssyncset.done $0x0  }
0xa0: {  	[sflag:s22] =	ssyncadd.s32 s3;
	_ =	sdelay $0x1  }
0xa1: {  	s23 =	simm.s32 $0x1B8B  }
0xa2: {  	_ =	swait.ge [sflag:s23], $0x1  }
0xa3: {  	[sflag:s23] =	ssyncset.done $0x0  }
0xa4: {  	s25 =	simm.s32 $0x1B8E;
	s24 =	sld [smem:$0x3FFE];
	[sflag:s23] =	ssyncadd.s32 $0xFFFFFFFF  }
0xa5: {  	s26 =	simm.s32 $execute0_lowered;
	[smem:$0x3FD2] =	sst s25  }
0xa6: {  	s4 =	sshll.u32 s26, $0x1;
	_ =	strace $0x80000046;
	[dreg:$0x1] =	wrdreg $0xFFFFFFFF  }
0xa7: {  	s28 =	simm.s32 $_size_execute0_lowered;
	s2 =	sadd.s32 s2, s4;
	[dreg:$0x0] =	wrdreg $0x0  }
0xa8: {  	s4 =	sshll.u32 s28, $0x1;
	[dreg:$0x2] =	wrdreg s2  }
0xa9: {  	[dreg:$0x3] =	wrdreg s4  }
0xaa: {  	[dreg:$0x4] =	wrdreg $0xC0  }
0xab: {  	_ =	task [dreg:s6], $0x5FFFF  }
0xac: {  	[dreg:$0x1] =	wrdreg $0xFFFFFFFF  }
0xad: {  	[dreg:$0x0] =	wrdreg $0x60  }
0xae: {  	[dreg:$0x2] =	wrdreg s24  }
0xaf: {  	[dreg:$0x3] =	wrdreg $0x43000  }
0xb0: {  	[dreg:$0x4] =	wrdreg $0xB  }
0xb1: {  	_ =	task.clear_ibuf [dreg:s6], $0x5FFFF;
	_ =	strace $0x90000046  }
0xb2: {  	s29 =	simm.s32 $0xB;
	_ =	strace $0x80000048  }
0xb3: {  	_ =	swait.ge [sflag:s29], $0x1  }
0xb4: {  	[sflag:s29] =	ssyncadd.s32 $0xFFFFFFFF  }
0xb5: {  	_ =	strace $0x90000048  }
0xb6: {  	_ =	sfence  }
0xb7: {  	s30 =	sld [smem:$0x0];
	_ =	sdelay $0x2  }
0xb8: {  	s31 =	sshll.u32 s1, $0xD;
	s1 =	sshrl.u32 s1, $0x2  }
0xb9: {  	s3 =	sand.u32 $0x4000, s31;
	s1 =	sadd.s32 s1, s30  }
0xba: {  	s0 =	sor.u32 s3, s0;
	s1 =	sshll.u32 s1, $0x11  }
0xbb: {  	s0 =	sor.u32 s1, s0  }
0xbc: {  	s0 =	sadd.s32 $0x8F2B, s0  }
0xbd: {  	[sflag:s0] =	ssyncadd.remote.s32 $0x1  }
0xbe: {  	_ =	sfence.sel $0xFFFF  }
0xbf: {  	[dreg:$0x0] =	wrdreg $0xFFFFFFFF;
	(pc) =	sbr.abs _section_cstart, $3  }
0xc0: {  	[dreg:$0x1] =	wrdreg $0xFFFFFFFF  }
0xc1: {  	_ =	task.clear_ibuf [dreg:s6], $0x2FFFF;
	_ =	strace $0x9FFFFFFF  }
0xc2: {  	(tm) =	ssettm $0x7FFFFFFF  }
0xc3: {  	_ =	shalt  }
tec
execute0_lowered:
.L_overlay_start_1:
0x0: {  	(tag) =	ssettag $0x1  }
0x1: {  	s0 =	srdreg.scid  }
0x2: {  	s13 =	stileid.u32;
	s3 =	sand.u32 $0x1, s0  }
0x3: {  	s12 =	sor.u32 $0x20, s13;
	s7 =	smul.u32 $0x186A00, s3  }
0x4: {  	s14 =	sor.u32 $0x30, s13;
	s2 =	smul.u32 $0x3200, s12  }
0x5: {  	s15 =	sor.u32 $0x40, s13;
	s10 =	smul.u32 $0x3200, s14  }
0x6: {  	s4 =	rddreg [dreg:$0x0];
	s16 =	sor.u32 $0x50, s13;
	s22 =	smul.u32 $0x3200, s15  }
0x7: {  	s5 =	sadd.s32 $0x39400, s4;
	s0 =	ssub.s32 $0x2, s3;
	s23 =	smul.u32 $0x3200, s16  }
0x8: {  	s11 =	sor.u32 $0x10, s13;
	s14 =	smul.u32 $0xC800, s14;
	s1 =	sshrl.u32 s0, $0x1  }
0x9: {  	s17 =	sor.u32 $0x60, s13;
	s6 =	ssub.s32 s0, s1;
	s0 =	smul.u32 $0x3200, s13  }
0xa: {  	s18 =	sor.u32 $0x70, s13;
	s3 =	sshll.u32 s3, $0x4;
	s1 =	smul.u32 $0x3200, s11  }
0xb: {  	p0 =	sgt.u32 s18, $0x7C;
	s25 =	sadd.s32 s7, s2;
	s8 =	sadd.s32 s7, s0  }
0xc: {  	s26 =	sadd.s32 s7, s10;
	s9 =	sadd.s32 s7, s1;
	s8 =	sshrl.u32 s8, $0x3  }
0xd: {  	s19 =	sadd.s32 s7, s22;
	s9 =	sshrl.u32 s9, $0x3;
	s8 =	sadd.s32 s5, s8  }
0xe: {  	s20 =	sadd.s32 s7, s23;
	s24 =	sadd.s32 s5, s9;
	[dreg:$0x3] =	wrdreg s8  }
0xf: {  	[dreg:$0x4] =	wrdreg s24;
	s8 =	sshrl.u32 s25, $0x3;
	s24 =	smul.u32 $0x3200, s17  }
0x10: {  	s9 =	sshrl.u32 s26, $0x3;
	s25 =	smul.u32 $0x3200, s18;
	s8 =	sadd.s32 s5, s8  }
0x11: {  	s21 =	sshrl.u32 s20, $0x3;
	[dreg:$0x5] =	wrdreg s8;
	s8 =	sadd.s32 s5, s9  }
0x12: {  	s26 =	sadd.s32 s7, s24;
	s20 =	sadd.s32 s7, s25;
	s7 =	smul.u32 $0xC800, s13  }
0x13: {  	[dreg:$0x6] =	wrdreg s8;
	s8 =	sshrl.u32 s19, $0x3;
	s19 =	sshrl.u32 s26, $0x3  }
0x14: {  	s9 =	sshrl.u32 s20, $0x3;
	s26 =	sshll.u32 s13, $0x5;
	s8 =	sadd.s32 s5, s8  }
0x15: {  	s20 =	smul.u32 $0xC800, s12;
	[dreg:$0x7] =	wrdreg s8;
	s8 =	sadd.s32 s5, s21  }
0x16: {  	s21 =	sadd.s32 s5, s19;
	s19 =	smul.u32 $0xC800, s11;
	s11 =	rddreg [dreg:$0x1]  }
0x17: {  	s12 =	sadd.s32 $0x283600, s4;
	s5 =	sadd.s32 s5, s9;
	[dreg:$0x8] =	wrdreg s8  }
0x18: {  	s9 =	smax.u32 s6, $0x1;
	[dreg:$0x9] =	wrdreg s21;
	s8 =	simm.s32 $0x0  }
0x19: {  	[dreg:$0xa] =	wrdreg s5;
	s5 =	sadd.s32 s26, s4;
	s21 =	smul.u32 $0xC800, s15  }
0x1a: {  	s4 =	sshrl.u32 s14, $0x2;
	s14 =	smul.u32 $0xC800, s17;
	s0 =	sadd.s32 s0, s11  }
0x1b: {  	s1 =	sadd.s32 s1, s11;
	s2 =	sadd.s32 s2, s11;
	[smem:$0x7FF] =	sst s8  }
0x1c: {  	s26 =	sadd.s32 s3, s5;
	s5 =	sshrl.u32 s7, $0x2;
	s19 =	sshrl.u32 s19, $0x2  }
0x1d: {  	s7 =	smul.u32 $0xC800, s16;
	s17 =	sadd.s32 s4, s11;
	_ =	strace $0x80000047  }
0x1e: {  	[dreg:$0xb] =	wrdreg s9;
	s5 =	sadd.s32 s5, s11;
	s15 =	sadd.s32 s19, s11  }
0x1f: {  	s9 =	sshrl.u32 s20, $0x2;
	s19 =	sshrl.u32 s21, $0x2;
	s21 =	smul.u32 $0xC800, s18  }
0x20: {  	s20 =	sshrl.u32 s14, $0x2;
	s14 =	sadd.s32 s24, s11;
	s24 =	sshrl.u32 s0, $0x3  }
0x21: {  	s0 =	sshll.u32 s13, $0x1;
	[dreg:$0xc] =	wrdreg s5;
	s16 =	sadd.s32 s9, s11  }
0x22: {  	s18 =	sadd.s32 s19, s11;
	s19 =	sshrl.u32 s7, $0x2;
	s20 =	sadd.s32 s20, s11  }
0x23: {  	s7 =	sadd.s32 s10, s11;
	s9 =	sadd.s32 s22, s11;
	s10 =	sadd.s32 s23, s11  }
0x24: {  	s22 =	sadd.s32 $0x8400, s26;
	s23 =	sadd.s32 $0x20C00, s26;
	s26 =	sshrl.u32 s2, $0x3  }
0x25: {  	s31 =	sshrl.u32 s14, $0x3;
	s2 =	simm.s32 $0x2;
	s3 =	sshrl.u32 s21, $0x2  }
0x26: {  	s19 =	sadd.s32 s19, s11;
	s28 =	sshrl.u32 s7, $0x3;
	s29 =	sshrl.u32 s9, $0x3  }
0x27: {  	s30 =	sshrl.u32 s10, $0x3;
	s21 =	sadd.s32 s3, s11;
	s3 =	sadd.s32 s25, s11  }
0x28: {  	v0 =	vimm.f32 $0.0e+00;
	s25 =	sshrl.u32 s1, $0x3;
	s1 =	simm.s32 $0x1100;
	s10 =	sshrl.u32 @!p0 s3, $0x3  }
.LBB2_1:
0x29: {  	s3 =	simm.s32 $0x80;
	s4 =	simm.s32 $0x0  }
.LBB2_2:
0x2a: {  	p1 =	sne.s32 s3, $0xC780;
	[tilespmem:s4+$0x1100] =	vst v0;
	s5 =	smov.u32 s3;
	s3 =	sadd.s32 $0x80, s3  }
.Ltmp0:
0x2b: {  	[tilespmem:s4+$0x1110] =	vst v0;
	(pc) =	sbr.rel @p1 .LBB2_2-.Ltmp0, $2  }
0x2c: {  	_ =	sdelay $0x2  }
0x2d: {  	s4 =	sshra.s32 s5, $0x2  }
0x2e: {  	[tilespmem:s4+$0x1100] =	vst v0  }
0x2f: {  	[tilespmem:s4+$0x1110] =	vst v0;
	s3 =	rddreg [dreg:$0xc]  }
0x30: {  	[spmem:s3] =	stream.linear.scatter [tilespmem:s1], [sflag:$0x2], $0x3200, $0x38;
	[tilespmem:$0x1C9A0] =	vst v63  }
0x31: {  	_ =	swait.ge [sflag:s2], $0x3200  }
0x32: {  	[sflag:s2] =	ssyncset.done $0x0  }
0x33: {  	[sflag:s2] =	ssyncadd.s32 $0xFFFFCE00  }
0x34: {  	[spmem:s15] =	stream.linear.scatter [tilespmem:s1], [sflag:$0x2], $0x3200, $0x38;
	[tilespmem:$0x1C9A0] =	vst v63  }
0x35: {  	_ =	swait.ge [sflag:s2], $0x3200  }
0x36: {  	[sflag:s2] =	ssyncset.done $0x0  }
0x37: {  	[sflag:s2] =	ssyncadd.s32 $0xFFFFCE00  }
0x38: {  	[spmem:s16] =	stream.linear.scatter [tilespmem:s1], [sflag:$0x2], $0x3200, $0x38;
	[tilespmem:$0x1C9A0] =	vst v63  }
0x39: {  	_ =	swait.ge [sflag:s2], $0x3200  }
0x3a: {  	[sflag:s2] =	ssyncset.done $0x0  }
0x3b: {  	[sflag:s2] =	ssyncadd.s32 $0xFFFFCE00  }
0x3c: {  	[spmem:s17] =	stream.linear.scatter [tilespmem:s1], [sflag:$0x2], $0x3200, $0x38;
	[tilespmem:$0x1C9A0] =	vst v63  }
0x3d: {  	_ =	swait.ge [sflag:s2], $0x3200  }
0x3e: {  	[sflag:s2] =	ssyncset.done $0x0  }
0x3f: {  	[sflag:s2] =	ssyncadd.s32 $0xFFFFCE00  }
0x40: {  	[spmem:s18] =	stream.linear.scatter [tilespmem:s1], [sflag:$0x2], $0x3200, $0x38;
	[tilespmem:$0x1C9A0] =	vst v63  }
0x41: {  	_ =	swait.ge [sflag:s2], $0x3200  }
0x42: {  	[sflag:s2] =	ssyncset.done $0x0  }
0x43: {  	[sflag:s2] =	ssyncadd.s32 $0xFFFFCE00  }
0x44: {  	[spmem:s19] =	stream.linear.scatter [tilespmem:s1], [sflag:$0x2], $0x3200, $0x38;
	[tilespmem:$0x1C9A0] =	vst v63  }
0x45: {  	_ =	swait.ge [sflag:s2], $0x3200  }
0x46: {  	[sflag:s2] =	ssyncset.done $0x0  }
0x47: {  	[sflag:s2] =	ssyncadd.s32 $0xFFFFCE00  }
0x48: {  	[spmem:s20] =	stream.linear.scatter [tilespmem:s1], [sflag:$0x2], $0x3200, $0x38;
	[tilespmem:$0x1C9A0] =	vst v63  }
0x49: {  	_ =	swait.ge [sflag:s2], $0x3200  }
0x4a: {  	[sflag:s2] =	ssyncset.done $0x0  }
0x4b: {  	s3 =	simm.s32 @!p0 $0x1100;
	[sflag:s2] =	ssyncadd.s32 $0xFFFFCE00  }
0x4c: {  	[spmem:s21] =	stream.linear.scatter @!p0 [tilespmem:s3], [sflag:$0x2], $0x3200, $0x38;
	[tilespmem:$0x1C9A0] =	vst v63  }
0x4d: {  	s3 =	simm.s32 @!p0 $0x2  }
0x4e: {  	_ =	swait.ge @!p0 [sflag:s3], $0x3200  }
0x4f: {  	p1 =	sgt.u32 s0, $0x1869;
	[sflag:s3] =	ssyncset.done @!p0 $0x0  }
0x50: {  	s4 =	simm.s32 @!p1 $0x0;
	[sflag:s3] =	ssyncadd.s32 @!p0 $0xFFFFCE00  }
0x51: {  	s5 =	simm.s32 @!p1 $0x3;
	s3 =	sadd.s32 @!p1 $0x0, s23;
	[bflag:$0x0] =	sbarrier.arrive $0xFFFF  }
0x52: {  	[tilespmem:s4], [sflag:$0x3] =	stream.linear.gather @!p1 [hbm4b:s3+s4], $0x80, $0x38;
	[tilespmem:$0x1C9A0] =	vst v63  }
0x53: {  	_ =	swait.ge @!p1 [sflag:s5], $0x80;
	p1 =	por p1, p1  }
0x54: {  	[sflag:s5] =	ssyncset.done @!p1 $0x0  }
0x55: {  	s3 =	sadd.s32 @!p1 $0x0, s22;
	s6 =	simm.s32 @!p1 $0x80;
	[sflag:s5] =	ssyncadd.s32 @!p1 $0xFFFFFF80  }
0x56: {  	[tilespmem:s6], [sflag:$0x3] =	stream.linear.gather @!p1 [hbm4b:s3+s4], $0x80, $0x38;
	[tilespmem:$0x1C9A0] =	vst v63  }
0x57: {  	_ =	swait.ge @!p1 [sflag:s5], $0x80  }
0x58: {  	[sflag:s5] =	ssyncset.done @!p1 $0x0  }
0x59: {  	s3 =	simm.s32 @!p1 $0x100;
	[sflag:s5] =	ssyncadd.s32 @!p1 $0xFFFFFF80;
	s5 =	simm.s32 @!p1 $0x1  }
0x5a: {  	[tilespmem:s3], [sflag:$0x1] =	stream.indirect.gather @!p1 [hbm4b:s12+s6], $0x20, s4, s6, $0xb8;
	[tilespmem:$0x1C9A0] =	vst v63  }
0x5b: {  	_ =	swait.ge @!p1 [sflag:s5], $0x1000  }
0x5c: {  	[sflag:s5] =	ssyncset.done @!p1 $0x0  }
0x5d: {  	s4 =	sadd.s32 $0x20, s0;
	[sflag:s5] =	ssyncadd.s32 @!p1 $0xFFFFF000  }
0x5e: {  	[spmem:s11] =	stream.indirect.scatter.add.f32 @!p1 [tilespmem:s3], [sflag:$0x2], $0x20, s6, s6, $0xb8;
	[tilespmem:$0x1C9A0] =	vst v63  }
0x5f: {  	p3 =	sgt.u32 s4, $0x1869;
	s6 =	simm.s32 @!p1 $0x2  }
0x60: {  	s5 =	simm.s32 $0x400;
	s3 =	simm.s32 $0x200;
	_ =	swait.ge @!p1 [sflag:s6], $0x1000  }
.LBB2_4:
0x61: {  	s7 =	sadd.s32 @!p3 s3, s23  }
0x62: {  	s9 =	simm.s32 @!p3 $0x0;
	[sflag:s6] =	ssyncset.done @!p1 $0x0;
	s13 =	smov.u32 s5  }
0x63: {  	s5 =	sadd.s32 $0x200, s5;
	s14 =	simm.s32 @!p3 $0x3;
	[sflag:s6] =	ssyncadd.s32 @!p1 $0xFFFFF000  }
0x64: {  	[tilespmem:s9], [sflag:$0x3] =	stream.linear.gather @!p3 [hbm4b:s7+s9], $0x80, $0x38;
	[tilespmem:$0x1C9A0] =	vst v63  }
0x65: {  	p2 =	sne.s32 s5, $0x18800;
	p1 =	por p3, p3;
	_ =	swait.ge @!p3 [sflag:s14], $0x80  }
0x66: {  	[sflag:s14] =	ssyncset.done @!p1 $0x0  }
0x67: {  	s3 =	sadd.s32 @!p1 s3, s22;
	s7 =	simm.s32 @!p1 $0x80;
	[sflag:s14] =	ssyncadd.s32 @!p1 $0xFFFFFF80  }
0x68: {  	[tilespmem:s7], [sflag:$0x3] =	stream.linear.gather @!p1 [hbm4b:s3+s9], $0x80, $0x38;
	[tilespmem:$0x1C9A0] =	vst v63  }
0x69: {  	s3 =	smov.u32 s13;
	_ =	swait.ge @!p1 [sflag:s14], $0x80  }
0x6a: {  	[sflag:s14] =	ssyncset.done @!p1 $0x0  }
0x6b: {  	s6 =	simm.s32 @!p1 $0x1;
	s13 =	simm.s32 @!p1 $0x100;
	[sflag:s14] =	ssyncadd.s32 @!p1 $0xFFFFFF80  }
0x6c: {  	[tilespmem:s13], [sflag:$0x1] =	stream.indirect.gather @!p1 [hbm4b:s12+s7], $0x20, s9, s7, $0xb8;
	[tilespmem:$0x1C9A0] =	vst v63  }
.Ltmp1:
0x6d: {  	_ =	swait.ge @!p1 [sflag:s6], $0x1000;
	(pc) =	sbr.rel @p2 .LBB2_4-.Ltmp1, $4  }
0x6e: {  	[sflag:s6] =	ssyncset.done @!p1 $0x0  }
0x6f: {  	s4 =	sadd.s32 $0x20, s4;
	[sflag:s6] =	ssyncadd.s32 @!p1 $0xFFFFF000;
	s6 =	simm.s32 @!p1 $0x2  }
0x70: {  	[spmem:s11] =	stream.indirect.scatter.add.f32 @!p1 [tilespmem:s13], [sflag:$0x2], $0x20, s7, s7, $0xb8;
	[tilespmem:$0x1C9A0] =	vst v63  }
0x71: {  	p3 =	sgt.u32 s4, $0x1869;
	_ =	swait.ge @!p1 [sflag:s6], $0x1000  }
0x72: {  	s4 =	sadd.s32 @!p3 s3, s23;
	[sflag:s6] =	ssyncset.done @!p1 $0x0  }
0x73: {  	s5 =	simm.s32 @!p3 $0x0;
	[sflag:s6] =	ssyncadd.s32 @!p1 $0xFFFFF000;
	s6 =	simm.s32 @!p3 $0x3  }
0x74: {  	[tilespmem:s5], [sflag:$0x3] =	stream.linear.gather @!p3 [hbm4b:s4+s5], $0x80, $0x38;
	[tilespmem:$0x1C9A0] =	vst v63  }
0x75: {  	p1 =	por p3, p3;
	_ =	swait.ge @!p3 [sflag:s6], $0x80  }
0x76: {  	[sflag:s6] =	ssyncset.done @!p1 $0x0  }
0x77: {  	s3 =	sadd.s32 @!p1 s3, s22;
	s4 =	simm.s32 @!p1 $0x80;
	[sflag:s6] =	ssyncadd.s32 @!p1 $0xFFFFFF80  }
0x78: {  	[tilespmem:s4], [sflag:$0x3] =	stream.linear.gather @!p1 [hbm4b:s3+s5], $0x80, $0x38;
	[tilespmem:$0x1C9A0] =	vst v63  }
0x79: {  	_ =	swait.ge @!p1 [sflag:s6], $0x80  }
0x7a: {  	[sflag:s6] =	ssyncset.done @!p1 $0x0  }
0x7b: {  	s3 =	simm.s32 @!p1 $0x100;
	[sflag:s6] =	ssyncadd.s32 @!p1 $0xFFFFFF80  }
0x7c: {  	[tilespmem:s3], [sflag:$0x1] =	stream.indirect.gather @!p1 [hbm4b:s12+s4], $0x20, s5, s4, $0xb8;
	[tilespmem:$0x1C9A0] =	vst v63  }
0x7d: {  	s5 =	simm.s32 @!p1 $0x1  }
0x7e: {  	_ =	swait.ge @!p1 [sflag:s5], $0x1000  }
0x7f: {  	[sflag:s5] =	ssyncset.done @!p1 $0x0  }
0x80: {  	[sflag:s5] =	ssyncadd.s32 @!p1 $0xFFFFF000  }
0x81: {  	[spmem:s11] =	stream.indirect.scatter.add.f32 @!p1 [tilespmem:s3], [sflag:$0x2], $0x20, s4, s4, $0xb8;
	[tilespmem:$0x1C9A0] =	vst v63  }
0x82: {  	s3 =	simm.s32 @!p1 $0x2  }
0x83: {  	_ =	swait.ge @!p1 [sflag:s3], $0x1000  }
0x84: {  	[sflag:s3] =	ssyncset.done @!p1 $0x0  }
0x85: {  	s9 =	stileid.u32;
	[sflag:s3] =	ssyncadd.s32 @!p1 $0xFFFFF000  }
0x86: {  	s3 =	sshll.u32 s9, $0x6;
	[bflag:$0x0] =	sbarrier.arrive $0xFFFF  }
0x87: {  	s3 =	sor.u32 $0x1C02, s3;
	s13 =	rddreg [dreg:$0x3]  }
0x88: {  	[hbm:s13], [sflag:s3] =	dma.local [spmem:s24], $0x640  }
0x89: {  	_ =	swait.ge [sflag:s2], $0x640  }
0x8a: {  	[sflag:s2] =	ssyncset.done $0x0  }
0x8b: {  	s14 =	rddreg [dreg:$0x4];
	[sflag:s2] =	ssyncadd.s32 $0xFFFFF9C0  }
0x8c: {  	[hbm:s14], [sflag:s3] =	dma.local [spmem:s25], $0x640  }
0x8d: {  	_ =	swait.ge [sflag:s2], $0x640  }
0x8e: {  	[sflag:s2] =	ssyncset.done $0x0  }
0x8f: {  	s5 =	rddreg [dreg:$0x5];
	[sflag:s2] =	ssyncadd.s32 $0xFFFFF9C0  }
0x90: {  	[hbm:s5], [sflag:s3] =	dma.local [spmem:s26], $0x640  }
0x91: {  	_ =	swait.ge [sflag:s2], $0x640  }
0x92: {  	[sflag:s2] =	ssyncset.done $0x0  }
0x93: {  	s6 =	rddreg [dreg:$0x6];
	[sflag:s2] =	ssyncadd.s32 $0xFFFFF9C0  }
0x94: {  	[hbm:s6], [sflag:s3] =	dma.local [spmem:s28], $0x640  }
0x95: {  	_ =	swait.ge [sflag:s2], $0x640  }
0x96: {  	[sflag:s2] =	ssyncset.done $0x0  }
0x97: {  	s7 =	rddreg [dreg:$0x7];
	[sflag:s2] =	ssyncadd.s32 $0xFFFFF9C0  }
0x98: {  	[hbm:s7], [sflag:s3] =	dma.local [spmem:s29], $0x640  }
0x99: {  	_ =	swait.ge [sflag:s2], $0x640  }
0x9a: {  	[sflag:s2] =	ssyncset.done $0x0  }
0x9b: {  	s9 =	rddreg [dreg:$0x8];
	[sflag:s2] =	ssyncadd.s32 $0xFFFFF9C0  }
0x9c: {  	[hbm:s9], [sflag:s3] =	dma.local [spmem:s30], $0x640  }
0x9d: {  	_ =	swait.ge [sflag:s2], $0x640  }
0x9e: {  	[sflag:s2] =	ssyncset.done $0x0  }
0x9f: {  	s13 =	rddreg [dreg:$0x9];
	[sflag:s2] =	ssyncadd.s32 $0xFFFFF9C0  }
0xa0: {  	[hbm:s13], [sflag:s3] =	dma.local [spmem:s31], $0x640  }
0xa1: {  	_ =	swait.ge [sflag:s2], $0x640  }
0xa2: {  	[sflag:s2] =	ssyncset.done $0x0  }
0xa3: {  	s4 =	rddreg [dreg:$0xa];
	[sflag:s2] =	ssyncadd.s32 $0xFFFFF9C0  }
0xa4: {  	[hbm:s4], [sflag:s3] =	dma.local @!p0 [spmem:s10], $0x640  }
0xa5: {  	s3 =	simm.s32 @!p0 $0x2  }
0xa6: {  	_ =	swait.ge @!p0 [sflag:s3], $0x640  }
0xa7: {  	s8 =	sadd.s32 $0x1, s8;
	s14 =	rddreg [dreg:$0xb]  }
0xa8: {  	p1 =	sne.s32 s8, s14  }
.Ltmp2:
0xa9: {  	_ = 	snop;
	(pc) =	sbr.rel @p1 .LBB2_1-.Ltmp2, $3  }
0xaa: {  	_ =	sdelay $0x1  }
0xab: {  	[sflag:s3] =	ssyncset.done @!p0 $0x0  }
0xac: {  	[sflag:s3] =	ssyncadd.s32 @!p0 $0xFFFFF9C0  }
0xad: {  	_ =	sfence.sel $0x180000  }
0xae: {  	[bflag:$0x0] =	sbarrier.arrive $0xFFFF  }
0xaf: {  	_ =	strace $0x90000047  }
0xb0: {  	s0 =	stileid.u32;
	[bflag:$0x2] =	sbarrier.arrive $0xFFFF  }
0xb1: {  	p0 =	sne.s32 s0, $0x0;
	s0 =	rddreg [dreg:$0x2]  }
0xb2: {  	s0 =	sadd.s32 @!p0 $0x100000, s0  }
0xb3: {  	[sflag:s0] =	ssyncadd.tile.s32 @!p0 $0x1;
	_ =	shalt  }
.Lfunc_end2:
_tile_overlayer_lowered:
.L_overlay_start_2:
0xb4: {  	(tag) =	ssettag $0x2  }
0xb5: {  	s0 =	rddreg [dreg:$0x0];
	s2 =	stileid.u32  }
0xb6: {  	s1 =	rddreg [dreg:$0x1];
	p0 =	sne.s32 s2, $0x0  }
0xb7: {  	s3 =	rddreg [dreg:$0x2];
	[bflag:$0x3] =	sbarrier.arrive $0xFFFF;
	s2 =	simm.s32 @!p0 $0x1C02  }
0xb8: {  	[timem:s3], [sflag:s2] =	dma.local @!p0 [hbm:s0], s1  }
0xb9: {  	s0 =	simm.s32 @!p0 $0x2  }
0xba: {  	_ =	swait.ge @!p0 [sflag:s0], s1  }
0xbb: {  	s1 =	ssub.s32 @!p0 $0x0, s1;
	[sflag:s0] =	ssyncset.done @!p0 $0x0  }
0xbc: {  	[sflag:s0] =	ssyncadd.s32 @!p0 s1  }
0xbd: {  	[bflag:$0x3] =	sbarrier.arrive $0xFFFF  }
0xbe: {  	_ =	shalt  }

// kernel: kernel.30.cloned.1.call-start
scs
__scs_entry_jumppad:
0x0: {  	(pc) =	sbr.rel $0x88, $3  }
0x1: {  	(tag) =	ssettag $0x0;
	lr =	simm.s32 $0x1  }
0x2: {  	[smem:$0x3F72] =	sst lr;
	_ =	strace $0xD0000000  }
0x3: {  	_ = 	snop  }
0x4: {  	_ = 	snop  }
0x5: {  	_ = 	snop  }
0x6: {  	_ = 	snop  }
0x7: {  	_ = 	snop  }
__scs_overlays_trampoline_lowered:
0x8: {  	[smem:$0x3F81] =	sst s0  }
0x9: {  	[smem:$0x3F82] =	sst s1  }
0xa: {  	[smem:$0x3F83] =	sst s2  }
0xb: {  	[smem:$0x3F84] =	sst s3  }
0xc: {  	[smem:$0x3F85] =	sst s4  }
0xd: {  	[smem:$0x3F86] =	sst s5  }
0xe: {  	[smem:$0x3F87] =	sst s6  }
0xf: {  	[smem:$0x3F88] =	sst s7  }
0x10: {  	[smem:$0x3F89] =	sst s8  }
0x11: {  	[smem:$0x3F8A] =	sst s9;
	s0 =	simm.s32 @!p0 $0x0  }
0x12: {  	s1 =	sld [smem:$0x3F70];
	s0 =	simm.s32 @p0 $0x1  }
0x13: {  	[smem:$0x3F8B] =	sst s0;
	s0 =	simm.s32 @!p1 $0x0  }
0x14: {  	s2 =	sld [smem:$0x3F6F];
	s0 =	simm.s32 @p1 $0x1  }
0x15: {  	[smem:$0x3F8C] =	sst s0;
	s0 =	simm.s32 @!p2 $0x0  }
0x16: {  	s3 =	sld [smem:$0x3FDB];
	s0 =	simm.s32 @p2 $0x1  }
0x17: {  	s4 =	simm.s32 $0x1BF5;
	[smem:$0x3F8E] =	sst s0  }
0x18: {  	s0 =	sld [smem:$0x3F71];
	_ =	swait.ge [sflag:s4], $0x0  }
0x19: {  	s7 =	sld [smem:$0x3F72]  }
0x1a: {  	s8 =	sadd.s32 $0xFFFFE003, lr  }
0x1b: {  	s9 =	sadd.s32 $0xFFFFFEF7, lr;
	s5 =	simm.s32 $0xFFFFFFFF;
	p2 =	slt.u32 s8, $0xFFFFF086  }
0x1c: {  	p1 =	slt.u32 s9, $0xF7A;
	s5 =	simm.s32 @!p2 $0x0  }
0x1d: {  	s5 =	simm.s32 @p1 $0x1;
	p0 =	seq.s32 s7, s2  }
0x1e: {  	s7 =	smul.u32 @!p0 $0xF7A, s2;
	p2 =	seq.s32 @!p0 s5, $0x0  }
0x1f: {  	s9 =	smul.u32 $0xF7A, s1;
	s8 =	simm.s32 @!p0 $0x1BF5;
	p2 =	por !p2, p0  }
0x20: {  	[sflag:s8] =	ssyncset.s32 @!p0 $0xFFFFF086;
	s6 =	sadd.s32 @!p0 s3, s7;
	s7 =	simm.s32 @!p0 $0x108  }
0x21: {  	s3 =	sadd.s32 s3, s9;
	s6 =	sadd.s32 @!p0 $0x88, s6;
	s7 =	simm.s32 @p2 $0x1082  }
0x22: {  	[simem:s7], [sflag:s8] =	dma.local @!p0 [hbm:s6], $0xF7A  }
0x23: {  	s9 =	sor.u32 $0xD0000000, s2;
	s6 =	simm.s32 $0x108;
	_ =	swait.ge @!p0 [sflag:s8], $0x0  }
0x24: {  	s3 =	sadd.s32 $0x88, s3;
	s6 =	simm.s32 @!p1 $0x1082;
	[sflag:s4] =	ssyncset.s32 $0xFFFFF086  }
0x25: {  	[simem:s6], [sflag:s4] =	dma.local [hbm:s3], $0xF7A  }
0x26: {  	[smem:$0x3F72] =	sst s1;
	(tag) =	ssettag s2;
	_ =	strace s9  }
0x27: {  	s1 =	sld [smem:$0x3F82]  }
0x28: {  	s2 =	sld [smem:$0x3F83]  }
0x29: {  	s4 =	sld [smem:$0x3F85]  }
0x2a: {  	p0 =	seq.s32 s5, $0x0;
	s5 =	sld [smem:$0x3F86]  }
0x2b: {  	s6 =	sld [smem:$0x3F87]  }
0x2c: {  	s7 =	sld [smem:$0x3F88]  }
0x2d: {  	s3 =	simm.s32 $0x108;
	s8 =	sld [smem:$0x3F89]  }
0x2e: {  	s3 =	simm.s32 @!p0 $0x1082;
	s9 =	sld [smem:$0x3F8A]  }
0x2f: {  	lr =	sadd.s32 s0, s3;
	s0 =	sld [smem:$0x3F81]  }
0x30: {  	s3 =	sld [smem:$0x3F84]  }
0x31: {  	[smem:$0x3F8D] =	sst s10  }
0x32: {  	s10 =	sld [smem:$0x3F8B];
	_ =	sdelay $0x3  }
0x33: {  	p0 =	seq.s32 s10, $0x1;
	s10 =	sld [smem:$0x3F8D];
	_ =	sdelay $0x3  }
0x34: {  	[smem:$0x3F8D] =	sst s10  }
0x35: {  	s10 =	sld [smem:$0x3F8C];
	_ =	sdelay $0x3  }
0x36: {  	p1 =	seq.s32 s10, $0x1;
	s10 =	sld [smem:$0x3F8D];
	_ =	sdelay $0x3  }
0x37: {  	[smem:$0x3F8D] =	sst s10  }
0x38: {  	s10 =	sld [smem:$0x3F8E]  }
0x39: {  	_ = 	snop;
	(pc) =	sbr.ind lr, $3  }
0x3a: {  	_ = 	snop  }
0x3b: {  	_ = 	snop  }
0x3c: {  	p2 =	seq.s32 s10, $0x1;
	s10 =	sld [smem:$0x3F8D]  }
0x3d: {  	_ =	shalt  }
0x3e: {  	_ =	shalt  }
0x3f: {  	_ =	shalt  }
0x40: {  	_ =	shalt  }
0x41: {  	_ =	shalt  }
0x42: {  	_ =	shalt  }
0x43: {  	_ =	shalt  }
0x44: {  	_ =	shalt  }
0x45: {  	_ =	shalt  }
0x46: {  	_ =	shalt  }
0x47: {  	_ =	shalt  }
0x48: {  	_ =	shalt  }
0x49: {  	_ =	shalt  }
0x4a: {  	_ =	shalt  }
0x4b: {  	_ =	shalt  }
0x4c: {  	_ =	shalt  }
0x4d: {  	_ =	shalt  }
0x4e: {  	_ =	shalt  }
0x4f: {  	_ =	shalt  }
0x50: {  	_ =	shalt  }
0x51: {  	_ =	shalt  }
0x52: {  	_ =	shalt  }
0x53: {  	_ =	shalt  }
0x54: {  	_ =	shalt  }
0x55: {  	_ =	shalt  }
0x56: {  	_ =	shalt  }
0x57: {  	_ =	shalt  }
0x58: {  	_ =	shalt  }
0x59: {  	_ =	shalt  }
0x5a: {  	_ =	shalt  }
0x5b: {  	_ =	shalt  }
0x5c: {  	_ =	shalt  }
0x5d: {  	_ =	shalt  }
0x5e: {  	_ =	shalt  }
0x5f: {  	_ =	shalt  }
0x60: {  	_ =	shalt  }
0x61: {  	_ =	shalt  }
0x62: {  	_ =	shalt  }
0x63: {  	_ =	shalt  }
0x64: {  	_ =	shalt  }
0x65: {  	_ =	shalt  }
0x66: {  	_ =	shalt  }
0x67: {  	_ =	shalt  }
0x68: {  	_ =	shalt  }
0x69: {  	_ =	shalt  }
0x6a: {  	_ =	shalt  }
0x6b: {  	_ =	shalt  }
0x6c: {  	_ =	shalt  }
0x6d: {  	_ =	shalt  }
0x6e: {  	_ =	shalt  }
0x6f: {  	_ =	shalt  }
0x70: {  	_ =	shalt  }
0x71: {  	_ =	shalt  }
0x72: {  	_ =	shalt  }
0x73: {  	_ =	shalt  }
0x74: {  	_ =	shalt  }
0x75: {  	_ =	shalt  }
0x76: {  	_ =	shalt  }
0x77: {  	_ =	shalt  }
0x78: {  	_ =	shalt  }
0x79: {  	_ =	shalt  }
0x7a: {  	_ =	shalt  }
0x7b: {  	_ =	shalt  }
0x7c: {  	_ =	shalt  }
0x7d: {  	_ =	shalt  }
0x7e: {  	_ =	shalt  }
0x7f: {  	_ =	shalt  }
0x80: {  	_ =	shalt  }
0x81: {  	_ =	shalt  }
0x82: {  	_ =	shalt  }
0x83: {  	_ =	shalt  }
0x84: {  	_ =	shalt  }
0x85: {  	_ =	shalt  }
0x86: {  	_ =	shalt  }
0x87: {  	_ =	shalt  }
.Lfunc_end0:
.L_simem_size_0:
called_computation.3_lowered:
.L_overlay_start_0:
0x88: {  	s2 =	sld [smem:$0x3FD9]  }
0x89: {  	s3 =	sld [smem:$0x3FFE];
	_ =	sdelay $0x1  }
0x8a: {  	s1 =	srdreg.scid  }
0x8b: {  	s0 =	sand.u32 $0x1, s1  }
0x8c: {  	s16 =	sshll.u32 s0, $0xA;
	s2 =	sadd.s32 s3, s2  }
0x8d: {  	s2 =	sadd.s32 s2, s16  }
0x8e: {  	[smem:$0x3F99] =	sst s2  }
0x8f: {  	_ = 	snop  }
0x90: {  	(tm) =	ssettm $0x1  }
0x91: {  	s17 =	sld [smem:$0x3FFB];
	_ =	sdelay $0x3  }
0x92: {  	_ =	strace s17  }
0x93: {  	s2 =	sld [smem:$0x3FFC];
	_ =	sdelay $0x3  }
0x94: {  	_ =	strace s2  }
0x95: {  	s2 =	sld [smem:$0x3FFD];
	_ =	sdelay $0x3  }
0x96: {  	_ =	strace s2  }
0x97: {  	_ =	strace $0x8FFFFFFF  }
0x98: {  	s18 =	sld [smem:$0x3FDB];
	_ =	sdelay $0x1  }
0x99: {  	s19 =	simm.s32 $_scs_section_size  }
0x9a: {  	s4 =	simm.s32 $_size__tile_overlayer_lowered;
	s5 =	simm.s32 $_tile_overlayer_lowered  }
0x9b: {  	s22 =	simm.s32 $0x1BFF;
	s21 =	sshll.u32 s5, $0x1;
	s2 =	sadd.s32 s19, s18  }
0x9c: {  	s6 =	simm.s32 $0x0;
	s20 =	sshll.u32 s4, $0x1;
	s4 =	sadd.s32 s21, s2  }
0x9d: {  	[timem:s6], [sflag:s22] =	dma.local [hbm:s4], s20  }
0x9e: {  	_ =	swait.ge [sflag:s22], s20  }
0x9f: {  	s3 =	ssub.s32 $0x0, s20;
	[sflag:s22] =	ssyncset.done $0x0  }
0xa0: {  	[sflag:s22] =	ssyncadd.s32 s3;
	_ =	sdelay $0x1  }
0xa1: {  	s23 =	simm.s32 $0x1B8B  }
0xa2: {  	_ =	swait.ge [sflag:s23], $0x1  }
0xa3: {  	[sflag:s23] =	ssyncset.done $0x0  }
0xa4: {  	s25 =	simm.s32 $0x1B8E;
	s24 =	sld [smem:$0x3FFE];
	[sflag:s23] =	ssyncadd.s32 $0xFFFFFFFF  }
0xa5: {  	s26 =	simm.s32 $execute0_lowered;
	[smem:$0x3FD2] =	sst s25  }
0xa6: {  	s4 =	sshll.u32 s26, $0x1;
	_ =	strace $0x8000004F;
	[dreg:$0x1] =	wrdreg $0xFFFFFFFF  }
0xa7: {  	s28 =	simm.s32 $_size_execute0_lowered;
	s2 =	sadd.s32 s2, s4;
	[dreg:$0x0] =	wrdreg $0x0  }
0xa8: {  	s4 =	sshll.u32 s28, $0x1;
	[dreg:$0x2] =	wrdreg s2  }
0xa9: {  	[dreg:$0x3] =	wrdreg s4  }
0xaa: {  	[dreg:$0x4] =	wrdreg $0xC0  }
0xab: {  	_ =	task [dreg:s6], $0x5FFFF  }
0xac: {  	[dreg:$0x1] =	wrdreg $0xFFFFFFFF  }
0xad: {  	[dreg:$0x0] =	wrdreg $0x60  }
0xae: {  	[dreg:$0x2] =	wrdreg s24  }
0xaf: {  	[dreg:$0x3] =	wrdreg $0x43000  }
0xb0: {  	[dreg:$0x4] =	wrdreg $0x9  }
0xb1: {  	_ =	task.clear_ibuf [dreg:s6], $0x5FFFF;
	_ =	strace $0x9000004F  }
0xb2: {  	s29 =	simm.s32 $0x9;
	_ =	strace $0x80000051  }
0xb3: {  	_ =	swait.ge [sflag:s29], $0x1  }
0xb4: {  	[sflag:s29] =	ssyncadd.s32 $0xFFFFFFFF  }
0xb5: {  	_ =	strace $0x90000051  }
0xb6: {  	_ =	sfence  }
0xb7: {  	s30 =	sld [smem:$0x0];
	_ =	sdelay $0x2  }
0xb8: {  	s31 =	sshll.u32 s1, $0xD;
	s1 =	sshrl.u32 s1, $0x2  }
0xb9: {  	s3 =	sand.u32 $0x4000, s31;
	s1 =	sadd.s32 s1, s30  }
0xba: {  	s0 =	sor.u32 s3, s0;
	s1 =	sshll.u32 s1, $0x11  }
0xbb: {  	s0 =	sor.u32 s1, s0  }
0xbc: {  	s0 =	sadd.s32 $0x8F2B, s0  }
0xbd: {  	[sflag:s0] =	ssyncadd.remote.s32 $0x1  }
0xbe: {  	_ =	sfence.sel $0xFFFF  }
0xbf: {  	[dreg:$0x0] =	wrdreg $0xFFFFFFFF;
	(pc) =	sbr.abs _section_cstart, $3  }
0xc0: {  	[dreg:$0x1] =	wrdreg $0xFFFFFFFF  }
0xc1: {  	_ =	task.clear_ibuf [dreg:s6], $0x2FFFF;
	_ =	strace $0x9FFFFFFF  }
0xc2: {  	(tm) =	ssettm $0x7FFFFFFF  }
0xc3: {  	_ =	shalt  }
tec
execute0_lowered:
.L_overlay_start_1:
0x0: {  	(tag) =	ssettag $0x1  }
0x1: {  	s0 =	srdreg.scid  }
0x2: {  	s13 =	stileid.u32;
	s3 =	sand.u32 $0x1, s0  }
0x3: {  	s12 =	sor.u32 $0x20, s13;
	s7 =	smul.u32 $0x186A00, s3  }
0x4: {  	s14 =	sor.u32 $0x30, s13;
	s2 =	smul.u32 $0x3200, s12  }
0x5: {  	s15 =	sor.u32 $0x40, s13;
	s10 =	smul.u32 $0x3200, s14  }
0x6: {  	s4 =	rddreg [dreg:$0x0];
	s16 =	sor.u32 $0x50, s13;
	s22 =	smul.u32 $0x3200, s15  }
0x7: {  	s5 =	sadd.s32 $0x12D800, s4;
	s0 =	ssub.s32 $0x2, s3;
	s23 =	smul.u32 $0x3200, s16  }
0x8: {  	s11 =	sor.u32 $0x10, s13;
	s14 =	smul.u32 $0xC800, s14;
	s1 =	sshrl.u32 s0, $0x1  }
0x9: {  	s17 =	sor.u32 $0x60, s13;
	s6 =	ssub.s32 s0, s1;
	s0 =	smul.u32 $0x3200, s13  }
0xa: {  	s18 =	sor.u32 $0x70, s13;
	s3 =	sshll.u32 s3, $0x4;
	s1 =	smul.u32 $0x3200, s11  }
0xb: {  	p0 =	sgt.u32 s18, $0x7C;
	s25 =	sadd.s32 s7, s2;
	s8 =	sadd.s32 s7, s0  }
0xc: {  	s26 =	sadd.s32 s7, s10;
	s9 =	sadd.s32 s7, s1;
	s8 =	sshrl.u32 s8, $0x3  }
0xd: {  	s19 =	sadd.s32 s7, s22;
	s9 =	sshrl.u32 s9, $0x3;
	s8 =	sadd.s32 s5, s8  }
0xe: {  	s20 =	sadd.s32 s7, s23;
	s24 =	sadd.s32 s5, s9;
	[dreg:$0x3] =	wrdreg s8  }
0xf: {  	[dreg:$0x4] =	wrdreg s24;
	s8 =	sshrl.u32 s25, $0x3;
	s24 =	smul.u32 $0x3200, s17  }
0x10: {  	s9 =	sshrl.u32 s26, $0x3;
	s25 =	smul.u32 $0x3200, s18;
	s8 =	sadd.s32 s5, s8  }
0x11: {  	s21 =	sshrl.u32 s20, $0x3;
	[dreg:$0x5] =	wrdreg s8;
	s8 =	sadd.s32 s5, s9  }
0x12: {  	s26 =	sadd.s32 s7, s24;
	s20 =	sadd.s32 s7, s25;
	s7 =	smul.u32 $0xC800, s13  }
0x13: {  	[dreg:$0x6] =	wrdreg s8;
	s8 =	sshrl.u32 s19, $0x3;
	s19 =	sshrl.u32 s26, $0x3  }
0x14: {  	s9 =	sshrl.u32 s20, $0x3;
	s26 =	sshll.u32 s13, $0x5;
	s8 =	sadd.s32 s5, s8  }
0x15: {  	s20 =	smul.u32 $0xC800, s12;
	[dreg:$0x7] =	wrdreg s8;
	s8 =	sadd.s32 s5, s21  }
0x16: {  	s21 =	sadd.s32 s5, s19;
	s19 =	smul.u32 $0xC800, s11;
	s11 =	rddreg [dreg:$0x1]  }
0x17: {  	s12 =	sadd.s32 $0xFCA00, s4;
	s5 =	sadd.s32 s5, s9;
	[dreg:$0x8] =	wrdreg s8  }
0x18: {  	s9 =	smax.u32 s6, $0x1;
	[dreg:$0x9] =	wrdreg s21;
	s8 =	simm.s32 $0x0  }
0x19: {  	[dreg:$0xa] =	wrdreg s5;
	s5 =	sadd.s32 s26, s4;
	s21 =	smul.u32 $0xC800, s15  }
0x1a: {  	s4 =	sshrl.u32 s14, $0x2;
	s14 =	smul.u32 $0xC800, s17;
	s0 =	sadd.s32 s0, s11  }
0x1b: {  	s1 =	sadd.s32 s1, s11;
	s2 =	sadd.s32 s2, s11;
	[smem:$0x7FF] =	sst s8  }
0x1c: {  	s26 =	sadd.s32 s3, s5;
	s5 =	sshrl.u32 s7, $0x2;
	s19 =	sshrl.u32 s19, $0x2  }
0x1d: {  	s7 =	smul.u32 $0xC800, s16;
	s17 =	sadd.s32 s4, s11;
	_ =	strace $0x80000050  }
0x1e: {  	[dreg:$0xb] =	wrdreg s9;
	s5 =	sadd.s32 s5, s11;
	s15 =	sadd.s32 s19, s11  }
0x1f: {  	s9 =	sshrl.u32 s20, $0x2;
	s19 =	sshrl.u32 s21, $0x2;
	s21 =	smul.u32 $0xC800, s18  }
0x20: {  	s20 =	sshrl.u32 s14, $0x2;
	s14 =	sadd.s32 s24, s11;
	s24 =	sshrl.u32 s0, $0x3  }
0x21: {  	s0 =	sshll.u32 s13, $0x1;
	[dreg:$0xc] =	wrdreg s5;
	s16 =	sadd.s32 s9, s11  }
0x22: {  	s18 =	sadd.s32 s19, s11;
	s19 =	sshrl.u32 s7, $0x2;
	s20 =	sadd.s32 s20, s11  }
0x23: {  	s7 =	sadd.s32 s10, s11;
	s9 =	sadd.s32 s22, s11;
	s10 =	sadd.s32 s23, s11  }
0x24: {  	s22 =	sadd.s32 $0x8400, s26;
	s23 =	sadd.s32 $0x20C00, s26;
	s26 =	sshrl.u32 s2, $0x3  }
0x25: {  	s31 =	sshrl.u32 s14, $0x3;
	s2 =	simm.s32 $0x2;
	s3 =	sshrl.u32 s21, $0x2  }
0x26: {  	s19 =	sadd.s32 s19, s11;
	s28 =	sshrl.u32 s7, $0x3;
	s29 =	sshrl.u32 s9, $0x3  }
0x27: {  	s30 =	sshrl.u32 s10, $0x3;
	s21 =	sadd.s32 s3, s11;
	s3 =	sadd.s32 s25, s11  }
0x28: {  	v0 =	vimm.f32 $0.0e+00;
	s25 =	sshrl.u32 s1, $0x3;
	s1 =	simm.s32 $0x1100;
	s10 =	sshrl.u32 @!p0 s3, $0x3  }
.LBB2_1:
0x29: {  	s3 =	simm.s32 $0x80;
	s4 =	simm.s32 $0x0  }
.LBB2_2:
0x2a: {  	p1 =	sne.s32 s3, $0xC780;
	[tilespmem:s4+$0x1100] =	vst v0;
	s5 =	smov.u32 s3;
	s3 =	sadd.s32 $0x80, s3  }
.Ltmp0:
0x2b: {  	[tilespmem:s4+$0x1110] =	vst v0;
	(pc) =	sbr.rel @p1 .LBB2_2-.Ltmp0, $2  }
0x2c: {  	_ =	sdelay $0x2  }
0x2d: {  	s4 =	sshra.s32 s5, $0x2  }
0x2e: {  	[tilespmem:s4+$0x1100] =	vst v0  }
0x2f: {  	[tilespmem:s4+$0x1110] =	vst v0;
	s3 =	rddreg [dreg:$0xc]  }
0x30: {  	[spmem:s3] =	stream.linear.scatter [tilespmem:s1], [sflag:$0x2], $0x3200, $0x38;
	[tilespmem:$0x1C9A0] =	vst v63  }
0x31: {  	_ =	swait.ge [sflag:s2], $0x3200  }
0x32: {  	[sflag:s2] =	ssyncset.done $0x0  }
0x33: {  	[sflag:s2] =	ssyncadd.s32 $0xFFFFCE00  }
0x34: {  	[spmem:s15] =	stream.linear.scatter [tilespmem:s1], [sflag:$0x2], $0x3200, $0x38;
	[tilespmem:$0x1C9A0] =	vst v63  }
0x35: {  	_ =	swait.ge [sflag:s2], $0x3200  }
0x36: {  	[sflag:s2] =	ssyncset.done $0x0  }
0x37: {  	[sflag:s2] =	ssyncadd.s32 $0xFFFFCE00  }
0x38: {  	[spmem:s16] =	stream.linear.scatter [tilespmem:s1], [sflag:$0x2], $0x3200, $0x38;
	[tilespmem:$0x1C9A0] =	vst v63  }
0x39: {  	_ =	swait.ge [sflag:s2], $0x3200  }
0x3a: {  	[sflag:s2] =	ssyncset.done $0x0  }
0x3b: {  	[sflag:s2] =	ssyncadd.s32 $0xFFFFCE00  }
0x3c: {  	[spmem:s17] =	stream.linear.scatter [tilespmem:s1], [sflag:$0x2], $0x3200, $0x38;
	[tilespmem:$0x1C9A0] =	vst v63  }
0x3d: {  	_ =	swait.ge [sflag:s2], $0x3200  }
0x3e: {  	[sflag:s2] =	ssyncset.done $0x0  }
0x3f: {  	[sflag:s2] =	ssyncadd.s32 $0xFFFFCE00  }
0x40: {  	[spmem:s18] =	stream.linear.scatter [tilespmem:s1], [sflag:$0x2], $0x3200, $0x38;
	[tilespmem:$0x1C9A0] =	vst v63  }
0x41: {  	_ =	swait.ge [sflag:s2], $0x3200  }
0x42: {  	[sflag:s2] =	ssyncset.done $0x0  }
0x43: {  	[sflag:s2] =	ssyncadd.s32 $0xFFFFCE00  }
0x44: {  	[spmem:s19] =	stream.linear.scatter [tilespmem:s1], [sflag:$0x2], $0x3200, $0x38;
	[tilespmem:$0x1C9A0] =	vst v63  }
0x45: {  	_ =	swait.ge [sflag:s2], $0x3200  }
0x46: {  	[sflag:s2] =	ssyncset.done $0x0  }
0x47: {  	[sflag:s2] =	ssyncadd.s32 $0xFFFFCE00  }
0x48: {  	[spmem:s20] =	stream.linear.scatter [tilespmem:s1], [sflag:$0x2], $0x3200, $0x38;
	[tilespmem:$0x1C9A0] =	vst v63  }
0x49: {  	_ =	swait.ge [sflag:s2], $0x3200  }
0x4a: {  	[sflag:s2] =	ssyncset.done $0x0  }
0x4b: {  	s3 =	simm.s32 @!p0 $0x1100;
	[sflag:s2] =	ssyncadd.s32 $0xFFFFCE00  }
0x4c: {  	[spmem:s21] =	stream.linear.scatter @!p0 [tilespmem:s3], [sflag:$0x2], $0x3200, $0x38;
	[tilespmem:$0x1C9A0] =	vst v63  }
0x4d: {  	s3 =	simm.s32 @!p0 $0x2  }
0x4e: {  	_ =	swait.ge @!p0 [sflag:s3], $0x3200  }
0x4f: {  	p1 =	sgt.u32 s0, $0x1869;
	[sflag:s3] =	ssyncset.done @!p0 $0x0  }
0x50: {  	s4 =	simm.s32 @!p1 $0x0;
	[sflag:s3] =	ssyncadd.s32 @!p0 $0xFFFFCE00  }
0x51: {  	s5 =	simm.s32 @!p1 $0x3;
	s3 =	sadd.s32 @!p1 $0x0, s23;
	[bflag:$0x0] =	sbarrier.arrive $0xFFFF  }
0x52: {  	[tilespmem:s4], [sflag:$0x3] =	stream.linear.gather @!p1 [hbm4b:s3+s4], $0x80, $0x38;
	[tilespmem:$0x1C9A0] =	vst v63  }
0x53: {  	_ =	swait.ge @!p1 [sflag:s5], $0x80;
	p1 =	por p1, p1  }
0x54: {  	[sflag:s5] =	ssyncset.done @!p1 $0x0  }
0x55: {  	s3 =	sadd.s32 @!p1 $0x0, s22;
	s6 =	simm.s32 @!p1 $0x80;
	[sflag:s5] =	ssyncadd.s32 @!p1 $0xFFFFFF80  }
0x56: {  	[tilespmem:s6], [sflag:$0x3] =	stream.linear.gather @!p1 [hbm4b:s3+s4], $0x80, $0x38;
	[tilespmem:$0x1C9A0] =	vst v63  }
0x57: {  	_ =	swait.ge @!p1 [sflag:s5], $0x80  }
0x58: {  	[sflag:s5] =	ssyncset.done @!p1 $0x0  }
0x59: {  	s3 =	simm.s32 @!p1 $0x100;
	[sflag:s5] =	ssyncadd.s32 @!p1 $0xFFFFFF80;
	s5 =	simm.s32 @!p1 $0x1  }
0x5a: {  	[tilespmem:s3], [sflag:$0x1] =	stream.indirect.gather @!p1 [hbm4b:s12+s6], $0x20, s4, s6, $0xb8;
	[tilespmem:$0x1C9A0] =	vst v63  }
0x5b: {  	_ =	swait.ge @!p1 [sflag:s5], $0x1000  }
0x5c: {  	[sflag:s5] =	ssyncset.done @!p1 $0x0  }
0x5d: {  	s4 =	sadd.s32 $0x20, s0;
	[sflag:s5] =	ssyncadd.s32 @!p1 $0xFFFFF000  }
0x5e: {  	[spmem:s11] =	stream.indirect.scatter.add.f32 @!p1 [tilespmem:s3], [sflag:$0x2], $0x20, s6, s6, $0xb8;
	[tilespmem:$0x1C9A0] =	vst v63  }
0x5f: {  	p3 =	sgt.u32 s4, $0x1869;
	s6 =	simm.s32 @!p1 $0x2  }
0x60: {  	s5 =	simm.s32 $0x400;
	s3 =	simm.s32 $0x200;
	_ =	swait.ge @!p1 [sflag:s6], $0x1000  }
.LBB2_4:
0x61: {  	s7 =	sadd.s32 @!p3 s3, s23  }
0x62: {  	s9 =	simm.s32 @!p3 $0x0;
	[sflag:s6] =	ssyncset.done @!p1 $0x0;
	s13 =	smov.u32 s5  }
0x63: {  	s5 =	sadd.s32 $0x200, s5;
	s14 =	simm.s32 @!p3 $0x3;
	[sflag:s6] =	ssyncadd.s32 @!p1 $0xFFFFF000  }
0x64: {  	[tilespmem:s9], [sflag:$0x3] =	stream.linear.gather @!p3 [hbm4b:s7+s9], $0x80, $0x38;
	[tilespmem:$0x1C9A0] =	vst v63  }
0x65: {  	p2 =	sne.s32 s5, $0x18800;
	p1 =	por p3, p3;
	_ =	swait.ge @!p3 [sflag:s14], $0x80  }
0x66: {  	[sflag:s14] =	ssyncset.done @!p1 $0x0  }
0x67: {  	s3 =	sadd.s32 @!p1 s3, s22;
	s7 =	simm.s32 @!p1 $0x80;
	[sflag:s14] =	ssyncadd.s32 @!p1 $0xFFFFFF80  }
0x68: {  	[tilespmem:s7], [sflag:$0x3] =	stream.linear.gather @!p1 [hbm4b:s3+s9], $0x80, $0x38;
	[tilespmem:$0x1C9A0] =	vst v63  }
0x69: {  	s3 =	smov.u32 s13;
	_ =	swait.ge @!p1 [sflag:s14], $0x80  }
0x6a: {  	[sflag:s14] =	ssyncset.done @!p1 $0x0  }
0x6b: {  	s6 =	simm.s32 @!p1 $0x1;
	s13 =	simm.s32 @!p1 $0x100;
	[sflag:s14] =	ssyncadd.s32 @!p1 $0xFFFFFF80  }
0x6c: {  	[tilespmem:s13], [sflag:$0x1] =	stream.indirect.gather @!p1 [hbm4b:s12+s7], $0x20, s9, s7, $0xb8;
	[tilespmem:$0x1C9A0] =	vst v63  }
.Ltmp1:
0x6d: {  	_ =	swait.ge @!p1 [sflag:s6], $0x1000;
	(pc) =	sbr.rel @p2 .LBB2_4-.Ltmp1, $4  }
0x6e: {  	[sflag:s6] =	ssyncset.done @!p1 $0x0  }
0x6f: {  	s4 =	sadd.s32 $0x20, s4;
	[sflag:s6] =	ssyncadd.s32 @!p1 $0xFFFFF000;
	s6 =	simm.s32 @!p1 $0x2  }
0x70: {  	[spmem:s11] =	stream.indirect.scatter.add.f32 @!p1 [tilespmem:s13], [sflag:$0x2], $0x20, s7, s7, $0xb8;
	[tilespmem:$0x1C9A0] =	vst v63  }
0x71: {  	p3 =	sgt.u32 s4, $0x1869;
	_ =	swait.ge @!p1 [sflag:s6], $0x1000  }
0x72: {  	s4 =	sadd.s32 @!p3 s3, s23;
	[sflag:s6] =	ssyncset.done @!p1 $0x0  }
0x73: {  	s5 =	simm.s32 @!p3 $0x0;
	[sflag:s6] =	ssyncadd.s32 @!p1 $0xFFFFF000;
	s6 =	simm.s32 @!p3 $0x3  }
0x74: {  	[tilespmem:s5], [sflag:$0x3] =	stream.linear.gather @!p3 [hbm4b:s4+s5], $0x80, $0x38;
	[tilespmem:$0x1C9A0] =	vst v63  }
0x75: {  	p1 =	por p3, p3;
	_ =	swait.ge @!p3 [sflag:s6], $0x80  }
0x76: {  	[sflag:s6] =	ssyncset.done @!p1 $0x0  }
0x77: {  	s3 =	sadd.s32 @!p1 s3, s22;
	s4 =	simm.s32 @!p1 $0x80;
	[sflag:s6] =	ssyncadd.s32 @!p1 $0xFFFFFF80  }
0x78: {  	[tilespmem:s4], [sflag:$0x3] =	stream.linear.gather @!p1 [hbm4b:s3+s5], $0x80, $0x38;
	[tilespmem:$0x1C9A0] =	vst v63  }
0x79: {  	_ =	swait.ge @!p1 [sflag:s6], $0x80  }
0x7a: {  	[sflag:s6] =	ssyncset.done @!p1 $0x0  }
0x7b: {  	s3 =	simm.s32 @!p1 $0x100;
	[sflag:s6] =	ssyncadd.s32 @!p1 $0xFFFFFF80  }
0x7c: {  	[tilespmem:s3], [sflag:$0x1] =	stream.indirect.gather @!p1 [hbm4b:s12+s4], $0x20, s5, s4, $0xb8;
	[tilespmem:$0x1C9A0] =	vst v63  }
0x7d: {  	s5 =	simm.s32 @!p1 $0x1  }
0x7e: {  	_ =	swait.ge @!p1 [sflag:s5], $0x1000  }
0x7f: {  	[sflag:s5] =	ssyncset.done @!p1 $0x0  }
0x80: {  	[sflag:s5] =	ssyncadd.s32 @!p1 $0xFFFFF000  }
0x81: {  	[spmem:s11] =	stream.indirect.scatter.add.f32 @!p1 [tilespmem:s3], [sflag:$0x2], $0x20, s4, s4, $0xb8;
	[tilespmem:$0x1C9A0] =	vst v63  }
0x82: {  	s3 =	simm.s32 @!p1 $0x2  }
0x83: {  	_ =	swait.ge @!p1 [sflag:s3], $0x1000  }
0x84: {  	[sflag:s3] =	ssyncset.done @!p1 $0x0  }
0x85: {  	s9 =	stileid.u32;
	[sflag:s3] =	ssyncadd.s32 @!p1 $0xFFFFF000  }
0x86: {  	s3 =	sshll.u32 s9, $0x6;
	[bflag:$0x0] =	sbarrier.arrive $0xFFFF  }
0x87: {  	s3 =	sor.u32 $0x1C02, s3;
	s13 =	rddreg [dreg:$0x3]  }
0x88: {  	[hbm:s13], [sflag:s3] =	dma.local [spmem:s24], $0x640  }
0x89: {  	_ =	swait.ge [sflag:s2], $0x640  }
0x8a: {  	[sflag:s2] =	ssyncset.done $0x0  }
0x8b: {  	s14 =	rddreg [dreg:$0x4];
	[sflag:s2] =	ssyncadd.s32 $0xFFFFF9C0  }
0x8c: {  	[hbm:s14], [sflag:s3] =	dma.local [spmem:s25], $0x640  }
0x8d: {  	_ =	swait.ge [sflag:s2], $0x640  }
0x8e: {  	[sflag:s2] =	ssyncset.done $0x0  }
0x8f: {  	s5 =	rddreg [dreg:$0x5];
	[sflag:s2] =	ssyncadd.s32 $0xFFFFF9C0  }
0x90: {  	[hbm:s5], [sflag:s3] =	dma.local [spmem:s26], $0x640  }
0x91: {  	_ =	swait.ge [sflag:s2], $0x640  }
0x92: {  	[sflag:s2] =	ssyncset.done $0x0  }
0x93: {  	s6 =	rddreg [dreg:$0x6];
	[sflag:s2] =	ssyncadd.s32 $0xFFFFF9C0  }
0x94: {  	[hbm:s6], [sflag:s3] =	dma.local [spmem:s28], $0x640  }
0x95: {  	_ =	swait.ge [sflag:s2], $0x640  }
0x96: {  	[sflag:s2] =	ssyncset.done $0x0  }
0x97: {  	s7 =	rddreg [dreg:$0x7];
	[sflag:s2] =	ssyncadd.s32 $0xFFFFF9C0  }
0x98: {  	[hbm:s7], [sflag:s3] =	dma.local [spmem:s29], $0x640  }
0x99: {  	_ =	swait.ge [sflag:s2], $0x640  }
0x9a: {  	[sflag:s2] =	ssyncset.done $0x0  }
0x9b: {  	s9 =	rddreg [dreg:$0x8];
	[sflag:s2] =	ssyncadd.s32 $0xFFFFF9C0  }
0x9c: {  	[hbm:s9], [sflag:s3] =	dma.local [spmem:s30], $0x640  }
0x9d: {  	_ =	swait.ge [sflag:s2], $0x640  }
0x9e: {  	[sflag:s2] =	ssyncset.done $0x0  }
0x9f: {  	s13 =	rddreg [dreg:$0x9];
	[sflag:s2] =	ssyncadd.s32 $0xFFFFF9C0  }
0xa0: {  	[hbm:s13], [sflag:s3] =	dma.local [spmem:s31], $0x640  }
0xa1: {  	_ =	swait.ge [sflag:s2], $0x640  }
0xa2: {  	[sflag:s2] =	ssyncset.done $0x0  }
0xa3: {  	s4 =	rddreg [dreg:$0xa];
	[sflag:s2] =	ssyncadd.s32 $0xFFFFF9C0  }
0xa4: {  	[hbm:s4], [sflag:s3] =	dma.local @!p0 [spmem:s10], $0x640  }
0xa5: {  	s3 =	simm.s32 @!p0 $0x2  }
0xa6: {  	_ =	swait.ge @!p0 [sflag:s3], $0x640  }
0xa7: {  	s8 =	sadd.s32 $0x1, s8;
	s14 =	rddreg [dreg:$0xb]  }
0xa8: {  	p1 =	sne.s32 s8, s14  }
.Ltmp2:
0xa9: {  	_ = 	snop;
	(pc) =	sbr.rel @p1 .LBB2_1-.Ltmp2, $3  }
0xaa: {  	_ =	sdelay $0x1  }
0xab: {  	[sflag:s3] =	ssyncset.done @!p0 $0x0  }
0xac: {  	[sflag:s3] =	ssyncadd.s32 @!p0 $0xFFFFF9C0  }
0xad: {  	_ =	sfence.sel $0x180000  }
0xae: {  	[bflag:$0x0] =	sbarrier.arrive $0xFFFF  }
0xaf: {  	_ =	strace $0x90000050  }
0xb0: {  	s0 =	stileid.u32;
	[bflag:$0x2] =	sbarrier.arrive $0xFFFF  }
0xb1: {  	p0 =	sne.s32 s0, $0x0;
	s0 =	rddreg [dreg:$0x2]  }
0xb2: {  	s0 =	sadd.s32 @!p0 $0x100000, s0  }
0xb3: {  	[sflag:s0] =	ssyncadd.tile.s32 @!p0 $0x1;
	_ =	shalt  }
.Lfunc_end2:
_tile_overlayer_lowered:
.L_overlay_start_2:
0xb4: {  	(tag) =	ssettag $0x2  }
0xb5: {  	s0 =	rddreg [dreg:$0x0];
	s2 =	stileid.u32  }
0xb6: {  	s1 =	rddreg [dreg:$0x1];
	p0 =	sne.s32 s2, $0x0  }
0xb7: {  	s3 =	rddreg [dreg:$0x2];
	[bflag:$0x3] =	sbarrier.arrive $0xFFFF;
	s2 =	simm.s32 @!p0 $0x1C02  }
0xb8: {  	[timem:s3], [sflag:s2] =	dma.local @!p0 [hbm:s0], s1  }
0xb9: {  	s0 =	simm.s32 @!p0 $0x2  }
0xba: {  	_ =	swait.ge @!p0 [sflag:s0], s1  }
0xbb: {  	s1 =	ssub.s32 @!p0 $0x0, s1;
	[sflag:s0] =	ssyncset.done @!p0 $0x0  }
0xbc: {  	[sflag:s0] =	ssyncadd.s32 @!p0 s1  }
0xbd: {  	[bflag:$0x3] =	sbarrier.arrive $0xFFFF  }
0xbe: {  	_ =	shalt  }

// kernel: kernel.33.cloned.1.call-start
scs
__scs_entry_jumppad:
0x0: {  	(pc) =	sbr.rel $0x88, $3  }
0x1: {  	(tag) =	ssettag $0x0;
	lr =	simm.s32 $0x1  }
0x2: {  	[smem:$0x3F72] =	sst lr;
	_ =	strace $0xD0000000  }
0x3: {  	_ = 	snop  }
0x4: {  	_ = 	snop  }
0x5: {  	_ = 	snop  }
0x6: {  	_ = 	snop  }
0x7: {  	_ = 	snop  }
__scs_overlays_trampoline_lowered:
0x8: {  	[smem:$0x3F81] =	sst s0  }
0x9: {  	[smem:$0x3F82] =	sst s1  }
0xa: {  	[smem:$0x3F83] =	sst s2  }
0xb: {  	[smem:$0x3F84] =	sst s3  }
0xc: {  	[smem:$0x3F85] =	sst s4  }
0xd: {  	[smem:$0x3F86] =	sst s5  }
0xe: {  	[smem:$0x3F87] =	sst s6  }
0xf: {  	[smem:$0x3F88] =	sst s7  }
0x10: {  	[smem:$0x3F89] =	sst s8  }
0x11: {  	[smem:$0x3F8A] =	sst s9;
	s0 =	simm.s32 @!p0 $0x0  }
0x12: {  	s1 =	sld [smem:$0x3F70];
	s0 =	simm.s32 @p0 $0x1  }
0x13: {  	[smem:$0x3F8B] =	sst s0;
	s0 =	simm.s32 @!p1 $0x0  }
0x14: {  	s2 =	sld [smem:$0x3F6F];
	s0 =	simm.s32 @p1 $0x1  }
0x15: {  	[smem:$0x3F8C] =	sst s0;
	s0 =	simm.s32 @!p2 $0x0  }
0x16: {  	s3 =	sld [smem:$0x3FDB];
	s0 =	simm.s32 @p2 $0x1  }
0x17: {  	s4 =	simm.s32 $0x1BF5;
	[smem:$0x3F8E] =	sst s0  }
0x18: {  	s0 =	sld [smem:$0x3F71];
	_ =	swait.ge [sflag:s4], $0x0  }
0x19: {  	s7 =	sld [smem:$0x3F72]  }
0x1a: {  	s8 =	sadd.s32 $0xFFFFE003, lr  }
0x1b: {  	s9 =	sadd.s32 $0xFFFFFEF7, lr;
	s5 =	simm.s32 $0xFFFFFFFF;
	p2 =	slt.u32 s8, $0xFFFFF086  }
0x1c: {  	p1 =	slt.u32 s9, $0xF7A;
	s5 =	simm.s32 @!p2 $0x0  }
0x1d: {  	s5 =	simm.s32 @p1 $0x1;
	p0 =	seq.s32 s7, s2  }
0x1e: {  	s7 =	smul.u32 @!p0 $0xF7A, s2;
	p2 =	seq.s32 @!p0 s5, $0x0  }
0x1f: {  	s9 =	smul.u32 $0xF7A, s1;
	s8 =	simm.s32 @!p0 $0x1BF5;
	p2 =	por !p2, p0  }
0x20: {  	[sflag:s8] =	ssyncset.s32 @!p0 $0xFFFFF086;
	s6 =	sadd.s32 @!p0 s3, s7;
	s7 =	simm.s32 @!p0 $0x108  }
0x21: {  	s3 =	sadd.s32 s3, s9;
	s6 =	sadd.s32 @!p0 $0x88, s6;
	s7 =	simm.s32 @p2 $0x1082  }
0x22: {  	[simem:s7], [sflag:s8] =	dma.local @!p0 [hbm:s6], $0xF7A  }
0x23: {  	s9 =	sor.u32 $0xD0000000, s2;
	s6 =	simm.s32 $0x108;
	_ =	swait.ge @!p0 [sflag:s8], $0x0  }
0x24: {  	s3 =	sadd.s32 $0x88, s3;
	s6 =	simm.s32 @!p1 $0x1082;
	[sflag:s4] =	ssyncset.s32 $0xFFFFF086  }
0x25: {  	[simem:s6], [sflag:s4] =	dma.local [hbm:s3], $0xF7A  }
0x26: {  	[smem:$0x3F72] =	sst s1;
	(tag) =	ssettag s2;
	_ =	strace s9  }
0x27: {  	s1 =	sld [smem:$0x3F82]  }
0x28: {  	s2 =	sld [smem:$0x3F83]  }
0x29: {  	s4 =	sld [smem:$0x3F85]  }
0x2a: {  	p0 =	seq.s32 s5, $0x0;
	s5 =	sld [smem:$0x3F86]  }
0x2b: {  	s6 =	sld [smem:$0x3F87]  }
0x2c: {  	s7 =	sld [smem:$0x3F88]  }
0x2d: {  	s3 =	simm.s32 $0x108;
	s8 =	sld [smem:$0x3F89]  }
0x2e: {  	s3 =	simm.s32 @!p0 $0x1082;
	s9 =	sld [smem:$0x3F8A]  }
0x2f: {  	lr =	sadd.s32 s0, s3;
	s0 =	sld [smem:$0x3F81]  }
0x30: {  	s3 =	sld [smem:$0x3F84]  }
0x31: {  	[smem:$0x3F8D] =	sst s10  }
0x32: {  	s10 =	sld [smem:$0x3F8B];
	_ =	sdelay $0x3  }
0x33: {  	p0 =	seq.s32 s10, $0x1;
	s10 =	sld [smem:$0x3F8D];
	_ =	sdelay $0x3  }
0x34: {  	[smem:$0x3F8D] =	sst s10  }
0x35: {  	s10 =	sld [smem:$0x3F8C];
	_ =	sdelay $0x3  }
0x36: {  	p1 =	seq.s32 s10, $0x1;
	s10 =	sld [smem:$0x3F8D];
	_ =	sdelay $0x3  }
0x37: {  	[smem:$0x3F8D] =	sst s10  }
0x38: {  	s10 =	sld [smem:$0x3F8E]  }
0x39: {  	_ = 	snop;
	(pc) =	sbr.ind lr, $3  }
0x3a: {  	_ = 	snop  }
0x3b: {  	_ = 	snop  }
0x3c: {  	p2 =	seq.s32 s10, $0x1;
	s10 =	sld [smem:$0x3F8D]  }
0x3d: {  	_ =	shalt  }
0x3e: {  	_ =	shalt  }
0x3f: {  	_ =	shalt  }
0x40: {  	_ =	shalt  }
0x41: {  	_ =	shalt  }
0x42: {  	_ =	shalt  }
0x43: {  	_ =	shalt  }
0x44: {  	_ =	shalt  }
0x45: {  	_ =	shalt  }
0x46: {  	_ =	shalt  }
0x47: {  	_ =	shalt  }
0x48: {  	_ =	shalt  }
0x49: {  	_ =	shalt  }
0x4a: {  	_ =	shalt  }
0x4b: {  	_ =	shalt  }
0x4c: {  	_ =	shalt  }
0x4d: {  	_ =	shalt  }
0x4e: {  	_ =	shalt  }
0x4f: {  	_ =	shalt  }
0x50: {  	_ =	shalt  }
0x51: {  	_ =	shalt  }
0x52: {  	_ =	shalt  }
0x53: {  	_ =	shalt  }
0x54: {  	_ =	shalt  }
0x55: {  	_ =	shalt  }
0x56: {  	_ =	shalt  }
0x57: {  	_ =	shalt  }
0x58: {  	_ =	shalt  }
0x59: {  	_ =	shalt  }
0x5a: {  	_ =	shalt  }
0x5b: {  	_ =	shalt  }
0x5c: {  	_ =	shalt  }
0x5d: {  	_ =	shalt  }
0x5e: {  	_ =	shalt  }
0x5f: {  	_ =	shalt  }
0x60: {  	_ =	shalt  }
0x61: {  	_ =	shalt  }
0x62: {  	_ =	shalt  }
0x63: {  	_ =	shalt  }
0x64: {  	_ =	shalt  }
0x65: {  	_ =	shalt  }
0x66: {  	_ =	shalt  }
0x67: {  	_ =	shalt  }
0x68: {  	_ =	shalt  }
0x69: {  	_ =	shalt  }
0x6a: {  	_ =	shalt  }
0x6b: {  	_ =	shalt  }
0x6c: {  	_ =	shalt  }
0x6d: {  	_ =	shalt  }
0x6e: {  	_ =	shalt  }
0x6f: {  	_ =	shalt  }
0x70: {  	_ =	shalt  }
0x71: {  	_ =	shalt  }
0x72: {  	_ =	shalt  }
0x73: {  	_ =	shalt  }
0x74: {  	_ =	shalt  }
0x75: {  	_ =	shalt  }
0x76: {  	_ =	shalt  }
0x77: {  	_ =	shalt  }
0x78: {  	_ =	shalt  }
0x79: {  	_ =	shalt  }
0x7a: {  	_ =	shalt  }
0x7b: {  	_ =	shalt  }
0x7c: {  	_ =	shalt  }
0x7d: {  	_ =	shalt  }
0x7e: {  	_ =	shalt  }
0x7f: {  	_ =	shalt  }
0x80: {  	_ =	shalt  }
0x81: {  	_ =	shalt  }
0x82: {  	_ =	shalt  }
0x83: {  	_ =	shalt  }
0x84: {  	_ =	shalt  }
0x85: {  	_ =	shalt  }
0x86: {  	_ =	shalt  }
0x87: {  	_ =	shalt  }
.Lfunc_end0:
.L_simem_size_0:
called_computation.4_lowered:
.L_overlay_start_0:
0x88: {  	s2 =	sld [smem:$0x3FD9]  }
0x89: {  	s3 =	sld [smem:$0x3FFE];
	_ =	sdelay $0x1  }
0x8a: {  	s1 =	srdreg.scid  }
0x8b: {  	s0 =	sand.u32 $0x1, s1  }
0x8c: {  	s16 =	sshll.u32 s0, $0xA;
	s2 =	sadd.s32 s3, s2  }
0x8d: {  	s2 =	sadd.s32 s2, s16  }
0x8e: {  	[smem:$0x3F99] =	sst s2  }
0x8f: {  	_ = 	snop  }
0x90: {  	(tm) =	ssettm $0x1  }
0x91: {  	s17 =	sld [smem:$0x3FFB];
	_ =	sdelay $0x3  }
0x92: {  	_ =	strace s17  }
0x93: {  	s2 =	sld [smem:$0x3FFC];
	_ =	sdelay $0x3  }
0x94: {  	_ =	strace s2  }
0x95: {  	s2 =	sld [smem:$0x3FFD];
	_ =	sdelay $0x3  }
0x96: {  	_ =	strace s2  }
0x97: {  	_ =	strace $0x8FFFFFFF  }
0x98: {  	s18 =	sld [smem:$0x3FDB];
	_ =	sdelay $0x1  }
0x99: {  	s19 =	simm.s32 $_scs_section_size  }
0x9a: {  	s4 =	simm.s32 $_size__tile_overlayer_lowered;
	s5 =	simm.s32 $_tile_overlayer_lowered  }
0x9b: {  	s22 =	simm.s32 $0x1BFF;
	s21 =	sshll.u32 s5, $0x1;
	s2 =	sadd.s32 s19, s18  }
0x9c: {  	s6 =	simm.s32 $0x0;
	s20 =	sshll.u32 s4, $0x1;
	s4 =	sadd.s32 s21, s2  }
0x9d: {  	[timem:s6], [sflag:s22] =	dma.local [hbm:s4], s20  }
0x9e: {  	_ =	swait.ge [sflag:s22], s20  }
0x9f: {  	s3 =	ssub.s32 $0x0, s20;
	[sflag:s22] =	ssyncset.done $0x0  }
0xa0: {  	[sflag:s22] =	ssyncadd.s32 s3;
	_ =	sdelay $0x1  }
0xa1: {  	s23 =	simm.s32 $0x1B8B  }
0xa2: {  	_ =	swait.ge [sflag:s23], $0x1  }
0xa3: {  	[sflag:s23] =	ssyncset.done $0x0  }
0xa4: {  	s25 =	simm.s32 $0x1B8E;
	s24 =	sld [smem:$0x3FFE];
	[sflag:s23] =	ssyncadd.s32 $0xFFFFFFFF  }
0xa5: {  	s26 =	simm.s32 $execute0_lowered;
	[smem:$0x3FD2] =	sst s25  }
0xa6: {  	s4 =	sshll.u32 s26, $0x1;
	_ =	strace $0x80000052;
	[dreg:$0x1] =	wrdreg $0xFFFFFFFF  }
0xa7: {  	s28 =	simm.s32 $_size_execute0_lowered;
	s2 =	sadd.s32 s2, s4;
	[dreg:$0x0] =	wrdreg $0x0  }
0xa8: {  	s4 =	sshll.u32 s28, $0x1;
	[dreg:$0x2] =	wrdreg s2  }
0xa9: {  	[dreg:$0x3] =	wrdreg s4  }
0xaa: {  	[dreg:$0x4] =	wrdreg $0xC0  }
0xab: {  	_ =	task [dreg:s6], $0x5FFFF  }
0xac: {  	[dreg:$0x1] =	wrdreg $0xFFFFFFFF  }
0xad: {  	[dreg:$0x0] =	wrdreg $0x60  }
0xae: {  	[dreg:$0x2] =	wrdreg s24  }
0xaf: {  	[dreg:$0x3] =	wrdreg $0x43000  }
0xb0: {  	[dreg:$0x4] =	wrdreg $0x9  }
0xb1: {  	_ =	task.clear_ibuf [dreg:s6], $0x5FFFF;
	_ =	strace $0x90000052  }
0xb2: {  	s29 =	simm.s32 $0x9;
	_ =	strace $0x80000054  }
0xb3: {  	_ =	swait.ge [sflag:s29], $0x1  }
0xb4: {  	[sflag:s29] =	ssyncadd.s32 $0xFFFFFFFF  }
0xb5: {  	_ =	strace $0x90000054  }
0xb6: {  	_ =	sfence  }
0xb7: {  	s30 =	sld [smem:$0x0];
	_ =	sdelay $0x2  }
0xb8: {  	s31 =	sshll.u32 s1, $0xD;
	s1 =	sshrl.u32 s1, $0x2  }
0xb9: {  	s3 =	sand.u32 $0x4000, s31;
	s1 =	sadd.s32 s1, s30  }
0xba: {  	s0 =	sor.u32 s3, s0;
	s1 =	sshll.u32 s1, $0x11  }
0xbb: {  	s0 =	sor.u32 s1, s0  }
0xbc: {  	s0 =	sadd.s32 $0x8F2B, s0  }
0xbd: {  	[sflag:s0] =	ssyncadd.remote.s32 $0x1  }
0xbe: {  	_ =	sfence.sel $0xFFFF  }
0xbf: {  	[dreg:$0x0] =	wrdreg $0xFFFFFFFF;
	(pc) =	sbr.abs _section_cstart, $3  }
0xc0: {  	[dreg:$0x1] =	wrdreg $0xFFFFFFFF  }
0xc1: {  	_ =	task.clear_ibuf [dreg:s6], $0x2FFFF;
	_ =	strace $0x9FFFFFFF  }
0xc2: {  	(tm) =	ssettm $0x7FFFFFFF  }
0xc3: {  	_ =	shalt  }
tec
execute0_lowered:
.L_overlay_start_1:
0x0: {  	(tag) =	ssettag $0x1  }
0x1: {  	s0 =	srdreg.scid  }
0x2: {  	s13 =	stileid.u32;
	s3 =	sand.u32 $0x1, s0  }
0x3: {  	s12 =	sor.u32 $0x20, s13;
	s7 =	smul.u32 $0x186A00, s3  }
0x4: {  	s14 =	sor.u32 $0x30, s13;
	s2 =	smul.u32 $0x3200, s12  }
0x5: {  	s15 =	sor.u32 $0x40, s13;
	s10 =	smul.u32 $0x3200, s14  }
0x6: {  	s4 =	rddreg [dreg:$0x0];
	s16 =	sor.u32 $0x50, s13;
	s22 =	smul.u32 $0x3200, s15  }
0x7: {  	s5 =	sadd.s32 $0x12D800, s4;
	s0 =	ssub.s32 $0x2, s3;
	s23 =	smul.u32 $0x3200, s16  }
0x8: {  	s11 =	sor.u32 $0x10, s13;
	s14 =	smul.u32 $0xC800, s14;
	s1 =	sshrl.u32 s0, $0x1  }
0x9: {  	s17 =	sor.u32 $0x60, s13;
	s6 =	ssub.s32 s0, s1;
	s0 =	smul.u32 $0x3200, s13  }
0xa: {  	s18 =	sor.u32 $0x70, s13;
	s3 =	sshll.u32 s3, $0x4;
	s1 =	smul.u32 $0x3200, s11  }
0xb: {  	p0 =	sgt.u32 s18, $0x7C;
	s25 =	sadd.s32 s7, s2;
	s8 =	sadd.s32 s7, s0  }
0xc: {  	s26 =	sadd.s32 s7, s10;
	s9 =	sadd.s32 s7, s1;
	s8 =	sshrl.u32 s8, $0x3  }
0xd: {  	s19 =	sadd.s32 s7, s22;
	s9 =	sshrl.u32 s9, $0x3;
	s8 =	sadd.s32 s5, s8  }
0xe: {  	s20 =	sadd.s32 s7, s23;
	s24 =	sadd.s32 s5, s9;
	[dreg:$0x3] =	wrdreg s8  }
0xf: {  	[dreg:$0x4] =	wrdreg s24;
	s8 =	sshrl.u32 s25, $0x3;
	s24 =	smul.u32 $0x3200, s17  }
0x10: {  	s9 =	sshrl.u32 s26, $0x3;
	s25 =	smul.u32 $0x3200, s18;
	s8 =	sadd.s32 s5, s8  }
0x11: {  	s21 =	sshrl.u32 s20, $0x3;
	[dreg:$0x5] =	wrdreg s8;
	s8 =	sadd.s32 s5, s9  }
0x12: {  	s26 =	sadd.s32 s7, s24;
	s20 =	sadd.s32 s7, s25;
	s7 =	smul.u32 $0xC800, s13  }
0x13: {  	[dreg:$0x6] =	wrdreg s8;
	s8 =	sshrl.u32 s19, $0x3;
	s19 =	sshrl.u32 s26, $0x3  }
0x14: {  	s9 =	sshrl.u32 s20, $0x3;
	s26 =	sshll.u32 s13, $0x5;
	s8 =	sadd.s32 s5, s8  }
0x15: {  	s20 =	smul.u32 $0xC800, s12;
	[dreg:$0x7] =	wrdreg s8;
	s8 =	sadd.s32 s5, s21  }
0x16: {  	s21 =	sadd.s32 s5, s19;
	s19 =	smul.u32 $0xC800, s11;
	s11 =	rddreg [dreg:$0x1]  }
0x17: {  	s12 =	sadd.s32 $0xFCA00, s4;
	s5 =	sadd.s32 s5, s9;
	[dreg:$0x8] =	wrdreg s8  }
0x18: {  	s9 =	smax.u32 s6, $0x1;
	[dreg:$0x9] =	wrdreg s21;
	s8 =	simm.s32 $0x0  }
0x19: {  	[dreg:$0xa] =	wrdreg s5;
	s5 =	sadd.s32 s26, s4;
	s21 =	smul.u32 $0xC800, s15  }
0x1a: {  	s4 =	sshrl.u32 s14, $0x2;
	s14 =	smul.u32 $0xC800, s17;
	s0 =	sadd.s32 s0, s11  }
0x1b: {  	s1 =	sadd.s32 s1, s11;
	s2 =	sadd.s32 s2, s11;
	[smem:$0x7FF] =	sst s8  }
0x1c: {  	s26 =	sadd.s32 s3, s5;
	s5 =	sshrl.u32 s7, $0x2;
	s19 =	sshrl.u32 s19, $0x2  }
0x1d: {  	s7 =	smul.u32 $0xC800, s16;
	s17 =	sadd.s32 s4, s11;
	_ =	strace $0x80000053  }
0x1e: {  	[dreg:$0xb] =	wrdreg s9;
	s5 =	sadd.s32 s5, s11;
	s15 =	sadd.s32 s19, s11  }
0x1f: {  	s9 =	sshrl.u32 s20, $0x2;
	s19 =	sshrl.u32 s21, $0x2;
	s21 =	smul.u32 $0xC800, s18  }
0x20: {  	s20 =	sshrl.u32 s14, $0x2;
	s14 =	sadd.s32 s24, s11;
	s24 =	sshrl.u32 s0, $0x3  }
0x21: {  	s0 =	sshll.u32 s13, $0x1;
	[dreg:$0xc] =	wrdreg s5;
	s16 =	sadd.s32 s9, s11  }
0x22: {  	s18 =	sadd.s32 s19, s11;
	s19 =	sshrl.u32 s7, $0x2;
	s20 =	sadd.s32 s20, s11  }
0x23: {  	s7 =	sadd.s32 s10, s11;
	s9 =	sadd.s32 s22, s11;
	s10 =	sadd.s32 s23, s11  }
0x24: {  	s22 =	sadd.s32 $0x8400, s26;
	s23 =	sadd.s32 $0x20C00, s26;
	s26 =	sshrl.u32 s2, $0x3  }
0x25: {  	s31 =	sshrl.u32 s14, $0x3;
	s2 =	simm.s32 $0x2;
	s3 =	sshrl.u32 s21, $0x2  }
0x26: {  	s19 =	sadd.s32 s19, s11;
	s28 =	sshrl.u32 s7, $0x3;
	s29 =	sshrl.u32 s9, $0x3  }
0x27: {  	s30 =	sshrl.u32 s10, $0x3;
	s21 =	sadd.s32 s3, s11;
	s3 =	sadd.s32 s25, s11  }
0x28: {  	v0 =	vimm.f32 $0.0e+00;
	s25 =	sshrl.u32 s1, $0x3;
	s1 =	simm.s32 $0x1100;
	s10 =	sshrl.u32 @!p0 s3, $0x3  }
.LBB2_1:
0x29: {  	s3 =	simm.s32 $0x80;
	s4 =	simm.s32 $0x0  }
.LBB2_2:
0x2a: {  	p1 =	sne.s32 s3, $0xC780;
	[tilespmem:s4+$0x1100] =	vst v0;
	s5 =	smov.u32 s3;
	s3 =	sadd.s32 $0x80, s3  }
.Ltmp0:
0x2b: {  	[tilespmem:s4+$0x1110] =	vst v0;
	(pc) =	sbr.rel @p1 .LBB2_2-.Ltmp0, $2  }
0x2c: {  	_ =	sdelay $0x2  }
0x2d: {  	s4 =	sshra.s32 s5, $0x2  }
0x2e: {  	[tilespmem:s4+$0x1100] =	vst v0  }
0x2f: {  	[tilespmem:s4+$0x1110] =	vst v0;
	s3 =	rddreg [dreg:$0xc]  }
0x30: {  	[spmem:s3] =	stream.linear.scatter [tilespmem:s1], [sflag:$0x2], $0x3200, $0x38;
	[tilespmem:$0x1C9A0] =	vst v63  }
0x31: {  	_ =	swait.ge [sflag:s2], $0x3200  }
0x32: {  	[sflag:s2] =	ssyncset.done $0x0  }
0x33: {  	[sflag:s2] =	ssyncadd.s32 $0xFFFFCE00  }
0x34: {  	[spmem:s15] =	stream.linear.scatter [tilespmem:s1], [sflag:$0x2], $0x3200, $0x38;
	[tilespmem:$0x1C9A0] =	vst v63  }
0x35: {  	_ =	swait.ge [sflag:s2], $0x3200  }
0x36: {  	[sflag:s2] =	ssyncset.done $0x0  }
0x37: {  	[sflag:s2] =	ssyncadd.s32 $0xFFFFCE00  }
0x38: {  	[spmem:s16] =	stream.linear.scatter [tilespmem:s1], [sflag:$0x2], $0x3200, $0x38;
	[tilespmem:$0x1C9A0] =	vst v63  }
0x39: {  	_ =	swait.ge [sflag:s2], $0x3200  }
0x3a: {  	[sflag:s2] =	ssyncset.done $0x0  }
0x3b: {  	[sflag:s2] =	ssyncadd.s32 $0xFFFFCE00  }
0x3c: {  	[spmem:s17] =	stream.linear.scatter [tilespmem:s1], [sflag:$0x2], $0x3200, $0x38;
	[tilespmem:$0x1C9A0] =	vst v63  }
0x3d: {  	_ =	swait.ge [sflag:s2], $0x3200  }
0x3e: {  	[sflag:s2] =	ssyncset.done $0x0  }
0x3f: {  	[sflag:s2] =	ssyncadd.s32 $0xFFFFCE00  }
0x40: {  	[spmem:s18] =	stream.linear.scatter [tilespmem:s1], [sflag:$0x2], $0x3200, $0x38;
	[tilespmem:$0x1C9A0] =	vst v63  }
0x41: {  	_ =	swait.ge [sflag:s2], $0x3200  }
0x42: {  	[sflag:s2] =	ssyncset.done $0x0  }
0x43: {  	[sflag:s2] =	ssyncadd.s32 $0xFFFFCE00  }
0x44: {  	[spmem:s19] =	stream.linear.scatter [tilespmem:s1], [sflag:$0x2], $0x3200, $0x38;
	[tilespmem:$0x1C9A0] =	vst v63  }
0x45: {  	_ =	swait.ge [sflag:s2], $0x3200  }
0x46: {  	[sflag:s2] =	ssyncset.done $0x0  }
0x47: {  	[sflag:s2] =	ssyncadd.s32 $0xFFFFCE00  }
0x48: {  	[spmem:s20] =	stream.linear.scatter [tilespmem:s1], [sflag:$0x2], $0x3200, $0x38;
	[tilespmem:$0x1C9A0] =	vst v63  }
0x49: {  	_ =	swait.ge [sflag:s2], $0x3200  }
0x4a: {  	[sflag:s2] =	ssyncset.done $0x0  }
0x4b: {  	s3 =	simm.s32 @!p0 $0x1100;
	[sflag:s2] =	ssyncadd.s32 $0xFFFFCE00  }
0x4c: {  	[spmem:s21] =	stream.linear.scatter @!p0 [tilespmem:s3], [sflag:$0x2], $0x3200, $0x38;
	[tilespmem:$0x1C9A0] =	vst v63  }
0x4d: {  	s3 =	simm.s32 @!p0 $0x2  }
0x4e: {  	_ =	swait.ge @!p0 [sflag:s3], $0x3200  }
0x4f: {  	p1 =	sgt.u32 s0, $0x1869;
	[sflag:s3] =	ssyncset.done @!p0 $0x0  }
0x50: {  	s4 =	simm.s32 @!p1 $0x0;
	[sflag:s3] =	ssyncadd.s32 @!p0 $0xFFFFCE00  }
0x51: {  	s5 =	simm.s32 @!p1 $0x3;
	s3 =	sadd.s32 @!p1 $0x0, s23;
	[bflag:$0x0] =	sbarrier.arrive $0xFFFF  }
0x52: {  	[tilespmem:s4], [sflag:$0x3] =	stream.linear.gather @!p1 [hbm4b:s3+s4], $0x80, $0x38;
	[tilespmem:$0x1C9A0] =	vst v63  }
0x53: {  	_ =	swait.ge @!p1 [sflag:s5], $0x80;
	p1 =	por p1, p1  }
0x54: {  	[sflag:s5] =	ssyncset.done @!p1 $0x0  }
0x55: {  	s3 =	sadd.s32 @!p1 $0x0, s22;
	s6 =	simm.s32 @!p1 $0x80;
	[sflag:s5] =	ssyncadd.s32 @!p1 $0xFFFFFF80  }
0x56: {  	[tilespmem:s6], [sflag:$0x3] =	stream.linear.gather @!p1 [hbm4b:s3+s4], $0x80, $0x38;
	[tilespmem:$0x1C9A0] =	vst v63  }
0x57: {  	_ =	swait.ge @!p1 [sflag:s5], $0x80  }
0x58: {  	[sflag:s5] =	ssyncset.done @!p1 $0x0  }
0x59: {  	s3 =	simm.s32 @!p1 $0x100;
	[sflag:s5] =	ssyncadd.s32 @!p1 $0xFFFFFF80;
	s5 =	simm.s32 @!p1 $0x1  }
0x5a: {  	[tilespmem:s3], [sflag:$0x1] =	stream.indirect.gather @!p1 [hbm4b:s12+s6], $0x20, s4, s6, $0xb8;
	[tilespmem:$0x1C9A0] =	vst v63  }
0x5b: {  	_ =	swait.ge @!p1 [sflag:s5], $0x1000  }
0x5c: {  	[sflag:s5] =	ssyncset.done @!p1 $0x0  }
0x5d: {  	s4 =	sadd.s32 $0x20, s0;
	[sflag:s5] =	ssyncadd.s32 @!p1 $0xFFFFF000  }
0x5e: {  	[spmem:s11] =	stream.indirect.scatter.add.f32 @!p1 [tilespmem:s3], [sflag:$0x2], $0x20, s6, s6, $0xb8;
	[tilespmem:$0x1C9A0] =	vst v63  }
0x5f: {  	p3 =	sgt.u32 s4, $0x1869;
	s6 =	simm.s32 @!p1 $0x2  }
0x60: {  	s5 =	simm.s32 $0x400;
	s3 =	simm.s32 $0x200;
	_ =	swait.ge @!p1 [sflag:s6], $0x1000  }
.LBB2_4:
0x61: {  	s7 =	sadd.s32 @!p3 s3, s23  }
0x62: {  	s9 =	simm.s32 @!p3 $0x0;
	[sflag:s6] =	ssyncset.done @!p1 $0x0;
	s13 =	smov.u32 s5  }
0x63: {  	s5 =	sadd.s32 $0x200, s5;
	s14 =	simm.s32 @!p3 $0x3;
	[sflag:s6] =	ssyncadd.s32 @!p1 $0xFFFFF000  }
0x64: {  	[tilespmem:s9], [sflag:$0x3] =	stream.linear.gather @!p3 [hbm4b:s7+s9], $0x80, $0x38;
	[tilespmem:$0x1C9A0] =	vst v63  }
0x65: {  	p2 =	sne.s32 s5, $0x18800;
	p1 =	por p3, p3;
	_ =	swait.ge @!p3 [sflag:s14], $0x80  }
0x66: {  	[sflag:s14] =	ssyncset.done @!p1 $0x0  }
0x67: {  	s3 =	sadd.s32 @!p1 s3, s22;
	s7 =	simm.s32 @!p1 $0x80;
	[sflag:s14] =	ssyncadd.s32 @!p1 $0xFFFFFF80  }
0x68: {  	[tilespmem:s7], [sflag:$0x3] =	stream.linear.gather @!p1 [hbm4b:s3+s9], $0x80, $0x38;
	[tilespmem:$0x1C9A0] =	vst v63  }
0x69: {  	s3 =	smov.u32 s13;
	_ =	swait.ge @!p1 [sflag:s14], $0x80  }
0x6a: {  	[sflag:s14] =	ssyncset.done @!p1 $0x0  }
0x6b: {  	s6 =	simm.s32 @!p1 $0x1;
	s13 =	simm.s32 @!p1 $0x100;
	[sflag:s14] =	ssyncadd.s32 @!p1 $0xFFFFFF80  }
0x6c: {  	[tilespmem:s13], [sflag:$0x1] =	stream.indirect.gather @!p1 [hbm4b:s12+s7], $0x20, s9, s7, $0xb8;
	[tilespmem:$0x1C9A0] =	vst v63  }
.Ltmp1:
0x6d: {  	_ =	swait.ge @!p1 [sflag:s6], $0x1000;
	(pc) =	sbr.rel @p2 .LBB2_4-.Ltmp1, $4  }
0x6e: {  	[sflag:s6] =	ssyncset.done @!p1 $0x0  }
0x6f: {  	s4 =	sadd.s32 $0x20, s4;
	[sflag:s6] =	ssyncadd.s32 @!p1 $0xFFFFF000;
	s6 =	simm.s32 @!p1 $0x2  }
0x70: {  	[spmem:s11] =	stream.indirect.scatter.add.f32 @!p1 [tilespmem:s13], [sflag:$0x2], $0x20, s7, s7, $0xb8;
	[tilespmem:$0x1C9A0] =	vst v63  }
0x71: {  	p3 =	sgt.u32 s4, $0x1869;
	_ =	swait.ge @!p1 [sflag:s6], $0x1000  }
0x72: {  	s4 =	sadd.s32 @!p3 s3, s23;
	[sflag:s6] =	ssyncset.done @!p1 $0x0  }
0x73: {  	s5 =	simm.s32 @!p3 $0x0;
	[sflag:s6] =	ssyncadd.s32 @!p1 $0xFFFFF000;
	s6 =	simm.s32 @!p3 $0x3  }
0x74: {  	[tilespmem:s5], [sflag:$0x3] =	stream.linear.gather @!p3 [hbm4b:s4+s5], $0x80, $0x38;
	[tilespmem:$0x1C9A0] =	vst v63  }
0x75: {  	p1 =	por p3, p3;
	_ =	swait.ge @!p3 [sflag:s6], $0x80  }
0x76: {  	[sflag:s6] =	ssyncset.done @!p1 $0x0  }
0x77: {  	s3 =	sadd.s32 @!p1 s3, s22;
	s4 =	simm.s32 @!p1 $0x80;
	[sflag:s6] =	ssyncadd.s32 @!p1 $0xFFFFFF80  }
0x78: {  	[tilespmem:s4], [sflag:$0x3] =	stream.linear.gather @!p1 [hbm4b:s3+s5], $0x80, $0x38;
	[tilespmem:$0x1C9A0] =	vst v63  }
0x79: {  	_ =	swait.ge @!p1 [sflag:s6], $0x80  }
0x7a: {  	[sflag:s6] =	ssyncset.done @!p1 $0x0  }
0x7b: {  	s3 =	simm.s32 @!p1 $0x100;
	[sflag:s6] =	ssyncadd.s32 @!p1 $0xFFFFFF80  }
0x7c: {  	[tilespmem:s3], [sflag:$0x1] =	stream.indirect.gather @!p1 [hbm4b:s12+s4], $0x20, s5, s4, $0xb8;
	[tilespmem:$0x1C9A0] =	vst v63  }
0x7d: {  	s5 =	simm.s32 @!p1 $0x1  }
0x7e: {  	_ =	swait.ge @!p1 [sflag:s5], $0x1000  }
0x7f: {  	[sflag:s5] =	ssyncset.done @!p1 $0x0  }
0x80: {  	[sflag:s5] =	ssyncadd.s32 @!p1 $0xFFFFF000  }
0x81: {  	[spmem:s11] =	stream.indirect.scatter.add.f32 @!p1 [tilespmem:s3], [sflag:$0x2], $0x20, s4, s4, $0xb8;
	[tilespmem:$0x1C9A0] =	vst v63  }
0x82: {  	s3 =	simm.s32 @!p1 $0x2  }
0x83: {  	_ =	swait.ge @!p1 [sflag:s3], $0x1000  }
0x84: {  	[sflag:s3] =	ssyncset.done @!p1 $0x0  }
0x85: {  	s9 =	stileid.u32;
	[sflag:s3] =	ssyncadd.s32 @!p1 $0xFFFFF000  }
0x86: {  	s3 =	sshll.u32 s9, $0x6;
	[bflag:$0x0] =	sbarrier.arrive $0xFFFF  }
0x87: {  	s3 =	sor.u32 $0x1C02, s3;
	s13 =	rddreg [dreg:$0x3]  }
0x88: {  	[hbm:s13], [sflag:s3] =	dma.local [spmem:s24], $0x640  }
0x89: {  	_ =	swait.ge [sflag:s2], $0x640  }
0x8a: {  	[sflag:s2] =	ssyncset.done $0x0  }
0x8b: {  	s14 =	rddreg [dreg:$0x4];
	[sflag:s2] =	ssyncadd.s32 $0xFFFFF9C0  }
0x8c: {  	[hbm:s14], [sflag:s3] =	dma.local [spmem:s25], $0x640  }
0x8d: {  	_ =	swait.ge [sflag:s2], $0x640  }
0x8e: {  	[sflag:s2] =	ssyncset.done $0x0  }
0x8f: {  	s5 =	rddreg [dreg:$0x5];
	[sflag:s2] =	ssyncadd.s32 $0xFFFFF9C0  }
0x90: {  	[hbm:s5], [sflag:s3] =	dma.local [spmem:s26], $0x640  }
0x91: {  	_ =	swait.ge [sflag:s2], $0x640  }
0x92: {  	[sflag:s2] =	ssyncset.done $0x0  }
0x93: {  	s6 =	rddreg [dreg:$0x6];
	[sflag:s2] =	ssyncadd.s32 $0xFFFFF9C0  }
0x94: {  	[hbm:s6], [sflag:s3] =	dma.local [spmem:s28], $0x640  }
0x95: {  	_ =	swait.ge [sflag:s2], $0x640  }
0x96: {  	[sflag:s2] =	ssyncset.done $0x0  }
0x97: {  	s7 =	rddreg [dreg:$0x7];
	[sflag:s2] =	ssyncadd.s32 $0xFFFFF9C0  }
0x98: {  	[hbm:s7], [sflag:s3] =	dma.local [spmem:s29], $0x640  }
0x99: {  	_ =	swait.ge [sflag:s2], $0x640  }
0x9a: {  	[sflag:s2] =	ssyncset.done $0x0  }
0x9b: {  	s9 =	rddreg [dreg:$0x8];
	[sflag:s2] =	ssyncadd.s32 $0xFFFFF9C0  }
0x9c: {  	[hbm:s9], [sflag:s3] =	dma.local [spmem:s30], $0x640  }
0x9d: {  	_ =	swait.ge [sflag:s2], $0x640  }
0x9e: {  	[sflag:s2] =	ssyncset.done $0x0  }
0x9f: {  	s13 =	rddreg [dreg:$0x9];
	[sflag:s2] =	ssyncadd.s32 $0xFFFFF9C0  }
0xa0: {  	[hbm:s13], [sflag:s3] =	dma.local [spmem:s31], $0x640  }
0xa1: {  	_ =	swait.ge [sflag:s2], $0x640  }
0xa2: {  	[sflag:s2] =	ssyncset.done $0x0  }
0xa3: {  	s4 =	rddreg [dreg:$0xa];
	[sflag:s2] =	ssyncadd.s32 $0xFFFFF9C0  }
0xa4: {  	[hbm:s4], [sflag:s3] =	dma.local @!p0 [spmem:s10], $0x640  }
0xa5: {  	s3 =	simm.s32 @!p0 $0x2  }
0xa6: {  	_ =	swait.ge @!p0 [sflag:s3], $0x640  }
0xa7: {  	s8 =	sadd.s32 $0x1, s8;
	s14 =	rddreg [dreg:$0xb]  }
0xa8: {  	p1 =	sne.s32 s8, s14  }
.Ltmp2:
0xa9: {  	_ = 	snop;
	(pc) =	sbr.rel @p1 .LBB2_1-.Ltmp2, $3  }
0xaa: {  	_ =	sdelay $0x1  }
0xab: {  	[sflag:s3] =	ssyncset.done @!p0 $0x0  }
0xac: {  	[sflag:s3] =	ssyncadd.s32 @!p0 $0xFFFFF9C0  }
0xad: {  	_ =	sfence.sel $0x180000  }
0xae: {  	[bflag:$0x0] =	sbarrier.arrive $0xFFFF  }
0xaf: {  	_ =	strace $0x90000053  }
0xb0: {  	s0 =	stileid.u32;
	[bflag:$0x2] =	sbarrier.arrive $0xFFFF  }
0xb1: {  	p0 =	sne.s32 s0, $0x0;
	s0 =	rddreg [dreg:$0x2]  }
0xb2: {  	s0 =	sadd.s32 @!p0 $0x100000, s0  }
0xb3: {  	[sflag:s0] =	ssyncadd.tile.s32 @!p0 $0x1;
	_ =	shalt  }
.Lfunc_end2:
_tile_overlayer_lowered:
.L_overlay_start_2:
0xb4: {  	(tag) =	ssettag $0x2  }
0xb5: {  	s0 =	rddreg [dreg:$0x0];
	s2 =	stileid.u32  }
0xb6: {  	s1 =	rddreg [dreg:$0x1];
	p0 =	sne.s32 s2, $0x0  }
0xb7: {  	s3 =	rddreg [dreg:$0x2];
	[bflag:$0x3] =	sbarrier.arrive $0xFFFF;
	s2 =	simm.s32 @!p0 $0x1C02  }
0xb8: {  	[timem:s3], [sflag:s2] =	dma.local @!p0 [hbm:s0], s1  }
0xb9: {  	s0 =	simm.s32 @!p0 $0x2  }
0xba: {  	_ =	swait.ge @!p0 [sflag:s0], s1  }
0xbb: {  	s1 =	ssub.s32 @!p0 $0x0, s1;
	[sflag:s0] =	ssyncset.done @!p0 $0x0  }
0xbc: {  	[sflag:s0] =	ssyncadd.s32 @!p0 s1  }
0xbd: {  	[bflag:$0x3] =	sbarrier.arrive $0xFFFF  }
0xbe: {  	_ =	shalt  }

// kernel: kernel.36.cloned.1.call-start
scs
__scs_entry_jumppad:
0x0: {  	(pc) =	sbr.rel $0x88, $3  }
0x1: {  	(tag) =	ssettag $0x0;
	lr =	simm.s32 $0x1  }
0x2: {  	[smem:$0x3F72] =	sst lr;
	_ =	strace $0xD0000000  }
0x3: {  	_ = 	snop  }
0x4: {  	_ = 	snop  }
0x5: {  	_ = 	snop  }
0x6: {  	_ = 	snop  }
0x7: {  	_ = 	snop  }
__scs_overlays_trampoline_lowered:
0x8: {  	[smem:$0x3F81] =	sst s0  }
0x9: {  	[smem:$0x3F82] =	sst s1  }
0xa: {  	[smem:$0x3F83] =	sst s2  }
0xb: {  	[smem:$0x3F84] =	sst s3  }
0xc: {  	[smem:$0x3F85] =	sst s4  }
0xd: {  	[smem:$0x3F86] =	sst s5  }
0xe: {  	[smem:$0x3F87] =	sst s6  }
0xf: {  	[smem:$0x3F88] =	sst s7  }
0x10: {  	[smem:$0x3F89] =	sst s8  }
0x11: {  	[smem:$0x3F8A] =	sst s9;
	s0 =	simm.s32 @!p0 $0x0  }
0x12: {  	s1 =	sld [smem:$0x3F70];
	s0 =	simm.s32 @p0 $0x1  }
0x13: {  	[smem:$0x3F8B] =	sst s0;
	s0 =	simm.s32 @!p1 $0x0  }
0x14: {  	s2 =	sld [smem:$0x3F6F];
	s0 =	simm.s32 @p1 $0x1  }
0x15: {  	[smem:$0x3F8C] =	sst s0;
	s0 =	simm.s32 @!p2 $0x0  }
0x16: {  	s3 =	sld [smem:$0x3FDB];
	s0 =	simm.s32 @p2 $0x1  }
0x17: {  	s4 =	simm.s32 $0x1BF5;
	[smem:$0x3F8E] =	sst s0  }
0x18: {  	s0 =	sld [smem:$0x3F71];
	_ =	swait.ge [sflag:s4], $0x0  }
0x19: {  	s7 =	sld [smem:$0x3F72]  }
0x1a: {  	s8 =	sadd.s32 $0xFFFFE003, lr  }
0x1b: {  	s9 =	sadd.s32 $0xFFFFFEF7, lr;
	s5 =	simm.s32 $0xFFFFFFFF;
	p2 =	slt.u32 s8, $0xFFFFF086  }
0x1c: {  	p1 =	slt.u32 s9, $0xF7A;
	s5 =	simm.s32 @!p2 $0x0  }
0x1d: {  	s5 =	simm.s32 @p1 $0x1;
	p0 =	seq.s32 s7, s2  }
0x1e: {  	s7 =	smul.u32 @!p0 $0xF7A, s2;
	p2 =	seq.s32 @!p0 s5, $0x0  }
0x1f: {  	s9 =	smul.u32 $0xF7A, s1;
	s8 =	simm.s32 @!p0 $0x1BF5;
	p2 =	por !p2, p0  }
0x20: {  	[sflag:s8] =	ssyncset.s32 @!p0 $0xFFFFF086;
	s6 =	sadd.s32 @!p0 s3, s7;
	s7 =	simm.s32 @!p0 $0x108  }
0x21: {  	s3 =	sadd.s32 s3, s9;
	s6 =	sadd.s32 @!p0 $0x88, s6;
	s7 =	simm.s32 @p2 $0x1082  }
0x22: {  	[simem:s7], [sflag:s8] =	dma.local @!p0 [hbm:s6], $0xF7A  }
0x23: {  	s9 =	sor.u32 $0xD0000000, s2;
	s6 =	simm.s32 $0x108;
	_ =	swait.ge @!p0 [sflag:s8], $0x0  }
0x24: {  	s3 =	sadd.s32 $0x88, s3;
	s6 =	simm.s32 @!p1 $0x1082;
	[sflag:s4] =	ssyncset.s32 $0xFFFFF086  }
0x25: {  	[simem:s6], [sflag:s4] =	dma.local [hbm:s3], $0xF7A  }
0x26: {  	[smem:$0x3F72] =	sst s1;
	(tag) =	ssettag s2;
	_ =	strace s9  }
0x27: {  	s1 =	sld [smem:$0x3F82]  }
0x28: {  	s2 =	sld [smem:$0x3F83]  }
0x29: {  	s4 =	sld [smem:$0x3F85]  }
0x2a: {  	p0 =	seq.s32 s5, $0x0;
	s5 =	sld [smem:$0x3F86]  }
0x2b: {  	s6 =	sld [smem:$0x3F87]  }
0x2c: {  	s7 =	sld [smem:$0x3F88]  }
0x2d: {  	s3 =	simm.s32 $0x108;
	s8 =	sld [smem:$0x3F89]  }
0x2e: {  	s3 =	simm.s32 @!p0 $0x1082;
	s9 =	sld [smem:$0x3F8A]  }
0x2f: {  	lr =	sadd.s32 s0, s3;
	s0 =	sld [smem:$0x3F81]  }
0x30: {  	s3 =	sld [smem:$0x3F84]  }
0x31: {  	[smem:$0x3F8D] =	sst s10  }
0x32: {  	s10 =	sld [smem:$0x3F8B];
	_ =	sdelay $0x3  }
0x33: {  	p0 =	seq.s32 s10, $0x1;
	s10 =	sld [smem:$0x3F8D];
	_ =	sdelay $0x3  }
0x34: {  	[smem:$0x3F8D] =	sst s10  }
0x35: {  	s10 =	sld [smem:$0x3F8C];
	_ =	sdelay $0x3  }
0x36: {  	p1 =	seq.s32 s10, $0x1;
	s10 =	sld [smem:$0x3F8D];
	_ =	sdelay $0x3  }
0x37: {  	[smem:$0x3F8D] =	sst s10  }
0x38: {  	s10 =	sld [smem:$0x3F8E]  }
0x39: {  	_ = 	snop;
	(pc) =	sbr.ind lr, $3  }
0x3a: {  	_ = 	snop  }
0x3b: {  	_ = 	snop  }
0x3c: {  	p2 =	seq.s32 s10, $0x1;
	s10 =	sld [smem:$0x3F8D]  }
0x3d: {  	_ =	shalt  }
0x3e: {  	_ =	shalt  }
0x3f: {  	_ =	shalt  }
0x40: {  	_ =	shalt  }
0x41: {  	_ =	shalt  }
0x42: {  	_ =	shalt  }
0x43: {  	_ =	shalt  }
0x44: {  	_ =	shalt  }
0x45: {  	_ =	shalt  }
0x46: {  	_ =	shalt  }
0x47: {  	_ =	shalt  }
0x48: {  	_ =	shalt  }
0x49: {  	_ =	shalt  }
0x4a: {  	_ =	shalt  }
0x4b: {  	_ =	shalt  }
0x4c: {  	_ =	shalt  }
0x4d: {  	_ =	shalt  }
0x4e: {  	_ =	shalt  }
0x4f: {  	_ =	shalt  }
0x50: {  	_ =	shalt  }
0x51: {  	_ =	shalt  }
0x52: {  	_ =	shalt  }
0x53: {  	_ =	shalt  }
0x54: {  	_ =	shalt  }
0x55: {  	_ =	shalt  }
0x56: {  	_ =	shalt  }
0x57: {  	_ =	shalt  }
0x58: {  	_ =	shalt  }
0x59: {  	_ =	shalt  }
0x5a: {  	_ =	shalt  }
0x5b: {  	_ =	shalt  }
0x5c: {  	_ =	shalt  }
0x5d: {  	_ =	shalt  }
0x5e: {  	_ =	shalt  }
0x5f: {  	_ =	shalt  }
0x60: {  	_ =	shalt  }
0x61: {  	_ =	shalt  }
0x62: {  	_ =	shalt  }
0x63: {  	_ =	shalt  }
0x64: {  	_ =	shalt  }
0x65: {  	_ =	shalt  }
0x66: {  	_ =	shalt  }
0x67: {  	_ =	shalt  }
0x68: {  	_ =	shalt  }
0x69: {  	_ =	shalt  }
0x6a: {  	_ =	shalt  }
0x6b: {  	_ =	shalt  }
0x6c: {  	_ =	shalt  }
0x6d: {  	_ =	shalt  }
0x6e: {  	_ =	shalt  }
0x6f: {  	_ =	shalt  }
0x70: {  	_ =	shalt  }
0x71: {  	_ =	shalt  }
0x72: {  	_ =	shalt  }
0x73: {  	_ =	shalt  }
0x74: {  	_ =	shalt  }
0x75: {  	_ =	shalt  }
0x76: {  	_ =	shalt  }
0x77: {  	_ =	shalt  }
0x78: {  	_ =	shalt  }
0x79: {  	_ =	shalt  }
0x7a: {  	_ =	shalt  }
0x7b: {  	_ =	shalt  }
0x7c: {  	_ =	shalt  }
0x7d: {  	_ =	shalt  }
0x7e: {  	_ =	shalt  }
0x7f: {  	_ =	shalt  }
0x80: {  	_ =	shalt  }
0x81: {  	_ =	shalt  }
0x82: {  	_ =	shalt  }
0x83: {  	_ =	shalt  }
0x84: {  	_ =	shalt  }
0x85: {  	_ =	shalt  }
0x86: {  	_ =	shalt  }
0x87: {  	_ =	shalt  }
.Lfunc_end0:
.L_simem_size_0:
called_computation.5_lowered:
.L_overlay_start_0:
0x88: {  	s2 =	sld [smem:$0x3FD9]  }
0x89: {  	s3 =	sld [smem:$0x3FFE];
	_ =	sdelay $0x1  }
0x8a: {  	s1 =	srdreg.scid  }
0x8b: {  	s0 =	sand.u32 $0x1, s1  }
0x8c: {  	s16 =	sshll.u32 s0, $0xA;
	s2 =	sadd.s32 s3, s2  }
0x8d: {  	s2 =	sadd.s32 s2, s16  }
0x8e: {  	[smem:$0x3F99] =	sst s2  }
0x8f: {  	_ = 	snop  }
0x90: {  	(tm) =	ssettm $0x1  }
0x91: {  	s17 =	sld [smem:$0x3FFB];
	_ =	sdelay $0x3  }
0x92: {  	_ =	strace s17  }
0x93: {  	s2 =	sld [smem:$0x3FFC];
	_ =	sdelay $0x3  }
0x94: {  	_ =	strace s2  }
0x95: {  	s2 =	sld [smem:$0x3FFD];
	_ =	sdelay $0x3  }
0x96: {  	_ =	strace s2  }
0x97: {  	_ =	strace $0x8FFFFFFF  }
0x98: {  	s18 =	sld [smem:$0x3FDB];
	_ =	sdelay $0x1  }
0x99: {  	s19 =	simm.s32 $_scs_section_size  }
0x9a: {  	s4 =	simm.s32 $_size__tile_overlayer_lowered;
	s5 =	simm.s32 $_tile_overlayer_lowered  }
0x9b: {  	s22 =	simm.s32 $0x1BFF;
	s21 =	sshll.u32 s5, $0x1;
	s2 =	sadd.s32 s19, s18  }
0x9c: {  	s6 =	simm.s32 $0x0;
	s20 =	sshll.u32 s4, $0x1;
	s4 =	sadd.s32 s21, s2  }
0x9d: {  	[timem:s6], [sflag:s22] =	dma.local [hbm:s4], s20  }
0x9e: {  	_ =	swait.ge [sflag:s22], s20  }
0x9f: {  	s3 =	ssub.s32 $0x0, s20;
	[sflag:s22] =	ssyncset.done $0x0  }
0xa0: {  	[sflag:s22] =	ssyncadd.s32 s3;
	_ =	sdelay $0x1  }
0xa1: {  	s23 =	simm.s32 $0x1B8B  }
0xa2: {  	_ =	swait.ge [sflag:s23], $0x1  }
0xa3: {  	[sflag:s23] =	ssyncset.done $0x0  }
0xa4: {  	s25 =	simm.s32 $0x1B8E;
	s24 =	sld [smem:$0x3FFE];
	[sflag:s23] =	ssyncadd.s32 $0xFFFFFFFF  }
0xa5: {  	s26 =	simm.s32 $execute0_lowered;
	[smem:$0x3FD2] =	sst s25  }
0xa6: {  	s4 =	sshll.u32 s26, $0x1;
	_ =	strace $0x80000055;
	[dreg:$0x1] =	wrdreg $0xFFFFFFFF  }
0xa7: {  	s28 =	simm.s32 $_size_execute0_lowered;
	s2 =	sadd.s32 s2, s4;
	[dreg:$0x0] =	wrdreg $0x0  }
0xa8: {  	s4 =	sshll.u32 s28, $0x1;
	[dreg:$0x2] =	wrdreg s2  }
0xa9: {  	[dreg:$0x3] =	wrdreg s4  }
0xaa: {  	[dreg:$0x4] =	wrdreg $0xC0  }
0xab: {  	_ =	task [dreg:s6], $0x5FFFF  }
0xac: {  	[dreg:$0x1] =	wrdreg $0xFFFFFFFF  }
0xad: {  	[dreg:$0x0] =	wrdreg $0x60  }
0xae: {  	[dreg:$0x2] =	wrdreg s24  }
0xaf: {  	[dreg:$0x3] =	wrdreg $0x43000  }
0xb0: {  	[dreg:$0x4] =	wrdreg $0x9  }
0xb1: {  	_ =	task.clear_ibuf [dreg:s6], $0x5FFFF;
	_ =	strace $0x90000055  }
0xb2: {  	s29 =	simm.s32 $0x9;
	_ =	strace $0x80000057  }
0xb3: {  	_ =	swait.ge [sflag:s29], $0x1  }
0xb4: {  	[sflag:s29] =	ssyncadd.s32 $0xFFFFFFFF  }
0xb5: {  	_ =	strace $0x90000057  }
0xb6: {  	_ =	sfence  }
0xb7: {  	s30 =	sld [smem:$0x0];
	_ =	sdelay $0x2  }
0xb8: {  	s31 =	sshll.u32 s1, $0xD;
	s1 =	sshrl.u32 s1, $0x2  }
0xb9: {  	s3 =	sand.u32 $0x4000, s31;
	s1 =	sadd.s32 s1, s30  }
0xba: {  	s0 =	sor.u32 s3, s0;
	s1 =	sshll.u32 s1, $0x11  }
0xbb: {  	s0 =	sor.u32 s1, s0  }
0xbc: {  	s0 =	sadd.s32 $0x8F2B, s0  }
0xbd: {  	[sflag:s0] =	ssyncadd.remote.s32 $0x1  }
0xbe: {  	_ =	sfence.sel $0xFFFF  }
0xbf: {  	[dreg:$0x0] =	wrdreg $0xFFFFFFFF;
	(pc) =	sbr.abs _section_cstart, $3  }
0xc0: {  	[dreg:$0x1] =	wrdreg $0xFFFFFFFF  }
0xc1: {  	_ =	task.clear_ibuf [dreg:s6], $0x2FFFF;
	_ =	strace $0x9FFFFFFF  }
0xc2: {  	(tm) =	ssettm $0x7FFFFFFF  }
0xc3: {  	_ =	shalt  }
tec
execute0_lowered:
.L_overlay_start_1:
0x0: {  	(tag) =	ssettag $0x1  }
0x1: {  	s0 =	srdreg.scid  }
0x2: {  	s13 =	stileid.u32;
	s3 =	sand.u32 $0x1, s0  }
0x3: {  	s12 =	sor.u32 $0x20, s13;
	s7 =	smul.u32 $0x186A00, s3  }
0x4: {  	s14 =	sor.u32 $0x30, s13;
	s2 =	smul.u32 $0x3200, s12  }
0x5: {  	s15 =	sor.u32 $0x40, s13;
	s10 =	smul.u32 $0x3200, s14  }
0x6: {  	s4 =	rddreg [dreg:$0x0];
	s16 =	sor.u32 $0x50, s13;
	s22 =	smul.u32 $0x3200, s15  }
0x7: {  	s5 =	sadd.s32 $0x12D800, s4;
	s0 =	ssub.s32 $0x2, s3;
	s23 =	smul.u32 $0x3200, s16  }
0x8: {  	s11 =	sor.u32 $0x10, s13;
	s14 =	smul.u32 $0xC800, s14;
	s1 =	sshrl.u32 s0, $0x1  }
0x9: {  	s17 =	sor.u32 $0x60, s13;
	s6 =	ssub.s32 s0, s1;
	s0 =	smul.u32 $0x3200, s13  }
0xa: {  	s18 =	sor.u32 $0x70, s13;
	s3 =	sshll.u32 s3, $0x4;
	s1 =	smul.u32 $0x3200, s11  }
0xb: {  	p0 =	sgt.u32 s18, $0x7C;
	s25 =	sadd.s32 s7, s2;
	s8 =	sadd.s32 s7, s0  }
0xc: {  	s26 =	sadd.s32 s7, s10;
	s9 =	sadd.s32 s7, s1;
	s8 =	sshrl.u32 s8, $0x3  }
0xd: {  	s19 =	sadd.s32 s7, s22;
	s9 =	sshrl.u32 s9, $0x3;
	s8 =	sadd.s32 s5, s8  }
0xe: {  	s20 =	sadd.s32 s7, s23;
	s24 =	sadd.s32 s5, s9;
	[dreg:$0x3] =	wrdreg s8  }
0xf: {  	[dreg:$0x4] =	wrdreg s24;
	s8 =	sshrl.u32 s25, $0x3;
	s24 =	smul.u32 $0x3200, s17  }
0x10: {  	s9 =	sshrl.u32 s26, $0x3;
	s25 =	smul.u32 $0x3200, s18;
	s8 =	sadd.s32 s5, s8  }
0x11: {  	s21 =	sshrl.u32 s20, $0x3;
	[dreg:$0x5] =	wrdreg s8;
	s8 =	sadd.s32 s5, s9  }
0x12: {  	s26 =	sadd.s32 s7, s24;
	s20 =	sadd.s32 s7, s25;
	s7 =	smul.u32 $0xC800, s13  }
0x13: {  	[dreg:$0x6] =	wrdreg s8;
	s8 =	sshrl.u32 s19, $0x3;
	s19 =	sshrl.u32 s26, $0x3  }
0x14: {  	s9 =	sshrl.u32 s20, $0x3;
	s26 =	sshll.u32 s13, $0x5;
	s8 =	sadd.s32 s5, s8  }
0x15: {  	s20 =	smul.u32 $0xC800, s12;
	[dreg:$0x7] =	wrdreg s8;
	s8 =	sadd.s32 s5, s21  }
0x16: {  	s21 =	sadd.s32 s5, s19;
	s19 =	smul.u32 $0xC800, s11;
	s11 =	rddreg [dreg:$0x1]  }
0x17: {  	s12 =	sadd.s32 $0xFCA00, s4;
	s5 =	sadd.s32 s5, s9;
	[dreg:$0x8] =	wrdreg s8  }
0x18: {  	s9 =	smax.u32 s6, $0x1;
	[dreg:$0x9] =	wrdreg s21;
	s8 =	simm.s32 $0x0  }
0x19: {  	[dreg:$0xa] =	wrdreg s5;
	s5 =	sadd.s32 s26, s4;
	s21 =	smul.u32 $0xC800, s15  }
0x1a: {  	s4 =	sshrl.u32 s14, $0x2;
	s14 =	smul.u32 $0xC800, s17;
	s0 =	sadd.s32 s0, s11  }
0x1b: {  	s1 =	sadd.s32 s1, s11;
	s2 =	sadd.s32 s2, s11;
	[smem:$0x7FF] =	sst s8  }
0x1c: {  	s26 =	sadd.s32 s3, s5;
	s5 =	sshrl.u32 s7, $0x2;
	s19 =	sshrl.u32 s19, $0x2  }
0x1d: {  	s7 =	smul.u32 $0xC800, s16;
	s17 =	sadd.s32 s4, s11;
	_ =	strace $0x80000056  }
0x1e: {  	[dreg:$0xb] =	wrdreg s9;
	s5 =	sadd.s32 s5, s11;
	s15 =	sadd.s32 s19, s11  }
0x1f: {  	s9 =	sshrl.u32 s20, $0x2;
	s19 =	sshrl.u32 s21, $0x2;
	s21 =	smul.u32 $0xC800, s18  }
0x20: {  	s20 =	sshrl.u32 s14, $0x2;
	s14 =	sadd.s32 s24, s11;
	s24 =	sshrl.u32 s0, $0x3  }
0x21: {  	s0 =	sshll.u32 s13, $0x1;
	[dreg:$0xc] =	wrdreg s5;
	s16 =	sadd.s32 s9, s11  }
0x22: {  	s18 =	sadd.s32 s19, s11;
	s19 =	sshrl.u32 s7, $0x2;
	s20 =	sadd.s32 s20, s11  }
0x23: {  	s7 =	sadd.s32 s10, s11;
	s9 =	sadd.s32 s22, s11;
	s10 =	sadd.s32 s23, s11  }
0x24: {  	s22 =	sadd.s32 $0x8400, s26;
	s23 =	sadd.s32 $0x20C00, s26;
	s26 =	sshrl.u32 s2, $0x3  }
0x25: {  	s31 =	sshrl.u32 s14, $0x3;
	s2 =	simm.s32 $0x2;
	s3 =	sshrl.u32 s21, $0x2  }
0x26: {  	s19 =	sadd.s32 s19, s11;
	s28 =	sshrl.u32 s7, $0x3;
	s29 =	sshrl.u32 s9, $0x3  }
0x27: {  	s30 =	sshrl.u32 s10, $0x3;
	s21 =	sadd.s32 s3, s11;
	s3 =	sadd.s32 s25, s11  }
0x28: {  	v0 =	vimm.f32 $0.0e+00;
	s25 =	sshrl.u32 s1, $0x3;
	s1 =	simm.s32 $0x1100;
	s10 =	sshrl.u32 @!p0 s3, $0x3  }
.LBB2_1:
0x29: {  	s3 =	simm.s32 $0x80;
	s4 =	simm.s32 $0x0  }
.LBB2_2:
0x2a: {  	p1 =	sne.s32 s3, $0xC780;
	[tilespmem:s4+$0x1100] =	vst v0;
	s5 =	smov.u32 s3;
	s3 =	sadd.s32 $0x80, s3  }
.Ltmp0:
0x2b: {  	[tilespmem:s4+$0x1110] =	vst v0;
	(pc) =	sbr.rel @p1 .LBB2_2-.Ltmp0, $2  }
0x2c: {  	_ =	sdelay $0x2  }
0x2d: {  	s4 =	sshra.s32 s5, $0x2  }
0x2e: {  	[tilespmem:s4+$0x1100] =	vst v0  }
0x2f: {  	[tilespmem:s4+$0x1110] =	vst v0;
	s3 =	rddreg [dreg:$0xc]  }
0x30: {  	[spmem:s3] =	stream.linear.scatter [tilespmem:s1], [sflag:$0x2], $0x3200, $0x38;
	[tilespmem:$0x1C9A0] =	vst v63  }
0x31: {  	_ =	swait.ge [sflag:s2], $0x3200  }
0x32: {  	[sflag:s2] =	ssyncset.done $0x0  }
0x33: {  	[sflag:s2] =	ssyncadd.s32 $0xFFFFCE00  }
0x34: {  	[spmem:s15] =	stream.linear.scatter [tilespmem:s1], [sflag:$0x2], $0x3200, $0x38;
	[tilespmem:$0x1C9A0] =	vst v63  }
0x35: {  	_ =	swait.ge [sflag:s2], $0x3200  }
0x36: {  	[sflag:s2] =	ssyncset.done $0x0  }
0x37: {  	[sflag:s2] =	ssyncadd.s32 $0xFFFFCE00  }
0x38: {  	[spmem:s16] =	stream.linear.scatter [tilespmem:s1], [sflag:$0x2], $0x3200, $0x38;
	[tilespmem:$0x1C9A0] =	vst v63  }
0x39: {  	_ =	swait.ge [sflag:s2], $0x3200  }
0x3a: {  	[sflag:s2] =	ssyncset.done $0x0  }
0x3b: {  	[sflag:s2] =	ssyncadd.s32 $0xFFFFCE00  }
0x3c: {  	[spmem:s17] =	stream.linear.scatter [tilespmem:s1], [sflag:$0x2], $0x3200, $0x38;
	[tilespmem:$0x1C9A0] =	vst v63  }
0x3d: {  	_ =	swait.ge [sflag:s2], $0x3200  }
0x3e: {  	[sflag:s2] =	ssyncset.done $0x0  }
0x3f: {  	[sflag:s2] =	ssyncadd.s32 $0xFFFFCE00  }
0x40: {  	[spmem:s18] =	stream.linear.scatter [tilespmem:s1], [sflag:$0x2], $0x3200, $0x38;
	[tilespmem:$0x1C9A0] =	vst v63  }
0x41: {  	_ =	swait.ge [sflag:s2], $0x3200  }
0x42: {  	[sflag:s2] =	ssyncset.done $0x0  }
0x43: {  	[sflag:s2] =	ssyncadd.s32 $0xFFFFCE00  }
0x44: {  	[spmem:s19] =	stream.linear.scatter [tilespmem:s1], [sflag:$0x2], $0x3200, $0x38;
	[tilespmem:$0x1C9A0] =	vst v63  }
0x45: {  	_ =	swait.ge [sflag:s2], $0x3200  }
0x46: {  	[sflag:s2] =	ssyncset.done $0x0  }
0x47: {  	[sflag:s2] =	ssyncadd.s32 $0xFFFFCE00  }
0x48: {  	[spmem:s20] =	stream.linear.scatter [tilespmem:s1], [sflag:$0x2], $0x3200, $0x38;
	[tilespmem:$0x1C9A0] =	vst v63  }
0x49: {  	_ =	swait.ge [sflag:s2], $0x3200  }
0x4a: {  	[sflag:s2] =	ssyncset.done $0x0  }
0x4b: {  	s3 =	simm.s32 @!p0 $0x1100;
	[sflag:s2] =	ssyncadd.s32 $0xFFFFCE00  }
0x4c: {  	[spmem:s21] =	stream.linear.scatter @!p0 [tilespmem:s3], [sflag:$0x2], $0x3200, $0x38;
	[tilespmem:$0x1C9A0] =	vst v63  }
0x4d: {  	s3 =	simm.s32 @!p0 $0x2  }
0x4e: {  	_ =	swait.ge @!p0 [sflag:s3], $0x3200  }
0x4f: {  	p1 =	sgt.u32 s0, $0x1869;
	[sflag:s3] =	ssyncset.done @!p0 $0x0  }
0x50: {  	s4 =	simm.s32 @!p1 $0x0;
	[sflag:s3] =	ssyncadd.s32 @!p0 $0xFFFFCE00  }
0x51: {  	s5 =	simm.s32 @!p1 $0x3;
	s3 =	sadd.s32 @!p1 $0x0, s23;
	[bflag:$0x0] =	sbarrier.arrive $0xFFFF  }
0x52: {  	[tilespmem:s4], [sflag:$0x3] =	stream.linear.gather @!p1 [hbm4b:s3+s4], $0x80, $0x38;
	[tilespmem:$0x1C9A0] =	vst v63  }
0x53: {  	_ =	swait.ge @!p1 [sflag:s5], $0x80;
	p1 =	por p1, p1  }
0x54: {  	[sflag:s5] =	ssyncset.done @!p1 $0x0  }
0x55: {  	s3 =	sadd.s32 @!p1 $0x0, s22;
	s6 =	simm.s32 @!p1 $0x80;
	[sflag:s5] =	ssyncadd.s32 @!p1 $0xFFFFFF80  }
0x56: {  	[tilespmem:s6], [sflag:$0x3] =	stream.linear.gather @!p1 [hbm4b:s3+s4], $0x80, $0x38;
	[tilespmem:$0x1C9A0] =	vst v63  }
0x57: {  	_ =	swait.ge @!p1 [sflag:s5], $0x80  }
0x58: {  	[sflag:s5] =	ssyncset.done @!p1 $0x0  }
0x59: {  	s3 =	simm.s32 @!p1 $0x100;
	[sflag:s5] =	ssyncadd.s32 @!p1 $0xFFFFFF80;
	s5 =	simm.s32 @!p1 $0x1  }
0x5a: {  	[tilespmem:s3], [sflag:$0x1] =	stream.indirect.gather @!p1 [hbm4b:s12+s6], $0x20, s4, s6, $0xb8;
	[tilespmem:$0x1C9A0] =	vst v63  }
0x5b: {  	_ =	swait.ge @!p1 [sflag:s5], $0x1000  }
0x5c: {  	[sflag:s5] =	ssyncset.done @!p1 $0x0  }
0x5d: {  	s4 =	sadd.s32 $0x20, s0;
	[sflag:s5] =	ssyncadd.s32 @!p1 $0xFFFFF000  }
0x5e: {  	[spmem:s11] =	stream.indirect.scatter.add.f32 @!p1 [tilespmem:s3], [sflag:$0x2], $0x20, s6, s6, $0xb8;
	[tilespmem:$0x1C9A0] =	vst v63  }
0x5f: {  	p3 =	sgt.u32 s4, $0x1869;
	s6 =	simm.s32 @!p1 $0x2  }
0x60: {  	s5 =	simm.s32 $0x400;
	s3 =	simm.s32 $0x200;
	_ =	swait.ge @!p1 [sflag:s6], $0x1000  }
.LBB2_4:
0x61: {  	s7 =	sadd.s32 @!p3 s3, s23  }
0x62: {  	s9 =	simm.s32 @!p3 $0x0;
	[sflag:s6] =	ssyncset.done @!p1 $0x0;
	s13 =	smov.u32 s5  }
0x63: {  	s5 =	sadd.s32 $0x200, s5;
	s14 =	simm.s32 @!p3 $0x3;
	[sflag:s6] =	ssyncadd.s32 @!p1 $0xFFFFF000  }
0x64: {  	[tilespmem:s9], [sflag:$0x3] =	stream.linear.gather @!p3 [hbm4b:s7+s9], $0x80, $0x38;
	[tilespmem:$0x1C9A0] =	vst v63  }
0x65: {  	p2 =	sne.s32 s5, $0x18800;
	p1 =	por p3, p3;
	_ =	swait.ge @!p3 [sflag:s14], $0x80  }
0x66: {  	[sflag:s14] =	ssyncset.done @!p1 $0x0  }
0x67: {  	s3 =	sadd.s32 @!p1 s3, s22;
	s7 =	simm.s32 @!p1 $0x80;
	[sflag:s14] =	ssyncadd.s32 @!p1 $0xFFFFFF80  }
0x68: {  	[tilespmem:s7], [sflag:$0x3] =	stream.linear.gather @!p1 [hbm4b:s3+s9], $0x80, $0x38;
	[tilespmem:$0x1C9A0] =	vst v63  }
0x69: {  	s3 =	smov.u32 s13;
	_ =	swait.ge @!p1 [sflag:s14], $0x80  }
0x6a: {  	[sflag:s14] =	ssyncset.done @!p1 $0x0  }
0x6b: {  	s6 =	simm.s32 @!p1 $0x1;
	s13 =	simm.s32 @!p1 $0x100;
	[sflag:s14] =	ssyncadd.s32 @!p1 $0xFFFFFF80  }
0x6c: {  	[tilespmem:s13], [sflag:$0x1] =	stream.indirect.gather @!p1 [hbm4b:s12+s7], $0x20, s9, s7, $0xb8;
	[tilespmem:$0x1C9A0] =	vst v63  }
.Ltmp1:
0x6d: {  	_ =	swait.ge @!p1 [sflag:s6], $0x1000;
	(pc) =	sbr.rel @p2 .LBB2_4-.Ltmp1, $4  }
0x6e: {  	[sflag:s6] =	ssyncset.done @!p1 $0x0  }
0x6f: {  	s4 =	sadd.s32 $0x20, s4;
	[sflag:s6] =	ssyncadd.s32 @!p1 $0xFFFFF000;
	s6 =	simm.s32 @!p1 $0x2  }
0x70: {  	[spmem:s11] =	stream.indirect.scatter.add.f32 @!p1 [tilespmem:s13], [sflag:$0x2], $0x20, s7, s7, $0xb8;
	[tilespmem:$0x1C9A0] =	vst v63  }
0x71: {  	p3 =	sgt.u32 s4, $0x1869;
	_ =	swait.ge @!p1 [sflag:s6], $0x1000  }
0x72: {  	s4 =	sadd.s32 @!p3 s3, s23;
	[sflag:s6] =	ssyncset.done @!p1 $0x0  }
0x73: {  	s5 =	simm.s32 @!p3 $0x0;
	[sflag:s6] =	ssyncadd.s32 @!p1 $0xFFFFF000;
	s6 =	simm.s32 @!p3 $0x3  }
0x74: {  	[tilespmem:s5], [sflag:$0x3] =	stream.linear.gather @!p3 [hbm4b:s4+s5], $0x80, $0x38;
	[tilespmem:$0x1C9A0] =	vst v63  }
0x75: {  	p1 =	por p3, p3;
	_ =	swait.ge @!p3 [sflag:s6], $0x80  }
0x76: {  	[sflag:s6] =	ssyncset.done @!p1 $0x0  }
0x77: {  	s3 =	sadd.s32 @!p1 s3, s22;
	s4 =	simm.s32 @!p1 $0x80;
	[sflag:s6] =	ssyncadd.s32 @!p1 $0xFFFFFF80  }
0x78: {  	[tilespmem:s4], [sflag:$0x3] =	stream.linear.gather @!p1 [hbm4b:s3+s5], $0x80, $0x38;
	[tilespmem:$0x1C9A0] =	vst v63  }
0x79: {  	_ =	swait.ge @!p1 [sflag:s6], $0x80  }
0x7a: {  	[sflag:s6] =	ssyncset.done @!p1 $0x0  }
0x7b: {  	s3 =	simm.s32 @!p1 $0x100;
	[sflag:s6] =	ssyncadd.s32 @!p1 $0xFFFFFF80  }
0x7c: {  	[tilespmem:s3], [sflag:$0x1] =	stream.indirect.gather @!p1 [hbm4b:s12+s4], $0x20, s5, s4, $0xb8;
	[tilespmem:$0x1C9A0] =	vst v63  }
0x7d: {  	s5 =	simm.s32 @!p1 $0x1  }
0x7e: {  	_ =	swait.ge @!p1 [sflag:s5], $0x1000  }
0x7f: {  	[sflag:s5] =	ssyncset.done @!p1 $0x0  }
0x80: {  	[sflag:s5] =	ssyncadd.s32 @!p1 $0xFFFFF000  }
0x81: {  	[spmem:s11] =	stream.indirect.scatter.add.f32 @!p1 [tilespmem:s3], [sflag:$0x2], $0x20, s4, s4, $0xb8;
	[tilespmem:$0x1C9A0] =	vst v63  }
0x82: {  	s3 =	simm.s32 @!p1 $0x2  }
0x83: {  	_ =	swait.ge @!p1 [sflag:s3], $0x1000  }
0x84: {  	[sflag:s3] =	ssyncset.done @!p1 $0x0  }
0x85: {  	s9 =	stileid.u32;
	[sflag:s3] =	ssyncadd.s32 @!p1 $0xFFFFF000  }
0x86: {  	s3 =	sshll.u32 s9, $0x6;
	[bflag:$0x0] =	sbarrier.arrive $0xFFFF  }
0x87: {  	s3 =	sor.u32 $0x1C02, s3;
	s13 =	rddreg [dreg:$0x3]  }
0x88: {  	[hbm:s13], [sflag:s3] =	dma.local [spmem:s24], $0x640  }
0x89: {  	_ =	swait.ge [sflag:s2], $0x640  }
0x8a: {  	[sflag:s2] =	ssyncset.done $0x0  }
0x8b: {  	s14 =	rddreg [dreg:$0x4];
	[sflag:s2] =	ssyncadd.s32 $0xFFFFF9C0  }
0x8c: {  	[hbm:s14], [sflag:s3] =	dma.local [spmem:s25], $0x640  }
0x8d: {  	_ =	swait.ge [sflag:s2], $0x640  }
0x8e: {  	[sflag:s2] =	ssyncset.done $0x0  }
0x8f: {  	s5 =	rddreg [dreg:$0x5];
	[sflag:s2] =	ssyncadd.s32 $0xFFFFF9C0  }
0x90: {  	[hbm:s5], [sflag:s3] =	dma.local [spmem:s26], $0x640  }
0x91: {  	_ =	swait.ge [sflag:s2], $0x640  }
0x92: {  	[sflag:s2] =	ssyncset.done $0x0  }
0x93: {  	s6 =	rddreg [dreg:$0x6];
	[sflag:s2] =	ssyncadd.s32 $0xFFFFF9C0  }
0x94: {  	[hbm:s6], [sflag:s3] =	dma.local [spmem:s28], $0x640  }
0x95: {  	_ =	swait.ge [sflag:s2], $0x640  }
0x96: {  	[sflag:s2] =	ssyncset.done $0x0  }
0x97: {  	s7 =	rddreg [dreg:$0x7];
	[sflag:s2] =	ssyncadd.s32 $0xFFFFF9C0  }
0x98: {  	[hbm:s7], [sflag:s3] =	dma.local [spmem:s29], $0x640  }
0x99: {  	_ =	swait.ge [sflag:s2], $0x640  }
0x9a: {  	[sflag:s2] =	ssyncset.done $0x0  }
0x9b: {  	s9 =	rddreg [dreg:$0x8];
	[sflag:s2] =	ssyncadd.s32 $0xFFFFF9C0  }
0x9c: {  	[hbm:s9], [sflag:s3] =	dma.local [spmem:s30], $0x640  }
0x9d: {  	_ =	swait.ge [sflag:s2], $0x640  }
0x9e: {  	[sflag:s2] =	ssyncset.done $0x0  }
0x9f: {  	s13 =	rddreg [dreg:$0x9];
	[sflag:s2] =	ssyncadd.s32 $0xFFFFF9C0  }
0xa0: {  	[hbm:s13], [sflag:s3] =	dma.local [spmem:s31], $0x640  }
0xa1: {  	_ =	swait.ge [sflag:s2], $0x640  }
0xa2: {  	[sflag:s2] =	ssyncset.done $0x0  }
0xa3: {  	s4 =	rddreg [dreg:$0xa];
	[sflag:s2] =	ssyncadd.s32 $0xFFFFF9C0  }
0xa4: {  	[hbm:s4], [sflag:s3] =	dma.local @!p0 [spmem:s10], $0x640  }
0xa5: {  	s3 =	simm.s32 @!p0 $0x2  }
0xa6: {  	_ =	swait.ge @!p0 [sflag:s3], $0x640  }
0xa7: {  	s8 =	sadd.s32 $0x1, s8;
	s14 =	rddreg [dreg:$0xb]  }
0xa8: {  	p1 =	sne.s32 s8, s14  }
.Ltmp2:
0xa9: {  	_ = 	snop;
	(pc) =	sbr.rel @p1 .LBB2_1-.Ltmp2, $3  }
0xaa: {  	_ =	sdelay $0x1  }
0xab: {  	[sflag:s3] =	ssyncset.done @!p0 $0x0  }
0xac: {  	[sflag:s3] =	ssyncadd.s32 @!p0 $0xFFFFF9C0  }
0xad: {  	_ =	sfence.sel $0x180000  }
0xae: {  	[bflag:$0x0] =	sbarrier.arrive $0xFFFF  }
0xaf: {  	_ =	strace $0x90000056  }
0xb0: {  	s0 =	stileid.u32;
	[bflag:$0x2] =	sbarrier.arrive $0xFFFF  }
0xb1: {  	p0 =	sne.s32 s0, $0x0;
	s0 =	rddreg [dreg:$0x2]  }
0xb2: {  	s0 =	sadd.s32 @!p0 $0x100000, s0  }
0xb3: {  	[sflag:s0] =	ssyncadd.tile.s32 @!p0 $0x1;
	_ =	shalt  }
.Lfunc_end2:
_tile_overlayer_lowered:
.L_overlay_start_2:
0xb4: {  	(tag) =	ssettag $0x2  }
0xb5: {  	s0 =	rddreg [dreg:$0x0];
	s2 =	stileid.u32  }
0xb6: {  	s1 =	rddreg [dreg:$0x1];
	p0 =	sne.s32 s2, $0x0  }
0xb7: {  	s3 =	rddreg [dreg:$0x2];
	[bflag:$0x3] =	sbarrier.arrive $0xFFFF;
	s2 =	simm.s32 @!p0 $0x1C02  }
0xb8: {  	[timem:s3], [sflag:s2] =	dma.local @!p0 [hbm:s0], s1  }
0xb9: {  	s0 =	simm.s32 @!p0 $0x2  }
0xba: {  	_ =	swait.ge @!p0 [sflag:s0], s1  }
0xbb: {  	s1 =	ssub.s32 @!p0 $0x0, s1;
	[sflag:s0] =	ssyncset.done @!p0 $0x0  }
0xbc: {  	[sflag:s0] =	ssyncadd.s32 @!p0 s1  }
0xbd: {  	[bflag:$0x3] =	sbarrier.arrive $0xFFFF  }
0xbe: {  	_ =	shalt  }

// kernel: kernel.39.cloned.1.call-start
scs
__scs_entry_jumppad:
0x0: {  	(pc) =	sbr.rel $0x88, $3  }
0x1: {  	(tag) =	ssettag $0x0;
	lr =	simm.s32 $0x1  }
0x2: {  	[smem:$0x3F72] =	sst lr;
	_ =	strace $0xD0000000  }
0x3: {  	_ = 	snop  }
0x4: {  	_ = 	snop  }
0x5: {  	_ = 	snop  }
0x6: {  	_ = 	snop  }
0x7: {  	_ = 	snop  }
__scs_overlays_trampoline_lowered:
0x8: {  	[smem:$0x3F81] =	sst s0  }
0x9: {  	[smem:$0x3F82] =	sst s1  }
0xa: {  	[smem:$0x3F83] =	sst s2  }
0xb: {  	[smem:$0x3F84] =	sst s3  }
0xc: {  	[smem:$0x3F85] =	sst s4  }
0xd: {  	[smem:$0x3F86] =	sst s5  }
0xe: {  	[smem:$0x3F87] =	sst s6  }
0xf: {  	[smem:$0x3F88] =	sst s7  }
0x10: {  	[smem:$0x3F89] =	sst s8  }
0x11: {  	[smem:$0x3F8A] =	sst s9;
	s0 =	simm.s32 @!p0 $0x0  }
0x12: {  	s1 =	sld [smem:$0x3F70];
	s0 =	simm.s32 @p0 $0x1  }
0x13: {  	[smem:$0x3F8B] =	sst s0;
	s0 =	simm.s32 @!p1 $0x0  }
0x14: {  	s2 =	sld [smem:$0x3F6F];
	s0 =	simm.s32 @p1 $0x1  }
0x15: {  	[smem:$0x3F8C] =	sst s0;
	s0 =	simm.s32 @!p2 $0x0  }
0x16: {  	s3 =	sld [smem:$0x3FDB];
	s0 =	simm.s32 @p2 $0x1  }
0x17: {  	s4 =	simm.s32 $0x1BF5;
	[smem:$0x3F8E] =	sst s0  }
0x18: {  	s0 =	sld [smem:$0x3F71];
	_ =	swait.ge [sflag:s4], $0x0  }
0x19: {  	s7 =	sld [smem:$0x3F72]  }
0x1a: {  	s8 =	sadd.s32 $0xFFFFE003, lr  }
0x1b: {  	s9 =	sadd.s32 $0xFFFFFEF7, lr;
	s5 =	simm.s32 $0xFFFFFFFF;
	p2 =	slt.u32 s8, $0xFFFFF086  }
0x1c: {  	p1 =	slt.u32 s9, $0xF7A;
	s5 =	simm.s32 @!p2 $0x0  }
0x1d: {  	s5 =	simm.s32 @p1 $0x1;
	p0 =	seq.s32 s7, s2  }
0x1e: {  	s7 =	smul.u32 @!p0 $0xF7A, s2;
	p2 =	seq.s32 @!p0 s5, $0x0  }
0x1f: {  	s9 =	smul.u32 $0xF7A, s1;
	s8 =	simm.s32 @!p0 $0x1BF5;
	p2 =	por !p2, p0  }
0x20: {  	[sflag:s8] =	ssyncset.s32 @!p0 $0xFFFFF086;
	s6 =	sadd.s32 @!p0 s3, s7;
	s7 =	simm.s32 @!p0 $0x108  }
0x21: {  	s3 =	sadd.s32 s3, s9;
	s6 =	sadd.s32 @!p0 $0x88, s6;
	s7 =	simm.s32 @p2 $0x1082  }
0x22: {  	[simem:s7], [sflag:s8] =	dma.local @!p0 [hbm:s6], $0xF7A  }
0x23: {  	s9 =	sor.u32 $0xD0000000, s2;
	s6 =	simm.s32 $0x108;
	_ =	swait.ge @!p0 [sflag:s8], $0x0  }
0x24: {  	s3 =	sadd.s32 $0x88, s3;
	s6 =	simm.s32 @!p1 $0x1082;
	[sflag:s4] =	ssyncset.s32 $0xFFFFF086  }
0x25: {  	[simem:s6], [sflag:s4] =	dma.local [hbm:s3], $0xF7A  }
0x26: {  	[smem:$0x3F72] =	sst s1;
	(tag) =	ssettag s2;
	_ =	strace s9  }
0x27: {  	s1 =	sld [smem:$0x3F82]  }
0x28: {  	s2 =	sld [smem:$0x3F83]  }
0x29: {  	s4 =	sld [smem:$0x3F85]  }
0x2a: {  	p0 =	seq.s32 s5, $0x0;
	s5 =	sld [smem:$0x3F86]  }
0x2b: {  	s6 =	sld [smem:$0x3F87]  }
0x2c: {  	s7 =	sld [smem:$0x3F88]  }
0x2d: {  	s3 =	simm.s32 $0x108;
	s8 =	sld [smem:$0x3F89]  }
0x2e: {  	s3 =	simm.s32 @!p0 $0x1082;
	s9 =	sld [smem:$0x3F8A]  }
0x2f: {  	lr =	sadd.s32 s0, s3;
	s0 =	sld [smem:$0x3F81]  }
0x30: {  	s3 =	sld [smem:$0x3F84]  }
0x31: {  	[smem:$0x3F8D] =	sst s10  }
0x32: {  	s10 =	sld [smem:$0x3F8B];
	_ =	sdelay $0x3  }
0x33: {  	p0 =	seq.s32 s10, $0x1;
	s10 =	sld [smem:$0x3F8D];
	_ =	sdelay $0x3  }
0x34: {  	[smem:$0x3F8D] =	sst s10  }
0x35: {  	s10 =	sld [smem:$0x3F8C];
	_ =	sdelay $0x3  }
0x36: {  	p1 =	seq.s32 s10, $0x1;
	s10 =	sld [smem:$0x3F8D];
	_ =	sdelay $0x3  }
0x37: {  	[smem:$0x3F8D] =	sst s10  }
0x38: {  	s10 =	sld [smem:$0x3F8E]  }
0x39: {  	_ = 	snop;
	(pc) =	sbr.ind lr, $3  }
0x3a: {  	_ = 	snop  }
0x3b: {  	_ = 	snop  }
0x3c: {  	p2 =	seq.s32 s10, $0x1;
	s10 =	sld [smem:$0x3F8D]  }
0x3d: {  	_ =	shalt  }
0x3e: {  	_ =	shalt  }
0x3f: {  	_ =	shalt  }
0x40: {  	_ =	shalt  }
0x41: {  	_ =	shalt  }
0x42: {  	_ =	shalt  }
0x43: {  	_ =	shalt  }
0x44: {  	_ =	shalt  }
0x45: {  	_ =	shalt  }
0x46: {  	_ =	shalt  }
0x47: {  	_ =	shalt  }
0x48: {  	_ =	shalt  }
0x49: {  	_ =	shalt  }
0x4a: {  	_ =	shalt  }
0x4b: {  	_ =	shalt  }
0x4c: {  	_ =	shalt  }
0x4d: {  	_ =	shalt  }
0x4e: {  	_ =	shalt  }
0x4f: {  	_ =	shalt  }
0x50: {  	_ =	shalt  }
0x51: {  	_ =	shalt  }
0x52: {  	_ =	shalt  }
0x53: {  	_ =	shalt  }
0x54: {  	_ =	shalt  }
0x55: {  	_ =	shalt  }
0x56: {  	_ =	shalt  }
0x57: {  	_ =	shalt  }
0x58: {  	_ =	shalt  }
0x59: {  	_ =	shalt  }
0x5a: {  	_ =	shalt  }
0x5b: {  	_ =	shalt  }
0x5c: {  	_ =	shalt  }
0x5d: {  	_ =	shalt  }
0x5e: {  	_ =	shalt  }
0x5f: {  	_ =	shalt  }
0x60: {  	_ =	shalt  }
0x61: {  	_ =	shalt  }
0x62: {  	_ =	shalt  }
0x63: {  	_ =	shalt  }
0x64: {  	_ =	shalt  }
0x65: {  	_ =	shalt  }
0x66: {  	_ =	shalt  }
0x67: {  	_ =	shalt  }
0x68: {  	_ =	shalt  }
0x69: {  	_ =	shalt  }
0x6a: {  	_ =	shalt  }
0x6b: {  	_ =	shalt  }
0x6c: {  	_ =	shalt  }
0x6d: {  	_ =	shalt  }
0x6e: {  	_ =	shalt  }
0x6f: {  	_ =	shalt  }
0x70: {  	_ =	shalt  }
0x71: {  	_ =	shalt  }
0x72: {  	_ =	shalt  }
0x73: {  	_ =	shalt  }
0x74: {  	_ =	shalt  }
0x75: {  	_ =	shalt  }
0x76: {  	_ =	shalt  }
0x77: {  	_ =	shalt  }
0x78: {  	_ =	shalt  }
0x79: {  	_ =	shalt  }
0x7a: {  	_ =	shalt  }
0x7b: {  	_ =	shalt  }
0x7c: {  	_ =	shalt  }
0x7d: {  	_ =	shalt  }
0x7e: {  	_ =	shalt  }
0x7f: {  	_ =	shalt  }
0x80: {  	_ =	shalt  }
0x81: {  	_ =	shalt  }
0x82: {  	_ =	shalt  }
0x83: {  	_ =	shalt  }
0x84: {  	_ =	shalt  }
0x85: {  	_ =	shalt  }
0x86: {  	_ =	shalt  }
0x87: {  	_ =	shalt  }
.Lfunc_end0:
.L_simem_size_0:
called_computation.6_lowered:
.L_overlay_start_0:
0x88: {  	s2 =	sld [smem:$0x3FD9]  }
0x89: {  	s3 =	sld [smem:$0x3FFE];
	_ =	sdelay $0x1  }
0x8a: {  	s1 =	srdreg.scid  }
0x8b: {  	s0 =	sand.u32 $0x1, s1  }
0x8c: {  	s16 =	sshll.u32 s0, $0xA;
	s2 =	sadd.s32 s3, s2  }
0x8d: {  	s2 =	sadd.s32 s2, s16  }
0x8e: {  	[smem:$0x3F99] =	sst s2  }
0x8f: {  	_ = 	snop  }
0x90: {  	(tm) =	ssettm $0x1  }
0x91: {  	s17 =	sld [smem:$0x3FFB];
	_ =	sdelay $0x3  }
0x92: {  	_ =	strace s17  }
0x93: {  	s2 =	sld [smem:$0x3FFC];
	_ =	sdelay $0x3  }
0x94: {  	_ =	strace s2  }
0x95: {  	s2 =	sld [smem:$0x3FFD];
	_ =	sdelay $0x3  }
0x96: {  	_ =	strace s2  }
0x97: {  	_ =	strace $0x8FFFFFFF  }
0x98: {  	s18 =	sld [smem:$0x3FDB];
	_ =	sdelay $0x1  }
0x99: {  	s19 =	simm.s32 $_scs_section_size  }
0x9a: {  	s4 =	simm.s32 $_size__tile_overlayer_lowered;
	s5 =	simm.s32 $_tile_overlayer_lowered  }
0x9b: {  	s22 =	simm.s32 $0x1BFF;
	s21 =	sshll.u32 s5, $0x1;
	s2 =	sadd.s32 s19, s18  }
0x9c: {  	s6 =	simm.s32 $0x0;
	s20 =	sshll.u32 s4, $0x1;
	s4 =	sadd.s32 s21, s2  }
0x9d: {  	[timem:s6], [sflag:s22] =	dma.local [hbm:s4], s20  }
0x9e: {  	_ =	swait.ge [sflag:s22], s20  }
0x9f: {  	s3 =	ssub.s32 $0x0, s20;
	[sflag:s22] =	ssyncset.done $0x0  }
0xa0: {  	[sflag:s22] =	ssyncadd.s32 s3;
	_ =	sdelay $0x1  }
0xa1: {  	s23 =	simm.s32 $0x1B8B  }
0xa2: {  	_ =	swait.ge [sflag:s23], $0x1  }
0xa3: {  	[sflag:s23] =	ssyncset.done $0x0  }
0xa4: {  	s25 =	simm.s32 $0x1B8E;
	s24 =	sld [smem:$0x3FFE];
	[sflag:s23] =	ssyncadd.s32 $0xFFFFFFFF  }
0xa5: {  	s26 =	simm.s32 $execute0_lowered;
	[smem:$0x3FD2] =	sst s25  }
0xa6: {  	s4 =	sshll.u32 s26, $0x1;
	_ =	strace $0x80000058;
	[dreg:$0x1] =	wrdreg $0xFFFFFFFF  }
0xa7: {  	s28 =	simm.s32 $_size_execute0_lowered;
	s2 =	sadd.s32 s2, s4;
	[dreg:$0x0] =	wrdreg $0x0  }
0xa8: {  	s4 =	sshll.u32 s28, $0x1;
	[dreg:$0x2] =	wrdreg s2  }
0xa9: {  	[dreg:$0x3] =	wrdreg s4  }
0xaa: {  	[dreg:$0x4] =	wrdreg $0xC0  }
0xab: {  	_ =	task [dreg:s6], $0x5FFFF  }
0xac: {  	[dreg:$0x1] =	wrdreg $0xFFFFFFFF  }
0xad: {  	[dreg:$0x0] =	wrdreg $0x60  }
0xae: {  	[dreg:$0x2] =	wrdreg s24  }
0xaf: {  	[dreg:$0x3] =	wrdreg $0x43000  }
0xb0: {  	[dreg:$0x4] =	wrdreg $0x9  }
0xb1: {  	_ =	task.clear_ibuf [dreg:s6], $0x5FFFF;
	_ =	strace $0x90000058  }
0xb2: {  	s29 =	simm.s32 $0x9;
	_ =	strace $0x8000005A  }
0xb3: {  	_ =	swait.ge [sflag:s29], $0x1  }
0xb4: {  	[sflag:s29] =	ssyncadd.s32 $0xFFFFFFFF  }
0xb5: {  	_ =	strace $0x9000005A  }
0xb6: {  	_ =	sfence  }
0xb7: {  	s30 =	sld [smem:$0x0];
	_ =	sdelay $0x2  }
0xb8: {  	s31 =	sshll.u32 s1, $0xD;
	s1 =	sshrl.u32 s1, $0x2  }
0xb9: {  	s3 =	sand.u32 $0x4000, s31;
	s1 =	sadd.s32 s1, s30  }
0xba: {  	s0 =	sor.u32 s3, s0;
	s1 =	sshll.u32 s1, $0x11  }
0xbb: {  	s0 =	sor.u32 s1, s0  }
0xbc: {  	s0 =	sadd.s32 $0x8F2B, s0  }
0xbd: {  	[sflag:s0] =	ssyncadd.remote.s32 $0x1  }
0xbe: {  	_ =	sfence.sel $0xFFFF  }
0xbf: {  	[dreg:$0x0] =	wrdreg $0xFFFFFFFF;
	(pc) =	sbr.abs _section_cstart, $3  }
0xc0: {  	[dreg:$0x1] =	wrdreg $0xFFFFFFFF  }
0xc1: {  	_ =	task.clear_ibuf [dreg:s6], $0x2FFFF;
	_ =	strace $0x9FFFFFFF  }
0xc2: {  	(tm) =	ssettm $0x7FFFFFFF  }
0xc3: {  	_ =	shalt  }
tec
execute0_lowered:
.L_overlay_start_1:
0x0: {  	(tag) =	ssettag $0x1  }
0x1: {  	s0 =	srdreg.scid  }
0x2: {  	s13 =	stileid.u32;
	s3 =	sand.u32 $0x1, s0  }
0x3: {  	s12 =	sor.u32 $0x20, s13;
	s7 =	smul.u32 $0x186A00, s3  }
0x4: {  	s14 =	sor.u32 $0x30, s13;
	s2 =	smul.u32 $0x3200, s12  }
0x5: {  	s15 =	sor.u32 $0x40, s13;
	s10 =	smul.u32 $0x3200, s14  }
0x6: {  	s4 =	rddreg [dreg:$0x0];
	s16 =	sor.u32 $0x50, s13;
	s22 =	smul.u32 $0x3200, s15  }
0x7: {  	s5 =	sadd.s32 $0x12D800, s4;
	s0 =	ssub.s32 $0x2, s3;
	s23 =	smul.u32 $0x3200, s16  }
0x8: {  	s11 =	sor.u32 $0x10, s13;
	s14 =	smul.u32 $0xC800, s14;
	s1 =	sshrl.u32 s0, $0x1  }
0x9: {  	s17 =	sor.u32 $0x60, s13;
	s6 =	ssub.s32 s0, s1;
	s0 =	smul.u32 $0x3200, s13  }
0xa: {  	s18 =	sor.u32 $0x70, s13;
	s3 =	sshll.u32 s3, $0x4;
	s1 =	smul.u32 $0x3200, s11  }
0xb: {  	p0 =	sgt.u32 s18, $0x7C;
	s25 =	sadd.s32 s7, s2;
	s8 =	sadd.s32 s7, s0  }
0xc: {  	s26 =	sadd.s32 s7, s10;
	s9 =	sadd.s32 s7, s1;
	s8 =	sshrl.u32 s8, $0x3  }
0xd: {  	s19 =	sadd.s32 s7, s22;
	s9 =	sshrl.u32 s9, $0x3;
	s8 =	sadd.s32 s5, s8  }
0xe: {  	s20 =	sadd.s32 s7, s23;
	s24 =	sadd.s32 s5, s9;
	[dreg:$0x3] =	wrdreg s8  }
0xf: {  	[dreg:$0x4] =	wrdreg s24;
	s8 =	sshrl.u32 s25, $0x3;
	s24 =	smul.u32 $0x3200, s17  }
0x10: {  	s9 =	sshrl.u32 s26, $0x3;
	s25 =	smul.u32 $0x3200, s18;
	s8 =	sadd.s32 s5, s8  }
0x11: {  	s21 =	sshrl.u32 s20, $0x3;
	[dreg:$0x5] =	wrdreg s8;
	s8 =	sadd.s32 s5, s9  }
0x12: {  	s26 =	sadd.s32 s7, s24;
	s20 =	sadd.s32 s7, s25;
	s7 =	smul.u32 $0xC800, s13  }
0x13: {  	[dreg:$0x6] =	wrdreg s8;
	s8 =	sshrl.u32 s19, $0x3;
	s19 =	sshrl.u32 s26, $0x3  }
0x14: {  	s9 =	sshrl.u32 s20, $0x3;
	s26 =	sshll.u32 s13, $0x5;
	s8 =	sadd.s32 s5, s8  }
0x15: {  	s20 =	smul.u32 $0xC800, s12;
	[dreg:$0x7] =	wrdreg s8;
	s8 =	sadd.s32 s5, s21  }
0x16: {  	s21 =	sadd.s32 s5, s19;
	s19 =	smul.u32 $0xC800, s11;
	s11 =	rddreg [dreg:$0x1]  }
0x17: {  	s12 =	sadd.s32 $0xFCA00, s4;
	s5 =	sadd.s32 s5, s9;
	[dreg:$0x8] =	wrdreg s8  }
0x18: {  	s9 =	smax.u32 s6, $0x1;
	[dreg:$0x9] =	wrdreg s21;
	s8 =	simm.s32 $0x0  }
0x19: {  	[dreg:$0xa] =	wrdreg s5;
	s5 =	sadd.s32 s26, s4;
	s21 =	smul.u32 $0xC800, s15  }
0x1a: {  	s4 =	sshrl.u32 s14, $0x2;
	s14 =	smul.u32 $0xC800, s17;
	s0 =	sadd.s32 s0, s11  }
0x1b: {  	s1 =	sadd.s32 s1, s11;
	s2 =	sadd.s32 s2, s11;
	[smem:$0x7FF] =	sst s8  }
0x1c: {  	s26 =	sadd.s32 s3, s5;
	s5 =	sshrl.u32 s7, $0x2;
	s19 =	sshrl.u32 s19, $0x2  }
0x1d: {  	s7 =	smul.u32 $0xC800, s16;
	s17 =	sadd.s32 s4, s11;
	_ =	strace $0x80000059  }
0x1e: {  	[dreg:$0xb] =	wrdreg s9;
	s5 =	sadd.s32 s5, s11;
	s15 =	sadd.s32 s19, s11  }
0x1f: {  	s9 =	sshrl.u32 s20, $0x2;
	s19 =	sshrl.u32 s21, $0x2;
	s21 =	smul.u32 $0xC800, s18  }
0x20: {  	s20 =	sshrl.u32 s14, $0x2;
	s14 =	sadd.s32 s24, s11;
	s24 =	sshrl.u32 s0, $0x3  }
0x21: {  	s0 =	sshll.u32 s13, $0x1;
	[dreg:$0xc] =	wrdreg s5;
	s16 =	sadd.s32 s9, s11  }
0x22: {  	s18 =	sadd.s32 s19, s11;
	s19 =	sshrl.u32 s7, $0x2;
	s20 =	sadd.s32 s20, s11  }
0x23: {  	s7 =	sadd.s32 s10, s11;
	s9 =	sadd.s32 s22, s11;
	s10 =	sadd.s32 s23, s11  }
0x24: {  	s22 =	sadd.s32 $0x8400, s26;
	s23 =	sadd.s32 $0x20C00, s26;
	s26 =	sshrl.u32 s2, $0x3  }
0x25: {  	s31 =	sshrl.u32 s14, $0x3;
	s2 =	simm.s32 $0x2;
	s3 =	sshrl.u32 s21, $0x2  }
0x26: {  	s19 =	sadd.s32 s19, s11;
	s28 =	sshrl.u32 s7, $0x3;
	s29 =	sshrl.u32 s9, $0x3  }
0x27: {  	s30 =	sshrl.u32 s10, $0x3;
	s21 =	sadd.s32 s3, s11;
	s3 =	sadd.s32 s25, s11  }
0x28: {  	v0 =	vimm.f32 $0.0e+00;
	s25 =	sshrl.u32 s1, $0x3;
	s1 =	simm.s32 $0x1100;
	s10 =	sshrl.u32 @!p0 s3, $0x3  }
.LBB2_1:
0x29: {  	s3 =	simm.s32 $0x80;
	s4 =	simm.s32 $0x0  }
.LBB2_2:
0x2a: {  	p1 =	sne.s32 s3, $0xC780;
	[tilespmem:s4+$0x1100] =	vst v0;
	s5 =	smov.u32 s3;
	s3 =	sadd.s32 $0x80, s3  }
.Ltmp0:
0x2b: {  	[tilespmem:s4+$0x1110] =	vst v0;
	(pc) =	sbr.rel @p1 .LBB2_2-.Ltmp0, $2  }
0x2c: {  	_ =	sdelay $0x2  }
0x2d: {  	s4 =	sshra.s32 s5, $0x2  }
0x2e: {  	[tilespmem:s4+$0x1100] =	vst v0  }
0x2f: {  	[tilespmem:s4+$0x1110] =	vst v0;
	s3 =	rddreg [dreg:$0xc]  }
0x30: {  	[spmem:s3] =	stream.linear.scatter [tilespmem:s1], [sflag:$0x2], $0x3200, $0x38;
	[tilespmem:$0x1C9A0] =	vst v63  }
0x31: {  	_ =	swait.ge [sflag:s2], $0x3200  }
0x32: {  	[sflag:s2] =	ssyncset.done $0x0  }
0x33: {  	[sflag:s2] =	ssyncadd.s32 $0xFFFFCE00  }
0x34: {  	[spmem:s15] =	stream.linear.scatter [tilespmem:s1], [sflag:$0x2], $0x3200, $0x38;
	[tilespmem:$0x1C9A0] =	vst v63  }
0x35: {  	_ =	swait.ge [sflag:s2], $0x3200  }
0x36: {  	[sflag:s2] =	ssyncset.done $0x0  }
0x37: {  	[sflag:s2] =	ssyncadd.s32 $0xFFFFCE00  }
0x38: {  	[spmem:s16] =	stream.linear.scatter [tilespmem:s1], [sflag:$0x2], $0x3200, $0x38;
	[tilespmem:$0x1C9A0] =	vst v63  }
0x39: {  	_ =	swait.ge [sflag:s2], $0x3200  }
0x3a: {  	[sflag:s2] =	ssyncset.done $0x0  }
0x3b: {  	[sflag:s2] =	ssyncadd.s32 $0xFFFFCE00  }
0x3c: {  	[spmem:s17] =	stream.linear.scatter [tilespmem:s1], [sflag:$0x2], $0x3200, $0x38;
	[tilespmem:$0x1C9A0] =	vst v63  }
0x3d: {  	_ =	swait.ge [sflag:s2], $0x3200  }
0x3e: {  	[sflag:s2] =	ssyncset.done $0x0  }
0x3f: {  	[sflag:s2] =	ssyncadd.s32 $0xFFFFCE00  }
0x40: {  	[spmem:s18] =	stream.linear.scatter [tilespmem:s1], [sflag:$0x2], $0x3200, $0x38;
	[tilespmem:$0x1C9A0] =	vst v63  }
0x41: {  	_ =	swait.ge [sflag:s2], $0x3200  }
0x42: {  	[sflag:s2] =	ssyncset.done $0x0  }
0x43: {  	[sflag:s2] =	ssyncadd.s32 $0xFFFFCE00  }
0x44: {  	[spmem:s19] =	stream.linear.scatter [tilespmem:s1], [sflag:$0x2], $0x3200, $0x38;
	[tilespmem:$0x1C9A0] =	vst v63  }
0x45: {  	_ =	swait.ge [sflag:s2], $0x3200  }
0x46: {  	[sflag:s2] =	ssyncset.done $0x0  }
0x47: {  	[sflag:s2] =	ssyncadd.s32 $0xFFFFCE00  }
0x48: {  	[spmem:s20] =	stream.linear.scatter [tilespmem:s1], [sflag:$0x2], $0x3200, $0x38;
	[tilespmem:$0x1C9A0] =	vst v63  }
0x49: {  	_ =	swait.ge [sflag:s2], $0x3200  }
0x4a: {  	[sflag:s2] =	ssyncset.done $0x0  }
0x4b: {  	s3 =	simm.s32 @!p0 $0x1100;
	[sflag:s2] =	ssyncadd.s32 $0xFFFFCE00  }
0x4c: {  	[spmem:s21] =	stream.linear.scatter @!p0 [tilespmem:s3], [sflag:$0x2], $0x3200, $0x38;
	[tilespmem:$0x1C9A0] =	vst v63  }
0x4d: {  	s3 =	simm.s32 @!p0 $0x2  }
0x4e: {  	_ =	swait.ge @!p0 [sflag:s3], $0x3200  }
0x4f: {  	p1 =	sgt.u32 s0, $0x1869;
	[sflag:s3] =	ssyncset.done @!p0 $0x0  }
0x50: {  	s4 =	simm.s32 @!p1 $0x0;
	[sflag:s3] =	ssyncadd.s32 @!p0 $0xFFFFCE00  }
0x51: {  	s5 =	simm.s32 @!p1 $0x3;
	s3 =	sadd.s32 @!p1 $0x0, s23;
	[bflag:$0x0] =	sbarrier.arrive $0xFFFF  }
0x52: {  	[tilespmem:s4], [sflag:$0x3] =	stream.linear.gather @!p1 [hbm4b:s3+s4], $0x80, $0x38;
	[tilespmem:$0x1C9A0] =	vst v63  }
0x53: {  	_ =	swait.ge @!p1 [sflag:s5], $0x80;
	p1 =	por p1, p1  }
0x54: {  	[sflag:s5] =	ssyncset.done @!p1 $0x0  }
0x55: {  	s3 =	sadd.s32 @!p1 $0x0, s22;
	s6 =	simm.s32 @!p1 $0x80;
	[sflag:s5] =	ssyncadd.s32 @!p1 $0xFFFFFF80  }
0x56: {  	[tilespmem:s6], [sflag:$0x3] =	stream.linear.gather @!p1 [hbm4b:s3+s4], $0x80, $0x38;
	[tilespmem:$0x1C9A0] =	vst v63  }
0x57: {  	_ =	swait.ge @!p1 [sflag:s5], $0x80  }
0x58: {  	[sflag:s5] =	ssyncset.done @!p1 $0x0  }
0x59: {  	s3 =	simm.s32 @!p1 $0x100;
	[sflag:s5] =	ssyncadd.s32 @!p1 $0xFFFFFF80;
	s5 =	simm.s32 @!p1 $0x1  }
0x5a: {  	[tilespmem:s3], [sflag:$0x1] =	stream.indirect.gather @!p1 [hbm4b:s12+s6], $0x20, s4, s6, $0xb8;
	[tilespmem:$0x1C9A0] =	vst v63  }
0x5b: {  	_ =	swait.ge @!p1 [sflag:s5], $0x1000  }
0x5c: {  	[sflag:s5] =	ssyncset.done @!p1 $0x0  }
0x5d: {  	s4 =	sadd.s32 $0x20, s0;
	[sflag:s5] =	ssyncadd.s32 @!p1 $0xFFFFF000  }
0x5e: {  	[spmem:s11] =	stream.indirect.scatter.add.f32 @!p1 [tilespmem:s3], [sflag:$0x2], $0x20, s6, s6, $0xb8;
	[tilespmem:$0x1C9A0] =	vst v63  }
0x5f: {  	p3 =	sgt.u32 s4, $0x1869;
	s6 =	simm.s32 @!p1 $0x2  }
0x60: {  	s5 =	simm.s32 $0x400;
	s3 =	simm.s32 $0x200;
	_ =	swait.ge @!p1 [sflag:s6], $0x1000  }
.LBB2_4:
0x61: {  	s7 =	sadd.s32 @!p3 s3, s23  }
0x62: {  	s9 =	simm.s32 @!p3 $0x0;
	[sflag:s6] =	ssyncset.done @!p1 $0x0;
	s13 =	smov.u32 s5  }
0x63: {  	s5 =	sadd.s32 $0x200, s5;
	s14 =	simm.s32 @!p3 $0x3;
	[sflag:s6] =	ssyncadd.s32 @!p1 $0xFFFFF000  }
0x64: {  	[tilespmem:s9], [sflag:$0x3] =	stream.linear.gather @!p3 [hbm4b:s7+s9], $0x80, $0x38;
	[tilespmem:$0x1C9A0] =	vst v63  }
0x65: {  	p2 =	sne.s32 s5, $0x18800;
	p1 =	por p3, p3;
	_ =	swait.ge @!p3 [sflag:s14], $0x80  }
0x66: {  	[sflag:s14] =	ssyncset.done @!p1 $0x0  }
0x67: {  	s3 =	sadd.s32 @!p1 s3, s22;
	s7 =	simm.s32 @!p1 $0x80;
	[sflag:s14] =	ssyncadd.s32 @!p1 $0xFFFFFF80  }
0x68: {  	[tilespmem:s7], [sflag:$0x3] =	stream.linear.gather @!p1 [hbm4b:s3+s9], $0x80, $0x38;
	[tilespmem:$0x1C9A0] =	vst v63  }
0x69: {  	s3 =	smov.u32 s13;
	_ =	swait.ge @!p1 [sflag:s14], $0x80  }
0x6a: {  	[sflag:s14] =	ssyncset.done @!p1 $0x0  }
0x6b: {  	s6 =	simm.s32 @!p1 $0x1;
	s13 =	simm.s32 @!p1 $0x100;
	[sflag:s14] =	ssyncadd.s32 @!p1 $0xFFFFFF80  }
0x6c: {  	[tilespmem:s13], [sflag:$0x1] =	stream.indirect.gather @!p1 [hbm4b:s12+s7], $0x20, s9, s7, $0xb8;
	[tilespmem:$0x1C9A0] =	vst v63  }
.Ltmp1:
0x6d: {  	_ =	swait.ge @!p1 [sflag:s6], $0x1000;
	(pc) =	sbr.rel @p2 .LBB2_4-.Ltmp1, $4  }
0x6e: {  	[sflag:s6] =	ssyncset.done @!p1 $0x0  }
0x6f: {  	s4 =	sadd.s32 $0x20, s4;
	[sflag:s6] =	ssyncadd.s32 @!p1 $0xFFFFF000;
	s6 =	simm.s32 @!p1 $0x2  }
0x70: {  	[spmem:s11] =	stream.indirect.scatter.add.f32 @!p1 [tilespmem:s13], [sflag:$0x2], $0x20, s7, s7, $0xb8;
	[tilespmem:$0x1C9A0] =	vst v63  }
0x71: {  	p3 =	sgt.u32 s4, $0x1869;
	_ =	swait.ge @!p1 [sflag:s6], $0x1000  }
0x72: {  	s4 =	sadd.s32 @!p3 s3, s23;
	[sflag:s6] =	ssyncset.done @!p1 $0x0  }
0x73: {  	s5 =	simm.s32 @!p3 $0x0;
	[sflag:s6] =	ssyncadd.s32 @!p1 $0xFFFFF000;
	s6 =	simm.s32 @!p3 $0x3  }
0x74: {  	[tilespmem:s5], [sflag:$0x3] =	stream.linear.gather @!p3 [hbm4b:s4+s5], $0x80, $0x38;
	[tilespmem:$0x1C9A0] =	vst v63  }
0x75: {  	p1 =	por p3, p3;
	_ =	swait.ge @!p3 [sflag:s6], $0x80  }
0x76: {  	[sflag:s6] =	ssyncset.done @!p1 $0x0  }
0x77: {  	s3 =	sadd.s32 @!p1 s3, s22;
	s4 =	simm.s32 @!p1 $0x80;
	[sflag:s6] =	ssyncadd.s32 @!p1 $0xFFFFFF80  }
0x78: {  	[tilespmem:s4], [sflag:$0x3] =	stream.linear.gather @!p1 [hbm4b:s3+s5], $0x80, $0x38;
	[tilespmem:$0x1C9A0] =	vst v63  }
0x79: {  	_ =	swait.ge @!p1 [sflag:s6], $0x80  }
0x7a: {  	[sflag:s6] =	ssyncset.done @!p1 $0x0  }
0x7b: {  	s3 =	simm.s32 @!p1 $0x100;
	[sflag:s6] =	ssyncadd.s32 @!p1 $0xFFFFFF80  }
0x7c: {  	[tilespmem:s3], [sflag:$0x1] =	stream.indirect.gather @!p1 [hbm4b:s12+s4], $0x20, s5, s4, $0xb8;
	[tilespmem:$0x1C9A0] =	vst v63  }
0x7d: {  	s5 =	simm.s32 @!p1 $0x1  }
0x7e: {  	_ =	swait.ge @!p1 [sflag:s5], $0x1000  }
0x7f: {  	[sflag:s5] =	ssyncset.done @!p1 $0x0  }
0x80: {  	[sflag:s5] =	ssyncadd.s32 @!p1 $0xFFFFF000  }
0x81: {  	[spmem:s11] =	stream.indirect.scatter.add.f32 @!p1 [tilespmem:s3], [sflag:$0x2], $0x20, s4, s4, $0xb8;
	[tilespmem:$0x1C9A0] =	vst v63  }
0x82: {  	s3 =	simm.s32 @!p1 $0x2  }
0x83: {  	_ =	swait.ge @!p1 [sflag:s3], $0x1000  }
0x84: {  	[sflag:s3] =	ssyncset.done @!p1 $0x0  }
0x85: {  	s9 =	stileid.u32;
	[sflag:s3] =	ssyncadd.s32 @!p1 $0xFFFFF000  }
0x86: {  	s3 =	sshll.u32 s9, $0x6;
	[bflag:$0x0] =	sbarrier.arrive $0xFFFF  }
0x87: {  	s3 =	sor.u32 $0x1C02, s3;
	s13 =	rddreg [dreg:$0x3]  }
0x88: {  	[hbm:s13], [sflag:s3] =	dma.local [spmem:s24], $0x640  }
0x89: {  	_ =	swait.ge [sflag:s2], $0x640  }
0x8a: {  	[sflag:s2] =	ssyncset.done $0x0  }
0x8b: {  	s14 =	rddreg [dreg:$0x4];
	[sflag:s2] =	ssyncadd.s32 $0xFFFFF9C0  }
0x8c: {  	[hbm:s14], [sflag:s3] =	dma.local [spmem:s25], $0x640  }
0x8d: {  	_ =	swait.ge [sflag:s2], $0x640  }
0x8e: {  	[sflag:s2] =	ssyncset.done $0x0  }
0x8f: {  	s5 =	rddreg [dreg:$0x5];
	[sflag:s2] =	ssyncadd.s32 $0xFFFFF9C0  }
0x90: {  	[hbm:s5], [sflag:s3] =	dma.local [spmem:s26], $0x640  }
0x91: {  	_ =	swait.ge [sflag:s2], $0x640  }
0x92: {  	[sflag:s2] =	ssyncset.done $0x0  }
0x93: {  	s6 =	rddreg [dreg:$0x6];
	[sflag:s2] =	ssyncadd.s32 $0xFFFFF9C0  }
0x94: {  	[hbm:s6], [sflag:s3] =	dma.local [spmem:s28], $0x640  }
0x95: {  	_ =	swait.ge [sflag:s2], $0x640  }
0x96: {  	[sflag:s2] =	ssyncset.done $0x0  }
0x97: {  	s7 =	rddreg [dreg:$0x7];
	[sflag:s2] =	ssyncadd.s32 $0xFFFFF9C0  }
0x98: {  	[hbm:s7], [sflag:s3] =	dma.local [spmem:s29], $0x640  }
0x99: {  	_ =	swait.ge [sflag:s2], $0x640  }
0x9a: {  	[sflag:s2] =	ssyncset.done $0x0  }
0x9b: {  	s9 =	rddreg [dreg:$0x8];
	[sflag:s2] =	ssyncadd.s32 $0xFFFFF9C0  }
0x9c: {  	[hbm:s9], [sflag:s3] =	dma.local [spmem:s30], $0x640  }
0x9d: {  	_ =	swait.ge [sflag:s2], $0x640  }
0x9e: {  	[sflag:s2] =	ssyncset.done $0x0  }
0x9f: {  	s13 =	rddreg [dreg:$0x9];
	[sflag:s2] =	ssyncadd.s32 $0xFFFFF9C0  }
0xa0: {  	[hbm:s13], [sflag:s3] =	dma.local [spmem:s31], $0x640  }
0xa1: {  	_ =	swait.ge [sflag:s2], $0x640  }
0xa2: {  	[sflag:s2] =	ssyncset.done $0x0  }
0xa3: {  	s4 =	rddreg [dreg:$0xa];
	[sflag:s2] =	ssyncadd.s32 $0xFFFFF9C0  }
0xa4: {  	[hbm:s4], [sflag:s3] =	dma.local @!p0 [spmem:s10], $0x640  }
0xa5: {  	s3 =	simm.s32 @!p0 $0x2  }
0xa6: {  	_ =	swait.ge @!p0 [sflag:s3], $0x640  }
0xa7: {  	s8 =	sadd.s32 $0x1, s8;
	s14 =	rddreg [dreg:$0xb]  }
0xa8: {  	p1 =	sne.s32 s8, s14  }
.Ltmp2:
0xa9: {  	_ = 	snop;
	(pc) =	sbr.rel @p1 .LBB2_1-.Ltmp2, $3  }
0xaa: {  	_ =	sdelay $0x1  }
0xab: {  	[sflag:s3] =	ssyncset.done @!p0 $0x0  }
0xac: {  	[sflag:s3] =	ssyncadd.s32 @!p0 $0xFFFFF9C0  }
0xad: {  	_ =	sfence.sel $0x180000  }
0xae: {  	[bflag:$0x0] =	sbarrier.arrive $0xFFFF  }
0xaf: {  	_ =	strace $0x90000059  }
0xb0: {  	s0 =	stileid.u32;
	[bflag:$0x2] =	sbarrier.arrive $0xFFFF  }
0xb1: {  	p0 =	sne.s32 s0, $0x0;
	s0 =	rddreg [dreg:$0x2]  }
0xb2: {  	s0 =	sadd.s32 @!p0 $0x100000, s0  }
0xb3: {  	[sflag:s0] =	ssyncadd.tile.s32 @!p0 $0x1;
	_ =	shalt  }
.Lfunc_end2:
_tile_overlayer_lowered:
.L_overlay_start_2:
0xb4: {  	(tag) =	ssettag $0x2  }
0xb5: {  	s0 =	rddreg [dreg:$0x0];
	s2 =	stileid.u32  }
0xb6: {  	s1 =	rddreg [dreg:$0x1];
	p0 =	sne.s32 s2, $0x0  }
0xb7: {  	s3 =	rddreg [dreg:$0x2];
	[bflag:$0x3] =	sbarrier.arrive $0xFFFF;
	s2 =	simm.s32 @!p0 $0x1C02  }
0xb8: {  	[timem:s3], [sflag:s2] =	dma.local @!p0 [hbm:s0], s1  }
0xb9: {  	s0 =	simm.s32 @!p0 $0x2  }
0xba: {  	_ =	swait.ge @!p0 [sflag:s0], s1  }
0xbb: {  	s1 =	ssub.s32 @!p0 $0x0, s1;
	[sflag:s0] =	ssyncset.done @!p0 $0x0  }
0xbc: {  	[sflag:s0] =	ssyncadd.s32 @!p0 s1  }
0xbd: {  	[bflag:$0x3] =	sbarrier.arrive $0xFFFF  }
0xbe: {  	_ =	shalt  }

</sc_bundles>
